<compile_context>
chip_gen: v7x
topology: tpu7x:2x2x1
jax: 0.10.2.dev20260603
libtpu: 0.0.44.dev20260713+nightly
codegen_flags: <defaults>
</compile_context>

<pallas_src>
import functools

import jax
import jax.numpy as jnp
from jax import lax
from jax.experimental import pallas as pl
from jax.experimental.pallas import tpu as pltpu
from jax.experimental.pallas import tpu_sc as plsc

N = 10000
D = 128
E = 320000

NC = 2
NS = 16
NW = NC * NS
EB = 128
NB_PER_W = 80
E_PAD = NW * NB_PER_W * EB
NBUF = 2
NIDX = 4
N_ACC = 10112
ROWS_PER_S = N_ACC // NS

BN = 1000
D3 = 3 * D


@functools.cache
def _get_sc_scatter():
    mesh = plsc.VectorSubcoreMesh(
        core_axis_name="c", subcore_axis_name="s",
        num_cores=NC, num_subcores=NS)

    @functools.partial(
        pl.kernel,
        out_type=jax.ShapeDtypeStruct((NC, N_ACC, D), jnp.float32),
        mesh=mesh,
        scratch_types=[
            pltpu.VMEM((NIDX, 2, EB), jnp.int32),
            pltpu.VMEM((NBUF, EB, D), jnp.float32),
            pltpu.VMEM_SHARED((N_ACC, D), jnp.float32),
            pltpu.SemaphoreType.DMA((NIDX,)),
            pltpu.SemaphoreType.DMA((NBUF,)),
            pltpu.SemaphoreType.DMA((NBUF,)),
        ],
    )
    def sc_scatter(m_hbm, idx_hbm, zeros_hbm, out_hbm,
                   idx_v, rows_v, acc, semi, semg, sems):
        c = lax.axis_index("c")
        s = lax.axis_index("s")
        wid = c * NS + s
        base = wid * NB_PER_W

        pltpu.sync_copy(zeros_hbm.at[pl.ds(s * ROWS_PER_S, ROWS_PER_S)],
                        acc.at[pl.ds(s * ROWS_PER_S, ROWS_PER_S)])

        for i in range(NIDX - 1):
            pltpu.async_copy(idx_hbm.at[base + i], idx_v.at[i], semi.at[i])
        plsc.subcore_barrier()
        pltpu.make_async_copy(idx_hbm.at[base], idx_v.at[0], semi.at[0]).wait()
        pltpu.async_copy(m_hbm.at[idx_v.at[0, 0]], rows_v.at[0], semg.at[0])

        def group(g, carry):
            for k in range(NIDX):
                j = g * NIDX + k
                b = k % NBUF
                bo = (k + 1) % NBUF
                i_cur = k
                i_nxt = (k + 1) % NIDX
                i_prv = (k - 1) % NIDX

                @pl.when(j >= 1)
                def _wait_prev():
                    pltpu.make_async_copy(
                        rows_v.at[bo], acc.at[idx_v.at[i_prv, 1]],
                        sems.at[bo]).wait()

                @pl.when(j + 1 < NB_PER_W)
                def _next_gather():
                    pltpu.make_async_copy(idx_hbm.at[base + j + 1],
                                          idx_v.at[i_nxt],
                                          semi.at[i_nxt]).wait()
                    pltpu.async_copy(m_hbm.at[idx_v.at[i_nxt, 0]],
                                     rows_v.at[bo], semg.at[bo])

                pltpu.make_async_copy(
                    m_hbm.at[idx_v.at[i_cur, 0]], rows_v.at[b],
                    semg.at[b]).wait()
                pltpu.async_copy(
                    rows_v.at[b], acc.at[idx_v.at[i_cur, 1]], sems.at[b],
                    add=True)

                @pl.when(j + NIDX - 1 < NB_PER_W)
                def _load_idx():
                    pltpu.async_copy(idx_hbm.at[base + j + NIDX - 1],
                                     idx_v.at[i_prv], semi.at[i_prv])
            return carry

        lax.fori_loop(0, NB_PER_W // NIDX, group, 0)
        pltpu.make_async_copy(
            rows_v.at[(NB_PER_W - 1) % NBUF],
            acc.at[idx_v.at[(NB_PER_W - 1) % NIDX, 1]],
            sems.at[(NB_PER_W - 1) % NBUF]).wait()
        plsc.subcore_barrier()
        pltpu.sync_copy(acc.at[pl.ds(s * ROWS_PER_S, ROWS_PER_S)],
                        out_hbm.at[c, pl.ds(s * ROWS_PER_S, ROWS_PER_S)])

    return sc_scatter


def _gru_math(a, h, wih_t, bih, whh_t, bhh):
    gi = jnp.dot(a, wih_t, preferred_element_type=jnp.float32) + bih
    gh = jnp.dot(h, whh_t, preferred_element_type=jnp.float32) + bhh
    r = jax.nn.sigmoid(gi[:, :D] + gh[:, :D])
    z = jax.nn.sigmoid(gi[:, D:2 * D] + gh[:, D:2 * D])
    n = jnp.tanh(gi[:, 2 * D:] + r * gh[:, 2 * D:])
    return (1.0 - z) * n + z * h


def _row_spec(cols):
    return pl.BlockSpec((BN, cols), lambda i: (i, 0))


def _full_spec(rows, cols):
    return pl.BlockSpec((rows, cols), lambda i: (0, 0))


def _pre_body(x_ref, wt_ref, b_ref, m_ref):
    m_ref[...] = (jnp.dot(x_ref[...], wt_ref[...],
                          preferred_element_type=jnp.float32) + b_ref[...])


_pre_call = pl.pallas_call(
    _pre_body,
    grid=(N // BN,),
    in_specs=[_row_spec(D), _full_spec(D, D), _full_spec(1, D)],
    out_specs=_row_spec(D),
    out_shape=jax.ShapeDtypeStruct((N, D), jnp.float32),
)


def _step_body(a0, a1, h, wih_t, bih, whh_t, bhh, wm_t, bm, h_new, m_new):
    hn = _gru_math(a0[...] + a1[...], h[...],
                   wih_t[...], bih[...], whh_t[...], bhh[...])
    h_new[...] = hn
    m_new[...] = jnp.dot(hn, wm_t[...], preferred_element_type=jnp.float32) + bm[...]


_step_call = pl.pallas_call(
    _step_body,
    grid=(N // BN,),
    in_specs=[_row_spec(D), _row_spec(D), _row_spec(D),
              _full_spec(D, D3), _full_spec(1, D3),
              _full_spec(D, D3), _full_spec(1, D3),
              _full_spec(D, D), _full_spec(1, D)],
    out_specs=[_row_spec(D), _row_spec(D)],
    out_shape=[jax.ShapeDtypeStruct((N, D), jnp.float32),
               jax.ShapeDtypeStruct((N, D), jnp.float32)],
)


def _fuse_body(a0, a1, h, wih_t, bih, whh_t, bhh, q, wfl_t, wfr_t, bf,
               wm_t, bm, hid_out, m_new):
    hn = _gru_math(a0[...] + a1[...], h[...],
                   wih_t[...], bih[...], whh_t[...], bhh[...])
    hid = (jnp.dot(hn, wfl_t[...], preferred_element_type=jnp.float32)
           + jnp.dot(q[...], wfr_t[...], preferred_element_type=jnp.float32)
           + bf[...])
    hid_out[...] = hid
    m_new[...] = jnp.dot(hid, wm_t[...], preferred_element_type=jnp.float32) + bm[...]


_fuse_call = pl.pallas_call(
    _fuse_body,
    grid=(N // BN,),
    in_specs=[_row_spec(D), _row_spec(D), _row_spec(D),
              _full_spec(D, D3), _full_spec(1, D3),
              _full_spec(D, D3), _full_spec(1, D3),
              _row_spec(D),
              _full_spec(D, D), _full_spec(D, D), _full_spec(1, D),
              _full_spec(D, D), _full_spec(1, D)],
    out_specs=[_row_spec(D), _row_spec(D)],
    out_shape=[jax.ShapeDtypeStruct((N, D), jnp.float32),
               jax.ShapeDtypeStruct((N, D), jnp.float32)],
)


def _last_body(a0, a1, h, wih_t, bih, whh_t, bhh, q, wfl_t, wfr_t, bf, out):
    hn = _gru_math(a0[...] + a1[...], h[...],
                   wih_t[...], bih[...], whh_t[...], bhh[...])
    out[...] = (jnp.dot(hn, wfl_t[...], preferred_element_type=jnp.float32)
                + jnp.dot(q[...], wfr_t[...], preferred_element_type=jnp.float32)
                + bf[...])


_last_call = pl.pallas_call(
    _last_body,
    grid=(N // BN,),
    in_specs=[_row_spec(D), _row_spec(D), _row_spec(D),
              _full_spec(D, D3), _full_spec(1, D3),
              _full_spec(D, D3), _full_spec(1, D3),
              _row_spec(D),
              _full_spec(D, D), _full_spec(D, D), _full_spec(1, D)],
    out_specs=_row_spec(D),
    out_shape=jax.ShapeDtypeStruct((N, D), jnp.float32),
)


def _prep_edges(ei):
    src = jnp.concatenate([ei[0], jnp.zeros((E_PAD - E,), jnp.int32)])
    dst = jnp.concatenate([ei[1], jnp.full((E_PAD - E,), N, jnp.int32)])
    SPAN = 256
    src2, dst2 = lax.sort((src.reshape(-1, SPAN), dst.reshape(-1, SPAN)),
                          dimension=1, num_keys=1)
    return jnp.stack([src2.reshape(-1, EB), dst2.reshape(-1, EB)], axis=1)


def kernel(x, ast_edge_index, cfg_edge_index,
           W_a, b_a, Wih_a, bih_a, Whh_a, bhh_a,
           W1, b1,
           W_c, b_c, Wih_c, bih_c, Whh_c, bhh_c,
           W2, b2):
    zeros = jnp.zeros((N_ACC, D), jnp.float32)
    a_idx = _prep_edges(ast_edge_index)
    c_idx = _prep_edges(cfg_edge_index)

    wa_t, wc_t = W_a.T, W_c.T
    wih_a_t, whh_a_t = Wih_a.T, Whh_a.T
    wih_c_t, whh_c_t = Wih_c.T, Whh_c.T
    w1l_t, w1r_t = W1[:, :D].T, W1[:, D:].T
    w2l_t, w2r_t = W2[:, :D].T, W2[:, D:].T
    b_a2, b_c2 = b_a[None, :], b_c[None, :]
    bih_a2, bhh_a2 = bih_a[None, :], bhh_a[None, :]
    bih_c2, bhh_c2 = bih_c[None, :], bhh_c[None, :]
    b12, b22 = b1[None, :], b2[None, :]

    m = _pre_call(x, wa_t, b_a2)
    sc_scatter = _get_sc_scatter()
    parts = sc_scatter(m, a_idx, zeros)
    h1, m = _step_call(parts[0, :N], parts[1, :N], x,
                       wih_a_t, bih_a2, whh_a_t, bhh_a2, wa_t, b_a2)
    parts = sc_scatter(m, a_idx, zeros)
    hid, m = _fuse_call(parts[0, :N], parts[1, :N], h1,
                        wih_a_t, bih_a2, whh_a_t, bhh_a2,
                        x, w1l_t, w1r_t, b12, wc_t, b_c2)
    parts = sc_scatter(m, c_idx, zeros)
    h3, m = _step_call(parts[0, :N], parts[1, :N], hid,
                       wih_c_t, bih_c2, whh_c_t, bhh_c2, wc_t, b_c2)
    parts = sc_scatter(m, c_idx, zeros)
    logits = _last_call(parts[0, :N], parts[1, :N], h3,
                        wih_c_t, bih_c2, whh_c_t, bhh_c2,
                        hid, w2l_t, w2r_t, b22)
    return logits

# --- scband reference (transcript-rebuilt; emitter-appended) ---
"""Pipeline reference for scband-single-cpgnn-64132451664068 (READ-ONLY COPY).

The authoritative reference and input builder live on the scoring server;
editing this copy changes nothing except your own understanding.
"""

import jax, jax.numpy as jnp
import numpy as np

N = 10000
D = 128
E = 320000
STEPS = 2


def gru_cell(a, h, W_ih, b_ih, W_hh, b_hh):
    gi = a @ W_ih.T + b_ih
    gh = h @ W_hh.T + b_hh
    i_r, i_z, i_n = jnp.split(gi, 3, axis=-1)
    h_r, h_z, h_n = jnp.split(gh, 3, axis=-1)
    r = jax.nn.sigmoid(i_r + h_r)
    z = jax.nn.sigmoid(i_z + h_z)
    n = jnp.tanh(i_n + r * h_n)
    return (1.0 - z) * n + z * h


def gated_graph_conv(h, src, dst, W, b, W_ih, b_ih, W_hh, b_hh):
    # DGL GatedGraphConv, n_etypes=1: shared linear + shared GRUCell across steps
    for _ in range(STEPS):
        m = h @ W.T + b
        a = jnp.zeros_like(h).at[dst].add(m[src])
        h = gru_cell(a, h, W_ih, b_ih, W_hh, b_hh)
    return h


def setup_inputs(seed: int = 0) -> dict:
    key = jax.random.key(seed)
    ks = [jax.random.fold_in(key, i) for i in range(32)]
    s = 0.05
    inp = {}
    inp['x'] = jax.random.normal(ks[0], (N, D), dtype=jnp.float32)
    inp['ast_edge_index'] = jax.random.randint(ks[1], (2, E), 0, N, dtype=jnp.int32)
    inp['cfg_edge_index'] = jax.random.randint(ks[2], (2, E), 0, N, dtype=jnp.int32)
    # ast_gnn (GatedGraphConv) params
    inp['W_a'] = jax.random.normal(ks[3], (D, D), dtype=jnp.float32) * s
    inp['b_a'] = jnp.zeros((D,), dtype=jnp.float32)
    inp['Wih_a'] = jax.random.normal(ks[4], (3 * D, D), dtype=jnp.float32) * s
    inp['bih_a'] = jnp.zeros((3 * D,), dtype=jnp.float32)
    inp['Whh_a'] = jax.random.normal(ks[5], (3 * D, D), dtype=jnp.float32) * s
    inp['bhh_a'] = jnp.zeros((3 * D,), dtype=jnp.float32)
    # fn_1: Linear(2*in, in)
    inp['W1'] = jax.random.normal(ks[6], (D, 2 * D), dtype=jnp.float32) * s
    inp['b1'] = jnp.zeros((D,), dtype=jnp.float32)
    # cpg_gnn (GatedGraphConv) params
    inp['W_c'] = jax.random.normal(ks[7], (D, D), dtype=jnp.float32) * s
    inp['b_c'] = jnp.zeros((D,), dtype=jnp.float32)
    inp['Wih_c'] = jax.random.normal(ks[8], (3 * D, D), dtype=jnp.float32) * s
    inp['bih_c'] = jnp.zeros((3 * D,), dtype=jnp.float32)
    inp['Whh_c'] = jax.random.normal(ks[9], (3 * D, D), dtype=jnp.float32) * s
    inp['bhh_c'] = jnp.zeros((3 * D,), dtype=jnp.float32)
    # fn_2: Linear(2*in, out)
    inp['W2'] = jax.random.normal(ks[10], (D, 2 * D), dtype=jnp.float32) * s
    inp['b2'] = jnp.zeros((D,), dtype=jnp.float32)
    return inp


def reference(x, ast_edge_index, cfg_edge_index,
              W_a, b_a, Wih_a, bih_a, Whh_a, bhh_a,
              W1, b1,
              W_c, b_c, Wih_c, bih_c, Whh_c, bhh_c,
              W2, b2):
    # ast branch
    h_ast = gated_graph_conv(x, ast_edge_index[0], ast_edge_index[1],
                             W_a, b_a, Wih_a, bih_a, Whh_a, bhh_a)
    hiddens = jnp.concatenate([h_ast, x], axis=-1) @ W1.T + b1
    # cpg (cfg etype) branch
    h_cpg = gated_graph_conv(hiddens, cfg_edge_index[0], cfg_edge_index[1],
                             W_c, b_c, Wih_c, bih_c, Whh_c, bhh_c)
    logits = jnp.concatenate([h_cpg, hiddens], axis=-1) @ W2.T + b2
    return logits

if __name__ == "__main__":
    import jax
    _d = setup_inputs()
    print(jax.jit(kernel)(*tuple(_d.values())))

</pallas_src>

<mosaic_0001>
#map = affine_map<(d0, d1) -> (0, 0)>
#map1 = affine_map<(d0, d1) -> (0, 0, 0)>
module attributes {stable_mosaic.version = 14 : i64} {
  func.func @sc_scatter(%arg0: i32, %arg1: i32, %arg2: memref<10000x128xf32, #tpu.memory_space<hbm>>, %arg3: memref<2560x2x128xi32, #tpu.memory_space<hbm>>, %arg4: memref<10112x128xf32, #tpu.memory_space<hbm>>, %arg5: memref<2x10112x128xf32, #tpu.memory_space<hbm>>, %arg6: memref<4x2x128xi32, #tpu.memory_space<vmem>>, %arg7: memref<2x128x128xf32, #tpu.memory_space<vmem>>, %arg8: memref<10112x128xf32, #tpu.memory_space<vmem_shared>>, %arg9: memref<4x!tpu.dma_semaphore, #tpu.memory_space<semaphore_mem>>, %arg10: memref<2x!tpu.dma_semaphore, #tpu.memory_space<semaphore_mem>>, %arg11: memref<2x!tpu.dma_semaphore, #tpu.memory_space<semaphore_mem>>) attributes {dimension_semantics = [#tpu.dimension_semantics<core_parallel>, #tpu.dimension_semantics<subcore_parallel>], iteration_bounds = array<i64: 2, 16>, scalar_prefetch = 0 : i64, scratch_operands = 6 : i64, tpu.core_type = #tpu.core_type<sc_vector_subcore>, window_params = [{transform_indices = #map}, {transform_indices = #map1}, {transform_indices = #map}, {transform_indices = #map1}]} {
    %mul3A = arith.constant 16 : i32
    %mul3A_0 = arith.muli %arg0, %mul3A : i32
    %add3A = arith.addi %mul3A_0, %arg1 : i32
    %mul3A_1 = arith.constant 80 : i32
    %mul3A_2 = arith.muli %add3A, %mul3A_1 : i32
    %mul3A_3 = arith.constant 632 : i32
    %mul3A_4 = arith.muli %arg1, %mul3A_3 : i32
    %mul3A_5 = arith.constant 632 : i32
    %mul3A_6 = arith.muli %arg1, %mul3A_5 : i32
    "tpu.region"() ({
      %run_scoped3A = tpu.sem_alloc : memref<!tpu.dma_semaphore, #tpu.memory_space<semaphore_mem>>
      %dma_start3A_133 = arith.constant 0 : i32
      %dma_start3A_134 = tpu.memref_slice %arg8[%mul3A_6, %dma_start3A_133] : memref<10112x128xf32, #tpu.memory_space<vmem_shared>> -> memref<632x128xf32, #tpu.memory_space<vmem_shared>>
      %dma_start3A_135 = arith.constant 0 : i32
      %dma_start3A_136 = tpu.memref_slice %arg4[%mul3A_4, %dma_start3A_135] : memref<10112x128xf32, #tpu.memory_space<hbm>> -> memref<632x128xf32, #tpu.memory_space<hbm>>
      tpu.enqueue_dma source(%dma_start3A_136 : memref<632x128xf32, #tpu.memory_space<hbm>>) target(%dma_start3A_134 : memref<632x128xf32, #tpu.memory_space<vmem_shared>>) target_semaphore(%run_scoped3A : memref<!tpu.dma_semaphore, #tpu.memory_space<semaphore_mem>>)
      %dma_wait3A_137 = arith.constant 0 : i32
      %dma_wait3A_138 = tpu.memref_slice %arg8[%mul3A_6, %dma_wait3A_137] : memref<10112x128xf32, #tpu.memory_space<vmem_shared>> -> memref<632x128xf32, #tpu.memory_space<vmem_shared>>
      %dma_wait3A_139 = arith.constant 0 : i32
      %dma_wait3A_140 = tpu.memref_slice %arg4[%mul3A_4, %dma_wait3A_139] : memref<10112x128xf32, #tpu.memory_space<hbm>> -> memref<632x128xf32, #tpu.memory_space<hbm>>
      tpu.wait_dma2 semaphore(%run_scoped3A : memref<!tpu.dma_semaphore, #tpu.memory_space<semaphore_mem>>) src(%dma_wait3A_140 : memref<632x128xf32, #tpu.memory_space<hbm>>) dst(%dma_wait3A_138 : memref<632x128xf32, #tpu.memory_space<vmem_shared>>)
      tpu.yield
    }) : () -> ()
    %add3A_7 = arith.constant 0 : i32
    %add3A_8 = arith.addi %mul3A_2, %add3A_7 : i32
    %dma_start3A = arith.constant 0 : i32
    %dma_start3A_9 = arith.constant 0 : i32
    %dma_start3A_10 = arith.constant 0 : i32
    %dma_start3A_11 = arith.constant 0 : i32
    %dma_start3A_12 = tpu.memref_slice %arg6[%dma_start3A, %dma_start3A_10, %dma_start3A_11] : memref<4x2x128xi32, #tpu.memory_space<vmem>> -> memref<1x2x128xi32, #tpu.memory_space<vmem>>
    %dma_start3A_13 = tpu.memref_squeeze %dma_start3A_12 : memref<1x2x128xi32, #tpu.memory_space<vmem>> -> memref<2x128xi32, #tpu.memory_space<vmem>>
    %dma_start3A_14 = arith.constant 0 : i32
    %dma_start3A_15 = arith.constant 0 : i32
    %dma_start3A_16 = tpu.memref_slice %arg3[%add3A_8, %dma_start3A_14, %dma_start3A_15] : memref<2560x2x128xi32, #tpu.memory_space<hbm>> -> memref<1x2x128xi32, #tpu.memory_space<hbm>>
    %dma_start3A_17 = tpu.memref_squeeze %dma_start3A_16 : memref<1x2x128xi32, #tpu.memory_space<hbm>> -> memref<2x128xi32, #tpu.memory_space<hbm>>
    %dma_start3A_18 = tpu.memref_slice %arg9[%dma_start3A_9] : memref<4x!tpu.dma_semaphore, #tpu.memory_space<semaphore_mem>> -> memref<1x!tpu.dma_semaphore, #tpu.memory_space<semaphore_mem>>
    %dma_start3A_19 = tpu.memref_squeeze %dma_start3A_18 : memref<1x!tpu.dma_semaphore, #tpu.memory_space<semaphore_mem>> -> memref<!tpu.dma_semaphore, #tpu.memory_space<semaphore_mem>>
    %dma_start3A_20 = arith.constant 0 : i32
    %dma_start3A_21 = arith.constant 0 : i32
    %dma_start3A_22 = tpu.memref_slice %arg6[%dma_start3A, %dma_start3A_20, %dma_start3A_21] : memref<4x2x128xi32, #tpu.memory_space<vmem>> -> memref<1x2x128xi32, #tpu.memory_space<vmem>>
    %dma_start3A_23 = tpu.memref_squeeze %dma_start3A_22 : memref<1x2x128xi32, #tpu.memory_space<vmem>> -> memref<2x128xi32, #tpu.memory_space<vmem>>
    %dma_start3A_24 = arith.constant 0 : i32
    %dma_start3A_25 = arith.constant 0 : i32
    %dma_start3A_26 = tpu.memref_slice %arg3[%add3A_8, %dma_start3A_24, %dma_start3A_25] : memref<2560x2x128xi32, #tpu.memory_space<hbm>> -> memref<1x2x128xi32, #tpu.memory_space<hbm>>
    %dma_start3A_27 = tpu.memref_squeeze %dma_start3A_26 : memref<1x2x128xi32, #tpu.memory_space<hbm>> -> memref<2x128xi32, #tpu.memory_space<hbm>>
    tpu.enqueue_dma source(%dma_start3A_27 : memref<2x128xi32, #tpu.memory_space<hbm>>) target(%dma_start3A_23 : memref<2x128xi32, #tpu.memory_space<vmem>>) target_semaphore(%dma_start3A_19 : memref<!tpu.dma_semaphore, #tpu.memory_space<semaphore_mem>>)
    %add3A_28 = arith.constant 1 : i32
    %add3A_29 = arith.addi %mul3A_2, %add3A_28 : i32
    %dma_start3A_30 = arith.constant 1 : i32
    %dma_start3A_31 = arith.constant 1 : i32
    %dma_start3A_32 = arith.constant 0 : i32
    %dma_start3A_33 = arith.constant 0 : i32
    %dma_start3A_34 = tpu.memref_slice %arg6[%dma_start3A_30, %dma_start3A_32, %dma_start3A_33] : memref<4x2x128xi32, #tpu.memory_space<vmem>> -> memref<1x2x128xi32, #tpu.memory_space<vmem>>
    %dma_start3A_35 = tpu.memref_squeeze %dma_start3A_34 : memref<1x2x128xi32, #tpu.memory_space<vmem>> -> memref<2x128xi32, #tpu.memory_space<vmem>>
    %dma_start3A_36 = arith.constant 0 : i32
    %dma_start3A_37 = arith.constant 0 : i32
    %dma_start3A_38 = tpu.memref_slice %arg3[%add3A_29, %dma_start3A_36, %dma_start3A_37] : memref<2560x2x128xi32, #tpu.memory_space<hbm>> -> memref<1x2x128xi32, #tpu.memory_space<hbm>>
    %dma_start3A_39 = tpu.memref_squeeze %dma_start3A_38 : memref<1x2x128xi32, #tpu.memory_space<hbm>> -> memref<2x128xi32, #tpu.memory_space<hbm>>
    %dma_start3A_40 = tpu.memref_slice %arg9[%dma_start3A_31] : memref<4x!tpu.dma_semaphore, #tpu.memory_space<semaphore_mem>> -> memref<1x!tpu.dma_semaphore, #tpu.memory_space<semaphore_mem>>
    %dma_start3A_41 = tpu.memref_squeeze %dma_start3A_40 : memref<1x!tpu.dma_semaphore, #tpu.memory_space<semaphore_mem>> -> memref<!tpu.dma_semaphore, #tpu.memory_space<semaphore_mem>>
    %dma_start3A_42 = arith.constant 0 : i32
    %dma_start3A_43 = arith.constant 0 : i32
    %dma_start3A_44 = tpu.memref_slice %arg6[%dma_start3A_30, %dma_start3A_42, %dma_start3A_43] : memref<4x2x128xi32, #tpu.memory_space<vmem>> -> memref<1x2x128xi32, #tpu.memory_space<vmem>>
    %dma_start3A_45 = tpu.memref_squeeze %dma_start3A_44 : memref<1x2x128xi32, #tpu.memory_space<vmem>> -> memref<2x128xi32, #tpu.memory_space<vmem>>
    %dma_start3A_46 = arith.constant 0 : i32
    %dma_start3A_47 = arith.constant 0 : i32
    %dma_start3A_48 = tpu.memref_slice %arg3[%add3A_29, %dma_start3A_46, %dma_start3A_47] : memref<2560x2x128xi32, #tpu.memory_space<hbm>> -> memref<1x2x128xi32, #tpu.memory_space<hbm>>
    %dma_start3A_49 = tpu.memref_squeeze %dma_start3A_48 : memref<1x2x128xi32, #tpu.memory_space<hbm>> -> memref<2x128xi32, #tpu.memory_space<hbm>>
    tpu.enqueue_dma source(%dma_start3A_49 : memref<2x128xi32, #tpu.memory_space<hbm>>) target(%dma_start3A_45 : memref<2x128xi32, #tpu.memory_space<vmem>>) target_semaphore(%dma_start3A_41 : memref<!tpu.dma_semaphore, #tpu.memory_space<semaphore_mem>>)
    %add3A_50 = arith.constant 2 : i32
    %add3A_51 = arith.addi %mul3A_2, %add3A_50 : i32
    %dma_start3A_52 = arith.constant 2 : i32
    %dma_start3A_53 = arith.constant 2 : i32
    %dma_start3A_54 = arith.constant 0 : i32
    %dma_start3A_55 = arith.constant 0 : i32
    %dma_start3A_56 = tpu.memref_slice %arg6[%dma_start3A_52, %dma_start3A_54, %dma_start3A_55] : memref<4x2x128xi32, #tpu.memory_space<vmem>> -> memref<1x2x128xi32, #tpu.memory_space<vmem>>
    %dma_start3A_57 = tpu.memref_squeeze %dma_start3A_56 : memref<1x2x128xi32, #tpu.memory_space<vmem>> -> memref<2x128xi32, #tpu.memory_space<vmem>>
    %dma_start3A_58 = arith.constant 0 : i32
    %dma_start3A_59 = arith.constant 0 : i32
    %dma_start3A_60 = tpu.memref_slice %arg3[%add3A_51, %dma_start3A_58, %dma_start3A_59] : memref<2560x2x128xi32, #tpu.memory_space<hbm>> -> memref<1x2x128xi32, #tpu.memory_space<hbm>>
    %dma_start3A_61 = tpu.memref_squeeze %dma_start3A_60 : memref<1x2x128xi32, #tpu.memory_space<hbm>> -> memref<2x128xi32, #tpu.memory_space<hbm>>
    %dma_start3A_62 = tpu.memref_slice %arg9[%dma_start3A_53] : memref<4x!tpu.dma_semaphore, #tpu.memory_space<semaphore_mem>> -> memref<1x!tpu.dma_semaphore, #tpu.memory_space<semaphore_mem>>
    %dma_start3A_63 = tpu.memref_squeeze %dma_start3A_62 : memref<1x!tpu.dma_semaphore, #tpu.memory_space<semaphore_mem>> -> memref<!tpu.dma_semaphore, #tpu.memory_space<semaphore_mem>>
    %dma_start3A_64 = arith.constant 0 : i32
    %dma_start3A_65 = arith.constant 0 : i32
    %dma_start3A_66 = tpu.memref_slice %arg6[%dma_start3A_52, %dma_start3A_64, %dma_start3A_65] : memref<4x2x128xi32, #tpu.memory_space<vmem>> -> memref<1x2x128xi32, #tpu.memory_space<vmem>>
    %dma_start3A_67 = tpu.memref_squeeze %dma_start3A_66 : memref<1x2x128xi32, #tpu.memory_space<vmem>> -> memref<2x128xi32, #tpu.memory_space<vmem>>
    %dma_start3A_68 = arith.constant 0 : i32
    %dma_start3A_69 = arith.constant 0 : i32
    %dma_start3A_70 = tpu.memref_slice %arg3[%add3A_51, %dma_start3A_68, %dma_start3A_69] : memref<2560x2x128xi32, #tpu.memory_space<hbm>> -> memref<1x2x128xi32, #tpu.memory_space<hbm>>
    %dma_start3A_71 = tpu.memref_squeeze %dma_start3A_70 : memref<1x2x128xi32, #tpu.memory_space<hbm>> -> memref<2x128xi32, #tpu.memory_space<hbm>>
    tpu.enqueue_dma source(%dma_start3A_71 : memref<2x128xi32, #tpu.memory_space<hbm>>) target(%dma_start3A_67 : memref<2x128xi32, #tpu.memory_space<vmem>>) target_semaphore(%dma_start3A_63 : memref<!tpu.dma_semaphore, #tpu.memory_space<semaphore_mem>>)
    %barrier3A = arith.constant 0 : index
    tpu.barrier barrier_id(%barrier3A)
    %dma_wait3A = arith.constant 0 : i32
    %dma_wait3A_72 = arith.constant 0 : i32
    %dma_wait3A_73 = arith.constant 0 : i32
    %dma_wait3A_74 = arith.constant 0 : i32
    %dma_wait3A_75 = tpu.memref_slice %arg6[%dma_wait3A, %dma_wait3A_73, %dma_wait3A_74] : memref<4x2x128xi32, #tpu.memory_space<vmem>> -> memref<1x2x128xi32, #tpu.memory_space<vmem>>
    %dma_wait3A_76 = tpu.memref_squeeze %dma_wait3A_75 : memref<1x2x128xi32, #tpu.memory_space<vmem>> -> memref<2x128xi32, #tpu.memory_space<vmem>>
    %dma_wait3A_77 = arith.constant 0 : i32
    %dma_wait3A_78 = arith.constant 0 : i32
    %dma_wait3A_79 = tpu.memref_slice %arg3[%mul3A_2, %dma_wait3A_77, %dma_wait3A_78] : memref<2560x2x128xi32, #tpu.memory_space<hbm>> -> memref<1x2x128xi32, #tpu.memory_space<hbm>>
    %dma_wait3A_80 = tpu.memref_squeeze %dma_wait3A_79 : memref<1x2x128xi32, #tpu.memory_space<hbm>> -> memref<2x128xi32, #tpu.memory_space<hbm>>
    %dma_wait3A_81 = tpu.memref_slice %arg9[%dma_wait3A_72] : memref<4x!tpu.dma_semaphore, #tpu.memory_space<semaphore_mem>> -> memref<1x!tpu.dma_semaphore, #tpu.memory_space<semaphore_mem>>
    %dma_wait3A_82 = tpu.memref_squeeze %dma_wait3A_81 : memref<1x!tpu.dma_semaphore, #tpu.memory_space<semaphore_mem>> -> memref<!tpu.dma_semaphore, #tpu.memory_space<semaphore_mem>>
    %dma_wait3A_83 = arith.constant 0 : i32
    %dma_wait3A_84 = arith.constant 0 : i32
    %dma_wait3A_85 = tpu.memref_slice %arg6[%dma_wait3A, %dma_wait3A_83, %dma_wait3A_84] : memref<4x2x128xi32, #tpu.memory_space<vmem>> -> memref<1x2x128xi32, #tpu.memory_space<vmem>>
    %dma_wait3A_86 = tpu.memref_squeeze %dma_wait3A_85 : memref<1x2x128xi32, #tpu.memory_space<vmem>> -> memref<2x128xi32, #tpu.memory_space<vmem>>
    %dma_wait3A_87 = arith.constant 0 : i32
    %dma_wait3A_88 = arith.constant 0 : i32
    %dma_wait3A_89 = tpu.memref_slice %arg3[%mul3A_2, %dma_wait3A_87, %dma_wait3A_88] : memref<2560x2x128xi32, #tpu.memory_space<hbm>> -> memref<1x2x128xi32, #tpu.memory_space<hbm>>
    %dma_wait3A_90 = tpu.memref_squeeze %dma_wait3A_89 : memref<1x2x128xi32, #tpu.memory_space<hbm>> -> memref<2x128xi32, #tpu.memory_space<hbm>>
    tpu.wait_dma2 semaphore(%dma_wait3A_82 : memref<!tpu.dma_semaphore, #tpu.memory_space<semaphore_mem>>) src(%dma_wait3A_90 : memref<2x128xi32, #tpu.memory_space<hbm>>) dst(%dma_wait3A_86 : memref<2x128xi32, #tpu.memory_space<vmem>>)
    %dma_start3A_91 = arith.constant 0 : i32
    %dma_start3A_92 = arith.constant 0 : i32
    %dma_start3A_93 = arith.constant 0 : i32
    %dma_start3A_94 = arith.constant 0 : i32
    %dma_start3A_95 = arith.constant 0 : i32
    %dma_start3A_96 = arith.constant 0 : i32
    %dma_start3A_97 = tpu.memref_slice %arg7[%dma_start3A_93, %dma_start3A_95, %dma_start3A_96] : memref<2x128x128xf32, #tpu.memory_space<vmem>> -> memref<1x128x128xf32, #tpu.memory_space<vmem>>
    %dma_start3A_98 = tpu.memref_squeeze %dma_start3A_97 : memref<1x128x128xf32, #tpu.memory_space<vmem>> -> memref<128x128xf32, #tpu.memory_space<vmem>>
    %dma_start3A_99 = arith.constant 0 : i32
    %dma_start3A_100 = tpu.memref_slice %arg6[%dma_start3A_91, %dma_start3A_92, %dma_start3A_99] : memref<4x2x128xi32, #tpu.memory_space<vmem>> -> memref<1x1x128xi32, #tpu.memory_space<vmem>>
    %dma_start3A_101 = tpu.memref_squeeze %dma_start3A_100 : memref<1x1x128xi32, #tpu.memory_space<vmem>> -> memref<128xi32, #tpu.memory_space<vmem>>
    %dma_start3A_102 = arith.constant 0 : i32
    %dma_start3A_103 = arith.constant 0 : i32
    %dma_start3A_104 = tpu.memref_slice %arg2[%dma_start3A_102, %dma_start3A_103] : memref<10000x128xf32, #tpu.memory_space<hbm>> -> memref<10000x128xf32, #tpu.memory_space<hbm>>
    %dma_start3A_105 = tpu.memref_slice %arg10[%dma_start3A_94] : memref<2x!tpu.dma_semaphore, #tpu.memory_space<semaphore_mem>> -> memref<1x!tpu.dma_semaphore, #tpu.memory_space<semaphore_mem>>
    %dma_start3A_106 = tpu.memref_squeeze %dma_start3A_105 : memref<1x!tpu.dma_semaphore, #tpu.memory_space<semaphore_mem>> -> memref<!tpu.dma_semaphore, #tpu.memory_space<semaphore_mem>>
    tpu.enqueue_indirect_dma source(%dma_start3A_104 : memref<10000x128xf32, #tpu.memory_space<hbm>>) target(%dma_start3A_98 : memref<128x128xf32, #tpu.memory_space<vmem>>) offsets(%dma_start3A_101 : memref<128xi32, #tpu.memory_space<vmem>>) semaphore(%dma_start3A_106 : memref<!tpu.dma_semaphore, #tpu.memory_space<semaphore_mem>>)
    %scan3A = arith.constant 0 : i32
    %scan3A_107 = arith.constant 0 : i32
    %scan3A_108 = arith.constant 20 : i32
    %scan3A_109 = arith.addi %scan3A_107, %scan3A_108 : i32
    %scan3A_110 = arith.constant 1 : i32
    scf.for %scan3A_133 = %scan3A_107 to %scan3A_109 step %scan3A_110  : i32 {
      %mul3A_134 = arith.constant 4 : i32
      %mul3A_135 = arith.muli %scan3A_133, %mul3A_134 : i32
      %add3A_136 = arith.constant 0 : i32
      %add3A_137 = arith.addi %mul3A_135, %add3A_136 : i32
      %ge3A = arith.constant 1 : i32
      %ge3A_138 = arith.cmpi sge, %add3A_137, %ge3A : i32
      %convert_element_type3A = arith.extui %ge3A_138 : i1 to i32
      %cond3A = arith.constant 0 : i32
      %cond3A_139 = arith.cmpi ne, %convert_element_type3A, %cond3A : i32
      scf.if %cond3A_139 {
        %dma_wait3A_357 = arith.constant 1 : i32
        %dma_wait3A_358 = arith.constant 3 : i32
        %dma_wait3A_359 = arith.constant 1 : i32
        %dma_wait3A_360 = arith.constant 1 : i32
        %dma_wait3A_361 = arith.constant 0 : i32
        %dma_wait3A_362 = arith.constant 0 : i32
        %dma_wait3A_363 = tpu.memref_slice %arg7[%dma_wait3A_357, %dma_wait3A_361, %dma_wait3A_362] : memref<2x128x128xf32, #tpu.memory_space<vmem>> -> memref<1x128x128xf32, #tpu.memory_space<vmem>>
        %dma_wait3A_364 = tpu.memref_squeeze %dma_wait3A_363 : memref<1x128x128xf32, #tpu.memory_space<vmem>> -> memref<128x128xf32, #tpu.memory_space<vmem>>
        %dma_wait3A_365 = arith.constant 0 : i32
        %dma_wait3A_366 = tpu.memref_slice %arg6[%dma_wait3A_358, %dma_wait3A_359, %dma_wait3A_365] : memref<4x2x128xi32, #tpu.memory_space<vmem>> -> memref<1x1x128xi32, #tpu.memory_space<vmem>>
        %dma_wait3A_367 = tpu.memref_squeeze %dma_wait3A_366 : memref<1x1x128xi32, #tpu.memory_space<vmem>> -> memref<128xi32, #tpu.memory_space<vmem>>
        %dma_wait3A_368 = arith.constant 0 : i32
        %dma_wait3A_369 = arith.constant 0 : i32
        %dma_wait3A_370 = tpu.memref_slice %arg8[%dma_wait3A_368, %dma_wait3A_369] : memref<10112x128xf32, #tpu.memory_space<vmem_shared>> -> memref<10112x128xf32, #tpu.memory_space<vmem_shared>>
        %dma_wait3A_371 = tpu.memref_slice %arg11[%dma_wait3A_360] : memref<2x!tpu.dma_semaphore, #tpu.memory_space<semaphore_mem>> -> memref<1x!tpu.dma_semaphore, #tpu.memory_space<semaphore_mem>>
        %dma_wait3A_372 = tpu.memref_squeeze %dma_wait3A_371 : memref<1x!tpu.dma_semaphore, #tpu.memory_space<semaphore_mem>> -> memref<!tpu.dma_semaphore, #tpu.memory_space<semaphore_mem>>
        tpu.wait_indirect_dma semaphore(%dma_wait3A_372 : memref<!tpu.dma_semaphore, #tpu.memory_space<semaphore_mem>>) src(%dma_wait3A_364 : memref<128x128xf32, #tpu.memory_space<vmem>>) dst(%dma_wait3A_370 : memref<10112x128xf32, #tpu.memory_space<vmem_shared>>)
      } else {
      }
      %add3A_140 = arith.constant 1 : i32
      %add3A_141 = arith.addi %add3A_137, %add3A_140 : i32
      %lt3A = arith.constant 80 : i32
      %lt3A_142 = arith.cmpi slt, %add3A_141, %lt3A : i32
      %convert_element_type3A_143 = arith.extui %lt3A_142 : i1 to i32
      %cond3A_144 = arith.constant 0 : i32
      %cond3A_145 = arith.cmpi ne, %convert_element_type3A_143, %cond3A_144 : i32
      scf.if %cond3A_145 {
        %add3A_357 = arith.addi %mul3A_2, %add3A_137 : i32
        %add3A_358 = arith.constant 1 : i32
        %add3A_359 = arith.addi %add3A_357, %add3A_358 : i32
        %dma_wait3A_360 = arith.constant 1 : i32
        %dma_wait3A_361 = arith.constant 1 : i32
        %dma_wait3A_362 = arith.constant 0 : i32
        %dma_wait3A_363 = arith.constant 0 : i32
        %dma_wait3A_364 = tpu.memref_slice %arg6[%dma_wait3A_360, %dma_wait3A_362, %dma_wait3A_363] : memref<4x2x128xi32, #tpu.memory_space<vmem>> -> memref<1x2x128xi32, #tpu.memory_space<vmem>>
        %dma_wait3A_365 = tpu.memref_squeeze %dma_wait3A_364 : memref<1x2x128xi32, #tpu.memory_space<vmem>> -> memref<2x128xi32, #tpu.memory_space<vmem>>
        %dma_wait3A_366 = arith.constant 0 : i32
        %dma_wait3A_367 = arith.constant 0 : i32
        %dma_wait3A_368 = tpu.memref_slice %arg3[%add3A_359, %dma_wait3A_366, %dma_wait3A_367] : memref<2560x2x128xi32, #tpu.memory_space<hbm>> -> memref<1x2x128xi32, #tpu.memory_space<hbm>>
        %dma_wait3A_369 = tpu.memref_squeeze %dma_wait3A_368 : memref<1x2x128xi32, #tpu.memory_space<hbm>> -> memref<2x128xi32, #tpu.memory_space<hbm>>
        %dma_wait3A_370 = tpu.memref_slice %arg9[%dma_wait3A_361] : memref<4x!tpu.dma_semaphore, #tpu.memory_space<semaphore_mem>> -> memref<1x!tpu.dma_semaphore, #tpu.memory_space<semaphore_mem>>
        %dma_wait3A_371 = tpu.memref_squeeze %dma_wait3A_370 : memref<1x!tpu.dma_semaphore, #tpu.memory_space<semaphore_mem>> -> memref<!tpu.dma_semaphore, #tpu.memory_space<semaphore_mem>>
        %dma_wait3A_372 = arith.constant 0 : i32
        %dma_wait3A_373 = arith.constant 0 : i32
        %dma_wait3A_374 = tpu.memref_slice %arg6[%dma_wait3A_360, %dma_wait3A_372, %dma_wait3A_373] : memref<4x2x128xi32, #tpu.memory_space<vmem>> -> memref<1x2x128xi32, #tpu.memory_space<vmem>>
        %dma_wait3A_375 = tpu.memref_squeeze %dma_wait3A_374 : memref<1x2x128xi32, #tpu.memory_space<vmem>> -> memref<2x128xi32, #tpu.memory_space<vmem>>
        %dma_wait3A_376 = arith.constant 0 : i32
        %dma_wait3A_377 = arith.constant 0 : i32
        %dma_wait3A_378 = tpu.memref_slice %arg3[%add3A_359, %dma_wait3A_376, %dma_wait3A_377] : memref<2560x2x128xi32, #tpu.memory_space<hbm>> -> memref<1x2x128xi32, #tpu.memory_space<hbm>>
        %dma_wait3A_379 = tpu.memref_squeeze %dma_wait3A_378 : memref<1x2x128xi32, #tpu.memory_space<hbm>> -> memref<2x128xi32, #tpu.memory_space<hbm>>
        tpu.wait_dma2 semaphore(%dma_wait3A_371 : memref<!tpu.dma_semaphore, #tpu.memory_space<semaphore_mem>>) src(%dma_wait3A_379 : memref<2x128xi32, #tpu.memory_space<hbm>>) dst(%dma_wait3A_375 : memref<2x128xi32, #tpu.memory_space<vmem>>)
        %dma_start3A_380 = arith.constant 1 : i32
        %dma_start3A_381 = arith.constant 0 : i32
        %dma_start3A_382 = arith.constant 1 : i32
        %dma_start3A_383 = arith.constant 1 : i32
        %dma_start3A_384 = arith.constant 0 : i32
        %dma_start3A_385 = arith.constant 0 : i32
        %dma_start3A_386 = tpu.memref_slice %arg7[%dma_start3A_382, %dma_start3A_384, %dma_start3A_385] : memref<2x128x128xf32, #tpu.memory_space<vmem>> -> memref<1x128x128xf32, #tpu.memory_space<vmem>>
        %dma_start3A_387 = tpu.memref_squeeze %dma_start3A_386 : memref<1x128x128xf32, #tpu.memory_space<vmem>> -> memref<128x128xf32, #tpu.memory_space<vmem>>
        %dma_start3A_388 = arith.constant 0 : i32
        %dma_start3A_389 = tpu.memref_slice %arg6[%dma_start3A_380, %dma_start3A_381, %dma_start3A_388] : memref<4x2x128xi32, #tpu.memory_space<vmem>> -> memref<1x1x128xi32, #tpu.memory_space<vmem>>
        %dma_start3A_390 = tpu.memref_squeeze %dma_start3A_389 : memref<1x1x128xi32, #tpu.memory_space<vmem>> -> memref<128xi32, #tpu.memory_space<vmem>>
        %dma_start3A_391 = arith.constant 0 : i32
        %dma_start3A_392 = arith.constant 0 : i32
        %dma_start3A_393 = tpu.memref_slice %arg2[%dma_start3A_391, %dma_start3A_392] : memref<10000x128xf32, #tpu.memory_space<hbm>> -> memref<10000x128xf32, #tpu.memory_space<hbm>>
        %dma_start3A_394 = tpu.memref_slice %arg10[%dma_start3A_383] : memref<2x!tpu.dma_semaphore, #tpu.memory_space<semaphore_mem>> -> memref<1x!tpu.dma_semaphore, #tpu.memory_space<semaphore_mem>>
        %dma_start3A_395 = tpu.memref_squeeze %dma_start3A_394 : memref<1x!tpu.dma_semaphore, #tpu.memory_space<semaphore_mem>> -> memref<!tpu.dma_semaphore, #tpu.memory_space<semaphore_mem>>
        tpu.enqueue_indirect_dma source(%dma_start3A_393 : memref<10000x128xf32, #tpu.memory_space<hbm>>) target(%dma_start3A_387 : memref<128x128xf32, #tpu.memory_space<vmem>>) offsets(%dma_start3A_390 : memref<128xi32, #tpu.memory_space<vmem>>) semaphore(%dma_start3A_395 : memref<!tpu.dma_semaphore, #tpu.memory_space<semaphore_mem>>)
      } else {
      }
      %dma_wait3A_146 = arith.constant 0 : i32
      %dma_wait3A_147 = arith.constant 0 : i32
      %dma_wait3A_148 = arith.constant 0 : i32
      %dma_wait3A_149 = arith.constant 0 : i32
      %dma_wait3A_150 = arith.constant 0 : i32
      %dma_wait3A_151 = arith.constant 0 : i32
      %dma_wait3A_152 = tpu.memref_slice %arg7[%dma_wait3A_148, %dma_wait3A_150, %dma_wait3A_151] : memref<2x128x128xf32, #tpu.memory_space<vmem>> -> memref<1x128x128xf32, #tpu.memory_space<vmem>>
      %dma_wait3A_153 = tpu.memref_squeeze %dma_wait3A_152 : memref<1x128x128xf32, #tpu.memory_space<vmem>> -> memref<128x128xf32, #tpu.memory_space<vmem>>
      %dma_wait3A_154 = arith.constant 0 : i32
      %dma_wait3A_155 = tpu.memref_slice %arg6[%dma_wait3A_146, %dma_wait3A_147, %dma_wait3A_154] : memref<4x2x128xi32, #tpu.memory_space<vmem>> -> memref<1x1x128xi32, #tpu.memory_space<vmem>>
      %dma_wait3A_156 = tpu.memref_squeeze %dma_wait3A_155 : memref<1x1x128xi32, #tpu.memory_space<vmem>> -> memref<128xi32, #tpu.memory_space<vmem>>
      %dma_wait3A_157 = arith.constant 0 : i32
      %dma_wait3A_158 = arith.constant 0 : i32
      %dma_wait3A_159 = tpu.memref_slice %arg2[%dma_wait3A_157, %dma_wait3A_158] : memref<10000x128xf32, #tpu.memory_space<hbm>> -> memref<10000x128xf32, #tpu.memory_space<hbm>>
      %dma_wait3A_160 = tpu.memref_slice %arg10[%dma_wait3A_149] : memref<2x!tpu.dma_semaphore, #tpu.memory_space<semaphore_mem>> -> memref<1x!tpu.dma_semaphore, #tpu.memory_space<semaphore_mem>>
      %dma_wait3A_161 = tpu.memref_squeeze %dma_wait3A_160 : memref<1x!tpu.dma_semaphore, #tpu.memory_space<semaphore_mem>> -> memref<!tpu.dma_semaphore, #tpu.memory_space<semaphore_mem>>
      tpu.wait_indirect_dma semaphore(%dma_wait3A_161 : memref<!tpu.dma_semaphore, #tpu.memory_space<semaphore_mem>>) src(%dma_wait3A_159 : memref<10000x128xf32, #tpu.memory_space<hbm>>) dst(%dma_wait3A_153 : memref<128x128xf32, #tpu.memory_space<vmem>>)
      %dma_start3A_162 = arith.constant 0 : i32
      %dma_start3A_163 = arith.constant 0 : i32
      %dma_start3A_164 = arith.constant 1 : i32
      %dma_start3A_165 = arith.constant 0 : i32
      %dma_start3A_166 = arith.constant 0 : i32
      %dma_start3A_167 = arith.constant 0 : i32
      %dma_start3A_168 = tpu.memref_slice %arg7[%dma_start3A_162, %dma_start3A_166, %dma_start3A_167] : memref<2x128x128xf32, #tpu.memory_space<vmem>> -> memref<1x128x128xf32, #tpu.memory_space<vmem>>
      %dma_start3A_169 = tpu.memref_squeeze %dma_start3A_168 : memref<1x128x128xf32, #tpu.memory_space<vmem>> -> memref<128x128xf32, #tpu.memory_space<vmem>>
      %dma_start3A_170 = arith.constant 0 : i32
      %dma_start3A_171 = tpu.memref_slice %arg6[%dma_start3A_163, %dma_start3A_164, %dma_start3A_170] : memref<4x2x128xi32, #tpu.memory_space<vmem>> -> memref<1x1x128xi32, #tpu.memory_space<vmem>>
      %dma_start3A_172 = tpu.memref_squeeze %dma_start3A_171 : memref<1x1x128xi32, #tpu.memory_space<vmem>> -> memref<128xi32, #tpu.memory_space<vmem>>
      %dma_start3A_173 = arith.constant 0 : i32
      %dma_start3A_174 = arith.constant 0 : i32
      %dma_start3A_175 = tpu.memref_slice %arg8[%dma_start3A_173, %dma_start3A_174] : memref<10112x128xf32, #tpu.memory_space<vmem_shared>> -> memref<10112x128xf32, #tpu.memory_space<vmem_shared>>
      %dma_start3A_176 = tpu.memref_slice %arg11[%dma_start3A_165] : memref<2x!tpu.dma_semaphore, #tpu.memory_space<semaphore_mem>> -> memref<1x!tpu.dma_semaphore, #tpu.memory_space<semaphore_mem>>
      %dma_start3A_177 = tpu.memref_squeeze %dma_start3A_176 : memref<1x!tpu.dma_semaphore, #tpu.memory_space<semaphore_mem>> -> memref<!tpu.dma_semaphore, #tpu.memory_space<semaphore_mem>>
      tpu.enqueue_indirect_dma source(%dma_start3A_169 : memref<128x128xf32, #tpu.memory_space<vmem>>) target(%dma_start3A_175 : memref<10112x128xf32, #tpu.memory_space<vmem_shared>>) offsets(%dma_start3A_172 : memref<128xi32, #tpu.memory_space<vmem>>) semaphore(%dma_start3A_177 : memref<!tpu.dma_semaphore, #tpu.memory_space<semaphore_mem>>) {add = true}
      %add3A_178 = arith.constant 4 : i32
      %add3A_179 = arith.addi %add3A_137, %add3A_178 : i32
      %sub3A = arith.constant 1 : i32
      %sub3A_180 = arith.subi %add3A_179, %sub3A : i32
      %lt3A_181 = arith.constant 80 : i32
      %lt3A_182 = arith.cmpi slt, %sub3A_180, %lt3A_181 : i32
      %convert_element_type3A_183 = arith.extui %lt3A_182 : i1 to i32
      %cond3A_184 = arith.constant 0 : i32
      %cond3A_185 = arith.cmpi ne, %convert_element_type3A_183, %cond3A_184 : i32
      scf.if %cond3A_185 {
        %add3A_357 = arith.addi %mul3A_2, %add3A_137 : i32
        %add3A_358 = arith.constant 4 : i32
        %add3A_359 = arith.addi %add3A_357, %add3A_358 : i32
        %sub3A_360 = arith.constant 1 : i32
        %sub3A_361 = arith.subi %add3A_359, %sub3A_360 : i32
        %dma_start3A_362 = arith.constant 3 : i32
        %dma_start3A_363 = arith.constant 3 : i32
        %dma_start3A_364 = arith.constant 0 : i32
        %dma_start3A_365 = arith.constant 0 : i32
        %dma_start3A_366 = tpu.memref_slice %arg6[%dma_start3A_362, %dma_start3A_364, %dma_start3A_365] : memref<4x2x128xi32, #tpu.memory_space<vmem>> -> memref<1x2x128xi32, #tpu.memory_space<vmem>>
        %dma_start3A_367 = tpu.memref_squeeze %dma_start3A_366 : memref<1x2x128xi32, #tpu.memory_space<vmem>> -> memref<2x128xi32, #tpu.memory_space<vmem>>
        %dma_start3A_368 = arith.constant 0 : i32
        %dma_start3A_369 = arith.constant 0 : i32
        %dma_start3A_370 = tpu.memref_slice %arg3[%sub3A_361, %dma_start3A_368, %dma_start3A_369] : memref<2560x2x128xi32, #tpu.memory_space<hbm>> -> memref<1x2x128xi32, #tpu.memory_space<hbm>>
        %dma_start3A_371 = tpu.memref_squeeze %dma_start3A_370 : memref<1x2x128xi32, #tpu.memory_space<hbm>> -> memref<2x128xi32, #tpu.memory_space<hbm>>
        %dma_start3A_372 = tpu.memref_slice %arg9[%dma_start3A_363] : memref<4x!tpu.dma_semaphore, #tpu.memory_space<semaphore_mem>> -> memref<1x!tpu.dma_semaphore, #tpu.memory_space<semaphore_mem>>
        %dma_start3A_373 = tpu.memref_squeeze %dma_start3A_372 : memref<1x!tpu.dma_semaphore, #tpu.memory_space<semaphore_mem>> -> memref<!tpu.dma_semaphore, #tpu.memory_space<semaphore_mem>>
        %dma_start3A_374 = arith.constant 0 : i32
        %dma_start3A_375 = arith.constant 0 : i32
        %dma_start3A_376 = tpu.memref_slice %arg6[%dma_start3A_362, %dma_start3A_374, %dma_start3A_375] : memref<4x2x128xi32, #tpu.memory_space<vmem>> -> memref<1x2x128xi32, #tpu.memory_space<vmem>>
        %dma_start3A_377 = tpu.memref_squeeze %dma_start3A_376 : memref<1x2x128xi32, #tpu.memory_space<vmem>> -> memref<2x128xi32, #tpu.memory_space<vmem>>
        %dma_start3A_378 = arith.constant 0 : i32
        %dma_start3A_379 = arith.constant 0 : i32
        %dma_start3A_380 = tpu.memref_slice %arg3[%sub3A_361, %dma_start3A_378, %dma_start3A_379] : memref<2560x2x128xi32, #tpu.memory_space<hbm>> -> memref<1x2x128xi32, #tpu.memory_space<hbm>>
        %dma_start3A_381 = tpu.memref_squeeze %dma_start3A_380 : memref<1x2x128xi32, #tpu.memory_space<hbm>> -> memref<2x128xi32, #tpu.memory_space<hbm>>
        tpu.enqueue_dma source(%dma_start3A_381 : memref<2x128xi32, #tpu.memory_space<hbm>>) target(%dma_start3A_377 : memref<2x128xi32, #tpu.memory_space<vmem>>) target_semaphore(%dma_start3A_373 : memref<!tpu.dma_semaphore, #tpu.memory_space<semaphore_mem>>)
      } else {
      }
      %mul3A_186 = arith.constant 4 : i32
      %mul3A_187 = arith.muli %scan3A_133, %mul3A_186 : i32
      %add3A_188 = arith.constant 1 : i32
      %add3A_189 = arith.addi %mul3A_187, %add3A_188 : i32
      %ge3A_190 = arith.constant 1 : i32
      %ge3A_191 = arith.cmpi sge, %add3A_189, %ge3A_190 : i32
      %convert_element_type3A_192 = arith.extui %ge3A_191 : i1 to i32
      %cond3A_193 = arith.constant 0 : i32
      %cond3A_194 = arith.cmpi ne, %convert_element_type3A_192, %cond3A_193 : i32
      scf.if %cond3A_194 {
        %dma_wait3A_357 = arith.constant 0 : i32
        %dma_wait3A_358 = arith.constant 0 : i32
        %dma_wait3A_359 = arith.constant 1 : i32
        %dma_wait3A_360 = arith.constant 0 : i32
        %dma_wait3A_361 = arith.constant 0 : i32
        %dma_wait3A_362 = arith.constant 0 : i32
        %dma_wait3A_363 = tpu.memref_slice %arg7[%dma_wait3A_357, %dma_wait3A_361, %dma_wait3A_362] : memref<2x128x128xf32, #tpu.memory_space<vmem>> -> memref<1x128x128xf32, #tpu.memory_space<vmem>>
        %dma_wait3A_364 = tpu.memref_squeeze %dma_wait3A_363 : memref<1x128x128xf32, #tpu.memory_space<vmem>> -> memref<128x128xf32, #tpu.memory_space<vmem>>
        %dma_wait3A_365 = arith.constant 0 : i32
        %dma_wait3A_366 = tpu.memref_slice %arg6[%dma_wait3A_358, %dma_wait3A_359, %dma_wait3A_365] : memref<4x2x128xi32, #tpu.memory_space<vmem>> -> memref<1x1x128xi32, #tpu.memory_space<vmem>>
        %dma_wait3A_367 = tpu.memref_squeeze %dma_wait3A_366 : memref<1x1x128xi32, #tpu.memory_space<vmem>> -> memref<128xi32, #tpu.memory_space<vmem>>
        %dma_wait3A_368 = arith.constant 0 : i32
        %dma_wait3A_369 = arith.constant 0 : i32
        %dma_wait3A_370 = tpu.memref_slice %arg8[%dma_wait3A_368, %dma_wait3A_369] : memref<10112x128xf32, #tpu.memory_space<vmem_shared>> -> memref<10112x128xf32, #tpu.memory_space<vmem_shared>>
        %dma_wait3A_371 = tpu.memref_slice %arg11[%dma_wait3A_360] : memref<2x!tpu.dma_semaphore, #tpu.memory_space<semaphore_mem>> -> memref<1x!tpu.dma_semaphore, #tpu.memory_space<semaphore_mem>>
        %dma_wait3A_372 = tpu.memref_squeeze %dma_wait3A_371 : memref<1x!tpu.dma_semaphore, #tpu.memory_space<semaphore_mem>> -> memref<!tpu.dma_semaphore, #tpu.memory_space<semaphore_mem>>
        tpu.wait_indirect_dma semaphore(%dma_wait3A_372 : memref<!tpu.dma_semaphore, #tpu.memory_space<semaphore_mem>>) src(%dma_wait3A_364 : memref<128x128xf32, #tpu.memory_space<vmem>>) dst(%dma_wait3A_370 : memref<10112x128xf32, #tpu.memory_space<vmem_shared>>)
      } else {
      }
      %add3A_195 = arith.constant 1 : i32
      %add3A_196 = arith.addi %add3A_189, %add3A_195 : i32
      %lt3A_197 = arith.constant 80 : i32
      %lt3A_198 = arith.cmpi slt, %add3A_196, %lt3A_197 : i32
      %convert_element_type3A_199 = arith.extui %lt3A_198 : i1 to i32
      %cond3A_200 = arith.constant 0 : i32
      %cond3A_201 = arith.cmpi ne, %convert_element_type3A_199, %cond3A_200 : i32
      scf.if %cond3A_201 {
        %add3A_357 = arith.addi %mul3A_2, %add3A_189 : i32
        %add3A_358 = arith.constant 1 : i32
        %add3A_359 = arith.addi %add3A_357, %add3A_358 : i32
        %dma_wait3A_360 = arith.constant 2 : i32
        %dma_wait3A_361 = arith.constant 2 : i32
        %dma_wait3A_362 = arith.constant 0 : i32
        %dma_wait3A_363 = arith.constant 0 : i32
        %dma_wait3A_364 = tpu.memref_slice %arg6[%dma_wait3A_360, %dma_wait3A_362, %dma_wait3A_363] : memref<4x2x128xi32, #tpu.memory_space<vmem>> -> memref<1x2x128xi32, #tpu.memory_space<vmem>>
        %dma_wait3A_365 = tpu.memref_squeeze %dma_wait3A_364 : memref<1x2x128xi32, #tpu.memory_space<vmem>> -> memref<2x128xi32, #tpu.memory_space<vmem>>
        %dma_wait3A_366 = arith.constant 0 : i32
        %dma_wait3A_367 = arith.constant 0 : i32
        %dma_wait3A_368 = tpu.memref_slice %arg3[%add3A_359, %dma_wait3A_366, %dma_wait3A_367] : memref<2560x2x128xi32, #tpu.memory_space<hbm>> -> memref<1x2x128xi32, #tpu.memory_space<hbm>>
        %dma_wait3A_369 = tpu.memref_squeeze %dma_wait3A_368 : memref<1x2x128xi32, #tpu.memory_space<hbm>> -> memref<2x128xi32, #tpu.memory_space<hbm>>
        %dma_wait3A_370 = tpu.memref_slice %arg9[%dma_wait3A_361] : memref<4x!tpu.dma_semaphore, #tpu.memory_space<semaphore_mem>> -> memref<1x!tpu.dma_semaphore, #tpu.memory_space<semaphore_mem>>
        %dma_wait3A_371 = tpu.memref_squeeze %dma_wait3A_370 : memref<1x!tpu.dma_semaphore, #tpu.memory_space<semaphore_mem>> -> memref<!tpu.dma_semaphore, #tpu.memory_space<semaphore_mem>>
        %dma_wait3A_372 = arith.constant 0 : i32
        %dma_wait3A_373 = arith.constant 0 : i32
        %dma_wait3A_374 = tpu.memref_slice %arg6[%dma_wait3A_360, %dma_wait3A_372, %dma_wait3A_373] : memref<4x2x128xi32, #tpu.memory_space<vmem>> -> memref<1x2x128xi32, #tpu.memory_space<vmem>>
        %dma_wait3A_375 = tpu.memref_squeeze %dma_wait3A_374 : memref<1x2x128xi32, #tpu.memory_space<vmem>> -> memref<2x128xi32, #tpu.memory_space<vmem>>
        %dma_wait3A_376 = arith.constant 0 : i32
        %dma_wait3A_377 = arith.constant 0 : i32
        %dma_wait3A_378 = tpu.memref_slice %arg3[%add3A_359, %dma_wait3A_376, %dma_wait3A_377] : memref<2560x2x128xi32, #tpu.memory_space<hbm>> -> memref<1x2x128xi32, #tpu.memory_space<hbm>>
        %dma_wait3A_379 = tpu.memref_squeeze %dma_wait3A_378 : memref<1x2x128xi32, #tpu.memory_space<hbm>> -> memref<2x128xi32, #tpu.memory_space<hbm>>
        tpu.wait_dma2 semaphore(%dma_wait3A_371 : memref<!tpu.dma_semaphore, #tpu.memory_space<semaphore_mem>>) src(%dma_wait3A_379 : memref<2x128xi32, #tpu.memory_space<hbm>>) dst(%dma_wait3A_375 : memref<2x128xi32, #tpu.memory_space<vmem>>)
        %dma_start3A_380 = arith.constant 2 : i32
        %dma_start3A_381 = arith.constant 0 : i32
        %dma_start3A_382 = arith.constant 0 : i32
        %dma_start3A_383 = arith.constant 0 : i32
        %dma_start3A_384 = arith.constant 0 : i32
        %dma_start3A_385 = arith.constant 0 : i32
        %dma_start3A_386 = tpu.memref_slice %arg7[%dma_start3A_382, %dma_start3A_384, %dma_start3A_385] : memref<2x128x128xf32, #tpu.memory_space<vmem>> -> memref<1x128x128xf32, #tpu.memory_space<vmem>>
        %dma_start3A_387 = tpu.memref_squeeze %dma_start3A_386 : memref<1x128x128xf32, #tpu.memory_space<vmem>> -> memref<128x128xf32, #tpu.memory_space<vmem>>
        %dma_start3A_388 = arith.constant 0 : i32
        %dma_start3A_389 = tpu.memref_slice %arg6[%dma_start3A_380, %dma_start3A_381, %dma_start3A_388] : memref<4x2x128xi32, #tpu.memory_space<vmem>> -> memref<1x1x128xi32, #tpu.memory_space<vmem>>
        %dma_start3A_390 = tpu.memref_squeeze %dma_start3A_389 : memref<1x1x128xi32, #tpu.memory_space<vmem>> -> memref<128xi32, #tpu.memory_space<vmem>>
        %dma_start3A_391 = arith.constant 0 : i32
        %dma_start3A_392 = arith.constant 0 : i32
        %dma_start3A_393 = tpu.memref_slice %arg2[%dma_start3A_391, %dma_start3A_392] : memref<10000x128xf32, #tpu.memory_space<hbm>> -> memref<10000x128xf32, #tpu.memory_space<hbm>>
        %dma_start3A_394 = tpu.memref_slice %arg10[%dma_start3A_383] : memref<2x!tpu.dma_semaphore, #tpu.memory_space<semaphore_mem>> -> memref<1x!tpu.dma_semaphore, #tpu.memory_space<semaphore_mem>>
        %dma_start3A_395 = tpu.memref_squeeze %dma_start3A_394 : memref<1x!tpu.dma_semaphore, #tpu.memory_space<semaphore_mem>> -> memref<!tpu.dma_semaphore, #tpu.memory_space<semaphore_mem>>
        tpu.enqueue_indirect_dma source(%dma_start3A_393 : memref<10000x128xf32, #tpu.memory_space<hbm>>) target(%dma_start3A_387 : memref<128x128xf32, #tpu.memory_space<vmem>>) offsets(%dma_start3A_390 : memref<128xi32, #tpu.memory_space<vmem>>) semaphore(%dma_start3A_395 : memref<!tpu.dma_semaphore, #tpu.memory_space<semaphore_mem>>)
      } else {
      }
      %dma_wait3A_202 = arith.constant 1 : i32
      %dma_wait3A_203 = arith.constant 0 : i32
      %dma_wait3A_204 = arith.constant 1 : i32
      %dma_wait3A_205 = arith.constant 1 : i32
      %dma_wait3A_206 = arith.constant 0 : i32
      %dma_wait3A_207 = arith.constant 0 : i32
      %dma_wait3A_208 = tpu.memref_slice %arg7[%dma_wait3A_204, %dma_wait3A_206, %dma_wait3A_207] : memref<2x128x128xf32, #tpu.memory_space<vmem>> -> memref<1x128x128xf32, #tpu.memory_space<vmem>>
      %dma_wait3A_209 = tpu.memref_squeeze %dma_wait3A_208 : memref<1x128x128xf32, #tpu.memory_space<vmem>> -> memref<128x128xf32, #tpu.memory_space<vmem>>
      %dma_wait3A_210 = arith.constant 0 : i32
      %dma_wait3A_211 = tpu.memref_slice %arg6[%dma_wait3A_202, %dma_wait3A_203, %dma_wait3A_210] : memref<4x2x128xi32, #tpu.memory_space<vmem>> -> memref<1x1x128xi32, #tpu.memory_space<vmem>>
      %dma_wait3A_212 = tpu.memref_squeeze %dma_wait3A_211 : memref<1x1x128xi32, #tpu.memory_space<vmem>> -> memref<128xi32, #tpu.memory_space<vmem>>
      %dma_wait3A_213 = arith.constant 0 : i32
      %dma_wait3A_214 = arith.constant 0 : i32
      %dma_wait3A_215 = tpu.memref_slice %arg2[%dma_wait3A_213, %dma_wait3A_214] : memref<10000x128xf32, #tpu.memory_space<hbm>> -> memref<10000x128xf32, #tpu.memory_space<hbm>>
      %dma_wait3A_216 = tpu.memref_slice %arg10[%dma_wait3A_205] : memref<2x!tpu.dma_semaphore, #tpu.memory_space<semaphore_mem>> -> memref<1x!tpu.dma_semaphore, #tpu.memory_space<semaphore_mem>>
      %dma_wait3A_217 = tpu.memref_squeeze %dma_wait3A_216 : memref<1x!tpu.dma_semaphore, #tpu.memory_space<semaphore_mem>> -> memref<!tpu.dma_semaphore, #tpu.memory_space<semaphore_mem>>
      tpu.wait_indirect_dma semaphore(%dma_wait3A_217 : memref<!tpu.dma_semaphore, #tpu.memory_space<semaphore_mem>>) src(%dma_wait3A_215 : memref<10000x128xf32, #tpu.memory_space<hbm>>) dst(%dma_wait3A_209 : memref<128x128xf32, #tpu.memory_space<vmem>>)
      %dma_start3A_218 = arith.constant 1 : i32
      %dma_start3A_219 = arith.constant 1 : i32
      %dma_start3A_220 = arith.constant 1 : i32
      %dma_start3A_221 = arith.constant 1 : i32
      %dma_start3A_222 = arith.constant 0 : i32
      %dma_start3A_223 = arith.constant 0 : i32
      %dma_start3A_224 = tpu.memref_slice %arg7[%dma_start3A_218, %dma_start3A_222, %dma_start3A_223] : memref<2x128x128xf32, #tpu.memory_space<vmem>> -> memref<1x128x128xf32, #tpu.memory_space<vmem>>
      %dma_start3A_225 = tpu.memref_squeeze %dma_start3A_224 : memref<1x128x128xf32, #tpu.memory_space<vmem>> -> memref<128x128xf32, #tpu.memory_space<vmem>>
      %dma_start3A_226 = arith.constant 0 : i32
      %dma_start3A_227 = tpu.memref_slice %arg6[%dma_start3A_219, %dma_start3A_220, %dma_start3A_226] : memref<4x2x128xi32, #tpu.memory_space<vmem>> -> memref<1x1x128xi32, #tpu.memory_space<vmem>>
      %dma_start3A_228 = tpu.memref_squeeze %dma_start3A_227 : memref<1x1x128xi32, #tpu.memory_space<vmem>> -> memref<128xi32, #tpu.memory_space<vmem>>
      %dma_start3A_229 = arith.constant 0 : i32
      %dma_start3A_230 = arith.constant 0 : i32
      %dma_start3A_231 = tpu.memref_slice %arg8[%dma_start3A_229, %dma_start3A_230] : memref<10112x128xf32, #tpu.memory_space<vmem_shared>> -> memref<10112x128xf32, #tpu.memory_space<vmem_shared>>
      %dma_start3A_232 = tpu.memref_slice %arg11[%dma_start3A_221] : memref<2x!tpu.dma_semaphore, #tpu.memory_space<semaphore_mem>> -> memref<1x!tpu.dma_semaphore, #tpu.memory_space<semaphore_mem>>
      %dma_start3A_233 = tpu.memref_squeeze %dma_start3A_232 : memref<1x!tpu.dma_semaphore, #tpu.memory_space<semaphore_mem>> -> memref<!tpu.dma_semaphore, #tpu.memory_space<semaphore_mem>>
      tpu.enqueue_indirect_dma source(%dma_start3A_225 : memref<128x128xf32, #tpu.memory_space<vmem>>) target(%dma_start3A_231 : memref<10112x128xf32, #tpu.memory_space<vmem_shared>>) offsets(%dma_start3A_228 : memref<128xi32, #tpu.memory_space<vmem>>) semaphore(%dma_start3A_233 : memref<!tpu.dma_semaphore, #tpu.memory_space<semaphore_mem>>) {add = true}
      %add3A_234 = arith.constant 4 : i32
      %add3A_235 = arith.addi %add3A_189, %add3A_234 : i32
      %sub3A_236 = arith.constant 1 : i32
      %sub3A_237 = arith.subi %add3A_235, %sub3A_236 : i32
      %lt3A_238 = arith.constant 80 : i32
      %lt3A_239 = arith.cmpi slt, %sub3A_237, %lt3A_238 : i32
      %convert_element_type3A_240 = arith.extui %lt3A_239 : i1 to i32
      %cond3A_241 = arith.constant 0 : i32
      %cond3A_242 = arith.cmpi ne, %convert_element_type3A_240, %cond3A_241 : i32
      scf.if %cond3A_242 {
        %add3A_357 = arith.addi %mul3A_2, %add3A_189 : i32
        %add3A_358 = arith.constant 4 : i32
        %add3A_359 = arith.addi %add3A_357, %add3A_358 : i32
        %sub3A_360 = arith.constant 1 : i32
        %sub3A_361 = arith.subi %add3A_359, %sub3A_360 : i32
        %dma_start3A_362 = arith.constant 0 : i32
        %dma_start3A_363 = arith.constant 0 : i32
        %dma_start3A_364 = arith.constant 0 : i32
        %dma_start3A_365 = arith.constant 0 : i32
        %dma_start3A_366 = tpu.memref_slice %arg6[%dma_start3A_362, %dma_start3A_364, %dma_start3A_365] : memref<4x2x128xi32, #tpu.memory_space<vmem>> -> memref<1x2x128xi32, #tpu.memory_space<vmem>>
        %dma_start3A_367 = tpu.memref_squeeze %dma_start3A_366 : memref<1x2x128xi32, #tpu.memory_space<vmem>> -> memref<2x128xi32, #tpu.memory_space<vmem>>
        %dma_start3A_368 = arith.constant 0 : i32
        %dma_start3A_369 = arith.constant 0 : i32
        %dma_start3A_370 = tpu.memref_slice %arg3[%sub3A_361, %dma_start3A_368, %dma_start3A_369] : memref<2560x2x128xi32, #tpu.memory_space<hbm>> -> memref<1x2x128xi32, #tpu.memory_space<hbm>>
        %dma_start3A_371 = tpu.memref_squeeze %dma_start3A_370 : memref<1x2x128xi32, #tpu.memory_space<hbm>> -> memref<2x128xi32, #tpu.memory_space<hbm>>
        %dma_start3A_372 = tpu.memref_slice %arg9[%dma_start3A_363] : memref<4x!tpu.dma_semaphore, #tpu.memory_space<semaphore_mem>> -> memref<1x!tpu.dma_semaphore, #tpu.memory_space<semaphore_mem>>
        %dma_start3A_373 = tpu.memref_squeeze %dma_start3A_372 : memref<1x!tpu.dma_semaphore, #tpu.memory_space<semaphore_mem>> -> memref<!tpu.dma_semaphore, #tpu.memory_space<semaphore_mem>>
        %dma_start3A_374 = arith.constant 0 : i32
        %dma_start3A_375 = arith.constant 0 : i32
        %dma_start3A_376 = tpu.memref_slice %arg6[%dma_start3A_362, %dma_start3A_374, %dma_start3A_375] : memref<4x2x128xi32, #tpu.memory_space<vmem>> -> memref<1x2x128xi32, #tpu.memory_space<vmem>>
        %dma_start3A_377 = tpu.memref_squeeze %dma_start3A_376 : memref<1x2x128xi32, #tpu.memory_space<vmem>> -> memref<2x128xi32, #tpu.memory_space<vmem>>
        %dma_start3A_378 = arith.constant 0 : i32
        %dma_start3A_379 = arith.constant 0 : i32
        %dma_start3A_380 = tpu.memref_slice %arg3[%sub3A_361, %dma_start3A_378, %dma_start3A_379] : memref<2560x2x128xi32, #tpu.memory_space<hbm>> -> memref<1x2x128xi32, #tpu.memory_space<hbm>>
        %dma_start3A_381 = tpu.memref_squeeze %dma_start3A_380 : memref<1x2x128xi32, #tpu.memory_space<hbm>> -> memref<2x128xi32, #tpu.memory_space<hbm>>
        tpu.enqueue_dma source(%dma_start3A_381 : memref<2x128xi32, #tpu.memory_space<hbm>>) target(%dma_start3A_377 : memref<2x128xi32, #tpu.memory_space<vmem>>) target_semaphore(%dma_start3A_373 : memref<!tpu.dma_semaphore, #tpu.memory_space<semaphore_mem>>)
      } else {
      }
      %mul3A_243 = arith.constant 4 : i32
      %mul3A_244 = arith.muli %scan3A_133, %mul3A_243 : i32
      %add3A_245 = arith.constant 2 : i32
      %add3A_246 = arith.addi %mul3A_244, %add3A_245 : i32
      %ge3A_247 = arith.constant 1 : i32
      %ge3A_248 = arith.cmpi sge, %add3A_246, %ge3A_247 : i32
      %convert_element_type3A_249 = arith.extui %ge3A_248 : i1 to i32
      %cond3A_250 = arith.constant 0 : i32
      %cond3A_251 = arith.cmpi ne, %convert_element_type3A_249, %cond3A_250 : i32
      scf.if %cond3A_251 {
        %dma_wait3A_357 = arith.constant 1 : i32
        %dma_wait3A_358 = arith.constant 1 : i32
        %dma_wait3A_359 = arith.constant 1 : i32
        %dma_wait3A_360 = arith.constant 1 : i32
        %dma_wait3A_361 = arith.constant 0 : i32
        %dma_wait3A_362 = arith.constant 0 : i32
        %dma_wait3A_363 = tpu.memref_slice %arg7[%dma_wait3A_357, %dma_wait3A_361, %dma_wait3A_362] : memref<2x128x128xf32, #tpu.memory_space<vmem>> -> memref<1x128x128xf32, #tpu.memory_space<vmem>>
        %dma_wait3A_364 = tpu.memref_squeeze %dma_wait3A_363 : memref<1x128x128xf32, #tpu.memory_space<vmem>> -> memref<128x128xf32, #tpu.memory_space<vmem>>
        %dma_wait3A_365 = arith.constant 0 : i32
        %dma_wait3A_366 = tpu.memref_slice %arg6[%dma_wait3A_358, %dma_wait3A_359, %dma_wait3A_365] : memref<4x2x128xi32, #tpu.memory_space<vmem>> -> memref<1x1x128xi32, #tpu.memory_space<vmem>>
        %dma_wait3A_367 = tpu.memref_squeeze %dma_wait3A_366 : memref<1x1x128xi32, #tpu.memory_space<vmem>> -> memref<128xi32, #tpu.memory_space<vmem>>
        %dma_wait3A_368 = arith.constant 0 : i32
        %dma_wait3A_369 = arith.constant 0 : i32
        %dma_wait3A_370 = tpu.memref_slice %arg8[%dma_wait3A_368, %dma_wait3A_369] : memref<10112x128xf32, #tpu.memory_space<vmem_shared>> -> memref<10112x128xf32, #tpu.memory_space<vmem_shared>>
        %dma_wait3A_371 = tpu.memref_slice %arg11[%dma_wait3A_360] : memref<2x!tpu.dma_semaphore, #tpu.memory_space<semaphore_mem>> -> memref<1x!tpu.dma_semaphore, #tpu.memory_space<semaphore_mem>>
        %dma_wait3A_372 = tpu.memref_squeeze %dma_wait3A_371 : memref<1x!tpu.dma_semaphore, #tpu.memory_space<semaphore_mem>> -> memref<!tpu.dma_semaphore, #tpu.memory_space<semaphore_mem>>
        tpu.wait_indirect_dma semaphore(%dma_wait3A_372 : memref<!tpu.dma_semaphore, #tpu.memory_space<semaphore_mem>>) src(%dma_wait3A_364 : memref<128x128xf32, #tpu.memory_space<vmem>>) dst(%dma_wait3A_370 : memref<10112x128xf32, #tpu.memory_space<vmem_shared>>)
      } else {
      }
      %add3A_252 = arith.constant 1 : i32
      %add3A_253 = arith.addi %add3A_246, %add3A_252 : i32
      %lt3A_254 = arith.constant 80 : i32
      %lt3A_255 = arith.cmpi slt, %add3A_253, %lt3A_254 : i32
      %convert_element_type3A_256 = arith.extui %lt3A_255 : i1 to i32
      %cond3A_257 = arith.constant 0 : i32
      %cond3A_258 = arith.cmpi ne, %convert_element_type3A_256, %cond3A_257 : i32
      scf.if %cond3A_258 {
        %add3A_357 = arith.addi %mul3A_2, %add3A_246 : i32
        %add3A_358 = arith.constant 1 : i32
        %add3A_359 = arith.addi %add3A_357, %add3A_358 : i32
        %dma_wait3A_360 = arith.constant 3 : i32
        %dma_wait3A_361 = arith.constant 3 : i32
        %dma_wait3A_362 = arith.constant 0 : i32
        %dma_wait3A_363 = arith.constant 0 : i32
        %dma_wait3A_364 = tpu.memref_slice %arg6[%dma_wait3A_360, %dma_wait3A_362, %dma_wait3A_363] : memref<4x2x128xi32, #tpu.memory_space<vmem>> -> memref<1x2x128xi32, #tpu.memory_space<vmem>>
        %dma_wait3A_365 = tpu.memref_squeeze %dma_wait3A_364 : memref<1x2x128xi32, #tpu.memory_space<vmem>> -> memref<2x128xi32, #tpu.memory_space<vmem>>
        %dma_wait3A_366 = arith.constant 0 : i32
        %dma_wait3A_367 = arith.constant 0 : i32
        %dma_wait3A_368 = tpu.memref_slice %arg3[%add3A_359, %dma_wait3A_366, %dma_wait3A_367] : memref<2560x2x128xi32, #tpu.memory_space<hbm>> -> memref<1x2x128xi32, #tpu.memory_space<hbm>>
        %dma_wait3A_369 = tpu.memref_squeeze %dma_wait3A_368 : memref<1x2x128xi32, #tpu.memory_space<hbm>> -> memref<2x128xi32, #tpu.memory_space<hbm>>
        %dma_wait3A_370 = tpu.memref_slice %arg9[%dma_wait3A_361] : memref<4x!tpu.dma_semaphore, #tpu.memory_space<semaphore_mem>> -> memref<1x!tpu.dma_semaphore, #tpu.memory_space<semaphore_mem>>
        %dma_wait3A_371 = tpu.memref_squeeze %dma_wait3A_370 : memref<1x!tpu.dma_semaphore, #tpu.memory_space<semaphore_mem>> -> memref<!tpu.dma_semaphore, #tpu.memory_space<semaphore_mem>>
        %dma_wait3A_372 = arith.constant 0 : i32
        %dma_wait3A_373 = arith.constant 0 : i32
        %dma_wait3A_374 = tpu.memref_slice %arg6[%dma_wait3A_360, %dma_wait3A_372, %dma_wait3A_373] : memref<4x2x128xi32, #tpu.memory_space<vmem>> -> memref<1x2x128xi32, #tpu.memory_space<vmem>>
        %dma_wait3A_375 = tpu.memref_squeeze %dma_wait3A_374 : memref<1x2x128xi32, #tpu.memory_space<vmem>> -> memref<2x128xi32, #tpu.memory_space<vmem>>
        %dma_wait3A_376 = arith.constant 0 : i32
        %dma_wait3A_377 = arith.constant 0 : i32
        %dma_wait3A_378 = tpu.memref_slice %arg3[%add3A_359, %dma_wait3A_376, %dma_wait3A_377] : memref<2560x2x128xi32, #tpu.memory_space<hbm>> -> memref<1x2x128xi32, #tpu.memory_space<hbm>>
        %dma_wait3A_379 = tpu.memref_squeeze %dma_wait3A_378 : memref<1x2x128xi32, #tpu.memory_space<hbm>> -> memref<2x128xi32, #tpu.memory_space<hbm>>
        tpu.wait_dma2 semaphore(%dma_wait3A_371 : memref<!tpu.dma_semaphore, #tpu.memory_space<semaphore_mem>>) src(%dma_wait3A_379 : memref<2x128xi32, #tpu.memory_space<hbm>>) dst(%dma_wait3A_375 : memref<2x128xi32, #tpu.memory_space<vmem>>)
        %dma_start3A_380 = arith.constant 3 : i32
        %dma_start3A_381 = arith.constant 0 : i32
        %dma_start3A_382 = arith.constant 1 : i32
        %dma_start3A_383 = arith.constant 1 : i32
        %dma_start3A_384 = arith.constant 0 : i32
        %dma_start3A_385 = arith.constant 0 : i32
        %dma_start3A_386 = tpu.memref_slice %arg7[%dma_start3A_382, %dma_start3A_384, %dma_start3A_385] : memref<2x128x128xf32, #tpu.memory_space<vmem>> -> memref<1x128x128xf32, #tpu.memory_space<vmem>>
        %dma_start3A_387 = tpu.memref_squeeze %dma_start3A_386 : memref<1x128x128xf32, #tpu.memory_space<vmem>> -> memref<128x128xf32, #tpu.memory_space<vmem>>
        %dma_start3A_388 = arith.constant 0 : i32
        %dma_start3A_389 = tpu.memref_slice %arg6[%dma_start3A_380, %dma_start3A_381, %dma_start3A_388] : memref<4x2x128xi32, #tpu.memory_space<vmem>> -> memref<1x1x128xi32, #tpu.memory_space<vmem>>
        %dma_start3A_390 = tpu.memref_squeeze %dma_start3A_389 : memref<1x1x128xi32, #tpu.memory_space<vmem>> -> memref<128xi32, #tpu.memory_space<vmem>>
        %dma_start3A_391 = arith.constant 0 : i32
        %dma_start3A_392 = arith.constant 0 : i32
        %dma_start3A_393 = tpu.memref_slice %arg2[%dma_start3A_391, %dma_start3A_392] : memref<10000x128xf32, #tpu.memory_space<hbm>> -> memref<10000x128xf32, #tpu.memory_space<hbm>>
        %dma_start3A_394 = tpu.memref_slice %arg10[%dma_start3A_383] : memref<2x!tpu.dma_semaphore, #tpu.memory_space<semaphore_mem>> -> memref<1x!tpu.dma_semaphore, #tpu.memory_space<semaphore_mem>>
        %dma_start3A_395 = tpu.memref_squeeze %dma_start3A_394 : memref<1x!tpu.dma_semaphore, #tpu.memory_space<semaphore_mem>> -> memref<!tpu.dma_semaphore, #tpu.memory_space<semaphore_mem>>
        tpu.enqueue_indirect_dma source(%dma_start3A_393 : memref<10000x128xf32, #tpu.memory_space<hbm>>) target(%dma_start3A_387 : memref<128x128xf32, #tpu.memory_space<vmem>>) offsets(%dma_start3A_390 : memref<128xi32, #tpu.memory_space<vmem>>) semaphore(%dma_start3A_395 : memref<!tpu.dma_semaphore, #tpu.memory_space<semaphore_mem>>)
      } else {
      }
      %dma_wait3A_259 = arith.constant 2 : i32
      %dma_wait3A_260 = arith.constant 0 : i32
      %dma_wait3A_261 = arith.constant 0 : i32
      %dma_wait3A_262 = arith.constant 0 : i32
      %dma_wait3A_263 = arith.constant 0 : i32
      %dma_wait3A_264 = arith.constant 0 : i32
      %dma_wait3A_265 = tpu.memref_slice %arg7[%dma_wait3A_261, %dma_wait3A_263, %dma_wait3A_264] : memref<2x128x128xf32, #tpu.memory_space<vmem>> -> memref<1x128x128xf32, #tpu.memory_space<vmem>>
      %dma_wait3A_266 = tpu.memref_squeeze %dma_wait3A_265 : memref<1x128x128xf32, #tpu.memory_space<vmem>> -> memref<128x128xf32, #tpu.memory_space<vmem>>
      %dma_wait3A_267 = arith.constant 0 : i32
      %dma_wait3A_268 = tpu.memref_slice %arg6[%dma_wait3A_259, %dma_wait3A_260, %dma_wait3A_267] : memref<4x2x128xi32, #tpu.memory_space<vmem>> -> memref<1x1x128xi32, #tpu.memory_space<vmem>>
      %dma_wait3A_269 = tpu.memref_squeeze %dma_wait3A_268 : memref<1x1x128xi32, #tpu.memory_space<vmem>> -> memref<128xi32, #tpu.memory_space<vmem>>
      %dma_wait3A_270 = arith.constant 0 : i32
      %dma_wait3A_271 = arith.constant 0 : i32
      %dma_wait3A_272 = tpu.memref_slice %arg2[%dma_wait3A_270, %dma_wait3A_271] : memref<10000x128xf32, #tpu.memory_space<hbm>> -> memref<10000x128xf32, #tpu.memory_space<hbm>>
      %dma_wait3A_273 = tpu.memref_slice %arg10[%dma_wait3A_262] : memref<2x!tpu.dma_semaphore, #tpu.memory_space<semaphore_mem>> -> memref<1x!tpu.dma_semaphore, #tpu.memory_space<semaphore_mem>>
      %dma_wait3A_274 = tpu.memref_squeeze %dma_wait3A_273 : memref<1x!tpu.dma_semaphore, #tpu.memory_space<semaphore_mem>> -> memref<!tpu.dma_semaphore, #tpu.memory_space<semaphore_mem>>
      tpu.wait_indirect_dma semaphore(%dma_wait3A_274 : memref<!tpu.dma_semaphore, #tpu.memory_space<semaphore_mem>>) src(%dma_wait3A_272 : memref<10000x128xf32, #tpu.memory_space<hbm>>) dst(%dma_wait3A_266 : memref<128x128xf32, #tpu.memory_space<vmem>>)
      %dma_start3A_275 = arith.constant 0 : i32
      %dma_start3A_276 = arith.constant 2 : i32
      %dma_start3A_277 = arith.constant 1 : i32
      %dma_start3A_278 = arith.constant 0 : i32
      %dma_start3A_279 = arith.constant 0 : i32
      %dma_start3A_280 = arith.constant 0 : i32
      %dma_start3A_281 = tpu.memref_slice %arg7[%dma_start3A_275, %dma_start3A_279, %dma_start3A_280] : memref<2x128x128xf32, #tpu.memory_space<vmem>> -> memref<1x128x128xf32, #tpu.memory_space<vmem>>
      %dma_start3A_282 = tpu.memref_squeeze %dma_start3A_281 : memref<1x128x128xf32, #tpu.memory_space<vmem>> -> memref<128x128xf32, #tpu.memory_space<vmem>>
      %dma_start3A_283 = arith.constant 0 : i32
      %dma_start3A_284 = tpu.memref_slice %arg6[%dma_start3A_276, %dma_start3A_277, %dma_start3A_283] : memref<4x2x128xi32, #tpu.memory_space<vmem>> -> memref<1x1x128xi32, #tpu.memory_space<vmem>>
      %dma_start3A_285 = tpu.memref_squeeze %dma_start3A_284 : memref<1x1x128xi32, #tpu.memory_space<vmem>> -> memref<128xi32, #tpu.memory_space<vmem>>
      %dma_start3A_286 = arith.constant 0 : i32
      %dma_start3A_287 = arith.constant 0 : i32
      %dma_start3A_288 = tpu.memref_slice %arg8[%dma_start3A_286, %dma_start3A_287] : memref<10112x128xf32, #tpu.memory_space<vmem_shared>> -> memref<10112x128xf32, #tpu.memory_space<vmem_shared>>
      %dma_start3A_289 = tpu.memref_slice %arg11[%dma_start3A_278] : memref<2x!tpu.dma_semaphore, #tpu.memory_space<semaphore_mem>> -> memref<1x!tpu.dma_semaphore, #tpu.memory_space<semaphore_mem>>
      %dma_start3A_290 = tpu.memref_squeeze %dma_start3A_289 : memref<1x!tpu.dma_semaphore, #tpu.memory_space<semaphore_mem>> -> memref<!tpu.dma_semaphore, #tpu.memory_space<semaphore_mem>>
      tpu.enqueue_indirect_dma source(%dma_start3A_282 : memref<128x128xf32, #tpu.memory_space<vmem>>) target(%dma_start3A_288 : memref<10112x128xf32, #tpu.memory_space<vmem_shared>>) offsets(%dma_start3A_285 : memref<128xi32, #tpu.memory_space<vmem>>) semaphore(%dma_start3A_290 : memref<!tpu.dma_semaphore, #tpu.memory_space<semaphore_mem>>) {add = true}
      %add3A_291 = arith.constant 4 : i32
      %add3A_292 = arith.addi %add3A_246, %add3A_291 : i32
      %sub3A_293 = arith.constant 1 : i32
      %sub3A_294 = arith.subi %add3A_292, %sub3A_293 : i32
      %lt3A_295 = arith.constant 80 : i32
      %lt3A_296 = arith.cmpi slt, %sub3A_294, %lt3A_295 : i32
      %convert_element_type3A_297 = arith.extui %lt3A_296 : i1 to i32
      %cond3A_298 = arith.constant 0 : i32
      %cond3A_299 = arith.cmpi ne, %convert_element_type3A_297, %cond3A_298 : i32
      scf.if %cond3A_299 {
        %add3A_357 = arith.addi %mul3A_2, %add3A_246 : i32
        %add3A_358 = arith.constant 4 : i32
        %add3A_359 = arith.addi %add3A_357, %add3A_358 : i32
        %sub3A_360 = arith.constant 1 : i32
        %sub3A_361 = arith.subi %add3A_359, %sub3A_360 : i32
        %dma_start3A_362 = arith.constant 1 : i32
        %dma_start3A_363 = arith.constant 1 : i32
        %dma_start3A_364 = arith.constant 0 : i32
        %dma_start3A_365 = arith.constant 0 : i32
        %dma_start3A_366 = tpu.memref_slice %arg6[%dma_start3A_362, %dma_start3A_364, %dma_start3A_365] : memref<4x2x128xi32, #tpu.memory_space<vmem>> -> memref<1x2x128xi32, #tpu.memory_space<vmem>>
        %dma_start3A_367 = tpu.memref_squeeze %dma_start3A_366 : memref<1x2x128xi32, #tpu.memory_space<vmem>> -> memref<2x128xi32, #tpu.memory_space<vmem>>
        %dma_start3A_368 = arith.constant 0 : i32
        %dma_start3A_369 = arith.constant 0 : i32
        %dma_start3A_370 = tpu.memref_slice %arg3[%sub3A_361, %dma_start3A_368, %dma_start3A_369] : memref<2560x2x128xi32, #tpu.memory_space<hbm>> -> memref<1x2x128xi32, #tpu.memory_space<hbm>>
        %dma_start3A_371 = tpu.memref_squeeze %dma_start3A_370 : memref<1x2x128xi32, #tpu.memory_space<hbm>> -> memref<2x128xi32, #tpu.memory_space<hbm>>
        %dma_start3A_372 = tpu.memref_slice %arg9[%dma_start3A_363] : memref<4x!tpu.dma_semaphore, #tpu.memory_space<semaphore_mem>> -> memref<1x!tpu.dma_semaphore, #tpu.memory_space<semaphore_mem>>
        %dma_start3A_373 = tpu.memref_squeeze %dma_start3A_372 : memref<1x!tpu.dma_semaphore, #tpu.memory_space<semaphore_mem>> -> memref<!tpu.dma_semaphore, #tpu.memory_space<semaphore_mem>>
        %dma_start3A_374 = arith.constant 0 : i32
        %dma_start3A_375 = arith.constant 0 : i32
        %dma_start3A_376 = tpu.memref_slice %arg6[%dma_start3A_362, %dma_start3A_374, %dma_start3A_375] : memref<4x2x128xi32, #tpu.memory_space<vmem>> -> memref<1x2x128xi32, #tpu.memory_space<vmem>>
        %dma_start3A_377 = tpu.memref_squeeze %dma_start3A_376 : memref<1x2x128xi32, #tpu.memory_space<vmem>> -> memref<2x128xi32, #tpu.memory_space<vmem>>
        %dma_start3A_378 = arith.constant 0 : i32
        %dma_start3A_379 = arith.constant 0 : i32
        %dma_start3A_380 = tpu.memref_slice %arg3[%sub3A_361, %dma_start3A_378, %dma_start3A_379] : memref<2560x2x128xi32, #tpu.memory_space<hbm>> -> memref<1x2x128xi32, #tpu.memory_space<hbm>>
        %dma_start3A_381 = tpu.memref_squeeze %dma_start3A_380 : memref<1x2x128xi32, #tpu.memory_space<hbm>> -> memref<2x128xi32, #tpu.memory_space<hbm>>
        tpu.enqueue_dma source(%dma_start3A_381 : memref<2x128xi32, #tpu.memory_space<hbm>>) target(%dma_start3A_377 : memref<2x128xi32, #tpu.memory_space<vmem>>) target_semaphore(%dma_start3A_373 : memref<!tpu.dma_semaphore, #tpu.memory_space<semaphore_mem>>)
      } else {
      }
      %mul3A_300 = arith.constant 4 : i32
      %mul3A_301 = arith.muli %scan3A_133, %mul3A_300 : i32
      %add3A_302 = arith.constant 3 : i32
      %add3A_303 = arith.addi %mul3A_301, %add3A_302 : i32
      %ge3A_304 = arith.constant 1 : i32
      %ge3A_305 = arith.cmpi sge, %add3A_303, %ge3A_304 : i32
      %convert_element_type3A_306 = arith.extui %ge3A_305 : i1 to i32
      %cond3A_307 = arith.constant 0 : i32
      %cond3A_308 = arith.cmpi ne, %convert_element_type3A_306, %cond3A_307 : i32
      scf.if %cond3A_308 {
        %dma_wait3A_357 = arith.constant 0 : i32
        %dma_wait3A_358 = arith.constant 2 : i32
        %dma_wait3A_359 = arith.constant 1 : i32
        %dma_wait3A_360 = arith.constant 0 : i32
        %dma_wait3A_361 = arith.constant 0 : i32
        %dma_wait3A_362 = arith.constant 0 : i32
        %dma_wait3A_363 = tpu.memref_slice %arg7[%dma_wait3A_357, %dma_wait3A_361, %dma_wait3A_362] : memref<2x128x128xf32, #tpu.memory_space<vmem>> -> memref<1x128x128xf32, #tpu.memory_space<vmem>>
        %dma_wait3A_364 = tpu.memref_squeeze %dma_wait3A_363 : memref<1x128x128xf32, #tpu.memory_space<vmem>> -> memref<128x128xf32, #tpu.memory_space<vmem>>
        %dma_wait3A_365 = arith.constant 0 : i32
        %dma_wait3A_366 = tpu.memref_slice %arg6[%dma_wait3A_358, %dma_wait3A_359, %dma_wait3A_365] : memref<4x2x128xi32, #tpu.memory_space<vmem>> -> memref<1x1x128xi32, #tpu.memory_space<vmem>>
        %dma_wait3A_367 = tpu.memref_squeeze %dma_wait3A_366 : memref<1x1x128xi32, #tpu.memory_space<vmem>> -> memref<128xi32, #tpu.memory_space<vmem>>
        %dma_wait3A_368 = arith.constant 0 : i32
        %dma_wait3A_369 = arith.constant 0 : i32
        %dma_wait3A_370 = tpu.memref_slice %arg8[%dma_wait3A_368, %dma_wait3A_369] : memref<10112x128xf32, #tpu.memory_space<vmem_shared>> -> memref<10112x128xf32, #tpu.memory_space<vmem_shared>>
        %dma_wait3A_371 = tpu.memref_slice %arg11[%dma_wait3A_360] : memref<2x!tpu.dma_semaphore, #tpu.memory_space<semaphore_mem>> -> memref<1x!tpu.dma_semaphore, #tpu.memory_space<semaphore_mem>>
        %dma_wait3A_372 = tpu.memref_squeeze %dma_wait3A_371 : memref<1x!tpu.dma_semaphore, #tpu.memory_space<semaphore_mem>> -> memref<!tpu.dma_semaphore, #tpu.memory_space<semaphore_mem>>
        tpu.wait_indirect_dma semaphore(%dma_wait3A_372 : memref<!tpu.dma_semaphore, #tpu.memory_space<semaphore_mem>>) src(%dma_wait3A_364 : memref<128x128xf32, #tpu.memory_space<vmem>>) dst(%dma_wait3A_370 : memref<10112x128xf32, #tpu.memory_space<vmem_shared>>)
      } else {
      }
      %add3A_309 = arith.constant 1 : i32
      %add3A_310 = arith.addi %add3A_303, %add3A_309 : i32
      %lt3A_311 = arith.constant 80 : i32
      %lt3A_312 = arith.cmpi slt, %add3A_310, %lt3A_311 : i32
      %convert_element_type3A_313 = arith.extui %lt3A_312 : i1 to i32
      %cond3A_314 = arith.constant 0 : i32
      %cond3A_315 = arith.cmpi ne, %convert_element_type3A_313, %cond3A_314 : i32
      scf.if %cond3A_315 {
        %add3A_357 = arith.addi %mul3A_2, %add3A_303 : i32
        %add3A_358 = arith.constant 1 : i32
        %add3A_359 = arith.addi %add3A_357, %add3A_358 : i32
        %dma_wait3A_360 = arith.constant 0 : i32
        %dma_wait3A_361 = arith.constant 0 : i32
        %dma_wait3A_362 = arith.constant 0 : i32
        %dma_wait3A_363 = arith.constant 0 : i32
        %dma_wait3A_364 = tpu.memref_slice %arg6[%dma_wait3A_360, %dma_wait3A_362, %dma_wait3A_363] : memref<4x2x128xi32, #tpu.memory_space<vmem>> -> memref<1x2x128xi32, #tpu.memory_space<vmem>>
        %dma_wait3A_365 = tpu.memref_squeeze %dma_wait3A_364 : memref<1x2x128xi32, #tpu.memory_space<vmem>> -> memref<2x128xi32, #tpu.memory_space<vmem>>
        %dma_wait3A_366 = arith.constant 0 : i32
        %dma_wait3A_367 = arith.constant 0 : i32
        %dma_wait3A_368 = tpu.memref_slice %arg3[%add3A_359, %dma_wait3A_366, %dma_wait3A_367] : memref<2560x2x128xi32, #tpu.memory_space<hbm>> -> memref<1x2x128xi32, #tpu.memory_space<hbm>>
        %dma_wait3A_369 = tpu.memref_squeeze %dma_wait3A_368 : memref<1x2x128xi32, #tpu.memory_space<hbm>> -> memref<2x128xi32, #tpu.memory_space<hbm>>
        %dma_wait3A_370 = tpu.memref_slice %arg9[%dma_wait3A_361] : memref<4x!tpu.dma_semaphore, #tpu.memory_space<semaphore_mem>> -> memref<1x!tpu.dma_semaphore, #tpu.memory_space<semaphore_mem>>
        %dma_wait3A_371 = tpu.memref_squeeze %dma_wait3A_370 : memref<1x!tpu.dma_semaphore, #tpu.memory_space<semaphore_mem>> -> memref<!tpu.dma_semaphore, #tpu.memory_space<semaphore_mem>>
        %dma_wait3A_372 = arith.constant 0 : i32
        %dma_wait3A_373 = arith.constant 0 : i32
        %dma_wait3A_374 = tpu.memref_slice %arg6[%dma_wait3A_360, %dma_wait3A_372, %dma_wait3A_373] : memref<4x2x128xi32, #tpu.memory_space<vmem>> -> memref<1x2x128xi32, #tpu.memory_space<vmem>>
        %dma_wait3A_375 = tpu.memref_squeeze %dma_wait3A_374 : memref<1x2x128xi32, #tpu.memory_space<vmem>> -> memref<2x128xi32, #tpu.memory_space<vmem>>
        %dma_wait3A_376 = arith.constant 0 : i32
        %dma_wait3A_377 = arith.constant 0 : i32
        %dma_wait3A_378 = tpu.memref_slice %arg3[%add3A_359, %dma_wait3A_376, %dma_wait3A_377] : memref<2560x2x128xi32, #tpu.memory_space<hbm>> -> memref<1x2x128xi32, #tpu.memory_space<hbm>>
        %dma_wait3A_379 = tpu.memref_squeeze %dma_wait3A_378 : memref<1x2x128xi32, #tpu.memory_space<hbm>> -> memref<2x128xi32, #tpu.memory_space<hbm>>
        tpu.wait_dma2 semaphore(%dma_wait3A_371 : memref<!tpu.dma_semaphore, #tpu.memory_space<semaphore_mem>>) src(%dma_wait3A_379 : memref<2x128xi32, #tpu.memory_space<hbm>>) dst(%dma_wait3A_375 : memref<2x128xi32, #tpu.memory_space<vmem>>)
        %dma_start3A_380 = arith.constant 0 : i32
        %dma_start3A_381 = arith.constant 0 : i32
        %dma_start3A_382 = arith.constant 0 : i32
        %dma_start3A_383 = arith.constant 0 : i32
        %dma_start3A_384 = arith.constant 0 : i32
        %dma_start3A_385 = arith.constant 0 : i32
        %dma_start3A_386 = tpu.memref_slice %arg7[%dma_start3A_382, %dma_start3A_384, %dma_start3A_385] : memref<2x128x128xf32, #tpu.memory_space<vmem>> -> memref<1x128x128xf32, #tpu.memory_space<vmem>>
        %dma_start3A_387 = tpu.memref_squeeze %dma_start3A_386 : memref<1x128x128xf32, #tpu.memory_space<vmem>> -> memref<128x128xf32, #tpu.memory_space<vmem>>
        %dma_start3A_388 = arith.constant 0 : i32
        %dma_start3A_389 = tpu.memref_slice %arg6[%dma_start3A_380, %dma_start3A_381, %dma_start3A_388] : memref<4x2x128xi32, #tpu.memory_space<vmem>> -> memref<1x1x128xi32, #tpu.memory_space<vmem>>
        %dma_start3A_390 = tpu.memref_squeeze %dma_start3A_389 : memref<1x1x128xi32, #tpu.memory_space<vmem>> -> memref<128xi32, #tpu.memory_space<vmem>>
        %dma_start3A_391 = arith.constant 0 : i32
        %dma_start3A_392 = arith.constant 0 : i32
        %dma_start3A_393 = tpu.memref_slice %arg2[%dma_start3A_391, %dma_start3A_392] : memref<10000x128xf32, #tpu.memory_space<hbm>> -> memref<10000x128xf32, #tpu.memory_space<hbm>>
        %dma_start3A_394 = tpu.memref_slice %arg10[%dma_start3A_383] : memref<2x!tpu.dma_semaphore, #tpu.memory_space<semaphore_mem>> -> memref<1x!tpu.dma_semaphore, #tpu.memory_space<semaphore_mem>>
        %dma_start3A_395 = tpu.memref_squeeze %dma_start3A_394 : memref<1x!tpu.dma_semaphore, #tpu.memory_space<semaphore_mem>> -> memref<!tpu.dma_semaphore, #tpu.memory_space<semaphore_mem>>
        tpu.enqueue_indirect_dma source(%dma_start3A_393 : memref<10000x128xf32, #tpu.memory_space<hbm>>) target(%dma_start3A_387 : memref<128x128xf32, #tpu.memory_space<vmem>>) offsets(%dma_start3A_390 : memref<128xi32, #tpu.memory_space<vmem>>) semaphore(%dma_start3A_395 : memref<!tpu.dma_semaphore, #tpu.memory_space<semaphore_mem>>)
      } else {
      }
      %dma_wait3A_316 = arith.constant 3 : i32
      %dma_wait3A_317 = arith.constant 0 : i32
      %dma_wait3A_318 = arith.constant 1 : i32
      %dma_wait3A_319 = arith.constant 1 : i32
      %dma_wait3A_320 = arith.constant 0 : i32
      %dma_wait3A_321 = arith.constant 0 : i32
      %dma_wait3A_322 = tpu.memref_slice %arg7[%dma_wait3A_318, %dma_wait3A_320, %dma_wait3A_321] : memref<2x128x128xf32, #tpu.memory_space<vmem>> -> memref<1x128x128xf32, #tpu.memory_space<vmem>>
      %dma_wait3A_323 = tpu.memref_squeeze %dma_wait3A_322 : memref<1x128x128xf32, #tpu.memory_space<vmem>> -> memref<128x128xf32, #tpu.memory_space<vmem>>
      %dma_wait3A_324 = arith.constant 0 : i32
      %dma_wait3A_325 = tpu.memref_slice %arg6[%dma_wait3A_316, %dma_wait3A_317, %dma_wait3A_324] : memref<4x2x128xi32, #tpu.memory_space<vmem>> -> memref<1x1x128xi32, #tpu.memory_space<vmem>>
      %dma_wait3A_326 = tpu.memref_squeeze %dma_wait3A_325 : memref<1x1x128xi32, #tpu.memory_space<vmem>> -> memref<128xi32, #tpu.memory_space<vmem>>
      %dma_wait3A_327 = arith.constant 0 : i32
      %dma_wait3A_328 = arith.constant 0 : i32
      %dma_wait3A_329 = tpu.memref_slice %arg2[%dma_wait3A_327, %dma_wait3A_328] : memref<10000x128xf32, #tpu.memory_space<hbm>> -> memref<10000x128xf32, #tpu.memory_space<hbm>>
      %dma_wait3A_330 = tpu.memref_slice %arg10[%dma_wait3A_319] : memref<2x!tpu.dma_semaphore, #tpu.memory_space<semaphore_mem>> -> memref<1x!tpu.dma_semaphore, #tpu.memory_space<semaphore_mem>>
      %dma_wait3A_331 = tpu.memref_squeeze %dma_wait3A_330 : memref<1x!tpu.dma_semaphore, #tpu.memory_space<semaphore_mem>> -> memref<!tpu.dma_semaphore, #tpu.memory_space<semaphore_mem>>
      tpu.wait_indirect_dma semaphore(%dma_wait3A_331 : memref<!tpu.dma_semaphore, #tpu.memory_space<semaphore_mem>>) src(%dma_wait3A_329 : memref<10000x128xf32, #tpu.memory_space<hbm>>) dst(%dma_wait3A_323 : memref<128x128xf32, #tpu.memory_space<vmem>>)
      %dma_start3A_332 = arith.constant 1 : i32
      %dma_start3A_333 = arith.constant 3 : i32
      %dma_start3A_334 = arith.constant 1 : i32
      %dma_start3A_335 = arith.constant 1 : i32
      %dma_start3A_336 = arith.constant 0 : i32
      %dma_start3A_337 = arith.constant 0 : i32
      %dma_start3A_338 = tpu.memref_slice %arg7[%dma_start3A_332, %dma_start3A_336, %dma_start3A_337] : memref<2x128x128xf32, #tpu.memory_space<vmem>> -> memref<1x128x128xf32, #tpu.memory_space<vmem>>
      %dma_start3A_339 = tpu.memref_squeeze %dma_start3A_338 : memref<1x128x128xf32, #tpu.memory_space<vmem>> -> memref<128x128xf32, #tpu.memory_space<vmem>>
      %dma_start3A_340 = arith.constant 0 : i32
      %dma_start3A_341 = tpu.memref_slice %arg6[%dma_start3A_333, %dma_start3A_334, %dma_start3A_340] : memref<4x2x128xi32, #tpu.memory_space<vmem>> -> memref<1x1x128xi32, #tpu.memory_space<vmem>>
      %dma_start3A_342 = tpu.memref_squeeze %dma_start3A_341 : memref<1x1x128xi32, #tpu.memory_space<vmem>> -> memref<128xi32, #tpu.memory_space<vmem>>
      %dma_start3A_343 = arith.constant 0 : i32
      %dma_start3A_344 = arith.constant 0 : i32
      %dma_start3A_345 = tpu.memref_slice %arg8[%dma_start3A_343, %dma_start3A_344] : memref<10112x128xf32, #tpu.memory_space<vmem_shared>> -> memref<10112x128xf32, #tpu.memory_space<vmem_shared>>
      %dma_start3A_346 = tpu.memref_slice %arg11[%dma_start3A_335] : memref<2x!tpu.dma_semaphore, #tpu.memory_space<semaphore_mem>> -> memref<1x!tpu.dma_semaphore, #tpu.memory_space<semaphore_mem>>
      %dma_start3A_347 = tpu.memref_squeeze %dma_start3A_346 : memref<1x!tpu.dma_semaphore, #tpu.memory_space<semaphore_mem>> -> memref<!tpu.dma_semaphore, #tpu.memory_space<semaphore_mem>>
      tpu.enqueue_indirect_dma source(%dma_start3A_339 : memref<128x128xf32, #tpu.memory_space<vmem>>) target(%dma_start3A_345 : memref<10112x128xf32, #tpu.memory_space<vmem_shared>>) offsets(%dma_start3A_342 : memref<128xi32, #tpu.memory_space<vmem>>) semaphore(%dma_start3A_347 : memref<!tpu.dma_semaphore, #tpu.memory_space<semaphore_mem>>) {add = true}
      %add3A_348 = arith.constant 4 : i32
      %add3A_349 = arith.addi %add3A_303, %add3A_348 : i32
      %sub3A_350 = arith.constant 1 : i32
      %sub3A_351 = arith.subi %add3A_349, %sub3A_350 : i32
      %lt3A_352 = arith.constant 80 : i32
      %lt3A_353 = arith.cmpi slt, %sub3A_351, %lt3A_352 : i32
      %convert_element_type3A_354 = arith.extui %lt3A_353 : i1 to i32
      %cond3A_355 = arith.constant 0 : i32
      %cond3A_356 = arith.cmpi ne, %convert_element_type3A_354, %cond3A_355 : i32
      scf.if %cond3A_356 {
        %add3A_357 = arith.addi %mul3A_2, %add3A_303 : i32
        %add3A_358 = arith.constant 4 : i32
        %add3A_359 = arith.addi %add3A_357, %add3A_358 : i32
        %sub3A_360 = arith.constant 1 : i32
        %sub3A_361 = arith.subi %add3A_359, %sub3A_360 : i32
        %dma_start3A_362 = arith.constant 2 : i32
        %dma_start3A_363 = arith.constant 2 : i32
        %dma_start3A_364 = arith.constant 0 : i32
        %dma_start3A_365 = arith.constant 0 : i32
        %dma_start3A_366 = tpu.memref_slice %arg6[%dma_start3A_362, %dma_start3A_364, %dma_start3A_365] : memref<4x2x128xi32, #tpu.memory_space<vmem>> -> memref<1x2x128xi32, #tpu.memory_space<vmem>>
        %dma_start3A_367 = tpu.memref_squeeze %dma_start3A_366 : memref<1x2x128xi32, #tpu.memory_space<vmem>> -> memref<2x128xi32, #tpu.memory_space<vmem>>
        %dma_start3A_368 = arith.constant 0 : i32
        %dma_start3A_369 = arith.constant 0 : i32
        %dma_start3A_370 = tpu.memref_slice %arg3[%sub3A_361, %dma_start3A_368, %dma_start3A_369] : memref<2560x2x128xi32, #tpu.memory_space<hbm>> -> memref<1x2x128xi32, #tpu.memory_space<hbm>>
        %dma_start3A_371 = tpu.memref_squeeze %dma_start3A_370 : memref<1x2x128xi32, #tpu.memory_space<hbm>> -> memref<2x128xi32, #tpu.memory_space<hbm>>
        %dma_start3A_372 = tpu.memref_slice %arg9[%dma_start3A_363] : memref<4x!tpu.dma_semaphore, #tpu.memory_space<semaphore_mem>> -> memref<1x!tpu.dma_semaphore, #tpu.memory_space<semaphore_mem>>
        %dma_start3A_373 = tpu.memref_squeeze %dma_start3A_372 : memref<1x!tpu.dma_semaphore, #tpu.memory_space<semaphore_mem>> -> memref<!tpu.dma_semaphore, #tpu.memory_space<semaphore_mem>>
        %dma_start3A_374 = arith.constant 0 : i32
        %dma_start3A_375 = arith.constant 0 : i32
        %dma_start3A_376 = tpu.memref_slice %arg6[%dma_start3A_362, %dma_start3A_374, %dma_start3A_375] : memref<4x2x128xi32, #tpu.memory_space<vmem>> -> memref<1x2x128xi32, #tpu.memory_space<vmem>>
        %dma_start3A_377 = tpu.memref_squeeze %dma_start3A_376 : memref<1x2x128xi32, #tpu.memory_space<vmem>> -> memref<2x128xi32, #tpu.memory_space<vmem>>
        %dma_start3A_378 = arith.constant 0 : i32
        %dma_start3A_379 = arith.constant 0 : i32
        %dma_start3A_380 = tpu.memref_slice %arg3[%sub3A_361, %dma_start3A_378, %dma_start3A_379] : memref<2560x2x128xi32, #tpu.memory_space<hbm>> -> memref<1x2x128xi32, #tpu.memory_space<hbm>>
        %dma_start3A_381 = tpu.memref_squeeze %dma_start3A_380 : memref<1x2x128xi32, #tpu.memory_space<hbm>> -> memref<2x128xi32, #tpu.memory_space<hbm>>
        tpu.enqueue_dma source(%dma_start3A_381 : memref<2x128xi32, #tpu.memory_space<hbm>>) target(%dma_start3A_377 : memref<2x128xi32, #tpu.memory_space<vmem>>) target_semaphore(%dma_start3A_373 : memref<!tpu.dma_semaphore, #tpu.memory_space<semaphore_mem>>)
      } else {
      }
    }
    %scan3A_111 = arith.constant 20 : i32
    %dma_wait3A_112 = arith.constant 1 : i32
    %dma_wait3A_113 = arith.constant 3 : i32
    %dma_wait3A_114 = arith.constant 1 : i32
    %dma_wait3A_115 = arith.constant 1 : i32
    %dma_wait3A_116 = arith.constant 0 : i32
    %dma_wait3A_117 = arith.constant 0 : i32
    %dma_wait3A_118 = tpu.memref_slice %arg7[%dma_wait3A_112, %dma_wait3A_116, %dma_wait3A_117] : memref<2x128x128xf32, #tpu.memory_space<vmem>> -> memref<1x128x128xf32, #tpu.memory_space<vmem>>
    %dma_wait3A_119 = tpu.memref_squeeze %dma_wait3A_118 : memref<1x128x128xf32, #tpu.memory_space<vmem>> -> memref<128x128xf32, #tpu.memory_space<vmem>>
    %dma_wait3A_120 = arith.constant 0 : i32
    %dma_wait3A_121 = tpu.memref_slice %arg6[%dma_wait3A_113, %dma_wait3A_114, %dma_wait3A_120] : memref<4x2x128xi32, #tpu.memory_space<vmem>> -> memref<1x1x128xi32, #tpu.memory_space<vmem>>
    %dma_wait3A_122 = tpu.memref_squeeze %dma_wait3A_121 : memref<1x1x128xi32, #tpu.memory_space<vmem>> -> memref<128xi32, #tpu.memory_space<vmem>>
    %dma_wait3A_123 = arith.constant 0 : i32
    %dma_wait3A_124 = arith.constant 0 : i32
    %dma_wait3A_125 = tpu.memref_slice %arg8[%dma_wait3A_123, %dma_wait3A_124] : memref<10112x128xf32, #tpu.memory_space<vmem_shared>> -> memref<10112x128xf32, #tpu.memory_space<vmem_shared>>
    %dma_wait3A_126 = tpu.memref_slice %arg11[%dma_wait3A_115] : memref<2x!tpu.dma_semaphore, #tpu.memory_space<semaphore_mem>> -> memref<1x!tpu.dma_semaphore, #tpu.memory_space<semaphore_mem>>
    %dma_wait3A_127 = tpu.memref_squeeze %dma_wait3A_126 : memref<1x!tpu.dma_semaphore, #tpu.memory_space<semaphore_mem>> -> memref<!tpu.dma_semaphore, #tpu.memory_space<semaphore_mem>>
    tpu.wait_indirect_dma semaphore(%dma_wait3A_127 : memref<!tpu.dma_semaphore, #tpu.memory_space<semaphore_mem>>) src(%dma_wait3A_119 : memref<128x128xf32, #tpu.memory_space<vmem>>) dst(%dma_wait3A_125 : memref<10112x128xf32, #tpu.memory_space<vmem_shared>>)
    %barrier3A_128 = arith.constant 0 : index
    tpu.barrier barrier_id(%barrier3A_128)
    %mul3A_129 = arith.constant 632 : i32
    %mul3A_130 = arith.muli %arg1, %mul3A_129 : i32
    %mul3A_131 = arith.constant 632 : i32
    %mul3A_132 = arith.muli %arg1, %mul3A_131 : i32
    "tpu.region"() ({
      %run_scoped3A = tpu.sem_alloc : memref<!tpu.dma_semaphore, #tpu.memory_space<semaphore_mem>>
      %dma_start3A_133 = arith.constant 0 : i32
      %dma_start3A_134 = tpu.memref_slice %arg5[%arg0, %mul3A_132, %dma_start3A_133] : memref<2x10112x128xf32, #tpu.memory_space<hbm>> -> memref<1x632x128xf32, #tpu.memory_space<hbm>>
      %dma_start3A_135 = tpu.memref_squeeze %dma_start3A_134 : memref<1x632x128xf32, #tpu.memory_space<hbm>> -> memref<632x128xf32, #tpu.memory_space<hbm>>
      %dma_start3A_136 = arith.constant 0 : i32
      %dma_start3A_137 = tpu.memref_slice %arg8[%mul3A_130, %dma_start3A_136] : memref<10112x128xf32, #tpu.memory_space<vmem_shared>> -> memref<632x128xf32, #tpu.memory_space<vmem_shared>>
      tpu.enqueue_dma source(%dma_start3A_137 : memref<632x128xf32, #tpu.memory_space<vmem_shared>>) target(%dma_start3A_135 : memref<632x128xf32, #tpu.memory_space<hbm>>) target_semaphore(%run_scoped3A : memref<!tpu.dma_semaphore, #tpu.memory_space<semaphore_mem>>)
      %dma_wait3A_138 = arith.constant 0 : i32
      %dma_wait3A_139 = tpu.memref_slice %arg5[%arg0, %mul3A_132, %dma_wait3A_138] : memref<2x10112x128xf32, #tpu.memory_space<hbm>> -> memref<1x632x128xf32, #tpu.memory_space<hbm>>
      %dma_wait3A_140 = tpu.memref_squeeze %dma_wait3A_139 : memref<1x632x128xf32, #tpu.memory_space<hbm>> -> memref<632x128xf32, #tpu.memory_space<hbm>>
      %dma_wait3A_141 = arith.constant 0 : i32
      %dma_wait3A_142 = tpu.memref_slice %arg8[%mul3A_130, %dma_wait3A_141] : memref<10112x128xf32, #tpu.memory_space<vmem_shared>> -> memref<632x128xf32, #tpu.memory_space<vmem_shared>>
      tpu.wait_dma2 semaphore(%run_scoped3A : memref<!tpu.dma_semaphore, #tpu.memory_space<semaphore_mem>>) src(%dma_wait3A_142 : memref<632x128xf32, #tpu.memory_space<vmem_shared>>) dst(%dma_wait3A_140 : memref<632x128xf32, #tpu.memory_space<hbm>>)
      tpu.yield
    }) : () -> ()
    return
  }
}

#map = affine_map<(d0, d1) -> (0, 0)>
#map1 = affine_map<(d0, d1) -> (0, 0, 0)>
module attributes {stable_mosaic.version = 14 : i64} {
  func.func @sc_scatter(%arg0: i32, %arg1: i32, %arg2: memref<10000x128xf32, #tpu.memory_space<hbm>>, %arg3: memref<2560x2x128xi32, #tpu.memory_space<hbm>>, %arg4: memref<10112x128xf32, #tpu.memory_space<hbm>>, %arg5: memref<2x10112x128xf32, #tpu.memory_space<hbm>>, %arg6: memref<4x2x128xi32, #tpu.memory_space<vmem>>, %arg7: memref<2x128x128xf32, #tpu.memory_space<vmem>>, %arg8: memref<10112x128xf32, #tpu.memory_space<vmem_shared>>, %arg9: memref<4x!tpu.dma_semaphore, #tpu.memory_space<semaphore_mem>>, %arg10: memref<2x!tpu.dma_semaphore, #tpu.memory_space<semaphore_mem>>, %arg11: memref<2x!tpu.dma_semaphore, #tpu.memory_space<semaphore_mem>>) attributes {dimension_semantics = [#tpu.dimension_semantics<core_parallel>, #tpu.dimension_semantics<subcore_parallel>], iteration_bounds = array<i64: 2, 16>, scalar_prefetch = 0 : i64, scratch_operands = 6 : i64, tpu.core_type = #tpu.core_type<sc_vector_subcore>, window_params = [{transform_indices = #map}, {transform_indices = #map1}, {transform_indices = #map}, {transform_indices = #map1}]} {
    %mul3A = arith.constant 16 : i32
    %mul3A_0 = arith.muli %arg0, %mul3A : i32
    %add3A = arith.addi %mul3A_0, %arg1 : i32
    %mul3A_1 = arith.constant 80 : i32
    %mul3A_2 = arith.muli %add3A, %mul3A_1 : i32
    %mul3A_3 = arith.constant 632 : i32
    %mul3A_4 = arith.muli %arg1, %mul3A_3 : i32
    %mul3A_5 = arith.constant 632 : i32
    %mul3A_6 = arith.muli %arg1, %mul3A_5 : i32
    "tpu.region"() ({
      %run_scoped3A = tpu.sem_alloc : memref<!tpu.dma_semaphore, #tpu.memory_space<semaphore_mem>>
      %dma_start3A_133 = arith.constant 0 : i32
      %dma_start3A_134 = tpu.memref_slice %arg8[%mul3A_6, %dma_start3A_133] : memref<10112x128xf32, #tpu.memory_space<vmem_shared>> -> memref<632x128xf32, #tpu.memory_space<vmem_shared>>
      %dma_start3A_135 = arith.constant 0 : i32
      %dma_start3A_136 = tpu.memref_slice %arg4[%mul3A_4, %dma_start3A_135] : memref<10112x128xf32, #tpu.memory_space<hbm>> -> memref<632x128xf32, #tpu.memory_space<hbm>>
      tpu.enqueue_dma source(%dma_start3A_136 : memref<632x128xf32, #tpu.memory_space<hbm>>) target(%dma_start3A_134 : memref<632x128xf32, #tpu.memory_space<vmem_shared>>) target_semaphore(%run_scoped3A : memref<!tpu.dma_semaphore, #tpu.memory_space<semaphore_mem>>)
      %dma_wait3A_137 = arith.constant 0 : i32
      %dma_wait3A_138 = tpu.memref_slice %arg8[%mul3A_6, %dma_wait3A_137] : memref<10112x128xf32, #tpu.memory_space<vmem_shared>> -> memref<632x128xf32, #tpu.memory_space<vmem_shared>>
      %dma_wait3A_139 = arith.constant 0 : i32
      %dma_wait3A_140 = tpu.memref_slice %arg4[%mul3A_4, %dma_wait3A_139] : memref<10112x128xf32, #tpu.memory_space<hbm>> -> memref<632x128xf32, #tpu.memory_space<hbm>>
      tpu.wait_dma2 semaphore(%run_scoped3A : memref<!tpu.dma_semaphore, #tpu.memory_space<semaphore_mem>>) src(%dma_wait3A_140 : memref<632x128xf32, #tpu.memory_space<hbm>>) dst(%dma_wait3A_138 : memref<632x128xf32, #tpu.memory_space<vmem_shared>>)
      tpu.yield
    }) : () -> ()
    %add3A_7 = arith.constant 0 : i32
    %add3A_8 = arith.addi %mul3A_2, %add3A_7 : i32
    %dma_start3A = arith.constant 0 : i32
    %dma_start3A_9 = arith.constant 0 : i32
    %dma_start3A_10 = arith.constant 0 : i32
    %dma_start3A_11 = arith.constant 0 : i32
    %dma_start3A_12 = tpu.memref_slice %arg6[%dma_start3A, %dma_start3A_10, %dma_start3A_11] : memref<4x2x128xi32, #tpu.memory_space<vmem>> -> memref<1x2x128xi32, #tpu.memory_space<vmem>>
    %dma_start3A_13 = tpu.memref_squeeze %dma_start3A_12 : memref<1x2x128xi32, #tpu.memory_space<vmem>> -> memref<2x128xi32, #tpu.memory_space<vmem>>
    %dma_start3A_14 = arith.constant 0 : i32
    %dma_start3A_15 = arith.constant 0 : i32
    %dma_start3A_16 = tpu.memref_slice %arg3[%add3A_8, %dma_start3A_14, %dma_start3A_15] : memref<2560x2x128xi32, #tpu.memory_space<hbm>> -> memref<1x2x128xi32, #tpu.memory_space<hbm>>
    %dma_start3A_17 = tpu.memref_squeeze %dma_start3A_16 : memref<1x2x128xi32, #tpu.memory_space<hbm>> -> memref<2x128xi32, #tpu.memory_space<hbm>>
    %dma_start3A_18 = tpu.memref_slice %arg9[%dma_start3A_9] : memref<4x!tpu.dma_semaphore, #tpu.memory_space<semaphore_mem>> -> memref<1x!tpu.dma_semaphore, #tpu.memory_space<semaphore_mem>>
    %dma_start3A_19 = tpu.memref_squeeze %dma_start3A_18 : memref<1x!tpu.dma_semaphore, #tpu.memory_space<semaphore_mem>> -> memref<!tpu.dma_semaphore, #tpu.memory_space<semaphore_mem>>
    %dma_start3A_20 = arith.constant 0 : i32
    %dma_start3A_21 = arith.constant 0 : i32
    %dma_start3A_22 = tpu.memref_slice %arg6[%dma_start3A, %dma_start3A_20, %dma_start3A_21] : memref<4x2x128xi32, #tpu.memory_space<vmem>> -> memref<1x2x128xi32, #tpu.memory_space<vmem>>
    %dma_start3A_23 = tpu.memref_squeeze %dma_start3A_22 : memref<1x2x128xi32, #tpu.memory_space<vmem>> -> memref<2x128xi32, #tpu.memory_space<vmem>>
    %dma_start3A_24 = arith.constant 0 : i32
    %dma_start3A_25 = arith.constant 0 : i32
    %dma_start3A_26 = tpu.memref_slice %arg3[%add3A_8, %dma_start3A_24, %dma_start3A_25] : memref<2560x2x128xi32, #tpu.memory_space<hbm>> -> memref<1x2x128xi32, #tpu.memory_space<hbm>>
    %dma_start3A_27 = tpu.memref_squeeze %dma_start3A_26 : memref<1x2x128xi32, #tpu.memory_space<hbm>> -> memref<2x128xi32, #tpu.memory_space<hbm>>
    tpu.enqueue_dma source(%dma_start3A_27 : memref<2x128xi32, #tpu.memory_space<hbm>>) target(%dma_start3A_23 : memref<2x128xi32, #tpu.memory_space<vmem>>) target_semaphore(%dma_start3A_19 : memref<!tpu.dma_semaphore, #tpu.memory_space<semaphore_mem>>)
    %add3A_28 = arith.constant 1 : i32
    %add3A_29 = arith.addi %mul3A_2, %add3A_28 : i32
    %dma_start3A_30 = arith.constant 1 : i32
    %dma_start3A_31 = arith.constant 1 : i32
    %dma_start3A_32 = arith.constant 0 : i32
    %dma_start3A_33 = arith.constant 0 : i32
    %dma_start3A_34 = tpu.memref_slice %arg6[%dma_start3A_30, %dma_start3A_32, %dma_start3A_33] : memref<4x2x128xi32, #tpu.memory_space<vmem>> -> memref<1x2x128xi32, #tpu.memory_space<vmem>>
    %dma_start3A_35 = tpu.memref_squeeze %dma_start3A_34 : memref<1x2x128xi32, #tpu.memory_space<vmem>> -> memref<2x128xi32, #tpu.memory_space<vmem>>
    %dma_start3A_36 = arith.constant 0 : i32
    %dma_start3A_37 = arith.constant 0 : i32
    %dma_start3A_38 = tpu.memref_slice %arg3[%add3A_29, %dma_start3A_36, %dma_start3A_37] : memref<2560x2x128xi32, #tpu.memory_space<hbm>> -> memref<1x2x128xi32, #tpu.memory_space<hbm>>
    %dma_start3A_39 = tpu.memref_squeeze %dma_start3A_38 : memref<1x2x128xi32, #tpu.memory_space<hbm>> -> memref<2x128xi32, #tpu.memory_space<hbm>>
    %dma_start3A_40 = tpu.memref_slice %arg9[%dma_start3A_31] : memref<4x!tpu.dma_semaphore, #tpu.memory_space<semaphore_mem>> -> memref<1x!tpu.dma_semaphore, #tpu.memory_space<semaphore_mem>>
    %dma_start3A_41 = tpu.memref_squeeze %dma_start3A_40 : memref<1x!tpu.dma_semaphore, #tpu.memory_space<semaphore_mem>> -> memref<!tpu.dma_semaphore, #tpu.memory_space<semaphore_mem>>
    %dma_start3A_42 = arith.constant 0 : i32
    %dma_start3A_43 = arith.constant 0 : i32
    %dma_start3A_44 = tpu.memref_slice %arg6[%dma_start3A_30, %dma_start3A_42, %dma_start3A_43] : memref<4x2x128xi32, #tpu.memory_space<vmem>> -> memref<1x2x128xi32, #tpu.memory_space<vmem>>
    %dma_start3A_45 = tpu.memref_squeeze %dma_start3A_44 : memref<1x2x128xi32, #tpu.memory_space<vmem>> -> memref<2x128xi32, #tpu.memory_space<vmem>>
    %dma_start3A_46 = arith.constant 0 : i32
    %dma_start3A_47 = arith.constant 0 : i32
    %dma_start3A_48 = tpu.memref_slice %arg3[%add3A_29, %dma_start3A_46, %dma_start3A_47] : memref<2560x2x128xi32, #tpu.memory_space<hbm>> -> memref<1x2x128xi32, #tpu.memory_space<hbm>>
    %dma_start3A_49 = tpu.memref_squeeze %dma_start3A_48 : memref<1x2x128xi32, #tpu.memory_space<hbm>> -> memref<2x128xi32, #tpu.memory_space<hbm>>
    tpu.enqueue_dma source(%dma_start3A_49 : memref<2x128xi32, #tpu.memory_space<hbm>>) target(%dma_start3A_45 : memref<2x128xi32, #tpu.memory_space<vmem>>) target_semaphore(%dma_start3A_41 : memref<!tpu.dma_semaphore, #tpu.memory_space<semaphore_mem>>)
    %add3A_50 = arith.constant 2 : i32
    %add3A_51 = arith.addi %mul3A_2, %add3A_50 : i32
    %dma_start3A_52 = arith.constant 2 : i32
    %dma_start3A_53 = arith.constant 2 : i32
    %dma_start3A_54 = arith.constant 0 : i32
    %dma_start3A_55 = arith.constant 0 : i32
    %dma_start3A_56 = tpu.memref_slice %arg6[%dma_start3A_52, %dma_start3A_54, %dma_start3A_55] : memref<4x2x128xi32, #tpu.memory_space<vmem>> -> memref<1x2x128xi32, #tpu.memory_space<vmem>>
    %dma_start3A_57 = tpu.memref_squeeze %dma_start3A_56 : memref<1x2x128xi32, #tpu.memory_space<vmem>> -> memref<2x128xi32, #tpu.memory_space<vmem>>
    %dma_start3A_58 = arith.constant 0 : i32
    %dma_start3A_59 = arith.constant 0 : i32
    %dma_start3A_60 = tpu.memref_slice %arg3[%add3A_51, %dma_start3A_58, %dma_start3A_59] : memref<2560x2x128xi32, #tpu.memory_space<hbm>> -> memref<1x2x128xi32, #tpu.memory_space<hbm>>
    %dma_start3A_61 = tpu.memref_squeeze %dma_start3A_60 : memref<1x2x128xi32, #tpu.memory_space<hbm>> -> memref<2x128xi32, #tpu.memory_space<hbm>>
    %dma_start3A_62 = tpu.memref_slice %arg9[%dma_start3A_53] : memref<4x!tpu.dma_semaphore, #tpu.memory_space<semaphore_mem>> -> memref<1x!tpu.dma_semaphore, #tpu.memory_space<semaphore_mem>>
    %dma_start3A_63 = tpu.memref_squeeze %dma_start3A_62 : memref<1x!tpu.dma_semaphore, #tpu.memory_space<semaphore_mem>> -> memref<!tpu.dma_semaphore, #tpu.memory_space<semaphore_mem>>
    %dma_start3A_64 = arith.constant 0 : i32
    %dma_start3A_65 = arith.constant 0 : i32
    %dma_start3A_66 = tpu.memref_slice %arg6[%dma_start3A_52, %dma_start3A_64, %dma_start3A_65] : memref<4x2x128xi32, #tpu.memory_space<vmem>> -> memref<1x2x128xi32, #tpu.memory_space<vmem>>
    %dma_start3A_67 = tpu.memref_squeeze %dma_start3A_66 : memref<1x2x128xi32, #tpu.memory_space<vmem>> -> memref<2x128xi32, #tpu.memory_space<vmem>>
    %dma_start3A_68 = arith.constant 0 : i32
    %dma_start3A_69 = arith.constant 0 : i32
    %dma_start3A_70 = tpu.memref_slice %arg3[%add3A_51, %dma_start3A_68, %dma_start3A_69] : memref<2560x2x128xi32, #tpu.memory_space<hbm>> -> memref<1x2x128xi32, #tpu.memory_space<hbm>>
    %dma_start3A_71 = tpu.memref_squeeze %dma_start3A_70 : memref<1x2x128xi32, #tpu.memory_space<hbm>> -> memref<2x128xi32, #tpu.memory_space<hbm>>
    tpu.enqueue_dma source(%dma_start3A_71 : memref<2x128xi32, #tpu.memory_space<hbm>>) target(%dma_start3A_67 : memref<2x128xi32, #tpu.memory_space<vmem>>) target_semaphore(%dma_start3A_63 : memref<!tpu.dma_semaphore, #tpu.memory_space<semaphore_mem>>)
    %barrier3A = arith.constant 0 : index
    tpu.barrier barrier_id(%barrier3A)
    %dma_wait3A = arith.constant 0 : i32
    %dma_wait3A_72 = arith.constant 0 : i32
    %dma_wait3A_73 = arith.constant 0 : i32
    %dma_wait3A_74 = arith.constant 0 : i32
    %dma_wait3A_75 = tpu.memref_slice %arg6[%dma_wait3A, %dma_wait3A_73, %dma_wait3A_74] : memref<4x2x128xi32, #tpu.memory_space<vmem>> -> memref<1x2x128xi32, #tpu.memory_space<vmem>>
    %dma_wait3A_76 = tpu.memref_squeeze %dma_wait3A_75 : memref<1x2x128xi32, #tpu.memory_space<vmem>> -> memref<2x128xi32, #tpu.memory_space<vmem>>
    %dma_wait3A_77 = arith.constant 0 : i32
    %dma_wait3A_78 = arith.constant 0 : i32
    %dma_wait3A_79 = tpu.memref_slice %arg3[%mul3A_2, %dma_wait3A_77, %dma_wait3A_78] : memref<2560x2x128xi32, #tpu.memory_space<hbm>> -> memref<1x2x128xi32, #tpu.memory_space<hbm>>
    %dma_wait3A_80 = tpu.memref_squeeze %dma_wait3A_79 : memref<1x2x128xi32, #tpu.memory_space<hbm>> -> memref<2x128xi32, #tpu.memory_space<hbm>>
    %dma_wait3A_81 = tpu.memref_slice %arg9[%dma_wait3A_72] : memref<4x!tpu.dma_semaphore, #tpu.memory_space<semaphore_mem>> -> memref<1x!tpu.dma_semaphore, #tpu.memory_space<semaphore_mem>>
    %dma_wait3A_82 = tpu.memref_squeeze %dma_wait3A_81 : memref<1x!tpu.dma_semaphore, #tpu.memory_space<semaphore_mem>> -> memref<!tpu.dma_semaphore, #tpu.memory_space<semaphore_mem>>
    %dma_wait3A_83 = arith.constant 0 : i32
    %dma_wait3A_84 = arith.constant 0 : i32
    %dma_wait3A_85 = tpu.memref_slice %arg6[%dma_wait3A, %dma_wait3A_83, %dma_wait3A_84] : memref<4x2x128xi32, #tpu.memory_space<vmem>> -> memref<1x2x128xi32, #tpu.memory_space<vmem>>
    %dma_wait3A_86 = tpu.memref_squeeze %dma_wait3A_85 : memref<1x2x128xi32, #tpu.memory_space<vmem>> -> memref<2x128xi32, #tpu.memory_space<vmem>>
    %dma_wait3A_87 = arith.constant 0 : i32
    %dma_wait3A_88 = arith.constant 0 : i32
    %dma_wait3A_89 = tpu.memref_slice %arg3[%mul3A_2, %dma_wait3A_87, %dma_wait3A_88] : memref<2560x2x128xi32, #tpu.memory_space<hbm>> -> memref<1x2x128xi32, #tpu.memory_space<hbm>>
    %dma_wait3A_90 = tpu.memref_squeeze %dma_wait3A_89 : memref<1x2x128xi32, #tpu.memory_space<hbm>> -> memref<2x128xi32, #tpu.memory_space<hbm>>
    tpu.wait_dma2 semaphore(%dma_wait3A_82 : memref<!tpu.dma_semaphore, #tpu.memory_space<semaphore_mem>>) src(%dma_wait3A_90 : memref<2x128xi32, #tpu.memory_space<hbm>>) dst(%dma_wait3A_86 : memref<2x128xi32, #tpu.memory_space<vmem>>)
    %dma_start3A_91 = arith.constant 0 : i32
    %dma_start3A_92 = arith.constant 0 : i32
    %dma_start3A_93 = arith.constant 0 : i32
    %dma_start3A_94 = arith.constant 0 : i32
    %dma_start3A_95 = arith.constant 0 : i32
    %dma_start3A_96 = arith.constant 0 : i32
    %dma_start3A_97 = tpu.memref_slice %arg7[%dma_start3A_93, %dma_start3A_95, %dma_start3A_96] : memref<2x128x128xf32, #tpu.memory_space<vmem>> -> memref<1x128x128xf32, #tpu.memory_space<vmem>>
    %dma_start3A_98 = tpu.memref_squeeze %dma_start3A_97 : memref<1x128x128xf32, #tpu.memory_space<vmem>> -> memref<128x128xf32, #tpu.memory_space<vmem>>
    %dma_start3A_99 = arith.constant 0 : i32
    %dma_start3A_100 = tpu.memref_slice %arg6[%dma_start3A_91, %dma_start3A_92, %dma_start3A_99] : memref<4x2x128xi32, #tpu.memory_space<vmem>> -> memref<1x1x128xi32, #tpu.memory_space<vmem>>
    %dma_start3A_101 = tpu.memref_squeeze %dma_start3A_100 : memref<1x1x128xi32, #tpu.memory_space<vmem>> -> memref<128xi32, #tpu.memory_space<vmem>>
    %dma_start3A_102 = arith.constant 0 : i32
    %dma_start3A_103 = arith.constant 0 : i32
    %dma_start3A_104 = tpu.memref_slice %arg2[%dma_start3A_102, %dma_start3A_103] : memref<10000x128xf32, #tpu.memory_space<hbm>> -> memref<10000x128xf32, #tpu.memory_space<hbm>>
    %dma_start3A_105 = tpu.memref_slice %arg10[%dma_start3A_94] : memref<2x!tpu.dma_semaphore, #tpu.memory_space<semaphore_mem>> -> memref<1x!tpu.dma_semaphore, #tpu.memory_space<semaphore_mem>>
    %dma_start3A_106 = tpu.memref_squeeze %dma_start3A_105 : memref<1x!tpu.dma_semaphore, #tpu.memory_space<semaphore_mem>> -> memref<!tpu.dma_semaphore, #tpu.memory_space<semaphore_mem>>
    tpu.enqueue_indirect_dma source(%dma_start3A_104 : memref<10000x128xf32, #tpu.memory_space<hbm>>) target(%dma_start3A_98 : memref<128x128xf32, #tpu.memory_space<vmem>>) offsets(%dma_start3A_101 : memref<128xi32, #tpu.memory_space<vmem>>) semaphore(%dma_start3A_106 : memref<!tpu.dma_semaphore, #tpu.memory_space<semaphore_mem>>)
    %scan3A = arith.constant 0 : i32
    %scan3A_107 = arith.constant 0 : i32
    %scan3A_108 = arith.constant 20 : i32
    %scan3A_109 = arith.addi %scan3A_107, %scan3A_108 : i32
    %scan3A_110 = arith.constant 1 : i32
    scf.for %scan3A_133 = %scan3A_107 to %scan3A_109 step %scan3A_110  : i32 {
      %mul3A_134 = arith.constant 4 : i32
      %mul3A_135 = arith.muli %scan3A_133, %mul3A_134 : i32
      %add3A_136 = arith.constant 0 : i32
      %add3A_137 = arith.addi %mul3A_135, %add3A_136 : i32
      %ge3A = arith.constant 1 : i32
      %ge3A_138 = arith.cmpi sge, %add3A_137, %ge3A : i32
      %convert_element_type3A = arith.extui %ge3A_138 : i1 to i32
      %cond3A = arith.constant 0 : i32
      %cond3A_139 = arith.cmpi ne, %convert_element_type3A, %cond3A : i32
      scf.if %cond3A_139 {
        %dma_wait3A_357 = arith.constant 1 : i32
        %dma_wait3A_358 = arith.constant 3 : i32
        %dma_wait3A_359 = arith.constant 1 : i32
        %dma_wait3A_360 = arith.constant 1 : i32
        %dma_wait3A_361 = arith.constant 0 : i32
        %dma_wait3A_362 = arith.constant 0 : i32
        %dma_wait3A_363 = tpu.memref_slice %arg7[%dma_wait3A_357, %dma_wait3A_361, %dma_wait3A_362] : memref<2x128x128xf32, #tpu.memory_space<vmem>> -> memref<1x128x128xf32, #tpu.memory_space<vmem>>
        %dma_wait3A_364 = tpu.memref_squeeze %dma_wait3A_363 : memref<1x128x128xf32, #tpu.memory_space<vmem>> -> memref<128x128xf32, #tpu.memory_space<vmem>>
        %dma_wait3A_365 = arith.constant 0 : i32
        %dma_wait3A_366 = tpu.memref_slice %arg6[%dma_wait3A_358, %dma_wait3A_359, %dma_wait3A_365] : memref<4x2x128xi32, #tpu.memory_space<vmem>> -> memref<1x1x128xi32, #tpu.memory_space<vmem>>
        %dma_wait3A_367 = tpu.memref_squeeze %dma_wait3A_366 : memref<1x1x128xi32, #tpu.memory_space<vmem>> -> memref<128xi32, #tpu.memory_space<vmem>>
        %dma_wait3A_368 = arith.constant 0 : i32
        %dma_wait3A_369 = arith.constant 0 : i32
        %dma_wait3A_370 = tpu.memref_slice %arg8[%dma_wait3A_368, %dma_wait3A_369] : memref<10112x128xf32, #tpu.memory_space<vmem_shared>> -> memref<10112x128xf32, #tpu.memory_space<vmem_shared>>
        %dma_wait3A_371 = tpu.memref_slice %arg11[%dma_wait3A_360] : memref<2x!tpu.dma_semaphore, #tpu.memory_space<semaphore_mem>> -> memref<1x!tpu.dma_semaphore, #tpu.memory_space<semaphore_mem>>
        %dma_wait3A_372 = tpu.memref_squeeze %dma_wait3A_371 : memref<1x!tpu.dma_semaphore, #tpu.memory_space<semaphore_mem>> -> memref<!tpu.dma_semaphore, #tpu.memory_space<semaphore_mem>>
        tpu.wait_indirect_dma semaphore(%dma_wait3A_372 : memref<!tpu.dma_semaphore, #tpu.memory_space<semaphore_mem>>) src(%dma_wait3A_364 : memref<128x128xf32, #tpu.memory_space<vmem>>) dst(%dma_wait3A_370 : memref<10112x128xf32, #tpu.memory_space<vmem_shared>>)
      } else {
      }
      %add3A_140 = arith.constant 1 : i32
      %add3A_141 = arith.addi %add3A_137, %add3A_140 : i32
      %lt3A = arith.constant 80 : i32
      %lt3A_142 = arith.cmpi slt, %add3A_141, %lt3A : i32
      %convert_element_type3A_143 = arith.extui %lt3A_142 : i1 to i32
      %cond3A_144 = arith.constant 0 : i32
      %cond3A_145 = arith.cmpi ne, %convert_element_type3A_143, %cond3A_144 : i32
      scf.if %cond3A_145 {
        %add3A_357 = arith.addi %mul3A_2, %add3A_137 : i32
        %add3A_358 = arith.constant 1 : i32
        %add3A_359 = arith.addi %add3A_357, %add3A_358 : i32
        %dma_wait3A_360 = arith.constant 1 : i32
        %dma_wait3A_361 = arith.constant 1 : i32
        %dma_wait3A_362 = arith.constant 0 : i32
        %dma_wait3A_363 = arith.constant 0 : i32
        %dma_wait3A_364 = tpu.memref_slice %arg6[%dma_wait3A_360, %dma_wait3A_362, %dma_wait3A_363] : memref<4x2x128xi32, #tpu.memory_space<vmem>> -> memref<1x2x128xi32, #tpu.memory_space<vmem>>
        %dma_wait3A_365 = tpu.memref_squeeze %dma_wait3A_364 : memref<1x2x128xi32, #tpu.memory_space<vmem>> -> memref<2x128xi32, #tpu.memory_space<vmem>>
        %dma_wait3A_366 = arith.constant 0 : i32
        %dma_wait3A_367 = arith.constant 0 : i32
        %dma_wait3A_368 = tpu.memref_slice %arg3[%add3A_359, %dma_wait3A_366, %dma_wait3A_367] : memref<2560x2x128xi32, #tpu.memory_space<hbm>> -> memref<1x2x128xi32, #tpu.memory_space<hbm>>
        %dma_wait3A_369 = tpu.memref_squeeze %dma_wait3A_368 : memref<1x2x128xi32, #tpu.memory_space<hbm>> -> memref<2x128xi32, #tpu.memory_space<hbm>>
        %dma_wait3A_370 = tpu.memref_slice %arg9[%dma_wait3A_361] : memref<4x!tpu.dma_semaphore, #tpu.memory_space<semaphore_mem>> -> memref<1x!tpu.dma_semaphore, #tpu.memory_space<semaphore_mem>>
        %dma_wait3A_371 = tpu.memref_squeeze %dma_wait3A_370 : memref<1x!tpu.dma_semaphore, #tpu.memory_space<semaphore_mem>> -> memref<!tpu.dma_semaphore, #tpu.memory_space<semaphore_mem>>
        %dma_wait3A_372 = arith.constant 0 : i32
        %dma_wait3A_373 = arith.constant 0 : i32
        %dma_wait3A_374 = tpu.memref_slice %arg6[%dma_wait3A_360, %dma_wait3A_372, %dma_wait3A_373] : memref<4x2x128xi32, #tpu.memory_space<vmem>> -> memref<1x2x128xi32, #tpu.memory_space<vmem>>
        %dma_wait3A_375 = tpu.memref_squeeze %dma_wait3A_374 : memref<1x2x128xi32, #tpu.memory_space<vmem>> -> memref<2x128xi32, #tpu.memory_space<vmem>>
        %dma_wait3A_376 = arith.constant 0 : i32
        %dma_wait3A_377 = arith.constant 0 : i32
        %dma_wait3A_378 = tpu.memref_slice %arg3[%add3A_359, %dma_wait3A_376, %dma_wait3A_377] : memref<2560x2x128xi32, #tpu.memory_space<hbm>> -> memref<1x2x128xi32, #tpu.memory_space<hbm>>
        %dma_wait3A_379 = tpu.memref_squeeze %dma_wait3A_378 : memref<1x2x128xi32, #tpu.memory_space<hbm>> -> memref<2x128xi32, #tpu.memory_space<hbm>>
        tpu.wait_dma2 semaphore(%dma_wait3A_371 : memref<!tpu.dma_semaphore, #tpu.memory_space<semaphore_mem>>) src(%dma_wait3A_379 : memref<2x128xi32, #tpu.memory_space<hbm>>) dst(%dma_wait3A_375 : memref<2x128xi32, #tpu.memory_space<vmem>>)
        %dma_start3A_380 = arith.constant 1 : i32
        %dma_start3A_381 = arith.constant 0 : i32
        %dma_start3A_382 = arith.constant 1 : i32
        %dma_start3A_383 = arith.constant 1 : i32
        %dma_start3A_384 = arith.constant 0 : i32
        %dma_start3A_385 = arith.constant 0 : i32
        %dma_start3A_386 = tpu.memref_slice %arg7[%dma_start3A_382, %dma_start3A_384, %dma_start3A_385] : memref<2x128x128xf32, #tpu.memory_space<vmem>> -> memref<1x128x128xf32, #tpu.memory_space<vmem>>
        %dma_start3A_387 = tpu.memref_squeeze %dma_start3A_386 : memref<1x128x128xf32, #tpu.memory_space<vmem>> -> memref<128x128xf32, #tpu.memory_space<vmem>>
        %dma_start3A_388 = arith.constant 0 : i32
        %dma_start3A_389 = tpu.memref_slice %arg6[%dma_start3A_380, %dma_start3A_381, %dma_start3A_388] : memref<4x2x128xi32, #tpu.memory_space<vmem>> -> memref<1x1x128xi32, #tpu.memory_space<vmem>>
        %dma_start3A_390 = tpu.memref_squeeze %dma_start3A_389 : memref<1x1x128xi32, #tpu.memory_space<vmem>> -> memref<128xi32, #tpu.memory_space<vmem>>
        %dma_start3A_391 = arith.constant 0 : i32
        %dma_start3A_392 = arith.constant 0 : i32
        %dma_start3A_393 = tpu.memref_slice %arg2[%dma_start3A_391, %dma_start3A_392] : memref<10000x128xf32, #tpu.memory_space<hbm>> -> memref<10000x128xf32, #tpu.memory_space<hbm>>
        %dma_start3A_394 = tpu.memref_slice %arg10[%dma_start3A_383] : memref<2x!tpu.dma_semaphore, #tpu.memory_space<semaphore_mem>> -> memref<1x!tpu.dma_semaphore, #tpu.memory_space<semaphore_mem>>
        %dma_start3A_395 = tpu.memref_squeeze %dma_start3A_394 : memref<1x!tpu.dma_semaphore, #tpu.memory_space<semaphore_mem>> -> memref<!tpu.dma_semaphore, #tpu.memory_space<semaphore_mem>>
        tpu.enqueue_indirect_dma source(%dma_start3A_393 : memref<10000x128xf32, #tpu.memory_space<hbm>>) target(%dma_start3A_387 : memref<128x128xf32, #tpu.memory_space<vmem>>) offsets(%dma_start3A_390 : memref<128xi32, #tpu.memory_space<vmem>>) semaphore(%dma_start3A_395 : memref<!tpu.dma_semaphore, #tpu.memory_space<semaphore_mem>>)
      } else {
      }
      %dma_wait3A_146 = arith.constant 0 : i32
      %dma_wait3A_147 = arith.constant 0 : i32
      %dma_wait3A_148 = arith.constant 0 : i32
      %dma_wait3A_149 = arith.constant 0 : i32
      %dma_wait3A_150 = arith.constant 0 : i32
      %dma_wait3A_151 = arith.constant 0 : i32
      %dma_wait3A_152 = tpu.memref_slice %arg7[%dma_wait3A_148, %dma_wait3A_150, %dma_wait3A_151] : memref<2x128x128xf32, #tpu.memory_space<vmem>> -> memref<1x128x128xf32, #tpu.memory_space<vmem>>
      %dma_wait3A_153 = tpu.memref_squeeze %dma_wait3A_152 : memref<1x128x128xf32, #tpu.memory_space<vmem>> -> memref<128x128xf32, #tpu.memory_space<vmem>>
      %dma_wait3A_154 = arith.constant 0 : i32
      %dma_wait3A_155 = tpu.memref_slice %arg6[%dma_wait3A_146, %dma_wait3A_147, %dma_wait3A_154] : memref<4x2x128xi32, #tpu.memory_space<vmem>> -> memref<1x1x128xi32, #tpu.memory_space<vmem>>
      %dma_wait3A_156 = tpu.memref_squeeze %dma_wait3A_155 : memref<1x1x128xi32, #tpu.memory_space<vmem>> -> memref<128xi32, #tpu.memory_space<vmem>>
      %dma_wait3A_157 = arith.constant 0 : i32
      %dma_wait3A_158 = arith.constant 0 : i32
      %dma_wait3A_159 = tpu.memref_slice %arg2[%dma_wait3A_157, %dma_wait3A_158] : memref<10000x128xf32, #tpu.memory_space<hbm>> -> memref<10000x128xf32, #tpu.memory_space<hbm>>
      %dma_wait3A_160 = tpu.memref_slice %arg10[%dma_wait3A_149] : memref<2x!tpu.dma_semaphore, #tpu.memory_space<semaphore_mem>> -> memref<1x!tpu.dma_semaphore, #tpu.memory_space<semaphore_mem>>
      %dma_wait3A_161 = tpu.memref_squeeze %dma_wait3A_160 : memref<1x!tpu.dma_semaphore, #tpu.memory_space<semaphore_mem>> -> memref<!tpu.dma_semaphore, #tpu.memory_space<semaphore_mem>>
      tpu.wait_indirect_dma semaphore(%dma_wait3A_161 : memref<!tpu.dma_semaphore, #tpu.memory_space<semaphore_mem>>) src(%dma_wait3A_159 : memref<10000x128xf32, #tpu.memory_space<hbm>>) dst(%dma_wait3A_153 : memref<128x128xf32, #tpu.memory_space<vmem>>)
      %dma_start3A_162 = arith.constant 0 : i32
      %dma_start3A_163 = arith.constant 0 : i32
      %dma_start3A_164 = arith.constant 1 : i32
      %dma_start3A_165 = arith.constant 0 : i32
      %dma_start3A_166 = arith.constant 0 : i32
      %dma_start3A_167 = arith.constant 0 : i32
      %dma_start3A_168 = tpu.memref_slice %arg7[%dma_start3A_162, %dma_start3A_166, %dma_start3A_167] : memref<2x128x128xf32, #tpu.memory_space<vmem>> -> memref<1x128x128xf32, #tpu.memory_space<vmem>>
      %dma_start3A_169 = tpu.memref_squeeze %dma_start3A_168 : memref<1x128x128xf32, #tpu.memory_space<vmem>> -> memref<128x128xf32, #tpu.memory_space<vmem>>
      %dma_start3A_170 = arith.constant 0 : i32
      %dma_start3A_171 = tpu.memref_slice %arg6[%dma_start3A_163, %dma_start3A_164, %dma_start3A_170] : memref<4x2x128xi32, #tpu.memory_space<vmem>> -> memref<1x1x128xi32, #tpu.memory_space<vmem>>
      %dma_start3A_172 = tpu.memref_squeeze %dma_start3A_171 : memref<1x1x128xi32, #tpu.memory_space<vmem>> -> memref<128xi32, #tpu.memory_space<vmem>>
      %dma_start3A_173 = arith.constant 0 : i32
      %dma_start3A_174 = arith.constant 0 : i32
      %dma_start3A_175 = tpu.memref_slice %arg8[%dma_start3A_173, %dma_start3A_174] : memref<10112x128xf32, #tpu.memory_space<vmem_shared>> -> memref<10112x128xf32, #tpu.memory_space<vmem_shared>>
      %dma_start3A_176 = tpu.memref_slice %arg11[%dma_start3A_165] : memref<2x!tpu.dma_semaphore, #tpu.memory_space<semaphore_mem>> -> memref<1x!tpu.dma_semaphore, #tpu.memory_space<semaphore_mem>>
      %dma_start3A_177 = tpu.memref_squeeze %dma_start3A_176 : memref<1x!tpu.dma_semaphore, #tpu.memory_space<semaphore_mem>> -> memref<!tpu.dma_semaphore, #tpu.memory_space<semaphore_mem>>
      tpu.enqueue_indirect_dma source(%dma_start3A_169 : memref<128x128xf32, #tpu.memory_space<vmem>>) target(%dma_start3A_175 : memref<10112x128xf32, #tpu.memory_space<vmem_shared>>) offsets(%dma_start3A_172 : memref<128xi32, #tpu.memory_space<vmem>>) semaphore(%dma_start3A_177 : memref<!tpu.dma_semaphore, #tpu.memory_space<semaphore_mem>>) {add = true}
      %add3A_178 = arith.constant 4 : i32
      %add3A_179 = arith.addi %add3A_137, %add3A_178 : i32
      %sub3A = arith.constant 1 : i32
      %sub3A_180 = arith.subi %add3A_179, %sub3A : i32
      %lt3A_181 = arith.constant 80 : i32
      %lt3A_182 = arith.cmpi slt, %sub3A_180, %lt3A_181 : i32
      %convert_element_type3A_183 = arith.extui %lt3A_182 : i1 to i32
      %cond3A_184 = arith.constant 0 : i32
      %cond3A_185 = arith.cmpi ne, %convert_element_type3A_183, %cond3A_184 : i32
      scf.if %cond3A_185 {
        %add3A_357 = arith.addi %mul3A_2, %add3A_137 : i32
        %add3A_358 = arith.constant 4 : i32
        %add3A_359 = arith.addi %add3A_357, %add3A_358 : i32
        %sub3A_360 = arith.constant 1 : i32
        %sub3A_361 = arith.subi %add3A_359, %sub3A_360 : i32
        %dma_start3A_362 = arith.constant 3 : i32
        %dma_start3A_363 = arith.constant 3 : i32
        %dma_start3A_364 = arith.constant 0 : i32
        %dma_start3A_365 = arith.constant 0 : i32
        %dma_start3A_366 = tpu.memref_slice %arg6[%dma_start3A_362, %dma_start3A_364, %dma_start3A_365] : memref<4x2x128xi32, #tpu.memory_space<vmem>> -> memref<1x2x128xi32, #tpu.memory_space<vmem>>
        %dma_start3A_367 = tpu.memref_squeeze %dma_start3A_366 : memref<1x2x128xi32, #tpu.memory_space<vmem>> -> memref<2x128xi32, #tpu.memory_space<vmem>>
        %dma_start3A_368 = arith.constant 0 : i32
        %dma_start3A_369 = arith.constant 0 : i32
        %dma_start3A_370 = tpu.memref_slice %arg3[%sub3A_361, %dma_start3A_368, %dma_start3A_369] : memref<2560x2x128xi32, #tpu.memory_space<hbm>> -> memref<1x2x128xi32, #tpu.memory_space<hbm>>
        %dma_start3A_371 = tpu.memref_squeeze %dma_start3A_370 : memref<1x2x128xi32, #tpu.memory_space<hbm>> -> memref<2x128xi32, #tpu.memory_space<hbm>>
        %dma_start3A_372 = tpu.memref_slice %arg9[%dma_start3A_363] : memref<4x!tpu.dma_semaphore, #tpu.memory_space<semaphore_mem>> -> memref<1x!tpu.dma_semaphore, #tpu.memory_space<semaphore_mem>>
        %dma_start3A_373 = tpu.memref_squeeze %dma_start3A_372 : memref<1x!tpu.dma_semaphore, #tpu.memory_space<semaphore_mem>> -> memref<!tpu.dma_semaphore, #tpu.memory_space<semaphore_mem>>
        %dma_start3A_374 = arith.constant 0 : i32
        %dma_start3A_375 = arith.constant 0 : i32
        %dma_start3A_376 = tpu.memref_slice %arg6[%dma_start3A_362, %dma_start3A_374, %dma_start3A_375] : memref<4x2x128xi32, #tpu.memory_space<vmem>> -> memref<1x2x128xi32, #tpu.memory_space<vmem>>
        %dma_start3A_377 = tpu.memref_squeeze %dma_start3A_376 : memref<1x2x128xi32, #tpu.memory_space<vmem>> -> memref<2x128xi32, #tpu.memory_space<vmem>>
        %dma_start3A_378 = arith.constant 0 : i32
        %dma_start3A_379 = arith.constant 0 : i32
        %dma_start3A_380 = tpu.memref_slice %arg3[%sub3A_361, %dma_start3A_378, %dma_start3A_379] : memref<2560x2x128xi32, #tpu.memory_space<hbm>> -> memref<1x2x128xi32, #tpu.memory_space<hbm>>
        %dma_start3A_381 = tpu.memref_squeeze %dma_start3A_380 : memref<1x2x128xi32, #tpu.memory_space<hbm>> -> memref<2x128xi32, #tpu.memory_space<hbm>>
        tpu.enqueue_dma source(%dma_start3A_381 : memref<2x128xi32, #tpu.memory_space<hbm>>) target(%dma_start3A_377 : memref<2x128xi32, #tpu.memory_space<vmem>>) target_semaphore(%dma_start3A_373 : memref<!tpu.dma_semaphore, #tpu.memory_space<semaphore_mem>>)
      } else {
      }
      %mul3A_186 = arith.constant 4 : i32
      %mul3A_187 = arith.muli %scan3A_133, %mul3A_186 : i32
      %add3A_188 = arith.constant 1 : i32
      %add3A_189 = arith.addi %mul3A_187, %add3A_188 : i32
      %ge3A_190 = arith.constant 1 : i32
      %ge3A_191 = arith.cmpi sge, %add3A_189, %ge3A_190 : i32
      %convert_element_type3A_192 = arith.extui %ge3A_191 : i1 to i32
      %cond3A_193 = arith.constant 0 : i32
      %cond3A_194 = arith.cmpi ne, %convert_element_type3A_192, %cond3A_193 : i32
      scf.if %cond3A_194 {
        %dma_wait3A_357 = arith.constant 0 : i32
        %dma_wait3A_358 = arith.constant 0 : i32
        %dma_wait3A_359 = arith.constant 1 : i32
        %dma_wait3A_360 = arith.constant 0 : i32
        %dma_wait3A_361 = arith.constant 0 : i32
        %dma_wait3A_362 = arith.constant 0 : i32
        %dma_wait3A_363 = tpu.memref_slice %arg7[%dma_wait3A_357, %dma_wait3A_361, %dma_wait3A_362] : memref<2x128x128xf32, #tpu.memory_space<vmem>> -> memref<1x128x128xf32, #tpu.memory_space<vmem>>
        %dma_wait3A_364 = tpu.memref_squeeze %dma_wait3A_363 : memref<1x128x128xf32, #tpu.memory_space<vmem>> -> memref<128x128xf32, #tpu.memory_space<vmem>>
        %dma_wait3A_365 = arith.constant 0 : i32
        %dma_wait3A_366 = tpu.memref_slice %arg6[%dma_wait3A_358, %dma_wait3A_359, %dma_wait3A_365] : memref<4x2x128xi32, #tpu.memory_space<vmem>> -> memref<1x1x128xi32, #tpu.memory_space<vmem>>
        %dma_wait3A_367 = tpu.memref_squeeze %dma_wait3A_366 : memref<1x1x128xi32, #tpu.memory_space<vmem>> -> memref<128xi32, #tpu.memory_space<vmem>>
        %dma_wait3A_368 = arith.constant 0 : i32
        %dma_wait3A_369 = arith.constant 0 : i32
        %dma_wait3A_370 = tpu.memref_slice %arg8[%dma_wait3A_368, %dma_wait3A_369] : memref<10112x128xf32, #tpu.memory_space<vmem_shared>> -> memref<10112x128xf32, #tpu.memory_space<vmem_shared>>
        %dma_wait3A_371 = tpu.memref_slice %arg11[%dma_wait3A_360] : memref<2x!tpu.dma_semaphore, #tpu.memory_space<semaphore_mem>> -> memref<1x!tpu.dma_semaphore, #tpu.memory_space<semaphore_mem>>
        %dma_wait3A_372 = tpu.memref_squeeze %dma_wait3A_371 : memref<1x!tpu.dma_semaphore, #tpu.memory_space<semaphore_mem>> -> memref<!tpu.dma_semaphore, #tpu.memory_space<semaphore_mem>>
        tpu.wait_indirect_dma semaphore(%dma_wait3A_372 : memref<!tpu.dma_semaphore, #tpu.memory_space<semaphore_mem>>) src(%dma_wait3A_364 : memref<128x128xf32, #tpu.memory_space<vmem>>) dst(%dma_wait3A_370 : memref<10112x128xf32, #tpu.memory_space<vmem_shared>>)
      } else {
      }
      %add3A_195 = arith.constant 1 : i32
      %add3A_196 = arith.addi %add3A_189, %add3A_195 : i32
      %lt3A_197 = arith.constant 80 : i32
      %lt3A_198 = arith.cmpi slt, %add3A_196, %lt3A_197 : i32
      %convert_element_type3A_199 = arith.extui %lt3A_198 : i1 to i32
      %cond3A_200 = arith.constant 0 : i32
      %cond3A_201 = arith.cmpi ne, %convert_element_type3A_199, %cond3A_200 : i32
      scf.if %cond3A_201 {
        %add3A_357 = arith.addi %mul3A_2, %add3A_189 : i32
        %add3A_358 = arith.constant 1 : i32
        %add3A_359 = arith.addi %add3A_357, %add3A_358 : i32
        %dma_wait3A_360 = arith.constant 2 : i32
        %dma_wait3A_361 = arith.constant 2 : i32
        %dma_wait3A_362 = arith.constant 0 : i32
        %dma_wait3A_363 = arith.constant 0 : i32
        %dma_wait3A_364 = tpu.memref_slice %arg6[%dma_wait3A_360, %dma_wait3A_362, %dma_wait3A_363] : memref<4x2x128xi32, #tpu.memory_space<vmem>> -> memref<1x2x128xi32, #tpu.memory_space<vmem>>
        %dma_wait3A_365 = tpu.memref_squeeze %dma_wait3A_364 : memref<1x2x128xi32, #tpu.memory_space<vmem>> -> memref<2x128xi32, #tpu.memory_space<vmem>>
        %dma_wait3A_366 = arith.constant 0 : i32
        %dma_wait3A_367 = arith.constant 0 : i32
        %dma_wait3A_368 = tpu.memref_slice %arg3[%add3A_359, %dma_wait3A_366, %dma_wait3A_367] : memref<2560x2x128xi32, #tpu.memory_space<hbm>> -> memref<1x2x128xi32, #tpu.memory_space<hbm>>
        %dma_wait3A_369 = tpu.memref_squeeze %dma_wait3A_368 : memref<1x2x128xi32, #tpu.memory_space<hbm>> -> memref<2x128xi32, #tpu.memory_space<hbm>>
        %dma_wait3A_370 = tpu.memref_slice %arg9[%dma_wait3A_361] : memref<4x!tpu.dma_semaphore, #tpu.memory_space<semaphore_mem>> -> memref<1x!tpu.dma_semaphore, #tpu.memory_space<semaphore_mem>>
        %dma_wait3A_371 = tpu.memref_squeeze %dma_wait3A_370 : memref<1x!tpu.dma_semaphore, #tpu.memory_space<semaphore_mem>> -> memref<!tpu.dma_semaphore, #tpu.memory_space<semaphore_mem>>
        %dma_wait3A_372 = arith.constant 0 : i32
        %dma_wait3A_373 = arith.constant 0 : i32
        %dma_wait3A_374 = tpu.memref_slice %arg6[%dma_wait3A_360, %dma_wait3A_372, %dma_wait3A_373] : memref<4x2x128xi32, #tpu.memory_space<vmem>> -> memref<1x2x128xi32, #tpu.memory_space<vmem>>
        %dma_wait3A_375 = tpu.memref_squeeze %dma_wait3A_374 : memref<1x2x128xi32, #tpu.memory_space<vmem>> -> memref<2x128xi32, #tpu.memory_space<vmem>>
        %dma_wait3A_376 = arith.constant 0 : i32
        %dma_wait3A_377 = arith.constant 0 : i32
        %dma_wait3A_378 = tpu.memref_slice %arg3[%add3A_359, %dma_wait3A_376, %dma_wait3A_377] : memref<2560x2x128xi32, #tpu.memory_space<hbm>> -> memref<1x2x128xi32, #tpu.memory_space<hbm>>
        %dma_wait3A_379 = tpu.memref_squeeze %dma_wait3A_378 : memref<1x2x128xi32, #tpu.memory_space<hbm>> -> memref<2x128xi32, #tpu.memory_space<hbm>>
        tpu.wait_dma2 semaphore(%dma_wait3A_371 : memref<!tpu.dma_semaphore, #tpu.memory_space<semaphore_mem>>) src(%dma_wait3A_379 : memref<2x128xi32, #tpu.memory_space<hbm>>) dst(%dma_wait3A_375 : memref<2x128xi32, #tpu.memory_space<vmem>>)
        %dma_start3A_380 = arith.constant 2 : i32
        %dma_start3A_381 = arith.constant 0 : i32
        %dma_start3A_382 = arith.constant 0 : i32
        %dma_start3A_383 = arith.constant 0 : i32
        %dma_start3A_384 = arith.constant 0 : i32
        %dma_start3A_385 = arith.constant 0 : i32
        %dma_start3A_386 = tpu.memref_slice %arg7[%dma_start3A_382, %dma_start3A_384, %dma_start3A_385] : memref<2x128x128xf32, #tpu.memory_space<vmem>> -> memref<1x128x128xf32, #tpu.memory_space<vmem>>
        %dma_start3A_387 = tpu.memref_squeeze %dma_start3A_386 : memref<1x128x128xf32, #tpu.memory_space<vmem>> -> memref<128x128xf32, #tpu.memory_space<vmem>>
        %dma_start3A_388 = arith.constant 0 : i32
        %dma_start3A_389 = tpu.memref_slice %arg6[%dma_start3A_380, %dma_start3A_381, %dma_start3A_388] : memref<4x2x128xi32, #tpu.memory_space<vmem>> -> memref<1x1x128xi32, #tpu.memory_space<vmem>>
        %dma_start3A_390 = tpu.memref_squeeze %dma_start3A_389 : memref<1x1x128xi32, #tpu.memory_space<vmem>> -> memref<128xi32, #tpu.memory_space<vmem>>
        %dma_start3A_391 = arith.constant 0 : i32
        %dma_start3A_392 = arith.constant 0 : i32
        %dma_start3A_393 = tpu.memref_slice %arg2[%dma_start3A_391, %dma_start3A_392] : memref<10000x128xf32, #tpu.memory_space<hbm>> -> memref<10000x128xf32, #tpu.memory_space<hbm>>
        %dma_start3A_394 = tpu.memref_slice %arg10[%dma_start3A_383] : memref<2x!tpu.dma_semaphore, #tpu.memory_space<semaphore_mem>> -> memref<1x!tpu.dma_semaphore, #tpu.memory_space<semaphore_mem>>
        %dma_start3A_395 = tpu.memref_squeeze %dma_start3A_394 : memref<1x!tpu.dma_semaphore, #tpu.memory_space<semaphore_mem>> -> memref<!tpu.dma_semaphore, #tpu.memory_space<semaphore_mem>>
        tpu.enqueue_indirect_dma source(%dma_start3A_393 : memref<10000x128xf32, #tpu.memory_space<hbm>>) target(%dma_start3A_387 : memref<128x128xf32, #tpu.memory_space<vmem>>) offsets(%dma_start3A_390 : memref<128xi32, #tpu.memory_space<vmem>>) semaphore(%dma_start3A_395 : memref<!tpu.dma_semaphore, #tpu.memory_space<semaphore_mem>>)
      } else {
      }
      %dma_wait3A_202 = arith.constant 1 : i32
      %dma_wait3A_203 = arith.constant 0 : i32
      %dma_wait3A_204 = arith.constant 1 : i32
      %dma_wait3A_205 = arith.constant 1 : i32
      %dma_wait3A_206 = arith.constant 0 : i32
      %dma_wait3A_207 = arith.constant 0 : i32
      %dma_wait3A_208 = tpu.memref_slice %arg7[%dma_wait3A_204, %dma_wait3A_206, %dma_wait3A_207] : memref<2x128x128xf32, #tpu.memory_space<vmem>> -> memref<1x128x128xf32, #tpu.memory_space<vmem>>
      %dma_wait3A_209 = tpu.memref_squeeze %dma_wait3A_208 : memref<1x128x128xf32, #tpu.memory_space<vmem>> -> memref<128x128xf32, #tpu.memory_space<vmem>>
      %dma_wait3A_210 = arith.constant 0 : i32
      %dma_wait3A_211 = tpu.memref_slice %arg6[%dma_wait3A_202, %dma_wait3A_203, %dma_wait3A_210] : memref<4x2x128xi32, #tpu.memory_space<vmem>> -> memref<1x1x128xi32, #tpu.memory_space<vmem>>
      %dma_wait3A_212 = tpu.memref_squeeze %dma_wait3A_211 : memref<1x1x128xi32, #tpu.memory_space<vmem>> -> memref<128xi32, #tpu.memory_space<vmem>>
      %dma_wait3A_213 = arith.constant 0 : i32
      %dma_wait3A_214 = arith.constant 0 : i32
      %dma_wait3A_215 = tpu.memref_slice %arg2[%dma_wait3A_213, %dma_wait3A_214] : memref<10000x128xf32, #tpu.memory_space<hbm>> -> memref<10000x128xf32, #tpu.memory_space<hbm>>
      %dma_wait3A_216 = tpu.memref_slice %arg10[%dma_wait3A_205] : memref<2x!tpu.dma_semaphore, #tpu.memory_space<semaphore_mem>> -> memref<1x!tpu.dma_semaphore, #tpu.memory_space<semaphore_mem>>
      %dma_wait3A_217 = tpu.memref_squeeze %dma_wait3A_216 : memref<1x!tpu.dma_semaphore, #tpu.memory_space<semaphore_mem>> -> memref<!tpu.dma_semaphore, #tpu.memory_space<semaphore_mem>>
      tpu.wait_indirect_dma semaphore(%dma_wait3A_217 : memref<!tpu.dma_semaphore, #tpu.memory_space<semaphore_mem>>) src(%dma_wait3A_215 : memref<10000x128xf32, #tpu.memory_space<hbm>>) dst(%dma_wait3A_209 : memref<128x128xf32, #tpu.memory_space<vmem>>)
      %dma_start3A_218 = arith.constant 1 : i32
      %dma_start3A_219 = arith.constant 1 : i32
      %dma_start3A_220 = arith.constant 1 : i32
      %dma_start3A_221 = arith.constant 1 : i32
      %dma_start3A_222 = arith.constant 0 : i32
      %dma_start3A_223 = arith.constant 0 : i32
      %dma_start3A_224 = tpu.memref_slice %arg7[%dma_start3A_218, %dma_start3A_222, %dma_start3A_223] : memref<2x128x128xf32, #tpu.memory_space<vmem>> -> memref<1x128x128xf32, #tpu.memory_space<vmem>>
      %dma_start3A_225 = tpu.memref_squeeze %dma_start3A_224 : memref<1x128x128xf32, #tpu.memory_space<vmem>> -> memref<128x128xf32, #tpu.memory_space<vmem>>
      %dma_start3A_226 = arith.constant 0 : i32
      %dma_start3A_227 = tpu.memref_slice %arg6[%dma_start3A_219, %dma_start3A_220, %dma_start3A_226] : memref<4x2x128xi32, #tpu.memory_space<vmem>> -> memref<1x1x128xi32, #tpu.memory_space<vmem>>
      %dma_start3A_228 = tpu.memref_squeeze %dma_start3A_227 : memref<1x1x128xi32, #tpu.memory_space<vmem>> -> memref<128xi32, #tpu.memory_space<vmem>>
      %dma_start3A_229 = arith.constant 0 : i32
      %dma_start3A_230 = arith.constant 0 : i32
      %dma_start3A_231 = tpu.memref_slice %arg8[%dma_start3A_229, %dma_start3A_230] : memref<10112x128xf32, #tpu.memory_space<vmem_shared>> -> memref<10112x128xf32, #tpu.memory_space<vmem_shared>>
      %dma_start3A_232 = tpu.memref_slice %arg11[%dma_start3A_221] : memref<2x!tpu.dma_semaphore, #tpu.memory_space<semaphore_mem>> -> memref<1x!tpu.dma_semaphore, #tpu.memory_space<semaphore_mem>>
      %dma_start3A_233 = tpu.memref_squeeze %dma_start3A_232 : memref<1x!tpu.dma_semaphore, #tpu.memory_space<semaphore_mem>> -> memref<!tpu.dma_semaphore, #tpu.memory_space<semaphore_mem>>
      tpu.enqueue_indirect_dma source(%dma_start3A_225 : memref<128x128xf32, #tpu.memory_space<vmem>>) target(%dma_start3A_231 : memref<10112x128xf32, #tpu.memory_space<vmem_shared>>) offsets(%dma_start3A_228 : memref<128xi32, #tpu.memory_space<vmem>>) semaphore(%dma_start3A_233 : memref<!tpu.dma_semaphore, #tpu.memory_space<semaphore_mem>>) {add = true}
      %add3A_234 = arith.constant 4 : i32
      %add3A_235 = arith.addi %add3A_189, %add3A_234 : i32
      %sub3A_236 = arith.constant 1 : i32
      %sub3A_237 = arith.subi %add3A_235, %sub3A_236 : i32
      %lt3A_238 = arith.constant 80 : i32
      %lt3A_239 = arith.cmpi slt, %sub3A_237, %lt3A_238 : i32
      %convert_element_type3A_240 = arith.extui %lt3A_239 : i1 to i32
      %cond3A_241 = arith.constant 0 : i32
      %cond3A_242 = arith.cmpi ne, %convert_element_type3A_240, %cond3A_241 : i32
      scf.if %cond3A_242 {
        %add3A_357 = arith.addi %mul3A_2, %add3A_189 : i32
        %add3A_358 = arith.constant 4 : i32
        %add3A_359 = arith.addi %add3A_357, %add3A_358 : i32
        %sub3A_360 = arith.constant 1 : i32
        %sub3A_361 = arith.subi %add3A_359, %sub3A_360 : i32
        %dma_start3A_362 = arith.constant 0 : i32
        %dma_start3A_363 = arith.constant 0 : i32
        %dma_start3A_364 = arith.constant 0 : i32
        %dma_start3A_365 = arith.constant 0 : i32
        %dma_start3A_366 = tpu.memref_slice %arg6[%dma_start3A_362, %dma_start3A_364, %dma_start3A_365] : memref<4x2x128xi32, #tpu.memory_space<vmem>> -> memref<1x2x128xi32, #tpu.memory_space<vmem>>
        %dma_start3A_367 = tpu.memref_squeeze %dma_start3A_366 : memref<1x2x128xi32, #tpu.memory_space<vmem>> -> memref<2x128xi32, #tpu.memory_space<vmem>>
        %dma_start3A_368 = arith.constant 0 : i32
        %dma_start3A_369 = arith.constant 0 : i32
        %dma_start3A_370 = tpu.memref_slice %arg3[%sub3A_361, %dma_start3A_368, %dma_start3A_369] : memref<2560x2x128xi32, #tpu.memory_space<hbm>> -> memref<1x2x128xi32, #tpu.memory_space<hbm>>
        %dma_start3A_371 = tpu.memref_squeeze %dma_start3A_370 : memref<1x2x128xi32, #tpu.memory_space<hbm>> -> memref<2x128xi32, #tpu.memory_space<hbm>>
        %dma_start3A_372 = tpu.memref_slice %arg9[%dma_start3A_363] : memref<4x!tpu.dma_semaphore, #tpu.memory_space<semaphore_mem>> -> memref<1x!tpu.dma_semaphore, #tpu.memory_space<semaphore_mem>>
        %dma_start3A_373 = tpu.memref_squeeze %dma_start3A_372 : memref<1x!tpu.dma_semaphore, #tpu.memory_space<semaphore_mem>> -> memref<!tpu.dma_semaphore, #tpu.memory_space<semaphore_mem>>
        %dma_start3A_374 = arith.constant 0 : i32
        %dma_start3A_375 = arith.constant 0 : i32
        %dma_start3A_376 = tpu.memref_slice %arg6[%dma_start3A_362, %dma_start3A_374, %dma_start3A_375] : memref<4x2x128xi32, #tpu.memory_space<vmem>> -> memref<1x2x128xi32, #tpu.memory_space<vmem>>
        %dma_start3A_377 = tpu.memref_squeeze %dma_start3A_376 : memref<1x2x128xi32, #tpu.memory_space<vmem>> -> memref<2x128xi32, #tpu.memory_space<vmem>>
        %dma_start3A_378 = arith.constant 0 : i32
        %dma_start3A_379 = arith.constant 0 : i32
        %dma_start3A_380 = tpu.memref_slice %arg3[%sub3A_361, %dma_start3A_378, %dma_start3A_379] : memref<2560x2x128xi32, #tpu.memory_space<hbm>> -> memref<1x2x128xi32, #tpu.memory_space<hbm>>
        %dma_start3A_381 = tpu.memref_squeeze %dma_start3A_380 : memref<1x2x128xi32, #tpu.memory_space<hbm>> -> memref<2x128xi32, #tpu.memory_space<hbm>>
        tpu.enqueue_dma source(%dma_start3A_381 : memref<2x128xi32, #tpu.memory_space<hbm>>) target(%dma_start3A_377 : memref<2x128xi32, #tpu.memory_space<vmem>>) target_semaphore(%dma_start3A_373 : memref<!tpu.dma_semaphore, #tpu.memory_space<semaphore_mem>>)
      } else {
      }
      %mul3A_243 = arith.constant 4 : i32
      %mul3A_244 = arith.muli %scan3A_133, %mul3A_243 : i32
      %add3A_245 = arith.constant 2 : i32
      %add3A_246 = arith.addi %mul3A_244, %add3A_245 : i32
      %ge3A_247 = arith.constant 1 : i32
      %ge3A_248 = arith.cmpi sge, %add3A_246, %ge3A_247 : i32
      %convert_element_type3A_249 = arith.extui %ge3A_248 : i1 to i32
      %cond3A_250 = arith.constant 0 : i32
      %cond3A_251 = arith.cmpi ne, %convert_element_type3A_249, %cond3A_250 : i32
      scf.if %cond3A_251 {
        %dma_wait3A_357 = arith.constant 1 : i32
        %dma_wait3A_358 = arith.constant 1 : i32
        %dma_wait3A_359 = arith.constant 1 : i32
        %dma_wait3A_360 = arith.constant 1 : i32
        %dma_wait3A_361 = arith.constant 0 : i32
        %dma_wait3A_362 = arith.constant 0 : i32
        %dma_wait3A_363 = tpu.memref_slice %arg7[%dma_wait3A_357, %dma_wait3A_361, %dma_wait3A_362] : memref<2x128x128xf32, #tpu.memory_space<vmem>> -> memref<1x128x128xf32, #tpu.memory_space<vmem>>
        %dma_wait3A_364 = tpu.memref_squeeze %dma_wait3A_363 : memref<1x128x128xf32, #tpu.memory_space<vmem>> -> memref<128x128xf32, #tpu.memory_space<vmem>>
        %dma_wait3A_365 = arith.constant 0 : i32
        %dma_wait3A_366 = tpu.memref_slice %arg6[%dma_wait3A_358, %dma_wait3A_359, %dma_wait3A_365] : memref<4x2x128xi32, #tpu.memory_space<vmem>> -> memref<1x1x128xi32, #tpu.memory_space<vmem>>
        %dma_wait3A_367 = tpu.memref_squeeze %dma_wait3A_366 : memref<1x1x128xi32, #tpu.memory_space<vmem>> -> memref<128xi32, #tpu.memory_space<vmem>>
        %dma_wait3A_368 = arith.constant 0 : i32
        %dma_wait3A_369 = arith.constant 0 : i32
        %dma_wait3A_370 = tpu.memref_slice %arg8[%dma_wait3A_368, %dma_wait3A_369] : memref<10112x128xf32, #tpu.memory_space<vmem_shared>> -> memref<10112x128xf32, #tpu.memory_space<vmem_shared>>
        %dma_wait3A_371 = tpu.memref_slice %arg11[%dma_wait3A_360] : memref<2x!tpu.dma_semaphore, #tpu.memory_space<semaphore_mem>> -> memref<1x!tpu.dma_semaphore, #tpu.memory_space<semaphore_mem>>
        %dma_wait3A_372 = tpu.memref_squeeze %dma_wait3A_371 : memref<1x!tpu.dma_semaphore, #tpu.memory_space<semaphore_mem>> -> memref<!tpu.dma_semaphore, #tpu.memory_space<semaphore_mem>>
        tpu.wait_indirect_dma semaphore(%dma_wait3A_372 : memref<!tpu.dma_semaphore, #tpu.memory_space<semaphore_mem>>) src(%dma_wait3A_364 : memref<128x128xf32, #tpu.memory_space<vmem>>) dst(%dma_wait3A_370 : memref<10112x128xf32, #tpu.memory_space<vmem_shared>>)
      } else {
      }
      %add3A_252 = arith.constant 1 : i32
      %add3A_253 = arith.addi %add3A_246, %add3A_252 : i32
      %lt3A_254 = arith.constant 80 : i32
      %lt3A_255 = arith.cmpi slt, %add3A_253, %lt3A_254 : i32
      %convert_element_type3A_256 = arith.extui %lt3A_255 : i1 to i32
      %cond3A_257 = arith.constant 0 : i32
      %cond3A_258 = arith.cmpi ne, %convert_element_type3A_256, %cond3A_257 : i32
      scf.if %cond3A_258 {
        %add3A_357 = arith.addi %mul3A_2, %add3A_246 : i32
        %add3A_358 = arith.constant 1 : i32
        %add3A_359 = arith.addi %add3A_357, %add3A_358 : i32
        %dma_wait3A_360 = arith.constant 3 : i32
        %dma_wait3A_361 = arith.constant 3 : i32
        %dma_wait3A_362 = arith.constant 0 : i32
        %dma_wait3A_363 = arith.constant 0 : i32
        %dma_wait3A_364 = tpu.memref_slice %arg6[%dma_wait3A_360, %dma_wait3A_362, %dma_wait3A_363] : memref<4x2x128xi32, #tpu.memory_space<vmem>> -> memref<1x2x128xi32, #tpu.memory_space<vmem>>
        %dma_wait3A_365 = tpu.memref_squeeze %dma_wait3A_364 : memref<1x2x128xi32, #tpu.memory_space<vmem>> -> memref<2x128xi32, #tpu.memory_space<vmem>>
        %dma_wait3A_366 = arith.constant 0 : i32
        %dma_wait3A_367 = arith.constant 0 : i32
        %dma_wait3A_368 = tpu.memref_slice %arg3[%add3A_359, %dma_wait3A_366, %dma_wait3A_367] : memref<2560x2x128xi32, #tpu.memory_space<hbm>> -> memref<1x2x128xi32, #tpu.memory_space<hbm>>
        %dma_wait3A_369 = tpu.memref_squeeze %dma_wait3A_368 : memref<1x2x128xi32, #tpu.memory_space<hbm>> -> memref<2x128xi32, #tpu.memory_space<hbm>>
        %dma_wait3A_370 = tpu.memref_slice %arg9[%dma_wait3A_361] : memref<4x!tpu.dma_semaphore, #tpu.memory_space<semaphore_mem>> -> memref<1x!tpu.dma_semaphore, #tpu.memory_space<semaphore_mem>>
        %dma_wait3A_371 = tpu.memref_squeeze %dma_wait3A_370 : memref<1x!tpu.dma_semaphore, #tpu.memory_space<semaphore_mem>> -> memref<!tpu.dma_semaphore, #tpu.memory_space<semaphore_mem>>
        %dma_wait3A_372 = arith.constant 0 : i32
        %dma_wait3A_373 = arith.constant 0 : i32
        %dma_wait3A_374 = tpu.memref_slice %arg6[%dma_wait3A_360, %dma_wait3A_372, %dma_wait3A_373] : memref<4x2x128xi32, #tpu.memory_space<vmem>> -> memref<1x2x128xi32, #tpu.memory_space<vmem>>
        %dma_wait3A_375 = tpu.memref_squeeze %dma_wait3A_374 : memref<1x2x128xi32, #tpu.memory_space<vmem>> -> memref<2x128xi32, #tpu.memory_space<vmem>>
        %dma_wait3A_376 = arith.constant 0 : i32
        %dma_wait3A_377 = arith.constant 0 : i32
        %dma_wait3A_378 = tpu.memref_slice %arg3[%add3A_359, %dma_wait3A_376, %dma_wait3A_377] : memref<2560x2x128xi32, #tpu.memory_space<hbm>> -> memref<1x2x128xi32, #tpu.memory_space<hbm>>
        %dma_wait3A_379 = tpu.memref_squeeze %dma_wait3A_378 : memref<1x2x128xi32, #tpu.memory_space<hbm>> -> memref<2x128xi32, #tpu.memory_space<hbm>>
        tpu.wait_dma2 semaphore(%dma_wait3A_371 : memref<!tpu.dma_semaphore, #tpu.memory_space<semaphore_mem>>) src(%dma_wait3A_379 : memref<2x128xi32, #tpu.memory_space<hbm>>) dst(%dma_wait3A_375 : memref<2x128xi32, #tpu.memory_space<vmem>>)
        %dma_start3A_380 = arith.constant 3 : i32
        %dma_start3A_381 = arith.constant 0 : i32
        %dma_start3A_382 = arith.constant 1 : i32
        %dma_start3A_383 = arith.constant 1 : i32
        %dma_start3A_384 = arith.constant 0 : i32
        %dma_start3A_385 = arith.constant 0 : i32
        %dma_start3A_386 = tpu.memref_slice %arg7[%dma_start3A_382, %dma_start3A_384, %dma_start3A_385] : memref<2x128x128xf32, #tpu.memory_space<vmem>> -> memref<1x128x128xf32, #tpu.memory_space<vmem>>
        %dma_start3A_387 = tpu.memref_squeeze %dma_start3A_386 : memref<1x128x128xf32, #tpu.memory_space<vmem>> -> memref<128x128xf32, #tpu.memory_space<vmem>>
        %dma_start3A_388 = arith.constant 0 : i32
        %dma_start3A_389 = tpu.memref_slice %arg6[%dma_start3A_380, %dma_start3A_381, %dma_start3A_388] : memref<4x2x128xi32, #tpu.memory_space<vmem>> -> memref<1x1x128xi32, #tpu.memory_space<vmem>>
        %dma_start3A_390 = tpu.memref_squeeze %dma_start3A_389 : memref<1x1x128xi32, #tpu.memory_space<vmem>> -> memref<128xi32, #tpu.memory_space<vmem>>
        %dma_start3A_391 = arith.constant 0 : i32
        %dma_start3A_392 = arith.constant 0 : i32
        %dma_start3A_393 = tpu.memref_slice %arg2[%dma_start3A_391, %dma_start3A_392] : memref<10000x128xf32, #tpu.memory_space<hbm>> -> memref<10000x128xf32, #tpu.memory_space<hbm>>
        %dma_start3A_394 = tpu.memref_slice %arg10[%dma_start3A_383] : memref<2x!tpu.dma_semaphore, #tpu.memory_space<semaphore_mem>> -> memref<1x!tpu.dma_semaphore, #tpu.memory_space<semaphore_mem>>
        %dma_start3A_395 = tpu.memref_squeeze %dma_start3A_394 : memref<1x!tpu.dma_semaphore, #tpu.memory_space<semaphore_mem>> -> memref<!tpu.dma_semaphore, #tpu.memory_space<semaphore_mem>>
        tpu.enqueue_indirect_dma source(%dma_start3A_393 : memref<10000x128xf32, #tpu.memory_space<hbm>>) target(%dma_start3A_387 : memref<128x128xf32, #tpu.memory_space<vmem>>) offsets(%dma_start3A_390 : memref<128xi32, #tpu.memory_space<vmem>>) semaphore(%dma_start3A_395 : memref<!tpu.dma_semaphore, #tpu.memory_space<semaphore_mem>>)
      } else {
      }
      %dma_wait3A_259 = arith.constant 2 : i32
      %dma_wait3A_260 = arith.constant 0 : i32
      %dma_wait3A_261 = arith.constant 0 : i32
      %dma_wait3A_262 = arith.constant 0 : i32
      %dma_wait3A_263 = arith.constant 0 : i32
      %dma_wait3A_264 = arith.constant 0 : i32
      %dma_wait3A_265 = tpu.memref_slice %arg7[%dma_wait3A_261, %dma_wait3A_263, %dma_wait3A_264] : memref<2x128x128xf32, #tpu.memory_space<vmem>> -> memref<1x128x128xf32, #tpu.memory_space<vmem>>
      %dma_wait3A_266 = tpu.memref_squeeze %dma_wait3A_265 : memref<1x128x128xf32, #tpu.memory_space<vmem>> -> memref<128x128xf32, #tpu.memory_space<vmem>>
      %dma_wait3A_267 = arith.constant 0 : i32
      %dma_wait3A_268 = tpu.memref_slice %arg6[%dma_wait3A_259, %dma_wait3A_260, %dma_wait3A_267] : memref<4x2x128xi32, #tpu.memory_space<vmem>> -> memref<1x1x128xi32, #tpu.memory_space<vmem>>
      %dma_wait3A_269 = tpu.memref_squeeze %dma_wait3A_268 : memref<1x1x128xi32, #tpu.memory_space<vmem>> -> memref<128xi32, #tpu.memory_space<vmem>>
      %dma_wait3A_270 = arith.constant 0 : i32
      %dma_wait3A_271 = arith.constant 0 : i32
      %dma_wait3A_272 = tpu.memref_slice %arg2[%dma_wait3A_270, %dma_wait3A_271] : memref<10000x128xf32, #tpu.memory_space<hbm>> -> memref<10000x128xf32, #tpu.memory_space<hbm>>
      %dma_wait3A_273 = tpu.memref_slice %arg10[%dma_wait3A_262] : memref<2x!tpu.dma_semaphore, #tpu.memory_space<semaphore_mem>> -> memref<1x!tpu.dma_semaphore, #tpu.memory_space<semaphore_mem>>
      %dma_wait3A_274 = tpu.memref_squeeze %dma_wait3A_273 : memref<1x!tpu.dma_semaphore, #tpu.memory_space<semaphore_mem>> -> memref<!tpu.dma_semaphore, #tpu.memory_space<semaphore_mem>>
      tpu.wait_indirect_dma semaphore(%dma_wait3A_274 : memref<!tpu.dma_semaphore, #tpu.memory_space<semaphore_mem>>) src(%dma_wait3A_272 : memref<10000x128xf32, #tpu.memory_space<hbm>>) dst(%dma_wait3A_266 : memref<128x128xf32, #tpu.memory_space<vmem>>)
      %dma_start3A_275 = arith.constant 0 : i32
      %dma_start3A_276 = arith.constant 2 : i32
      %dma_start3A_277 = arith.constant 1 : i32
      %dma_start3A_278 = arith.constant 0 : i32
      %dma_start3A_279 = arith.constant 0 : i32
      %dma_start3A_280 = arith.constant 0 : i32
      %dma_start3A_281 = tpu.memref_slice %arg7[%dma_start3A_275, %dma_start3A_279, %dma_start3A_280] : memref<2x128x128xf32, #tpu.memory_space<vmem>> -> memref<1x128x128xf32, #tpu.memory_space<vmem>>
      %dma_start3A_282 = tpu.memref_squeeze %dma_start3A_281 : memref<1x128x128xf32, #tpu.memory_space<vmem>> -> memref<128x128xf32, #tpu.memory_space<vmem>>
      %dma_start3A_283 = arith.constant 0 : i32
      %dma_start3A_284 = tpu.memref_slice %arg6[%dma_start3A_276, %dma_start3A_277, %dma_start3A_283] : memref<4x2x128xi32, #tpu.memory_space<vmem>> -> memref<1x1x128xi32, #tpu.memory_space<vmem>>
      %dma_start3A_285 = tpu.memref_squeeze %dma_start3A_284 : memref<1x1x128xi32, #tpu.memory_space<vmem>> -> memref<128xi32, #tpu.memory_space<vmem>>
      %dma_start3A_286 = arith.constant 0 : i32
      %dma_start3A_287 = arith.constant 0 : i32
      %dma_start3A_288 = tpu.memref_slice %arg8[%dma_start3A_286, %dma_start3A_287] : memref<10112x128xf32, #tpu.memory_space<vmem_shared>> -> memref<10112x128xf32, #tpu.memory_space<vmem_shared>>
      %dma_start3A_289 = tpu.memref_slice %arg11[%dma_start3A_278] : memref<2x!tpu.dma_semaphore, #tpu.memory_space<semaphore_mem>> -> memref<1x!tpu.dma_semaphore, #tpu.memory_space<semaphore_mem>>
      %dma_start3A_290 = tpu.memref_squeeze %dma_start3A_289 : memref<1x!tpu.dma_semaphore, #tpu.memory_space<semaphore_mem>> -> memref<!tpu.dma_semaphore, #tpu.memory_space<semaphore_mem>>
      tpu.enqueue_indirect_dma source(%dma_start3A_282 : memref<128x128xf32, #tpu.memory_space<vmem>>) target(%dma_start3A_288 : memref<10112x128xf32, #tpu.memory_space<vmem_shared>>) offsets(%dma_start3A_285 : memref<128xi32, #tpu.memory_space<vmem>>) semaphore(%dma_start3A_290 : memref<!tpu.dma_semaphore, #tpu.memory_space<semaphore_mem>>) {add = true}
      %add3A_291 = arith.constant 4 : i32
      %add3A_292 = arith.addi %add3A_246, %add3A_291 : i32
      %sub3A_293 = arith.constant 1 : i32
      %sub3A_294 = arith.subi %add3A_292, %sub3A_293 : i32
      %lt3A_295 = arith.constant 80 : i32
      %lt3A_296 = arith.cmpi slt, %sub3A_294, %lt3A_295 : i32
      %convert_element_type3A_297 = arith.extui %lt3A_296 : i1 to i32
      %cond3A_298 = arith.constant 0 : i32
      %cond3A_299 = arith.cmpi ne, %convert_element_type3A_297, %cond3A_298 : i32
      scf.if %cond3A_299 {
        %add3A_357 = arith.addi %mul3A_2, %add3A_246 : i32
        %add3A_358 = arith.constant 4 : i32
        %add3A_359 = arith.addi %add3A_357, %add3A_358 : i32
        %sub3A_360 = arith.constant 1 : i32
        %sub3A_361 = arith.subi %add3A_359, %sub3A_360 : i32
        %dma_start3A_362 = arith.constant 1 : i32
        %dma_start3A_363 = arith.constant 1 : i32
        %dma_start3A_364 = arith.constant 0 : i32
        %dma_start3A_365 = arith.constant 0 : i32
        %dma_start3A_366 = tpu.memref_slice %arg6[%dma_start3A_362, %dma_start3A_364, %dma_start3A_365] : memref<4x2x128xi32, #tpu.memory_space<vmem>> -> memref<1x2x128xi32, #tpu.memory_space<vmem>>
        %dma_start3A_367 = tpu.memref_squeeze %dma_start3A_366 : memref<1x2x128xi32, #tpu.memory_space<vmem>> -> memref<2x128xi32, #tpu.memory_space<vmem>>
        %dma_start3A_368 = arith.constant 0 : i32
        %dma_start3A_369 = arith.constant 0 : i32
        %dma_start3A_370 = tpu.memref_slice %arg3[%sub3A_361, %dma_start3A_368, %dma_start3A_369] : memref<2560x2x128xi32, #tpu.memory_space<hbm>> -> memref<1x2x128xi32, #tpu.memory_space<hbm>>
        %dma_start3A_371 = tpu.memref_squeeze %dma_start3A_370 : memref<1x2x128xi32, #tpu.memory_space<hbm>> -> memref<2x128xi32, #tpu.memory_space<hbm>>
        %dma_start3A_372 = tpu.memref_slice %arg9[%dma_start3A_363] : memref<4x!tpu.dma_semaphore, #tpu.memory_space<semaphore_mem>> -> memref<1x!tpu.dma_semaphore, #tpu.memory_space<semaphore_mem>>
        %dma_start3A_373 = tpu.memref_squeeze %dma_start3A_372 : memref<1x!tpu.dma_semaphore, #tpu.memory_space<semaphore_mem>> -> memref<!tpu.dma_semaphore, #tpu.memory_space<semaphore_mem>>
        %dma_start3A_374 = arith.constant 0 : i32
        %dma_start3A_375 = arith.constant 0 : i32
        %dma_start3A_376 = tpu.memref_slice %arg6[%dma_start3A_362, %dma_start3A_374, %dma_start3A_375] : memref<4x2x128xi32, #tpu.memory_space<vmem>> -> memref<1x2x128xi32, #tpu.memory_space<vmem>>
        %dma_start3A_377 = tpu.memref_squeeze %dma_start3A_376 : memref<1x2x128xi32, #tpu.memory_space<vmem>> -> memref<2x128xi32, #tpu.memory_space<vmem>>
        %dma_start3A_378 = arith.constant 0 : i32
        %dma_start3A_379 = arith.constant 0 : i32
        %dma_start3A_380 = tpu.memref_slice %arg3[%sub3A_361, %dma_start3A_378, %dma_start3A_379] : memref<2560x2x128xi32, #tpu.memory_space<hbm>> -> memref<1x2x128xi32, #tpu.memory_space<hbm>>
        %dma_start3A_381 = tpu.memref_squeeze %dma_start3A_380 : memref<1x2x128xi32, #tpu.memory_space<hbm>> -> memref<2x128xi32, #tpu.memory_space<hbm>>
        tpu.enqueue_dma source(%dma_start3A_381 : memref<2x128xi32, #tpu.memory_space<hbm>>) target(%dma_start3A_377 : memref<2x128xi32, #tpu.memory_space<vmem>>) target_semaphore(%dma_start3A_373 : memref<!tpu.dma_semaphore, #tpu.memory_space<semaphore_mem>>)
      } else {
      }
      %mul3A_300 = arith.constant 4 : i32
      %mul3A_301 = arith.muli %scan3A_133, %mul3A_300 : i32
      %add3A_302 = arith.constant 3 : i32
      %add3A_303 = arith.addi %mul3A_301, %add3A_302 : i32
      %ge3A_304 = arith.constant 1 : i32
      %ge3A_305 = arith.cmpi sge, %add3A_303, %ge3A_304 : i32
      %convert_element_type3A_306 = arith.extui %ge3A_305 : i1 to i32
      %cond3A_307 = arith.constant 0 : i32
      %cond3A_308 = arith.cmpi ne, %convert_element_type3A_306, %cond3A_307 : i32
      scf.if %cond3A_308 {
        %dma_wait3A_357 = arith.constant 0 : i32
        %dma_wait3A_358 = arith.constant 2 : i32
        %dma_wait3A_359 = arith.constant 1 : i32
        %dma_wait3A_360 = arith.constant 0 : i32
        %dma_wait3A_361 = arith.constant 0 : i32
        %dma_wait3A_362 = arith.constant 0 : i32
        %dma_wait3A_363 = tpu.memref_slice %arg7[%dma_wait3A_357, %dma_wait3A_361, %dma_wait3A_362] : memref<2x128x128xf32, #tpu.memory_space<vmem>> -> memref<1x128x128xf32, #tpu.memory_space<vmem>>
        %dma_wait3A_364 = tpu.memref_squeeze %dma_wait3A_363 : memref<1x128x128xf32, #tpu.memory_space<vmem>> -> memref<128x128xf32, #tpu.memory_space<vmem>>
        %dma_wait3A_365 = arith.constant 0 : i32
        %dma_wait3A_366 = tpu.memref_slice %arg6[%dma_wait3A_358, %dma_wait3A_359, %dma_wait3A_365] : memref<4x2x128xi32, #tpu.memory_space<vmem>> -> memref<1x1x128xi32, #tpu.memory_space<vmem>>
        %dma_wait3A_367 = tpu.memref_squeeze %dma_wait3A_366 : memref<1x1x128xi32, #tpu.memory_space<vmem>> -> memref<128xi32, #tpu.memory_space<vmem>>
        %dma_wait3A_368 = arith.constant 0 : i32
        %dma_wait3A_369 = arith.constant 0 : i32
        %dma_wait3A_370 = tpu.memref_slice %arg8[%dma_wait3A_368, %dma_wait3A_369] : memref<10112x128xf32, #tpu.memory_space<vmem_shared>> -> memref<10112x128xf32, #tpu.memory_space<vmem_shared>>
        %dma_wait3A_371 = tpu.memref_slice %arg11[%dma_wait3A_360] : memref<2x!tpu.dma_semaphore, #tpu.memory_space<semaphore_mem>> -> memref<1x!tpu.dma_semaphore, #tpu.memory_space<semaphore_mem>>
        %dma_wait3A_372 = tpu.memref_squeeze %dma_wait3A_371 : memref<1x!tpu.dma_semaphore, #tpu.memory_space<semaphore_mem>> -> memref<!tpu.dma_semaphore, #tpu.memory_space<semaphore_mem>>
        tpu.wait_indirect_dma semaphore(%dma_wait3A_372 : memref<!tpu.dma_semaphore, #tpu.memory_space<semaphore_mem>>) src(%dma_wait3A_364 : memref<128x128xf32, #tpu.memory_space<vmem>>) dst(%dma_wait3A_370 : memref<10112x128xf32, #tpu.memory_space<vmem_shared>>)
      } else {
      }
      %add3A_309 = arith.constant 1 : i32
      %add3A_310 = arith.addi %add3A_303, %add3A_309 : i32
      %lt3A_311 = arith.constant 80 : i32
      %lt3A_312 = arith.cmpi slt, %add3A_310, %lt3A_311 : i32
      %convert_element_type3A_313 = arith.extui %lt3A_312 : i1 to i32
      %cond3A_314 = arith.constant 0 : i32
      %cond3A_315 = arith.cmpi ne, %convert_element_type3A_313, %cond3A_314 : i32
      scf.if %cond3A_315 {
        %add3A_357 = arith.addi %mul3A_2, %add3A_303 : i32
        %add3A_358 = arith.constant 1 : i32
        %add3A_359 = arith.addi %add3A_357, %add3A_358 : i32
        %dma_wait3A_360 = arith.constant 0 : i32
        %dma_wait3A_361 = arith.constant 0 : i32
        %dma_wait3A_362 = arith.constant 0 : i32
        %dma_wait3A_363 = arith.constant 0 : i32
        %dma_wait3A_364 = tpu.memref_slice %arg6[%dma_wait3A_360, %dma_wait3A_362, %dma_wait3A_363] : memref<4x2x128xi32, #tpu.memory_space<vmem>> -> memref<1x2x128xi32, #tpu.memory_space<vmem>>
        %dma_wait3A_365 = tpu.memref_squeeze %dma_wait3A_364 : memref<1x2x128xi32, #tpu.memory_space<vmem>> -> memref<2x128xi32, #tpu.memory_space<vmem>>
        %dma_wait3A_366 = arith.constant 0 : i32
        %dma_wait3A_367 = arith.constant 0 : i32
        %dma_wait3A_368 = tpu.memref_slice %arg3[%add3A_359, %dma_wait3A_366, %dma_wait3A_367] : memref<2560x2x128xi32, #tpu.memory_space<hbm>> -> memref<1x2x128xi32, #tpu.memory_space<hbm>>
        %dma_wait3A_369 = tpu.memref_squeeze %dma_wait3A_368 : memref<1x2x128xi32, #tpu.memory_space<hbm>> -> memref<2x128xi32, #tpu.memory_space<hbm>>
        %dma_wait3A_370 = tpu.memref_slice %arg9[%dma_wait3A_361] : memref<4x!tpu.dma_semaphore, #tpu.memory_space<semaphore_mem>> -> memref<1x!tpu.dma_semaphore, #tpu.memory_space<semaphore_mem>>
        %dma_wait3A_371 = tpu.memref_squeeze %dma_wait3A_370 : memref<1x!tpu.dma_semaphore, #tpu.memory_space<semaphore_mem>> -> memref<!tpu.dma_semaphore, #tpu.memory_space<semaphore_mem>>
        %dma_wait3A_372 = arith.constant 0 : i32
        %dma_wait3A_373 = arith.constant 0 : i32
        %dma_wait3A_374 = tpu.memref_slice %arg6[%dma_wait3A_360, %dma_wait3A_372, %dma_wait3A_373] : memref<4x2x128xi32, #tpu.memory_space<vmem>> -> memref<1x2x128xi32, #tpu.memory_space<vmem>>
        %dma_wait3A_375 = tpu.memref_squeeze %dma_wait3A_374 : memref<1x2x128xi32, #tpu.memory_space<vmem>> -> memref<2x128xi32, #tpu.memory_space<vmem>>
        %dma_wait3A_376 = arith.constant 0 : i32
        %dma_wait3A_377 = arith.constant 0 : i32
        %dma_wait3A_378 = tpu.memref_slice %arg3[%add3A_359, %dma_wait3A_376, %dma_wait3A_377] : memref<2560x2x128xi32, #tpu.memory_space<hbm>> -> memref<1x2x128xi32, #tpu.memory_space<hbm>>
        %dma_wait3A_379 = tpu.memref_squeeze %dma_wait3A_378 : memref<1x2x128xi32, #tpu.memory_space<hbm>> -> memref<2x128xi32, #tpu.memory_space<hbm>>
        tpu.wait_dma2 semaphore(%dma_wait3A_371 : memref<!tpu.dma_semaphore, #tpu.memory_space<semaphore_mem>>) src(%dma_wait3A_379 : memref<2x128xi32, #tpu.memory_space<hbm>>) dst(%dma_wait3A_375 : memref<2x128xi32, #tpu.memory_space<vmem>>)
        %dma_start3A_380 = arith.constant 0 : i32
        %dma_start3A_381 = arith.constant 0 : i32
        %dma_start3A_382 = arith.constant 0 : i32
        %dma_start3A_383 = arith.constant 0 : i32
        %dma_start3A_384 = arith.constant 0 : i32
        %dma_start3A_385 = arith.constant 0 : i32
        %dma_start3A_386 = tpu.memref_slice %arg7[%dma_start3A_382, %dma_start3A_384, %dma_start3A_385] : memref<2x128x128xf32, #tpu.memory_space<vmem>> -> memref<1x128x128xf32, #tpu.memory_space<vmem>>
        %dma_start3A_387 = tpu.memref_squeeze %dma_start3A_386 : memref<1x128x128xf32, #tpu.memory_space<vmem>> -> memref<128x128xf32, #tpu.memory_space<vmem>>
        %dma_start3A_388 = arith.constant 0 : i32
        %dma_start3A_389 = tpu.memref_slice %arg6[%dma_start3A_380, %dma_start3A_381, %dma_start3A_388] : memref<4x2x128xi32, #tpu.memory_space<vmem>> -> memref<1x1x128xi32, #tpu.memory_space<vmem>>
        %dma_start3A_390 = tpu.memref_squeeze %dma_start3A_389 : memref<1x1x128xi32, #tpu.memory_space<vmem>> -> memref<128xi32, #tpu.memory_space<vmem>>
        %dma_start3A_391 = arith.constant 0 : i32
        %dma_start3A_392 = arith.constant 0 : i32
        %dma_start3A_393 = tpu.memref_slice %arg2[%dma_start3A_391, %dma_start3A_392] : memref<10000x128xf32, #tpu.memory_space<hbm>> -> memref<10000x128xf32, #tpu.memory_space<hbm>>
        %dma_start3A_394 = tpu.memref_slice %arg10[%dma_start3A_383] : memref<2x!tpu.dma_semaphore, #tpu.memory_space<semaphore_mem>> -> memref<1x!tpu.dma_semaphore, #tpu.memory_space<semaphore_mem>>
        %dma_start3A_395 = tpu.memref_squeeze %dma_start3A_394 : memref<1x!tpu.dma_semaphore, #tpu.memory_space<semaphore_mem>> -> memref<!tpu.dma_semaphore, #tpu.memory_space<semaphore_mem>>
        tpu.enqueue_indirect_dma source(%dma_start3A_393 : memref<10000x128xf32, #tpu.memory_space<hbm>>) target(%dma_start3A_387 : memref<128x128xf32, #tpu.memory_space<vmem>>) offsets(%dma_start3A_390 : memref<128xi32, #tpu.memory_space<vmem>>) semaphore(%dma_start3A_395 : memref<!tpu.dma_semaphore, #tpu.memory_space<semaphore_mem>>)
      } else {
      }
      %dma_wait3A_316 = arith.constant 3 : i32
      %dma_wait3A_317 = arith.constant 0 : i32
      %dma_wait3A_318 = arith.constant 1 : i32
      %dma_wait3A_319 = arith.constant 1 : i32
      %dma_wait3A_320 = arith.constant 0 : i32
      %dma_wait3A_321 = arith.constant 0 : i32
      %dma_wait3A_322 = tpu.memref_slice %arg7[%dma_wait3A_318, %dma_wait3A_320, %dma_wait3A_321] : memref<2x128x128xf32, #tpu.memory_space<vmem>> -> memref<1x128x128xf32, #tpu.memory_space<vmem>>
      %dma_wait3A_323 = tpu.memref_squeeze %dma_wait3A_322 : memref<1x128x128xf32, #tpu.memory_space<vmem>> -> memref<128x128xf32, #tpu.memory_space<vmem>>
      %dma_wait3A_324 = arith.constant 0 : i32
      %dma_wait3A_325 = tpu.memref_slice %arg6[%dma_wait3A_316, %dma_wait3A_317, %dma_wait3A_324] : memref<4x2x128xi32, #tpu.memory_space<vmem>> -> memref<1x1x128xi32, #tpu.memory_space<vmem>>
      %dma_wait3A_326 = tpu.memref_squeeze %dma_wait3A_325 : memref<1x1x128xi32, #tpu.memory_space<vmem>> -> memref<128xi32, #tpu.memory_space<vmem>>
      %dma_wait3A_327 = arith.constant 0 : i32
      %dma_wait3A_328 = arith.constant 0 : i32
      %dma_wait3A_329 = tpu.memref_slice %arg2[%dma_wait3A_327, %dma_wait3A_328] : memref<10000x128xf32, #tpu.memory_space<hbm>> -> memref<10000x128xf32, #tpu.memory_space<hbm>>
      %dma_wait3A_330 = tpu.memref_slice %arg10[%dma_wait3A_319] : memref<2x!tpu.dma_semaphore, #tpu.memory_space<semaphore_mem>> -> memref<1x!tpu.dma_semaphore, #tpu.memory_space<semaphore_mem>>
      %dma_wait3A_331 = tpu.memref_squeeze %dma_wait3A_330 : memref<1x!tpu.dma_semaphore, #tpu.memory_space<semaphore_mem>> -> memref<!tpu.dma_semaphore, #tpu.memory_space<semaphore_mem>>
      tpu.wait_indirect_dma semaphore(%dma_wait3A_331 : memref<!tpu.dma_semaphore, #tpu.memory_space<semaphore_mem>>) src(%dma_wait3A_329 : memref<10000x128xf32, #tpu.memory_space<hbm>>) dst(%dma_wait3A_323 : memref<128x128xf32, #tpu.memory_space<vmem>>)
      %dma_start3A_332 = arith.constant 1 : i32
      %dma_start3A_333 = arith.constant 3 : i32
      %dma_start3A_334 = arith.constant 1 : i32
      %dma_start3A_335 = arith.constant 1 : i32
      %dma_start3A_336 = arith.constant 0 : i32
      %dma_start3A_337 = arith.constant 0 : i32
      %dma_start3A_338 = tpu.memref_slice %arg7[%dma_start3A_332, %dma_start3A_336, %dma_start3A_337] : memref<2x128x128xf32, #tpu.memory_space<vmem>> -> memref<1x128x128xf32, #tpu.memory_space<vmem>>
      %dma_start3A_339 = tpu.memref_squeeze %dma_start3A_338 : memref<1x128x128xf32, #tpu.memory_space<vmem>> -> memref<128x128xf32, #tpu.memory_space<vmem>>
      %dma_start3A_340 = arith.constant 0 : i32
      %dma_start3A_341 = tpu.memref_slice %arg6[%dma_start3A_333, %dma_start3A_334, %dma_start3A_340] : memref<4x2x128xi32, #tpu.memory_space<vmem>> -> memref<1x1x128xi32, #tpu.memory_space<vmem>>
      %dma_start3A_342 = tpu.memref_squeeze %dma_start3A_341 : memref<1x1x128xi32, #tpu.memory_space<vmem>> -> memref<128xi32, #tpu.memory_space<vmem>>
      %dma_start3A_343 = arith.constant 0 : i32
      %dma_start3A_344 = arith.constant 0 : i32
      %dma_start3A_345 = tpu.memref_slice %arg8[%dma_start3A_343, %dma_start3A_344] : memref<10112x128xf32, #tpu.memory_space<vmem_shared>> -> memref<10112x128xf32, #tpu.memory_space<vmem_shared>>
      %dma_start3A_346 = tpu.memref_slice %arg11[%dma_start3A_335] : memref<2x!tpu.dma_semaphore, #tpu.memory_space<semaphore_mem>> -> memref<1x!tpu.dma_semaphore, #tpu.memory_space<semaphore_mem>>
      %dma_start3A_347 = tpu.memref_squeeze %dma_start3A_346 : memref<1x!tpu.dma_semaphore, #tpu.memory_space<semaphore_mem>> -> memref<!tpu.dma_semaphore, #tpu.memory_space<semaphore_mem>>
      tpu.enqueue_indirect_dma source(%dma_start3A_339 : memref<128x128xf32, #tpu.memory_space<vmem>>) target(%dma_start3A_345 : memref<10112x128xf32, #tpu.memory_space<vmem_shared>>) offsets(%dma_start3A_342 : memref<128xi32, #tpu.memory_space<vmem>>) semaphore(%dma_start3A_347 : memref<!tpu.dma_semaphore, #tpu.memory_space<semaphore_mem>>) {add = true}
      %add3A_348 = arith.constant 4 : i32
      %add3A_349 = arith.addi %add3A_303, %add3A_348 : i32
      %sub3A_350 = arith.constant 1 : i32
      %sub3A_351 = arith.subi %add3A_349, %sub3A_350 : i32
      %lt3A_352 = arith.constant 80 : i32
      %lt3A_353 = arith.cmpi slt, %sub3A_351, %lt3A_352 : i32
      %convert_element_type3A_354 = arith.extui %lt3A_353 : i1 to i32
      %cond3A_355 = arith.constant 0 : i32
      %cond3A_356 = arith.cmpi ne, %convert_element_type3A_354, %cond3A_355 : i32
      scf.if %cond3A_356 {
        %add3A_357 = arith.addi %mul3A_2, %add3A_303 : i32
        %add3A_358 = arith.constant 4 : i32
        %add3A_359 = arith.addi %add3A_357, %add3A_358 : i32
        %sub3A_360 = arith.constant 1 : i32
        %sub3A_361 = arith.subi %add3A_359, %sub3A_360 : i32
        %dma_start3A_362 = arith.constant 2 : i32
        %dma_start3A_363 = arith.constant 2 : i32
        %dma_start3A_364 = arith.constant 0 : i32
        %dma_start3A_365 = arith.constant 0 : i32
        %dma_start3A_366 = tpu.memref_slice %arg6[%dma_start3A_362, %dma_start3A_364, %dma_start3A_365] : memref<4x2x128xi32, #tpu.memory_space<vmem>> -> memref<1x2x128xi32, #tpu.memory_space<vmem>>
        %dma_start3A_367 = tpu.memref_squeeze %dma_start3A_366 : memref<1x2x128xi32, #tpu.memory_space<vmem>> -> memref<2x128xi32, #tpu.memory_space<vmem>>
        %dma_start3A_368 = arith.constant 0 : i32
        %dma_start3A_369 = arith.constant 0 : i32
        %dma_start3A_370 = tpu.memref_slice %arg3[%sub3A_361, %dma_start3A_368, %dma_start3A_369] : memref<2560x2x128xi32, #tpu.memory_space<hbm>> -> memref<1x2x128xi32, #tpu.memory_space<hbm>>
        %dma_start3A_371 = tpu.memref_squeeze %dma_start3A_370 : memref<1x2x128xi32, #tpu.memory_space<hbm>> -> memref<2x128xi32, #tpu.memory_space<hbm>>
        %dma_start3A_372 = tpu.memref_slice %arg9[%dma_start3A_363] : memref<4x!tpu.dma_semaphore, #tpu.memory_space<semaphore_mem>> -> memref<1x!tpu.dma_semaphore, #tpu.memory_space<semaphore_mem>>
        %dma_start3A_373 = tpu.memref_squeeze %dma_start3A_372 : memref<1x!tpu.dma_semaphore, #tpu.memory_space<semaphore_mem>> -> memref<!tpu.dma_semaphore, #tpu.memory_space<semaphore_mem>>
        %dma_start3A_374 = arith.constant 0 : i32
        %dma_start3A_375 = arith.constant 0 : i32
        %dma_start3A_376 = tpu.memref_slice %arg6[%dma_start3A_362, %dma_start3A_374, %dma_start3A_375] : memref<4x2x128xi32, #tpu.memory_space<vmem>> -> memref<1x2x128xi32, #tpu.memory_space<vmem>>
        %dma_start3A_377 = tpu.memref_squeeze %dma_start3A_376 : memref<1x2x128xi32, #tpu.memory_space<vmem>> -> memref<2x128xi32, #tpu.memory_space<vmem>>
        %dma_start3A_378 = arith.constant 0 : i32
        %dma_start3A_379 = arith.constant 0 : i32
        %dma_start3A_380 = tpu.memref_slice %arg3[%sub3A_361, %dma_start3A_378, %dma_start3A_379] : memref<2560x2x128xi32, #tpu.memory_space<hbm>> -> memref<1x2x128xi32, #tpu.memory_space<hbm>>
        %dma_start3A_381 = tpu.memref_squeeze %dma_start3A_380 : memref<1x2x128xi32, #tpu.memory_space<hbm>> -> memref<2x128xi32, #tpu.memory_space<hbm>>
        tpu.enqueue_dma source(%dma_start3A_381 : memref<2x128xi32, #tpu.memory_space<hbm>>) target(%dma_start3A_377 : memref<2x128xi32, #tpu.memory_space<vmem>>) target_semaphore(%dma_start3A_373 : memref<!tpu.dma_semaphore, #tpu.memory_space<semaphore_mem>>)
      } else {
      }
    }
    %scan3A_111 = arith.constant 20 : i32
    %dma_wait3A_112 = arith.constant 1 : i32
    %dma_wait3A_113 = arith.constant 3 : i32
    %dma_wait3A_114 = arith.constant 1 : i32
    %dma_wait3A_115 = arith.constant 1 : i32
    %dma_wait3A_116 = arith.constant 0 : i32
    %dma_wait3A_117 = arith.constant 0 : i32
    %dma_wait3A_118 = tpu.memref_slice %arg7[%dma_wait3A_112, %dma_wait3A_116, %dma_wait3A_117] : memref<2x128x128xf32, #tpu.memory_space<vmem>> -> memref<1x128x128xf32, #tpu.memory_space<vmem>>
    %dma_wait3A_119 = tpu.memref_squeeze %dma_wait3A_118 : memref<1x128x128xf32, #tpu.memory_space<vmem>> -> memref<128x128xf32, #tpu.memory_space<vmem>>
    %dma_wait3A_120 = arith.constant 0 : i32
    %dma_wait3A_121 = tpu.memref_slice %arg6[%dma_wait3A_113, %dma_wait3A_114, %dma_wait3A_120] : memref<4x2x128xi32, #tpu.memory_space<vmem>> -> memref<1x1x128xi32, #tpu.memory_space<vmem>>
    %dma_wait3A_122 = tpu.memref_squeeze %dma_wait3A_121 : memref<1x1x128xi32, #tpu.memory_space<vmem>> -> memref<128xi32, #tpu.memory_space<vmem>>
    %dma_wait3A_123 = arith.constant 0 : i32
    %dma_wait3A_124 = arith.constant 0 : i32
    %dma_wait3A_125 = tpu.memref_slice %arg8[%dma_wait3A_123, %dma_wait3A_124] : memref<10112x128xf32, #tpu.memory_space<vmem_shared>> -> memref<10112x128xf32, #tpu.memory_space<vmem_shared>>
    %dma_wait3A_126 = tpu.memref_slice %arg11[%dma_wait3A_115] : memref<2x!tpu.dma_semaphore, #tpu.memory_space<semaphore_mem>> -> memref<1x!tpu.dma_semaphore, #tpu.memory_space<semaphore_mem>>
    %dma_wait3A_127 = tpu.memref_squeeze %dma_wait3A_126 : memref<1x!tpu.dma_semaphore, #tpu.memory_space<semaphore_mem>> -> memref<!tpu.dma_semaphore, #tpu.memory_space<semaphore_mem>>
    tpu.wait_indirect_dma semaphore(%dma_wait3A_127 : memref<!tpu.dma_semaphore, #tpu.memory_space<semaphore_mem>>) src(%dma_wait3A_119 : memref<128x128xf32, #tpu.memory_space<vmem>>) dst(%dma_wait3A_125 : memref<10112x128xf32, #tpu.memory_space<vmem_shared>>)
    %barrier3A_128 = arith.constant 0 : index
    tpu.barrier barrier_id(%barrier3A_128)
    %mul3A_129 = arith.constant 632 : i32
    %mul3A_130 = arith.muli %arg1, %mul3A_129 : i32
    %mul3A_131 = arith.constant 632 : i32
    %mul3A_132 = arith.muli %arg1, %mul3A_131 : i32
    "tpu.region"() ({
      %run_scoped3A = tpu.sem_alloc : memref<!tpu.dma_semaphore, #tpu.memory_space<semaphore_mem>>
      %dma_start3A_133 = arith.constant 0 : i32
      %dma_start3A_134 = tpu.memref_slice %arg5[%arg0, %mul3A_132, %dma_start3A_133] : memref<2x10112x128xf32, #tpu.memory_space<hbm>> -> memref<1x632x128xf32, #tpu.memory_space<hbm>>
      %dma_start3A_135 = tpu.memref_squeeze %dma_start3A_134 : memref<1x632x128xf32, #tpu.memory_space<hbm>> -> memref<632x128xf32, #tpu.memory_space<hbm>>
      %dma_start3A_136 = arith.constant 0 : i32
      %dma_start3A_137 = tpu.memref_slice %arg8[%mul3A_130, %dma_start3A_136] : memref<10112x128xf32, #tpu.memory_space<vmem_shared>> -> memref<632x128xf32, #tpu.memory_space<vmem_shared>>
      tpu.enqueue_dma source(%dma_start3A_137 : memref<632x128xf32, #tpu.memory_space<vmem_shared>>) target(%dma_start3A_135 : memref<632x128xf32, #tpu.memory_space<hbm>>) target_semaphore(%run_scoped3A : memref<!tpu.dma_semaphore, #tpu.memory_space<semaphore_mem>>)
      %dma_wait3A_138 = arith.constant 0 : i32
      %dma_wait3A_139 = tpu.memref_slice %arg5[%arg0, %mul3A_132, %dma_wait3A_138] : memref<2x10112x128xf32, #tpu.memory_space<hbm>> -> memref<1x632x128xf32, #tpu.memory_space<hbm>>
      %dma_wait3A_140 = tpu.memref_squeeze %dma_wait3A_139 : memref<1x632x128xf32, #tpu.memory_space<hbm>> -> memref<632x128xf32, #tpu.memory_space<hbm>>
      %dma_wait3A_141 = arith.constant 0 : i32
      %dma_wait3A_142 = tpu.memref_slice %arg8[%mul3A_130, %dma_wait3A_141] : memref<10112x128xf32, #tpu.memory_space<vmem_shared>> -> memref<632x128xf32, #tpu.memory_space<vmem_shared>>
      tpu.wait_dma2 semaphore(%run_scoped3A : memref<!tpu.dma_semaphore, #tpu.memory_space<semaphore_mem>>) src(%dma_wait3A_142 : memref<632x128xf32, #tpu.memory_space<vmem_shared>>) dst(%dma_wait3A_140 : memref<632x128xf32, #tpu.memory_space<hbm>>)
      tpu.yield
    }) : () -> ()
    return
  }
}

#map = affine_map<(d0, d1) -> (0, 0)>
#map1 = affine_map<(d0, d1) -> (0, 0, 0)>
module attributes {stable_mosaic.version = 14 : i64} {
  func.func @sc_scatter(%arg0: i32, %arg1: i32, %arg2: memref<10000x128xf32, #tpu.memory_space<hbm>>, %arg3: memref<2560x2x128xi32, #tpu.memory_space<hbm>>, %arg4: memref<10112x128xf32, #tpu.memory_space<hbm>>, %arg5: memref<2x10112x128xf32, #tpu.memory_space<hbm>>, %arg6: memref<4x2x128xi32, #tpu.memory_space<vmem>>, %arg7: memref<2x128x128xf32, #tpu.memory_space<vmem>>, %arg8: memref<10112x128xf32, #tpu.memory_space<vmem_shared>>, %arg9: memref<4x!tpu.dma_semaphore, #tpu.memory_space<semaphore_mem>>, %arg10: memref<2x!tpu.dma_semaphore, #tpu.memory_space<semaphore_mem>>, %arg11: memref<2x!tpu.dma_semaphore, #tpu.memory_space<semaphore_mem>>) attributes {dimension_semantics = [#tpu.dimension_semantics<core_parallel>, #tpu.dimension_semantics<subcore_parallel>], iteration_bounds = array<i64: 2, 16>, scalar_prefetch = 0 : i64, scratch_operands = 6 : i64, tpu.core_type = #tpu.core_type<sc_vector_subcore>, window_params = [{transform_indices = #map}, {transform_indices = #map1}, {transform_indices = #map}, {transform_indices = #map1}]} {
    %mul3A = arith.constant 16 : i32
    %mul3A_0 = arith.muli %arg0, %mul3A : i32
    %add3A = arith.addi %mul3A_0, %arg1 : i32
    %mul3A_1 = arith.constant 80 : i32
    %mul3A_2 = arith.muli %add3A, %mul3A_1 : i32
    %mul3A_3 = arith.constant 632 : i32
    %mul3A_4 = arith.muli %arg1, %mul3A_3 : i32
    %mul3A_5 = arith.constant 632 : i32
    %mul3A_6 = arith.muli %arg1, %mul3A_5 : i32
    "tpu.region"() ({
      %run_scoped3A = tpu.sem_alloc : memref<!tpu.dma_semaphore, #tpu.memory_space<semaphore_mem>>
      %dma_start3A_133 = arith.constant 0 : i32
      %dma_start3A_134 = tpu.memref_slice %arg8[%mul3A_6, %dma_start3A_133] : memref<10112x128xf32, #tpu.memory_space<vmem_shared>> -> memref<632x128xf32, #tpu.memory_space<vmem_shared>>
      %dma_start3A_135 = arith.constant 0 : i32
      %dma_start3A_136 = tpu.memref_slice %arg4[%mul3A_4, %dma_start3A_135] : memref<10112x128xf32, #tpu.memory_space<hbm>> -> memref<632x128xf32, #tpu.memory_space<hbm>>
      tpu.enqueue_dma source(%dma_start3A_136 : memref<632x128xf32, #tpu.memory_space<hbm>>) target(%dma_start3A_134 : memref<632x128xf32, #tpu.memory_space<vmem_shared>>) target_semaphore(%run_scoped3A : memref<!tpu.dma_semaphore, #tpu.memory_space<semaphore_mem>>)
      %dma_wait3A_137 = arith.constant 0 : i32
      %dma_wait3A_138 = tpu.memref_slice %arg8[%mul3A_6, %dma_wait3A_137] : memref<10112x128xf32, #tpu.memory_space<vmem_shared>> -> memref<632x128xf32, #tpu.memory_space<vmem_shared>>
      %dma_wait3A_139 = arith.constant 0 : i32
      %dma_wait3A_140 = tpu.memref_slice %arg4[%mul3A_4, %dma_wait3A_139] : memref<10112x128xf32, #tpu.memory_space<hbm>> -> memref<632x128xf32, #tpu.memory_space<hbm>>
      tpu.wait_dma2 semaphore(%run_scoped3A : memref<!tpu.dma_semaphore, #tpu.memory_space<semaphore_mem>>) src(%dma_wait3A_140 : memref<632x128xf32, #tpu.memory_space<hbm>>) dst(%dma_wait3A_138 : memref<632x128xf32, #tpu.memory_space<vmem_shared>>)
      tpu.yield
    }) : () -> ()
    %add3A_7 = arith.constant 0 : i32
    %add3A_8 = arith.addi %mul3A_2, %add3A_7 : i32
    %dma_start3A = arith.constant 0 : i32
    %dma_start3A_9 = arith.constant 0 : i32
    %dma_start3A_10 = arith.constant 0 : i32
    %dma_start3A_11 = arith.constant 0 : i32
    %dma_start3A_12 = tpu.memref_slice %arg6[%dma_start3A, %dma_start3A_10, %dma_start3A_11] : memref<4x2x128xi32, #tpu.memory_space<vmem>> -> memref<1x2x128xi32, #tpu.memory_space<vmem>>
    %dma_start3A_13 = tpu.memref_squeeze %dma_start3A_12 : memref<1x2x128xi32, #tpu.memory_space<vmem>> -> memref<2x128xi32, #tpu.memory_space<vmem>>
    %dma_start3A_14 = arith.constant 0 : i32
    %dma_start3A_15 = arith.constant 0 : i32
    %dma_start3A_16 = tpu.memref_slice %arg3[%add3A_8, %dma_start3A_14, %dma_start3A_15] : memref<2560x2x128xi32, #tpu.memory_space<hbm>> -> memref<1x2x128xi32, #tpu.memory_space<hbm>>
    %dma_start3A_17 = tpu.memref_squeeze %dma_start3A_16 : memref<1x2x128xi32, #tpu.memory_space<hbm>> -> memref<2x128xi32, #tpu.memory_space<hbm>>
    %dma_start3A_18 = tpu.memref_slice %arg9[%dma_start3A_9] : memref<4x!tpu.dma_semaphore, #tpu.memory_space<semaphore_mem>> -> memref<1x!tpu.dma_semaphore, #tpu.memory_space<semaphore_mem>>
    %dma_start3A_19 = tpu.memref_squeeze %dma_start3A_18 : memref<1x!tpu.dma_semaphore, #tpu.memory_space<semaphore_mem>> -> memref<!tpu.dma_semaphore, #tpu.memory_space<semaphore_mem>>
    %dma_start3A_20 = arith.constant 0 : i32
    %dma_start3A_21 = arith.constant 0 : i32
    %dma_start3A_22 = tpu.memref_slice %arg6[%dma_start3A, %dma_start3A_20, %dma_start3A_21] : memref<4x2x128xi32, #tpu.memory_space<vmem>> -> memref<1x2x128xi32, #tpu.memory_space<vmem>>
    %dma_start3A_23 = tpu.memref_squeeze %dma_start3A_22 : memref<1x2x128xi32, #tpu.memory_space<vmem>> -> memref<2x128xi32, #tpu.memory_space<vmem>>
    %dma_start3A_24 = arith.constant 0 : i32
    %dma_start3A_25 = arith.constant 0 : i32
    %dma_start3A_26 = tpu.memref_slice %arg3[%add3A_8, %dma_start3A_24, %dma_start3A_25] : memref<2560x2x128xi32, #tpu.memory_space<hbm>> -> memref<1x2x128xi32, #tpu.memory_space<hbm>>
    %dma_start3A_27 = tpu.memref_squeeze %dma_start3A_26 : memref<1x2x128xi32, #tpu.memory_space<hbm>> -> memref<2x128xi32, #tpu.memory_space<hbm>>
    tpu.enqueue_dma source(%dma_start3A_27 : memref<2x128xi32, #tpu.memory_space<hbm>>) target(%dma_start3A_23 : memref<2x128xi32, #tpu.memory_space<vmem>>) target_semaphore(%dma_start3A_19 : memref<!tpu.dma_semaphore, #tpu.memory_space<semaphore_mem>>)
    %add3A_28 = arith.constant 1 : i32
    %add3A_29 = arith.addi %mul3A_2, %add3A_28 : i32
    %dma_start3A_30 = arith.constant 1 : i32
    %dma_start3A_31 = arith.constant 1 : i32
    %dma_start3A_32 = arith.constant 0 : i32
    %dma_start3A_33 = arith.constant 0 : i32
    %dma_start3A_34 = tpu.memref_slice %arg6[%dma_start3A_30, %dma_start3A_32, %dma_start3A_33] : memref<4x2x128xi32, #tpu.memory_space<vmem>> -> memref<1x2x128xi32, #tpu.memory_space<vmem>>
    %dma_start3A_35 = tpu.memref_squeeze %dma_start3A_34 : memref<1x2x128xi32, #tpu.memory_space<vmem>> -> memref<2x128xi32, #tpu.memory_space<vmem>>
    %dma_start3A_36 = arith.constant 0 : i32
    %dma_start3A_37 = arith.constant 0 : i32
    %dma_start3A_38 = tpu.memref_slice %arg3[%add3A_29, %dma_start3A_36, %dma_start3A_37] : memref<2560x2x128xi32, #tpu.memory_space<hbm>> -> memref<1x2x128xi32, #tpu.memory_space<hbm>>
    %dma_start3A_39 = tpu.memref_squeeze %dma_start3A_38 : memref<1x2x128xi32, #tpu.memory_space<hbm>> -> memref<2x128xi32, #tpu.memory_space<hbm>>
    %dma_start3A_40 = tpu.memref_slice %arg9[%dma_start3A_31] : memref<4x!tpu.dma_semaphore, #tpu.memory_space<semaphore_mem>> -> memref<1x!tpu.dma_semaphore, #tpu.memory_space<semaphore_mem>>
    %dma_start3A_41 = tpu.memref_squeeze %dma_start3A_40 : memref<1x!tpu.dma_semaphore, #tpu.memory_space<semaphore_mem>> -> memref<!tpu.dma_semaphore, #tpu.memory_space<semaphore_mem>>
    %dma_start3A_42 = arith.constant 0 : i32
    %dma_start3A_43 = arith.constant 0 : i32
    %dma_start3A_44 = tpu.memref_slice %arg6[%dma_start3A_30, %dma_start3A_42, %dma_start3A_43] : memref<4x2x128xi32, #tpu.memory_space<vmem>> -> memref<1x2x128xi32, #tpu.memory_space<vmem>>
    %dma_start3A_45 = tpu.memref_squeeze %dma_start3A_44 : memref<1x2x128xi32, #tpu.memory_space<vmem>> -> memref<2x128xi32, #tpu.memory_space<vmem>>
    %dma_start3A_46 = arith.constant 0 : i32
    %dma_start3A_47 = arith.constant 0 : i32
    %dma_start3A_48 = tpu.memref_slice %arg3[%add3A_29, %dma_start3A_46, %dma_start3A_47] : memref<2560x2x128xi32, #tpu.memory_space<hbm>> -> memref<1x2x128xi32, #tpu.memory_space<hbm>>
    %dma_start3A_49 = tpu.memref_squeeze %dma_start3A_48 : memref<1x2x128xi32, #tpu.memory_space<hbm>> -> memref<2x128xi32, #tpu.memory_space<hbm>>
    tpu.enqueue_dma source(%dma_start3A_49 : memref<2x128xi32, #tpu.memory_space<hbm>>) target(%dma_start3A_45 : memref<2x128xi32, #tpu.memory_space<vmem>>) target_semaphore(%dma_start3A_41 : memref<!tpu.dma_semaphore, #tpu.memory_space<semaphore_mem>>)
    %add3A_50 = arith.constant 2 : i32
    %add3A_51 = arith.addi %mul3A_2, %add3A_50 : i32
    %dma_start3A_52 = arith.constant 2 : i32
    %dma_start3A_53 = arith.constant 2 : i32
    %dma_start3A_54 = arith.constant 0 : i32
    %dma_start3A_55 = arith.constant 0 : i32
    %dma_start3A_56 = tpu.memref_slice %arg6[%dma_start3A_52, %dma_start3A_54, %dma_start3A_55] : memref<4x2x128xi32, #tpu.memory_space<vmem>> -> memref<1x2x128xi32, #tpu.memory_space<vmem>>
    %dma_start3A_57 = tpu.memref_squeeze %dma_start3A_56 : memref<1x2x128xi32, #tpu.memory_space<vmem>> -> memref<2x128xi32, #tpu.memory_space<vmem>>
    %dma_start3A_58 = arith.constant 0 : i32
    %dma_start3A_59 = arith.constant 0 : i32
    %dma_start3A_60 = tpu.memref_slice %arg3[%add3A_51, %dma_start3A_58, %dma_start3A_59] : memref<2560x2x128xi32, #tpu.memory_space<hbm>> -> memref<1x2x128xi32, #tpu.memory_space<hbm>>
    %dma_start3A_61 = tpu.memref_squeeze %dma_start3A_60 : memref<1x2x128xi32, #tpu.memory_space<hbm>> -> memref<2x128xi32, #tpu.memory_space<hbm>>
    %dma_start3A_62 = tpu.memref_slice %arg9[%dma_start3A_53] : memref<4x!tpu.dma_semaphore, #tpu.memory_space<semaphore_mem>> -> memref<1x!tpu.dma_semaphore, #tpu.memory_space<semaphore_mem>>
    %dma_start3A_63 = tpu.memref_squeeze %dma_start3A_62 : memref<1x!tpu.dma_semaphore, #tpu.memory_space<semaphore_mem>> -> memref<!tpu.dma_semaphore, #tpu.memory_space<semaphore_mem>>
    %dma_start3A_64 = arith.constant 0 : i32
    %dma_start3A_65 = arith.constant 0 : i32
    %dma_start3A_66 = tpu.memref_slice %arg6[%dma_start3A_52, %dma_start3A_64, %dma_start3A_65] : memref<4x2x128xi32, #tpu.memory_space<vmem>> -> memref<1x2x128xi32, #tpu.memory_space<vmem>>
    %dma_start3A_67 = tpu.memref_squeeze %dma_start3A_66 : memref<1x2x128xi32, #tpu.memory_space<vmem>> -> memref<2x128xi32, #tpu.memory_space<vmem>>
    %dma_start3A_68 = arith.constant 0 : i32
    %dma_start3A_69 = arith.constant 0 : i32
    %dma_start3A_70 = tpu.memref_slice %arg3[%add3A_51, %dma_start3A_68, %dma_start3A_69] : memref<2560x2x128xi32, #tpu.memory_space<hbm>> -> memref<1x2x128xi32, #tpu.memory_space<hbm>>
    %dma_start3A_71 = tpu.memref_squeeze %dma_start3A_70 : memref<1x2x128xi32, #tpu.memory_space<hbm>> -> memref<2x128xi32, #tpu.memory_space<hbm>>
    tpu.enqueue_dma source(%dma_start3A_71 : memref<2x128xi32, #tpu.memory_space<hbm>>) target(%dma_start3A_67 : memref<2x128xi32, #tpu.memory_space<vmem>>) target_semaphore(%dma_start3A_63 : memref<!tpu.dma_semaphore, #tpu.memory_space<semaphore_mem>>)
    %barrier3A = arith.constant 0 : index
    tpu.barrier barrier_id(%barrier3A)
    %dma_wait3A = arith.constant 0 : i32
    %dma_wait3A_72 = arith.constant 0 : i32
    %dma_wait3A_73 = arith.constant 0 : i32
    %dma_wait3A_74 = arith.constant 0 : i32
    %dma_wait3A_75 = tpu.memref_slice %arg6[%dma_wait3A, %dma_wait3A_73, %dma_wait3A_74] : memref<4x2x128xi32, #tpu.memory_space<vmem>> -> memref<1x2x128xi32, #tpu.memory_space<vmem>>
    %dma_wait3A_76 = tpu.memref_squeeze %dma_wait3A_75 : memref<1x2x128xi32, #tpu.memory_space<vmem>> -> memref<2x128xi32, #tpu.memory_space<vmem>>
    %dma_wait3A_77 = arith.constant 0 : i32
    %dma_wait3A_78 = arith.constant 0 : i32
    %dma_wait3A_79 = tpu.memref_slice %arg3[%mul3A_2, %dma_wait3A_77, %dma_wait3A_78] : memref<2560x2x128xi32, #tpu.memory_space<hbm>> -> memref<1x2x128xi32, #tpu.memory_space<hbm>>
    %dma_wait3A_80 = tpu.memref_squeeze %dma_wait3A_79 : memref<1x2x128xi32, #tpu.memory_space<hbm>> -> memref<2x128xi32, #tpu.memory_space<hbm>>
    %dma_wait3A_81 = tpu.memref_slice %arg9[%dma_wait3A_72] : memref<4x!tpu.dma_semaphore, #tpu.memory_space<semaphore_mem>> -> memref<1x!tpu.dma_semaphore, #tpu.memory_space<semaphore_mem>>
    %dma_wait3A_82 = tpu.memref_squeeze %dma_wait3A_81 : memref<1x!tpu.dma_semaphore, #tpu.memory_space<semaphore_mem>> -> memref<!tpu.dma_semaphore, #tpu.memory_space<semaphore_mem>>
    %dma_wait3A_83 = arith.constant 0 : i32
    %dma_wait3A_84 = arith.constant 0 : i32
    %dma_wait3A_85 = tpu.memref_slice %arg6[%dma_wait3A, %dma_wait3A_83, %dma_wait3A_84] : memref<4x2x128xi32, #tpu.memory_space<vmem>> -> memref<1x2x128xi32, #tpu.memory_space<vmem>>
    %dma_wait3A_86 = tpu.memref_squeeze %dma_wait3A_85 : memref<1x2x128xi32, #tpu.memory_space<vmem>> -> memref<2x128xi32, #tpu.memory_space<vmem>>
    %dma_wait3A_87 = arith.constant 0 : i32
    %dma_wait3A_88 = arith.constant 0 : i32
    %dma_wait3A_89 = tpu.memref_slice %arg3[%mul3A_2, %dma_wait3A_87, %dma_wait3A_88] : memref<2560x2x128xi32, #tpu.memory_space<hbm>> -> memref<1x2x128xi32, #tpu.memory_space<hbm>>
    %dma_wait3A_90 = tpu.memref_squeeze %dma_wait3A_89 : memref<1x2x128xi32, #tpu.memory_space<hbm>> -> memref<2x128xi32, #tpu.memory_space<hbm>>
    tpu.wait_dma2 semaphore(%dma_wait3A_82 : memref<!tpu.dma_semaphore, #tpu.memory_space<semaphore_mem>>) src(%dma_wait3A_90 : memref<2x128xi32, #tpu.memory_space<hbm>>) dst(%dma_wait3A_86 : memref<2x128xi32, #tpu.memory_space<vmem>>)
    %dma_start3A_91 = arith.constant 0 : i32
    %dma_start3A_92 = arith.constant 0 : i32
    %dma_start3A_93 = arith.constant 0 : i32
    %dma_start3A_94 = arith.constant 0 : i32
    %dma_start3A_95 = arith.constant 0 : i32
    %dma_start3A_96 = arith.constant 0 : i32
    %dma_start3A_97 = tpu.memref_slice %arg7[%dma_start3A_93, %dma_start3A_95, %dma_start3A_96] : memref<2x128x128xf32, #tpu.memory_space<vmem>> -> memref<1x128x128xf32, #tpu.memory_space<vmem>>
    %dma_start3A_98 = tpu.memref_squeeze %dma_start3A_97 : memref<1x128x128xf32, #tpu.memory_space<vmem>> -> memref<128x128xf32, #tpu.memory_space<vmem>>
    %dma_start3A_99 = arith.constant 0 : i32
    %dma_start3A_100 = tpu.memref_slice %arg6[%dma_start3A_91, %dma_start3A_92, %dma_start3A_99] : memref<4x2x128xi32, #tpu.memory_space<vmem>> -> memref<1x1x128xi32, #tpu.memory_space<vmem>>
    %dma_start3A_101 = tpu.memref_squeeze %dma_start3A_100 : memref<1x1x128xi32, #tpu.memory_space<vmem>> -> memref<128xi32, #tpu.memory_space<vmem>>
    %dma_start3A_102 = arith.constant 0 : i32
    %dma_start3A_103 = arith.constant 0 : i32
    %dma_start3A_104 = tpu.memref_slice %arg2[%dma_start3A_102, %dma_start3A_103] : memref<10000x128xf32, #tpu.memory_space<hbm>> -> memref<10000x128xf32, #tpu.memory_space<hbm>>
    %dma_start3A_105 = tpu.memref_slice %arg10[%dma_start3A_94] : memref<2x!tpu.dma_semaphore, #tpu.memory_space<semaphore_mem>> -> memref<1x!tpu.dma_semaphore, #tpu.memory_space<semaphore_mem>>
    %dma_start3A_106 = tpu.memref_squeeze %dma_start3A_105 : memref<1x!tpu.dma_semaphore, #tpu.memory_space<semaphore_mem>> -> memref<!tpu.dma_semaphore, #tpu.memory_space<semaphore_mem>>
    tpu.enqueue_indirect_dma source(%dma_start3A_104 : memref<10000x128xf32, #tpu.memory_space<hbm>>) target(%dma_start3A_98 : memref<128x128xf32, #tpu.memory_space<vmem>>) offsets(%dma_start3A_101 : memref<128xi32, #tpu.memory_space<vmem>>) semaphore(%dma_start3A_106 : memref<!tpu.dma_semaphore, #tpu.memory_space<semaphore_mem>>)
    %scan3A = arith.constant 0 : i32
    %scan3A_107 = arith.constant 0 : i32
    %scan3A_108 = arith.constant 20 : i32
    %scan3A_109 = arith.addi %scan3A_107, %scan3A_108 : i32
    %scan3A_110 = arith.constant 1 : i32
    scf.for %scan3A_133 = %scan3A_107 to %scan3A_109 step %scan3A_110  : i32 {
      %mul3A_134 = arith.constant 4 : i32
      %mul3A_135 = arith.muli %scan3A_133, %mul3A_134 : i32
      %add3A_136 = arith.constant 0 : i32
      %add3A_137 = arith.addi %mul3A_135, %add3A_136 : i32
      %ge3A = arith.constant 1 : i32
      %ge3A_138 = arith.cmpi sge, %add3A_137, %ge3A : i32
      %convert_element_type3A = arith.extui %ge3A_138 : i1 to i32
      %cond3A = arith.constant 0 : i32
      %cond3A_139 = arith.cmpi ne, %convert_element_type3A, %cond3A : i32
      scf.if %cond3A_139 {
        %dma_wait3A_357 = arith.constant 1 : i32
        %dma_wait3A_358 = arith.constant 3 : i32
        %dma_wait3A_359 = arith.constant 1 : i32
        %dma_wait3A_360 = arith.constant 1 : i32
        %dma_wait3A_361 = arith.constant 0 : i32
        %dma_wait3A_362 = arith.constant 0 : i32
        %dma_wait3A_363 = tpu.memref_slice %arg7[%dma_wait3A_357, %dma_wait3A_361, %dma_wait3A_362] : memref<2x128x128xf32, #tpu.memory_space<vmem>> -> memref<1x128x128xf32, #tpu.memory_space<vmem>>
        %dma_wait3A_364 = tpu.memref_squeeze %dma_wait3A_363 : memref<1x128x128xf32, #tpu.memory_space<vmem>> -> memref<128x128xf32, #tpu.memory_space<vmem>>
        %dma_wait3A_365 = arith.constant 0 : i32
        %dma_wait3A_366 = tpu.memref_slice %arg6[%dma_wait3A_358, %dma_wait3A_359, %dma_wait3A_365] : memref<4x2x128xi32, #tpu.memory_space<vmem>> -> memref<1x1x128xi32, #tpu.memory_space<vmem>>
        %dma_wait3A_367 = tpu.memref_squeeze %dma_wait3A_366 : memref<1x1x128xi32, #tpu.memory_space<vmem>> -> memref<128xi32, #tpu.memory_space<vmem>>
        %dma_wait3A_368 = arith.constant 0 : i32
        %dma_wait3A_369 = arith.constant 0 : i32
        %dma_wait3A_370 = tpu.memref_slice %arg8[%dma_wait3A_368, %dma_wait3A_369] : memref<10112x128xf32, #tpu.memory_space<vmem_shared>> -> memref<10112x128xf32, #tpu.memory_space<vmem_shared>>
        %dma_wait3A_371 = tpu.memref_slice %arg11[%dma_wait3A_360] : memref<2x!tpu.dma_semaphore, #tpu.memory_space<semaphore_mem>> -> memref<1x!tpu.dma_semaphore, #tpu.memory_space<semaphore_mem>>
        %dma_wait3A_372 = tpu.memref_squeeze %dma_wait3A_371 : memref<1x!tpu.dma_semaphore, #tpu.memory_space<semaphore_mem>> -> memref<!tpu.dma_semaphore, #tpu.memory_space<semaphore_mem>>
        tpu.wait_indirect_dma semaphore(%dma_wait3A_372 : memref<!tpu.dma_semaphore, #tpu.memory_space<semaphore_mem>>) src(%dma_wait3A_364 : memref<128x128xf32, #tpu.memory_space<vmem>>) dst(%dma_wait3A_370 : memref<10112x128xf32, #tpu.memory_space<vmem_shared>>)
      } else {
      }
      %add3A_140 = arith.constant 1 : i32
      %add3A_141 = arith.addi %add3A_137, %add3A_140 : i32
      %lt3A = arith.constant 80 : i32
      %lt3A_142 = arith.cmpi slt, %add3A_141, %lt3A : i32
      %convert_element_type3A_143 = arith.extui %lt3A_142 : i1 to i32
      %cond3A_144 = arith.constant 0 : i32
      %cond3A_145 = arith.cmpi ne, %convert_element_type3A_143, %cond3A_144 : i32
      scf.if %cond3A_145 {
        %add3A_357 = arith.addi %mul3A_2, %add3A_137 : i32
        %add3A_358 = arith.constant 1 : i32
        %add3A_359 = arith.addi %add3A_357, %add3A_358 : i32
        %dma_wait3A_360 = arith.constant 1 : i32
        %dma_wait3A_361 = arith.constant 1 : i32
        %dma_wait3A_362 = arith.constant 0 : i32
        %dma_wait3A_363 = arith.constant 0 : i32
        %dma_wait3A_364 = tpu.memref_slice %arg6[%dma_wait3A_360, %dma_wait3A_362, %dma_wait3A_363] : memref<4x2x128xi32, #tpu.memory_space<vmem>> -> memref<1x2x128xi32, #tpu.memory_space<vmem>>
        %dma_wait3A_365 = tpu.memref_squeeze %dma_wait3A_364 : memref<1x2x128xi32, #tpu.memory_space<vmem>> -> memref<2x128xi32, #tpu.memory_space<vmem>>
        %dma_wait3A_366 = arith.constant 0 : i32
        %dma_wait3A_367 = arith.constant 0 : i32
        %dma_wait3A_368 = tpu.memref_slice %arg3[%add3A_359, %dma_wait3A_366, %dma_wait3A_367] : memref<2560x2x128xi32, #tpu.memory_space<hbm>> -> memref<1x2x128xi32, #tpu.memory_space<hbm>>
        %dma_wait3A_369 = tpu.memref_squeeze %dma_wait3A_368 : memref<1x2x128xi32, #tpu.memory_space<hbm>> -> memref<2x128xi32, #tpu.memory_space<hbm>>
        %dma_wait3A_370 = tpu.memref_slice %arg9[%dma_wait3A_361] : memref<4x!tpu.dma_semaphore, #tpu.memory_space<semaphore_mem>> -> memref<1x!tpu.dma_semaphore, #tpu.memory_space<semaphore_mem>>
        %dma_wait3A_371 = tpu.memref_squeeze %dma_wait3A_370 : memref<1x!tpu.dma_semaphore, #tpu.memory_space<semaphore_mem>> -> memref<!tpu.dma_semaphore, #tpu.memory_space<semaphore_mem>>
        %dma_wait3A_372 = arith.constant 0 : i32
        %dma_wait3A_373 = arith.constant 0 : i32
        %dma_wait3A_374 = tpu.memref_slice %arg6[%dma_wait3A_360, %dma_wait3A_372, %dma_wait3A_373] : memref<4x2x128xi32, #tpu.memory_space<vmem>> -> memref<1x2x128xi32, #tpu.memory_space<vmem>>
        %dma_wait3A_375 = tpu.memref_squeeze %dma_wait3A_374 : memref<1x2x128xi32, #tpu.memory_space<vmem>> -> memref<2x128xi32, #tpu.memory_space<vmem>>
        %dma_wait3A_376 = arith.constant 0 : i32
        %dma_wait3A_377 = arith.constant 0 : i32
        %dma_wait3A_378 = tpu.memref_slice %arg3[%add3A_359, %dma_wait3A_376, %dma_wait3A_377] : memref<2560x2x128xi32, #tpu.memory_space<hbm>> -> memref<1x2x128xi32, #tpu.memory_space<hbm>>
        %dma_wait3A_379 = tpu.memref_squeeze %dma_wait3A_378 : memref<1x2x128xi32, #tpu.memory_space<hbm>> -> memref<2x128xi32, #tpu.memory_space<hbm>>
        tpu.wait_dma2 semaphore(%dma_wait3A_371 : memref<!tpu.dma_semaphore, #tpu.memory_space<semaphore_mem>>) src(%dma_wait3A_379 : memref<2x128xi32, #tpu.memory_space<hbm>>) dst(%dma_wait3A_375 : memref<2x128xi32, #tpu.memory_space<vmem>>)
        %dma_start3A_380 = arith.constant 1 : i32
        %dma_start3A_381 = arith.constant 0 : i32
        %dma_start3A_382 = arith.constant 1 : i32
        %dma_start3A_383 = arith.constant 1 : i32
        %dma_start3A_384 = arith.constant 0 : i32
        %dma_start3A_385 = arith.constant 0 : i32
        %dma_start3A_386 = tpu.memref_slice %arg7[%dma_start3A_382, %dma_start3A_384, %dma_start3A_385] : memref<2x128x128xf32, #tpu.memory_space<vmem>> -> memref<1x128x128xf32, #tpu.memory_space<vmem>>
        %dma_start3A_387 = tpu.memref_squeeze %dma_start3A_386 : memref<1x128x128xf32, #tpu.memory_space<vmem>> -> memref<128x128xf32, #tpu.memory_space<vmem>>
        %dma_start3A_388 = arith.constant 0 : i32
        %dma_start3A_389 = tpu.memref_slice %arg6[%dma_start3A_380, %dma_start3A_381, %dma_start3A_388] : memref<4x2x128xi32, #tpu.memory_space<vmem>> -> memref<1x1x128xi32, #tpu.memory_space<vmem>>
        %dma_start3A_390 = tpu.memref_squeeze %dma_start3A_389 : memref<1x1x128xi32, #tpu.memory_space<vmem>> -> memref<128xi32, #tpu.memory_space<vmem>>
        %dma_start3A_391 = arith.constant 0 : i32
        %dma_start3A_392 = arith.constant 0 : i32
        %dma_start3A_393 = tpu.memref_slice %arg2[%dma_start3A_391, %dma_start3A_392] : memref<10000x128xf32, #tpu.memory_space<hbm>> -> memref<10000x128xf32, #tpu.memory_space<hbm>>
        %dma_start3A_394 = tpu.memref_slice %arg10[%dma_start3A_383] : memref<2x!tpu.dma_semaphore, #tpu.memory_space<semaphore_mem>> -> memref<1x!tpu.dma_semaphore, #tpu.memory_space<semaphore_mem>>
        %dma_start3A_395 = tpu.memref_squeeze %dma_start3A_394 : memref<1x!tpu.dma_semaphore, #tpu.memory_space<semaphore_mem>> -> memref<!tpu.dma_semaphore, #tpu.memory_space<semaphore_mem>>
        tpu.enqueue_indirect_dma source(%dma_start3A_393 : memref<10000x128xf32, #tpu.memory_space<hbm>>) target(%dma_start3A_387 : memref<128x128xf32, #tpu.memory_space<vmem>>) offsets(%dma_start3A_390 : memref<128xi32, #tpu.memory_space<vmem>>) semaphore(%dma_start3A_395 : memref<!tpu.dma_semaphore, #tpu.memory_space<semaphore_mem>>)
      } else {
      }
      %dma_wait3A_146 = arith.constant 0 : i32
      %dma_wait3A_147 = arith.constant 0 : i32
      %dma_wait3A_148 = arith.constant 0 : i32
      %dma_wait3A_149 = arith.constant 0 : i32
      %dma_wait3A_150 = arith.constant 0 : i32
      %dma_wait3A_151 = arith.constant 0 : i32
      %dma_wait3A_152 = tpu.memref_slice %arg7[%dma_wait3A_148, %dma_wait3A_150, %dma_wait3A_151] : memref<2x128x128xf32, #tpu.memory_space<vmem>> -> memref<1x128x128xf32, #tpu.memory_space<vmem>>
      %dma_wait3A_153 = tpu.memref_squeeze %dma_wait3A_152 : memref<1x128x128xf32, #tpu.memory_space<vmem>> -> memref<128x128xf32, #tpu.memory_space<vmem>>
      %dma_wait3A_154 = arith.constant 0 : i32
      %dma_wait3A_155 = tpu.memref_slice %arg6[%dma_wait3A_146, %dma_wait3A_147, %dma_wait3A_154] : memref<4x2x128xi32, #tpu.memory_space<vmem>> -> memref<1x1x128xi32, #tpu.memory_space<vmem>>
      %dma_wait3A_156 = tpu.memref_squeeze %dma_wait3A_155 : memref<1x1x128xi32, #tpu.memory_space<vmem>> -> memref<128xi32, #tpu.memory_space<vmem>>
      %dma_wait3A_157 = arith.constant 0 : i32
      %dma_wait3A_158 = arith.constant 0 : i32
      %dma_wait3A_159 = tpu.memref_slice %arg2[%dma_wait3A_157, %dma_wait3A_158] : memref<10000x128xf32, #tpu.memory_space<hbm>> -> memref<10000x128xf32, #tpu.memory_space<hbm>>
      %dma_wait3A_160 = tpu.memref_slice %arg10[%dma_wait3A_149] : memref<2x!tpu.dma_semaphore, #tpu.memory_space<semaphore_mem>> -> memref<1x!tpu.dma_semaphore, #tpu.memory_space<semaphore_mem>>
      %dma_wait3A_161 = tpu.memref_squeeze %dma_wait3A_160 : memref<1x!tpu.dma_semaphore, #tpu.memory_space<semaphore_mem>> -> memref<!tpu.dma_semaphore, #tpu.memory_space<semaphore_mem>>
      tpu.wait_indirect_dma semaphore(%dma_wait3A_161 : memref<!tpu.dma_semaphore, #tpu.memory_space<semaphore_mem>>) src(%dma_wait3A_159 : memref<10000x128xf32, #tpu.memory_space<hbm>>) dst(%dma_wait3A_153 : memref<128x128xf32, #tpu.memory_space<vmem>>)
      %dma_start3A_162 = arith.constant 0 : i32
      %dma_start3A_163 = arith.constant 0 : i32
      %dma_start3A_164 = arith.constant 1 : i32
      %dma_start3A_165 = arith.constant 0 : i32
      %dma_start3A_166 = arith.constant 0 : i32
      %dma_start3A_167 = arith.constant 0 : i32
      %dma_start3A_168 = tpu.memref_slice %arg7[%dma_start3A_162, %dma_start3A_166, %dma_start3A_167] : memref<2x128x128xf32, #tpu.memory_space<vmem>> -> memref<1x128x128xf32, #tpu.memory_space<vmem>>
      %dma_start3A_169 = tpu.memref_squeeze %dma_start3A_168 : memref<1x128x128xf32, #tpu.memory_space<vmem>> -> memref<128x128xf32, #tpu.memory_space<vmem>>
      %dma_start3A_170 = arith.constant 0 : i32
      %dma_start3A_171 = tpu.memref_slice %arg6[%dma_start3A_163, %dma_start3A_164, %dma_start3A_170] : memref<4x2x128xi32, #tpu.memory_space<vmem>> -> memref<1x1x128xi32, #tpu.memory_space<vmem>>
      %dma_start3A_172 = tpu.memref_squeeze %dma_start3A_171 : memref<1x1x128xi32, #tpu.memory_space<vmem>> -> memref<128xi32, #tpu.memory_space<vmem>>
      %dma_start3A_173 = arith.constant 0 : i32
      %dma_start3A_174 = arith.constant 0 : i32
      %dma_start3A_175 = tpu.memref_slice %arg8[%dma_start3A_173, %dma_start3A_174] : memref<10112x128xf32, #tpu.memory_space<vmem_shared>> -> memref<10112x128xf32, #tpu.memory_space<vmem_shared>>
      %dma_start3A_176 = tpu.memref_slice %arg11[%dma_start3A_165] : memref<2x!tpu.dma_semaphore, #tpu.memory_space<semaphore_mem>> -> memref<1x!tpu.dma_semaphore, #tpu.memory_space<semaphore_mem>>
      %dma_start3A_177 = tpu.memref_squeeze %dma_start3A_176 : memref<1x!tpu.dma_semaphore, #tpu.memory_space<semaphore_mem>> -> memref<!tpu.dma_semaphore, #tpu.memory_space<semaphore_mem>>
      tpu.enqueue_indirect_dma source(%dma_start3A_169 : memref<128x128xf32, #tpu.memory_space<vmem>>) target(%dma_start3A_175 : memref<10112x128xf32, #tpu.memory_space<vmem_shared>>) offsets(%dma_start3A_172 : memref<128xi32, #tpu.memory_space<vmem>>) semaphore(%dma_start3A_177 : memref<!tpu.dma_semaphore, #tpu.memory_space<semaphore_mem>>) {add = true}
      %add3A_178 = arith.constant 4 : i32
      %add3A_179 = arith.addi %add3A_137, %add3A_178 : i32
      %sub3A = arith.constant 1 : i32
      %sub3A_180 = arith.subi %add3A_179, %sub3A : i32
      %lt3A_181 = arith.constant 80 : i32
      %lt3A_182 = arith.cmpi slt, %sub3A_180, %lt3A_181 : i32
      %convert_element_type3A_183 = arith.extui %lt3A_182 : i1 to i32
      %cond3A_184 = arith.constant 0 : i32
      %cond3A_185 = arith.cmpi ne, %convert_element_type3A_183, %cond3A_184 : i32
      scf.if %cond3A_185 {
        %add3A_357 = arith.addi %mul3A_2, %add3A_137 : i32
        %add3A_358 = arith.constant 4 : i32
        %add3A_359 = arith.addi %add3A_357, %add3A_358 : i32
        %sub3A_360 = arith.constant 1 : i32
        %sub3A_361 = arith.subi %add3A_359, %sub3A_360 : i32
        %dma_start3A_362 = arith.constant 3 : i32
        %dma_start3A_363 = arith.constant 3 : i32
        %dma_start3A_364 = arith.constant 0 : i32
        %dma_start3A_365 = arith.constant 0 : i32
        %dma_start3A_366 = tpu.memref_slice %arg6[%dma_start3A_362, %dma_start3A_364, %dma_start3A_365] : memref<4x2x128xi32, #tpu.memory_space<vmem>> -> memref<1x2x128xi32, #tpu.memory_space<vmem>>
        %dma_start3A_367 = tpu.memref_squeeze %dma_start3A_366 : memref<1x2x128xi32, #tpu.memory_space<vmem>> -> memref<2x128xi32, #tpu.memory_space<vmem>>
        %dma_start3A_368 = arith.constant 0 : i32
        %dma_start3A_369 = arith.constant 0 : i32
        %dma_start3A_370 = tpu.memref_slice %arg3[%sub3A_361, %dma_start3A_368, %dma_start3A_369] : memref<2560x2x128xi32, #tpu.memory_space<hbm>> -> memref<1x2x128xi32, #tpu.memory_space<hbm>>
        %dma_start3A_371 = tpu.memref_squeeze %dma_start3A_370 : memref<1x2x128xi32, #tpu.memory_space<hbm>> -> memref<2x128xi32, #tpu.memory_space<hbm>>
        %dma_start3A_372 = tpu.memref_slice %arg9[%dma_start3A_363] : memref<4x!tpu.dma_semaphore, #tpu.memory_space<semaphore_mem>> -> memref<1x!tpu.dma_semaphore, #tpu.memory_space<semaphore_mem>>
        %dma_start3A_373 = tpu.memref_squeeze %dma_start3A_372 : memref<1x!tpu.dma_semaphore, #tpu.memory_space<semaphore_mem>> -> memref<!tpu.dma_semaphore, #tpu.memory_space<semaphore_mem>>
        %dma_start3A_374 = arith.constant 0 : i32
        %dma_start3A_375 = arith.constant 0 : i32
        %dma_start3A_376 = tpu.memref_slice %arg6[%dma_start3A_362, %dma_start3A_374, %dma_start3A_375] : memref<4x2x128xi32, #tpu.memory_space<vmem>> -> memref<1x2x128xi32, #tpu.memory_space<vmem>>
        %dma_start3A_377 = tpu.memref_squeeze %dma_start3A_376 : memref<1x2x128xi32, #tpu.memory_space<vmem>> -> memref<2x128xi32, #tpu.memory_space<vmem>>
        %dma_start3A_378 = arith.constant 0 : i32
        %dma_start3A_379 = arith.constant 0 : i32
        %dma_start3A_380 = tpu.memref_slice %arg3[%sub3A_361, %dma_start3A_378, %dma_start3A_379] : memref<2560x2x128xi32, #tpu.memory_space<hbm>> -> memref<1x2x128xi32, #tpu.memory_space<hbm>>
        %dma_start3A_381 = tpu.memref_squeeze %dma_start3A_380 : memref<1x2x128xi32, #tpu.memory_space<hbm>> -> memref<2x128xi32, #tpu.memory_space<hbm>>
        tpu.enqueue_dma source(%dma_start3A_381 : memref<2x128xi32, #tpu.memory_space<hbm>>) target(%dma_start3A_377 : memref<2x128xi32, #tpu.memory_space<vmem>>) target_semaphore(%dma_start3A_373 : memref<!tpu.dma_semaphore, #tpu.memory_space<semaphore_mem>>)
      } else {
      }
      %mul3A_186 = arith.constant 4 : i32
      %mul3A_187 = arith.muli %scan3A_133, %mul3A_186 : i32
      %add3A_188 = arith.constant 1 : i32
      %add3A_189 = arith.addi %mul3A_187, %add3A_188 : i32
      %ge3A_190 = arith.constant 1 : i32
      %ge3A_191 = arith.cmpi sge, %add3A_189, %ge3A_190 : i32
      %convert_element_type3A_192 = arith.extui %ge3A_191 : i1 to i32
      %cond3A_193 = arith.constant 0 : i32
      %cond3A_194 = arith.cmpi ne, %convert_element_type3A_192, %cond3A_193 : i32
      scf.if %cond3A_194 {
        %dma_wait3A_357 = arith.constant 0 : i32
        %dma_wait3A_358 = arith.constant 0 : i32
        %dma_wait3A_359 = arith.constant 1 : i32
        %dma_wait3A_360 = arith.constant 0 : i32
        %dma_wait3A_361 = arith.constant 0 : i32
        %dma_wait3A_362 = arith.constant 0 : i32
        %dma_wait3A_363 = tpu.memref_slice %arg7[%dma_wait3A_357, %dma_wait3A_361, %dma_wait3A_362] : memref<2x128x128xf32, #tpu.memory_space<vmem>> -> memref<1x128x128xf32, #tpu.memory_space<vmem>>
        %dma_wait3A_364 = tpu.memref_squeeze %dma_wait3A_363 : memref<1x128x128xf32, #tpu.memory_space<vmem>> -> memref<128x128xf32, #tpu.memory_space<vmem>>
        %dma_wait3A_365 = arith.constant 0 : i32
        %dma_wait3A_366 = tpu.memref_slice %arg6[%dma_wait3A_358, %dma_wait3A_359, %dma_wait3A_365] : memref<4x2x128xi32, #tpu.memory_space<vmem>> -> memref<1x1x128xi32, #tpu.memory_space<vmem>>
        %dma_wait3A_367 = tpu.memref_squeeze %dma_wait3A_366 : memref<1x1x128xi32, #tpu.memory_space<vmem>> -> memref<128xi32, #tpu.memory_space<vmem>>
        %dma_wait3A_368 = arith.constant 0 : i32
        %dma_wait3A_369 = arith.constant 0 : i32
        %dma_wait3A_370 = tpu.memref_slice %arg8[%dma_wait3A_368, %dma_wait3A_369] : memref<10112x128xf32, #tpu.memory_space<vmem_shared>> -> memref<10112x128xf32, #tpu.memory_space<vmem_shared>>
        %dma_wait3A_371 = tpu.memref_slice %arg11[%dma_wait3A_360] : memref<2x!tpu.dma_semaphore, #tpu.memory_space<semaphore_mem>> -> memref<1x!tpu.dma_semaphore, #tpu.memory_space<semaphore_mem>>
        %dma_wait3A_372 = tpu.memref_squeeze %dma_wait3A_371 : memref<1x!tpu.dma_semaphore, #tpu.memory_space<semaphore_mem>> -> memref<!tpu.dma_semaphore, #tpu.memory_space<semaphore_mem>>
        tpu.wait_indirect_dma semaphore(%dma_wait3A_372 : memref<!tpu.dma_semaphore, #tpu.memory_space<semaphore_mem>>) src(%dma_wait3A_364 : memref<128x128xf32, #tpu.memory_space<vmem>>) dst(%dma_wait3A_370 : memref<10112x128xf32, #tpu.memory_space<vmem_shared>>)
      } else {
      }
      %add3A_195 = arith.constant 1 : i32
      %add3A_196 = arith.addi %add3A_189, %add3A_195 : i32
      %lt3A_197 = arith.constant 80 : i32
      %lt3A_198 = arith.cmpi slt, %add3A_196, %lt3A_197 : i32
      %convert_element_type3A_199 = arith.extui %lt3A_198 : i1 to i32
      %cond3A_200 = arith.constant 0 : i32
      %cond3A_201 = arith.cmpi ne, %convert_element_type3A_199, %cond3A_200 : i32
      scf.if %cond3A_201 {
        %add3A_357 = arith.addi %mul3A_2, %add3A_189 : i32
        %add3A_358 = arith.constant 1 : i32
        %add3A_359 = arith.addi %add3A_357, %add3A_358 : i32
        %dma_wait3A_360 = arith.constant 2 : i32
        %dma_wait3A_361 = arith.constant 2 : i32
        %dma_wait3A_362 = arith.constant 0 : i32
        %dma_wait3A_363 = arith.constant 0 : i32
        %dma_wait3A_364 = tpu.memref_slice %arg6[%dma_wait3A_360, %dma_wait3A_362, %dma_wait3A_363] : memref<4x2x128xi32, #tpu.memory_space<vmem>> -> memref<1x2x128xi32, #tpu.memory_space<vmem>>
        %dma_wait3A_365 = tpu.memref_squeeze %dma_wait3A_364 : memref<1x2x128xi32, #tpu.memory_space<vmem>> -> memref<2x128xi32, #tpu.memory_space<vmem>>
        %dma_wait3A_366 = arith.constant 0 : i32
        %dma_wait3A_367 = arith.constant 0 : i32
        %dma_wait3A_368 = tpu.memref_slice %arg3[%add3A_359, %dma_wait3A_366, %dma_wait3A_367] : memref<2560x2x128xi32, #tpu.memory_space<hbm>> -> memref<1x2x128xi32, #tpu.memory_space<hbm>>
        %dma_wait3A_369 = tpu.memref_squeeze %dma_wait3A_368 : memref<1x2x128xi32, #tpu.memory_space<hbm>> -> memref<2x128xi32, #tpu.memory_space<hbm>>
        %dma_wait3A_370 = tpu.memref_slice %arg9[%dma_wait3A_361] : memref<4x!tpu.dma_semaphore, #tpu.memory_space<semaphore_mem>> -> memref<1x!tpu.dma_semaphore, #tpu.memory_space<semaphore_mem>>
        %dma_wait3A_371 = tpu.memref_squeeze %dma_wait3A_370 : memref<1x!tpu.dma_semaphore, #tpu.memory_space<semaphore_mem>> -> memref<!tpu.dma_semaphore, #tpu.memory_space<semaphore_mem>>
        %dma_wait3A_372 = arith.constant 0 : i32
        %dma_wait3A_373 = arith.constant 0 : i32
        %dma_wait3A_374 = tpu.memref_slice %arg6[%dma_wait3A_360, %dma_wait3A_372, %dma_wait3A_373] : memref<4x2x128xi32, #tpu.memory_space<vmem>> -> memref<1x2x128xi32, #tpu.memory_space<vmem>>
        %dma_wait3A_375 = tpu.memref_squeeze %dma_wait3A_374 : memref<1x2x128xi32, #tpu.memory_space<vmem>> -> memref<2x128xi32, #tpu.memory_space<vmem>>
        %dma_wait3A_376 = arith.constant 0 : i32
        %dma_wait3A_377 = arith.constant 0 : i32
        %dma_wait3A_378 = tpu.memref_slice %arg3[%add3A_359, %dma_wait3A_376, %dma_wait3A_377] : memref<2560x2x128xi32, #tpu.memory_space<hbm>> -> memref<1x2x128xi32, #tpu.memory_space<hbm>>
        %dma_wait3A_379 = tpu.memref_squeeze %dma_wait3A_378 : memref<1x2x128xi32, #tpu.memory_space<hbm>> -> memref<2x128xi32, #tpu.memory_space<hbm>>
        tpu.wait_dma2 semaphore(%dma_wait3A_371 : memref<!tpu.dma_semaphore, #tpu.memory_space<semaphore_mem>>) src(%dma_wait3A_379 : memref<2x128xi32, #tpu.memory_space<hbm>>) dst(%dma_wait3A_375 : memref<2x128xi32, #tpu.memory_space<vmem>>)
        %dma_start3A_380 = arith.constant 2 : i32
        %dma_start3A_381 = arith.constant 0 : i32
        %dma_start3A_382 = arith.constant 0 : i32
        %dma_start3A_383 = arith.constant 0 : i32
        %dma_start3A_384 = arith.constant 0 : i32
        %dma_start3A_385 = arith.constant 0 : i32
        %dma_start3A_386 = tpu.memref_slice %arg7[%dma_start3A_382, %dma_start3A_384, %dma_start3A_385] : memref<2x128x128xf32, #tpu.memory_space<vmem>> -> memref<1x128x128xf32, #tpu.memory_space<vmem>>
        %dma_start3A_387 = tpu.memref_squeeze %dma_start3A_386 : memref<1x128x128xf32, #tpu.memory_space<vmem>> -> memref<128x128xf32, #tpu.memory_space<vmem>>
        %dma_start3A_388 = arith.constant 0 : i32
        %dma_start3A_389 = tpu.memref_slice %arg6[%dma_start3A_380, %dma_start3A_381, %dma_start3A_388] : memref<4x2x128xi32, #tpu.memory_space<vmem>> -> memref<1x1x128xi32, #tpu.memory_space<vmem>>
        %dma_start3A_390 = tpu.memref_squeeze %dma_start3A_389 : memref<1x1x128xi32, #tpu.memory_space<vmem>> -> memref<128xi32, #tpu.memory_space<vmem>>
        %dma_start3A_391 = arith.constant 0 : i32
        %dma_start3A_392 = arith.constant 0 : i32
        %dma_start3A_393 = tpu.memref_slice %arg2[%dma_start3A_391, %dma_start3A_392] : memref<10000x128xf32, #tpu.memory_space<hbm>> -> memref<10000x128xf32, #tpu.memory_space<hbm>>
        %dma_start3A_394 = tpu.memref_slice %arg10[%dma_start3A_383] : memref<2x!tpu.dma_semaphore, #tpu.memory_space<semaphore_mem>> -> memref<1x!tpu.dma_semaphore, #tpu.memory_space<semaphore_mem>>
        %dma_start3A_395 = tpu.memref_squeeze %dma_start3A_394 : memref<1x!tpu.dma_semaphore, #tpu.memory_space<semaphore_mem>> -> memref<!tpu.dma_semaphore, #tpu.memory_space<semaphore_mem>>
        tpu.enqueue_indirect_dma source(%dma_start3A_393 : memref<10000x128xf32, #tpu.memory_space<hbm>>) target(%dma_start3A_387 : memref<128x128xf32, #tpu.memory_space<vmem>>) offsets(%dma_start3A_390 : memref<128xi32, #tpu.memory_space<vmem>>) semaphore(%dma_start3A_395 : memref<!tpu.dma_semaphore, #tpu.memory_space<semaphore_mem>>)
      } else {
      }
      %dma_wait3A_202 = arith.constant 1 : i32
      %dma_wait3A_203 = arith.constant 0 : i32
      %dma_wait3A_204 = arith.constant 1 : i32
      %dma_wait3A_205 = arith.constant 1 : i32
      %dma_wait3A_206 = arith.constant 0 : i32
      %dma_wait3A_207 = arith.constant 0 : i32
      %dma_wait3A_208 = tpu.memref_slice %arg7[%dma_wait3A_204, %dma_wait3A_206, %dma_wait3A_207] : memref<2x128x128xf32, #tpu.memory_space<vmem>> -> memref<1x128x128xf32, #tpu.memory_space<vmem>>
      %dma_wait3A_209 = tpu.memref_squeeze %dma_wait3A_208 : memref<1x128x128xf32, #tpu.memory_space<vmem>> -> memref<128x128xf32, #tpu.memory_space<vmem>>
      %dma_wait3A_210 = arith.constant 0 : i32
      %dma_wait3A_211 = tpu.memref_slice %arg6[%dma_wait3A_202, %dma_wait3A_203, %dma_wait3A_210] : memref<4x2x128xi32, #tpu.memory_space<vmem>> -> memref<1x1x128xi32, #tpu.memory_space<vmem>>
      %dma_wait3A_212 = tpu.memref_squeeze %dma_wait3A_211 : memref<1x1x128xi32, #tpu.memory_space<vmem>> -> memref<128xi32, #tpu.memory_space<vmem>>
      %dma_wait3A_213 = arith.constant 0 : i32
      %dma_wait3A_214 = arith.constant 0 : i32
      %dma_wait3A_215 = tpu.memref_slice %arg2[%dma_wait3A_213, %dma_wait3A_214] : memref<10000x128xf32, #tpu.memory_space<hbm>> -> memref<10000x128xf32, #tpu.memory_space<hbm>>
      %dma_wait3A_216 = tpu.memref_slice %arg10[%dma_wait3A_205] : memref<2x!tpu.dma_semaphore, #tpu.memory_space<semaphore_mem>> -> memref<1x!tpu.dma_semaphore, #tpu.memory_space<semaphore_mem>>
      %dma_wait3A_217 = tpu.memref_squeeze %dma_wait3A_216 : memref<1x!tpu.dma_semaphore, #tpu.memory_space<semaphore_mem>> -> memref<!tpu.dma_semaphore, #tpu.memory_space<semaphore_mem>>
      tpu.wait_indirect_dma semaphore(%dma_wait3A_217 : memref<!tpu.dma_semaphore, #tpu.memory_space<semaphore_mem>>) src(%dma_wait3A_215 : memref<10000x128xf32, #tpu.memory_space<hbm>>) dst(%dma_wait3A_209 : memref<128x128xf32, #tpu.memory_space<vmem>>)
      %dma_start3A_218 = arith.constant 1 : i32
      %dma_start3A_219 = arith.constant 1 : i32
      %dma_start3A_220 = arith.constant 1 : i32
      %dma_start3A_221 = arith.constant 1 : i32
      %dma_start3A_222 = arith.constant 0 : i32
      %dma_start3A_223 = arith.constant 0 : i32
      %dma_start3A_224 = tpu.memref_slice %arg7[%dma_start3A_218, %dma_start3A_222, %dma_start3A_223] : memref<2x128x128xf32, #tpu.memory_space<vmem>> -> memref<1x128x128xf32, #tpu.memory_space<vmem>>
      %dma_start3A_225 = tpu.memref_squeeze %dma_start3A_224 : memref<1x128x128xf32, #tpu.memory_space<vmem>> -> memref<128x128xf32, #tpu.memory_space<vmem>>
      %dma_start3A_226 = arith.constant 0 : i32
      %dma_start3A_227 = tpu.memref_slice %arg6[%dma_start3A_219, %dma_start3A_220, %dma_start3A_226] : memref<4x2x128xi32, #tpu.memory_space<vmem>> -> memref<1x1x128xi32, #tpu.memory_space<vmem>>
      %dma_start3A_228 = tpu.memref_squeeze %dma_start3A_227 : memref<1x1x128xi32, #tpu.memory_space<vmem>> -> memref<128xi32, #tpu.memory_space<vmem>>
      %dma_start3A_229 = arith.constant 0 : i32
      %dma_start3A_230 = arith.constant 0 : i32
      %dma_start3A_231 = tpu.memref_slice %arg8[%dma_start3A_229, %dma_start3A_230] : memref<10112x128xf32, #tpu.memory_space<vmem_shared>> -> memref<10112x128xf32, #tpu.memory_space<vmem_shared>>
      %dma_start3A_232 = tpu.memref_slice %arg11[%dma_start3A_221] : memref<2x!tpu.dma_semaphore, #tpu.memory_space<semaphore_mem>> -> memref<1x!tpu.dma_semaphore, #tpu.memory_space<semaphore_mem>>
      %dma_start3A_233 = tpu.memref_squeeze %dma_start3A_232 : memref<1x!tpu.dma_semaphore, #tpu.memory_space<semaphore_mem>> -> memref<!tpu.dma_semaphore, #tpu.memory_space<semaphore_mem>>
      tpu.enqueue_indirect_dma source(%dma_start3A_225 : memref<128x128xf32, #tpu.memory_space<vmem>>) target(%dma_start3A_231 : memref<10112x128xf32, #tpu.memory_space<vmem_shared>>) offsets(%dma_start3A_228 : memref<128xi32, #tpu.memory_space<vmem>>) semaphore(%dma_start3A_233 : memref<!tpu.dma_semaphore, #tpu.memory_space<semaphore_mem>>) {add = true}
      %add3A_234 = arith.constant 4 : i32
      %add3A_235 = arith.addi %add3A_189, %add3A_234 : i32
      %sub3A_236 = arith.constant 1 : i32
      %sub3A_237 = arith.subi %add3A_235, %sub3A_236 : i32
      %lt3A_238 = arith.constant 80 : i32
      %lt3A_239 = arith.cmpi slt, %sub3A_237, %lt3A_238 : i32
      %convert_element_type3A_240 = arith.extui %lt3A_239 : i1 to i32
      %cond3A_241 = arith.constant 0 : i32
      %cond3A_242 = arith.cmpi ne, %convert_element_type3A_240, %cond3A_241 : i32
      scf.if %cond3A_242 {
        %add3A_357 = arith.addi %mul3A_2, %add3A_189 : i32
        %add3A_358 = arith.constant 4 : i32
        %add3A_359 = arith.addi %add3A_357, %add3A_358 : i32
        %sub3A_360 = arith.constant 1 : i32
        %sub3A_361 = arith.subi %add3A_359, %sub3A_360 : i32
        %dma_start3A_362 = arith.constant 0 : i32
        %dma_start3A_363 = arith.constant 0 : i32
        %dma_start3A_364 = arith.constant 0 : i32
        %dma_start3A_365 = arith.constant 0 : i32
        %dma_start3A_366 = tpu.memref_slice %arg6[%dma_start3A_362, %dma_start3A_364, %dma_start3A_365] : memref<4x2x128xi32, #tpu.memory_space<vmem>> -> memref<1x2x128xi32, #tpu.memory_space<vmem>>
        %dma_start3A_367 = tpu.memref_squeeze %dma_start3A_366 : memref<1x2x128xi32, #tpu.memory_space<vmem>> -> memref<2x128xi32, #tpu.memory_space<vmem>>
        %dma_start3A_368 = arith.constant 0 : i32
        %dma_start3A_369 = arith.constant 0 : i32
        %dma_start3A_370 = tpu.memref_slice %arg3[%sub3A_361, %dma_start3A_368, %dma_start3A_369] : memref<2560x2x128xi32, #tpu.memory_space<hbm>> -> memref<1x2x128xi32, #tpu.memory_space<hbm>>
        %dma_start3A_371 = tpu.memref_squeeze %dma_start3A_370 : memref<1x2x128xi32, #tpu.memory_space<hbm>> -> memref<2x128xi32, #tpu.memory_space<hbm>>
        %dma_start3A_372 = tpu.memref_slice %arg9[%dma_start3A_363] : memref<4x!tpu.dma_semaphore, #tpu.memory_space<semaphore_mem>> -> memref<1x!tpu.dma_semaphore, #tpu.memory_space<semaphore_mem>>
        %dma_start3A_373 = tpu.memref_squeeze %dma_start3A_372 : memref<1x!tpu.dma_semaphore, #tpu.memory_space<semaphore_mem>> -> memref<!tpu.dma_semaphore, #tpu.memory_space<semaphore_mem>>
        %dma_start3A_374 = arith.constant 0 : i32
        %dma_start3A_375 = arith.constant 0 : i32
        %dma_start3A_376 = tpu.memref_slice %arg6[%dma_start3A_362, %dma_start3A_374, %dma_start3A_375] : memref<4x2x128xi32, #tpu.memory_space<vmem>> -> memref<1x2x128xi32, #tpu.memory_space<vmem>>
        %dma_start3A_377 = tpu.memref_squeeze %dma_start3A_376 : memref<1x2x128xi32, #tpu.memory_space<vmem>> -> memref<2x128xi32, #tpu.memory_space<vmem>>
        %dma_start3A_378 = arith.constant 0 : i32
        %dma_start3A_379 = arith.constant 0 : i32
        %dma_start3A_380 = tpu.memref_slice %arg3[%sub3A_361, %dma_start3A_378, %dma_start3A_379] : memref<2560x2x128xi32, #tpu.memory_space<hbm>> -> memref<1x2x128xi32, #tpu.memory_space<hbm>>
        %dma_start3A_381 = tpu.memref_squeeze %dma_start3A_380 : memref<1x2x128xi32, #tpu.memory_space<hbm>> -> memref<2x128xi32, #tpu.memory_space<hbm>>
        tpu.enqueue_dma source(%dma_start3A_381 : memref<2x128xi32, #tpu.memory_space<hbm>>) target(%dma_start3A_377 : memref<2x128xi32, #tpu.memory_space<vmem>>) target_semaphore(%dma_start3A_373 : memref<!tpu.dma_semaphore, #tpu.memory_space<semaphore_mem>>)
      } else {
      }
      %mul3A_243 = arith.constant 4 : i32
      %mul3A_244 = arith.muli %scan3A_133, %mul3A_243 : i32
      %add3A_245 = arith.constant 2 : i32
      %add3A_246 = arith.addi %mul3A_244, %add3A_245 : i32
      %ge3A_247 = arith.constant 1 : i32
      %ge3A_248 = arith.cmpi sge, %add3A_246, %ge3A_247 : i32
      %convert_element_type3A_249 = arith.extui %ge3A_248 : i1 to i32
      %cond3A_250 = arith.constant 0 : i32
      %cond3A_251 = arith.cmpi ne, %convert_element_type3A_249, %cond3A_250 : i32
      scf.if %cond3A_251 {
        %dma_wait3A_357 = arith.constant 1 : i32
        %dma_wait3A_358 = arith.constant 1 : i32
        %dma_wait3A_359 = arith.constant 1 : i32
        %dma_wait3A_360 = arith.constant 1 : i32
        %dma_wait3A_361 = arith.constant 0 : i32
        %dma_wait3A_362 = arith.constant 0 : i32
        %dma_wait3A_363 = tpu.memref_slice %arg7[%dma_wait3A_357, %dma_wait3A_361, %dma_wait3A_362] : memref<2x128x128xf32, #tpu.memory_space<vmem>> -> memref<1x128x128xf32, #tpu.memory_space<vmem>>
        %dma_wait3A_364 = tpu.memref_squeeze %dma_wait3A_363 : memref<1x128x128xf32, #tpu.memory_space<vmem>> -> memref<128x128xf32, #tpu.memory_space<vmem>>
        %dma_wait3A_365 = arith.constant 0 : i32
        %dma_wait3A_366 = tpu.memref_slice %arg6[%dma_wait3A_358, %dma_wait3A_359, %dma_wait3A_365] : memref<4x2x128xi32, #tpu.memory_space<vmem>> -> memref<1x1x128xi32, #tpu.memory_space<vmem>>
        %dma_wait3A_367 = tpu.memref_squeeze %dma_wait3A_366 : memref<1x1x128xi32, #tpu.memory_space<vmem>> -> memref<128xi32, #tpu.memory_space<vmem>>
        %dma_wait3A_368 = arith.constant 0 : i32
        %dma_wait3A_369 = arith.constant 0 : i32
        %dma_wait3A_370 = tpu.memref_slice %arg8[%dma_wait3A_368, %dma_wait3A_369] : memref<10112x128xf32, #tpu.memory_space<vmem_shared>> -> memref<10112x128xf32, #tpu.memory_space<vmem_shared>>
        %dma_wait3A_371 = tpu.memref_slice %arg11[%dma_wait3A_360] : memref<2x!tpu.dma_semaphore, #tpu.memory_space<semaphore_mem>> -> memref<1x!tpu.dma_semaphore, #tpu.memory_space<semaphore_mem>>
        %dma_wait3A_372 = tpu.memref_squeeze %dma_wait3A_371 : memref<1x!tpu.dma_semaphore, #tpu.memory_space<semaphore_mem>> -> memref<!tpu.dma_semaphore, #tpu.memory_space<semaphore_mem>>
        tpu.wait_indirect_dma semaphore(%dma_wait3A_372 : memref<!tpu.dma_semaphore, #tpu.memory_space<semaphore_mem>>) src(%dma_wait3A_364 : memref<128x128xf32, #tpu.memory_space<vmem>>) dst(%dma_wait3A_370 : memref<10112x128xf32, #tpu.memory_space<vmem_shared>>)
      } else {
      }
      %add3A_252 = arith.constant 1 : i32
      %add3A_253 = arith.addi %add3A_246, %add3A_252 : i32
      %lt3A_254 = arith.constant 80 : i32
      %lt3A_255 = arith.cmpi slt, %add3A_253, %lt3A_254 : i32
      %convert_element_type3A_256 = arith.extui %lt3A_255 : i1 to i32
      %cond3A_257 = arith.constant 0 : i32
      %cond3A_258 = arith.cmpi ne, %convert_element_type3A_256, %cond3A_257 : i32
      scf.if %cond3A_258 {
        %add3A_357 = arith.addi %mul3A_2, %add3A_246 : i32
        %add3A_358 = arith.constant 1 : i32
        %add3A_359 = arith.addi %add3A_357, %add3A_358 : i32
        %dma_wait3A_360 = arith.constant 3 : i32
        %dma_wait3A_361 = arith.constant 3 : i32
        %dma_wait3A_362 = arith.constant 0 : i32
        %dma_wait3A_363 = arith.constant 0 : i32
        %dma_wait3A_364 = tpu.memref_slice %arg6[%dma_wait3A_360, %dma_wait3A_362, %dma_wait3A_363] : memref<4x2x128xi32, #tpu.memory_space<vmem>> -> memref<1x2x128xi32, #tpu.memory_space<vmem>>
        %dma_wait3A_365 = tpu.memref_squeeze %dma_wait3A_364 : memref<1x2x128xi32, #tpu.memory_space<vmem>> -> memref<2x128xi32, #tpu.memory_space<vmem>>
        %dma_wait3A_366 = arith.constant 0 : i32
        %dma_wait3A_367 = arith.constant 0 : i32
        %dma_wait3A_368 = tpu.memref_slice %arg3[%add3A_359, %dma_wait3A_366, %dma_wait3A_367] : memref<2560x2x128xi32, #tpu.memory_space<hbm>> -> memref<1x2x128xi32, #tpu.memory_space<hbm>>
        %dma_wait3A_369 = tpu.memref_squeeze %dma_wait3A_368 : memref<1x2x128xi32, #tpu.memory_space<hbm>> -> memref<2x128xi32, #tpu.memory_space<hbm>>
        %dma_wait3A_370 = tpu.memref_slice %arg9[%dma_wait3A_361] : memref<4x!tpu.dma_semaphore, #tpu.memory_space<semaphore_mem>> -> memref<1x!tpu.dma_semaphore, #tpu.memory_space<semaphore_mem>>
        %dma_wait3A_371 = tpu.memref_squeeze %dma_wait3A_370 : memref<1x!tpu.dma_semaphore, #tpu.memory_space<semaphore_mem>> -> memref<!tpu.dma_semaphore, #tpu.memory_space<semaphore_mem>>
        %dma_wait3A_372 = arith.constant 0 : i32
        %dma_wait3A_373 = arith.constant 0 : i32
        %dma_wait3A_374 = tpu.memref_slice %arg6[%dma_wait3A_360, %dma_wait3A_372, %dma_wait3A_373] : memref<4x2x128xi32, #tpu.memory_space<vmem>> -> memref<1x2x128xi32, #tpu.memory_space<vmem>>
        %dma_wait3A_375 = tpu.memref_squeeze %dma_wait3A_374 : memref<1x2x128xi32, #tpu.memory_space<vmem>> -> memref<2x128xi32, #tpu.memory_space<vmem>>
        %dma_wait3A_376 = arith.constant 0 : i32
        %dma_wait3A_377 = arith.constant 0 : i32
        %dma_wait3A_378 = tpu.memref_slice %arg3[%add3A_359, %dma_wait3A_376, %dma_wait3A_377] : memref<2560x2x128xi32, #tpu.memory_space<hbm>> -> memref<1x2x128xi32, #tpu.memory_space<hbm>>
        %dma_wait3A_379 = tpu.memref_squeeze %dma_wait3A_378 : memref<1x2x128xi32, #tpu.memory_space<hbm>> -> memref<2x128xi32, #tpu.memory_space<hbm>>
        tpu.wait_dma2 semaphore(%dma_wait3A_371 : memref<!tpu.dma_semaphore, #tpu.memory_space<semaphore_mem>>) src(%dma_wait3A_379 : memref<2x128xi32, #tpu.memory_space<hbm>>) dst(%dma_wait3A_375 : memref<2x128xi32, #tpu.memory_space<vmem>>)
        %dma_start3A_380 = arith.constant 3 : i32
        %dma_start3A_381 = arith.constant 0 : i32
        %dma_start3A_382 = arith.constant 1 : i32
        %dma_start3A_383 = arith.constant 1 : i32
        %dma_start3A_384 = arith.constant 0 : i32
        %dma_start3A_385 = arith.constant 0 : i32
        %dma_start3A_386 = tpu.memref_slice %arg7[%dma_start3A_382, %dma_start3A_384, %dma_start3A_385] : memref<2x128x128xf32, #tpu.memory_space<vmem>> -> memref<1x128x128xf32, #tpu.memory_space<vmem>>
        %dma_start3A_387 = tpu.memref_squeeze %dma_start3A_386 : memref<1x128x128xf32, #tpu.memory_space<vmem>> -> memref<128x128xf32, #tpu.memory_space<vmem>>
        %dma_start3A_388 = arith.constant 0 : i32
        %dma_start3A_389 = tpu.memref_slice %arg6[%dma_start3A_380, %dma_start3A_381, %dma_start3A_388] : memref<4x2x128xi32, #tpu.memory_space<vmem>> -> memref<1x1x128xi32, #tpu.memory_space<vmem>>
        %dma_start3A_390 = tpu.memref_squeeze %dma_start3A_389 : memref<1x1x128xi32, #tpu.memory_space<vmem>> -> memref<128xi32, #tpu.memory_space<vmem>>
        %dma_start3A_391 = arith.constant 0 : i32
        %dma_start3A_392 = arith.constant 0 : i32
        %dma_start3A_393 = tpu.memref_slice %arg2[%dma_start3A_391, %dma_start3A_392] : memref<10000x128xf32, #tpu.memory_space<hbm>> -> memref<10000x128xf32, #tpu.memory_space<hbm>>
        %dma_start3A_394 = tpu.memref_slice %arg10[%dma_start3A_383] : memref<2x!tpu.dma_semaphore, #tpu.memory_space<semaphore_mem>> -> memref<1x!tpu.dma_semaphore, #tpu.memory_space<semaphore_mem>>
        %dma_start3A_395 = tpu.memref_squeeze %dma_start3A_394 : memref<1x!tpu.dma_semaphore, #tpu.memory_space<semaphore_mem>> -> memref<!tpu.dma_semaphore, #tpu.memory_space<semaphore_mem>>
        tpu.enqueue_indirect_dma source(%dma_start3A_393 : memref<10000x128xf32, #tpu.memory_space<hbm>>) target(%dma_start3A_387 : memref<128x128xf32, #tpu.memory_space<vmem>>) offsets(%dma_start3A_390 : memref<128xi32, #tpu.memory_space<vmem>>) semaphore(%dma_start3A_395 : memref<!tpu.dma_semaphore, #tpu.memory_space<semaphore_mem>>)
      } else {
      }
      %dma_wait3A_259 = arith.constant 2 : i32
      %dma_wait3A_260 = arith.constant 0 : i32
      %dma_wait3A_261 = arith.constant 0 : i32
      %dma_wait3A_262 = arith.constant 0 : i32
      %dma_wait3A_263 = arith.constant 0 : i32
      %dma_wait3A_264 = arith.constant 0 : i32
      %dma_wait3A_265 = tpu.memref_slice %arg7[%dma_wait3A_261, %dma_wait3A_263, %dma_wait3A_264] : memref<2x128x128xf32, #tpu.memory_space<vmem>> -> memref<1x128x128xf32, #tpu.memory_space<vmem>>
      %dma_wait3A_266 = tpu.memref_squeeze %dma_wait3A_265 : memref<1x128x128xf32, #tpu.memory_space<vmem>> -> memref<128x128xf32, #tpu.memory_space<vmem>>
      %dma_wait3A_267 = arith.constant 0 : i32
      %dma_wait3A_268 = tpu.memref_slice %arg6[%dma_wait3A_259, %dma_wait3A_260, %dma_wait3A_267] : memref<4x2x128xi32, #tpu.memory_space<vmem>> -> memref<1x1x128xi32, #tpu.memory_space<vmem>>
      %dma_wait3A_269 = tpu.memref_squeeze %dma_wait3A_268 : memref<1x1x128xi32, #tpu.memory_space<vmem>> -> memref<128xi32, #tpu.memory_space<vmem>>
      %dma_wait3A_270 = arith.constant 0 : i32
      %dma_wait3A_271 = arith.constant 0 : i32
      %dma_wait3A_272 = tpu.memref_slice %arg2[%dma_wait3A_270, %dma_wait3A_271] : memref<10000x128xf32, #tpu.memory_space<hbm>> -> memref<10000x128xf32, #tpu.memory_space<hbm>>
      %dma_wait3A_273 = tpu.memref_slice %arg10[%dma_wait3A_262] : memref<2x!tpu.dma_semaphore, #tpu.memory_space<semaphore_mem>> -> memref<1x!tpu.dma_semaphore, #tpu.memory_space<semaphore_mem>>
      %dma_wait3A_274 = tpu.memref_squeeze %dma_wait3A_273 : memref<1x!tpu.dma_semaphore, #tpu.memory_space<semaphore_mem>> -> memref<!tpu.dma_semaphore, #tpu.memory_space<semaphore_mem>>
      tpu.wait_indirect_dma semaphore(%dma_wait3A_274 : memref<!tpu.dma_semaphore, #tpu.memory_space<semaphore_mem>>) src(%dma_wait3A_272 : memref<10000x128xf32, #tpu.memory_space<hbm>>) dst(%dma_wait3A_266 : memref<128x128xf32, #tpu.memory_space<vmem>>)
      %dma_start3A_275 = arith.constant 0 : i32
      %dma_start3A_276 = arith.constant 2 : i32
      %dma_start3A_277 = arith.constant 1 : i32
      %dma_start3A_278 = arith.constant 0 : i32
      %dma_start3A_279 = arith.constant 0 : i32
      %dma_start3A_280 = arith.constant 0 : i32
      %dma_start3A_281 = tpu.memref_slice %arg7[%dma_start3A_275, %dma_start3A_279, %dma_start3A_280] : memref<2x128x128xf32, #tpu.memory_space<vmem>> -> memref<1x128x128xf32, #tpu.memory_space<vmem>>
      %dma_start3A_282 = tpu.memref_squeeze %dma_start3A_281 : memref<1x128x128xf32, #tpu.memory_space<vmem>> -> memref<128x128xf32, #tpu.memory_space<vmem>>
      %dma_start3A_283 = arith.constant 0 : i32
      %dma_start3A_284 = tpu.memref_slice %arg6[%dma_start3A_276, %dma_start3A_277, %dma_start3A_283] : memref<4x2x128xi32, #tpu.memory_space<vmem>> -> memref<1x1x128xi32, #tpu.memory_space<vmem>>
      %dma_start3A_285 = tpu.memref_squeeze %dma_start3A_284 : memref<1x1x128xi32, #tpu.memory_space<vmem>> -> memref<128xi32, #tpu.memory_space<vmem>>
      %dma_start3A_286 = arith.constant 0 : i32
      %dma_start3A_287 = arith.constant 0 : i32
      %dma_start3A_288 = tpu.memref_slice %arg8[%dma_start3A_286, %dma_start3A_287] : memref<10112x128xf32, #tpu.memory_space<vmem_shared>> -> memref<10112x128xf32, #tpu.memory_space<vmem_shared>>
      %dma_start3A_289 = tpu.memref_slice %arg11[%dma_start3A_278] : memref<2x!tpu.dma_semaphore, #tpu.memory_space<semaphore_mem>> -> memref<1x!tpu.dma_semaphore, #tpu.memory_space<semaphore_mem>>
      %dma_start3A_290 = tpu.memref_squeeze %dma_start3A_289 : memref<1x!tpu.dma_semaphore, #tpu.memory_space<semaphore_mem>> -> memref<!tpu.dma_semaphore, #tpu.memory_space<semaphore_mem>>
      tpu.enqueue_indirect_dma source(%dma_start3A_282 : memref<128x128xf32, #tpu.memory_space<vmem>>) target(%dma_start3A_288 : memref<10112x128xf32, #tpu.memory_space<vmem_shared>>) offsets(%dma_start3A_285 : memref<128xi32, #tpu.memory_space<vmem>>) semaphore(%dma_start3A_290 : memref<!tpu.dma_semaphore, #tpu.memory_space<semaphore_mem>>) {add = true}
      %add3A_291 = arith.constant 4 : i32
      %add3A_292 = arith.addi %add3A_246, %add3A_291 : i32
      %sub3A_293 = arith.constant 1 : i32
      %sub3A_294 = arith.subi %add3A_292, %sub3A_293 : i32
      %lt3A_295 = arith.constant 80 : i32
      %lt3A_296 = arith.cmpi slt, %sub3A_294, %lt3A_295 : i32
      %convert_element_type3A_297 = arith.extui %lt3A_296 : i1 to i32
      %cond3A_298 = arith.constant 0 : i32
      %cond3A_299 = arith.cmpi ne, %convert_element_type3A_297, %cond3A_298 : i32
      scf.if %cond3A_299 {
        %add3A_357 = arith.addi %mul3A_2, %add3A_246 : i32
        %add3A_358 = arith.constant 4 : i32
        %add3A_359 = arith.addi %add3A_357, %add3A_358 : i32
        %sub3A_360 = arith.constant 1 : i32
        %sub3A_361 = arith.subi %add3A_359, %sub3A_360 : i32
        %dma_start3A_362 = arith.constant 1 : i32
        %dma_start3A_363 = arith.constant 1 : i32
        %dma_start3A_364 = arith.constant 0 : i32
        %dma_start3A_365 = arith.constant 0 : i32
        %dma_start3A_366 = tpu.memref_slice %arg6[%dma_start3A_362, %dma_start3A_364, %dma_start3A_365] : memref<4x2x128xi32, #tpu.memory_space<vmem>> -> memref<1x2x128xi32, #tpu.memory_space<vmem>>
        %dma_start3A_367 = tpu.memref_squeeze %dma_start3A_366 : memref<1x2x128xi32, #tpu.memory_space<vmem>> -> memref<2x128xi32, #tpu.memory_space<vmem>>
        %dma_start3A_368 = arith.constant 0 : i32
        %dma_start3A_369 = arith.constant 0 : i32
        %dma_start3A_370 = tpu.memref_slice %arg3[%sub3A_361, %dma_start3A_368, %dma_start3A_369] : memref<2560x2x128xi32, #tpu.memory_space<hbm>> -> memref<1x2x128xi32, #tpu.memory_space<hbm>>
        %dma_start3A_371 = tpu.memref_squeeze %dma_start3A_370 : memref<1x2x128xi32, #tpu.memory_space<hbm>> -> memref<2x128xi32, #tpu.memory_space<hbm>>
        %dma_start3A_372 = tpu.memref_slice %arg9[%dma_start3A_363] : memref<4x!tpu.dma_semaphore, #tpu.memory_space<semaphore_mem>> -> memref<1x!tpu.dma_semaphore, #tpu.memory_space<semaphore_mem>>
        %dma_start3A_373 = tpu.memref_squeeze %dma_start3A_372 : memref<1x!tpu.dma_semaphore, #tpu.memory_space<semaphore_mem>> -> memref<!tpu.dma_semaphore, #tpu.memory_space<semaphore_mem>>
        %dma_start3A_374 = arith.constant 0 : i32
        %dma_start3A_375 = arith.constant 0 : i32
        %dma_start3A_376 = tpu.memref_slice %arg6[%dma_start3A_362, %dma_start3A_374, %dma_start3A_375] : memref<4x2x128xi32, #tpu.memory_space<vmem>> -> memref<1x2x128xi32, #tpu.memory_space<vmem>>
        %dma_start3A_377 = tpu.memref_squeeze %dma_start3A_376 : memref<1x2x128xi32, #tpu.memory_space<vmem>> -> memref<2x128xi32, #tpu.memory_space<vmem>>
        %dma_start3A_378 = arith.constant 0 : i32
        %dma_start3A_379 = arith.constant 0 : i32
        %dma_start3A_380 = tpu.memref_slice %arg3[%sub3A_361, %dma_start3A_378, %dma_start3A_379] : memref<2560x2x128xi32, #tpu.memory_space<hbm>> -> memref<1x2x128xi32, #tpu.memory_space<hbm>>
        %dma_start3A_381 = tpu.memref_squeeze %dma_start3A_380 : memref<1x2x128xi32, #tpu.memory_space<hbm>> -> memref<2x128xi32, #tpu.memory_space<hbm>>
        tpu.enqueue_dma source(%dma_start3A_381 : memref<2x128xi32, #tpu.memory_space<hbm>>) target(%dma_start3A_377 : memref<2x128xi32, #tpu.memory_space<vmem>>) target_semaphore(%dma_start3A_373 : memref<!tpu.dma_semaphore, #tpu.memory_space<semaphore_mem>>)
      } else {
      }
      %mul3A_300 = arith.constant 4 : i32
      %mul3A_301 = arith.muli %scan3A_133, %mul3A_300 : i32
      %add3A_302 = arith.constant 3 : i32
      %add3A_303 = arith.addi %mul3A_301, %add3A_302 : i32
      %ge3A_304 = arith.constant 1 : i32
      %ge3A_305 = arith.cmpi sge, %add3A_303, %ge3A_304 : i32
      %convert_element_type3A_306 = arith.extui %ge3A_305 : i1 to i32
      %cond3A_307 = arith.constant 0 : i32
      %cond3A_308 = arith.cmpi ne, %convert_element_type3A_306, %cond3A_307 : i32
      scf.if %cond3A_308 {
        %dma_wait3A_357 = arith.constant 0 : i32
        %dma_wait3A_358 = arith.constant 2 : i32
        %dma_wait3A_359 = arith.constant 1 : i32
        %dma_wait3A_360 = arith.constant 0 : i32
        %dma_wait3A_361 = arith.constant 0 : i32
        %dma_wait3A_362 = arith.constant 0 : i32
        %dma_wait3A_363 = tpu.memref_slice %arg7[%dma_wait3A_357, %dma_wait3A_361, %dma_wait3A_362] : memref<2x128x128xf32, #tpu.memory_space<vmem>> -> memref<1x128x128xf32, #tpu.memory_space<vmem>>
        %dma_wait3A_364 = tpu.memref_squeeze %dma_wait3A_363 : memref<1x128x128xf32, #tpu.memory_space<vmem>> -> memref<128x128xf32, #tpu.memory_space<vmem>>
        %dma_wait3A_365 = arith.constant 0 : i32
        %dma_wait3A_366 = tpu.memref_slice %arg6[%dma_wait3A_358, %dma_wait3A_359, %dma_wait3A_365] : memref<4x2x128xi32, #tpu.memory_space<vmem>> -> memref<1x1x128xi32, #tpu.memory_space<vmem>>
        %dma_wait3A_367 = tpu.memref_squeeze %dma_wait3A_366 : memref<1x1x128xi32, #tpu.memory_space<vmem>> -> memref<128xi32, #tpu.memory_space<vmem>>
        %dma_wait3A_368 = arith.constant 0 : i32
        %dma_wait3A_369 = arith.constant 0 : i32
        %dma_wait3A_370 = tpu.memref_slice %arg8[%dma_wait3A_368, %dma_wait3A_369] : memref<10112x128xf32, #tpu.memory_space<vmem_shared>> -> memref<10112x128xf32, #tpu.memory_space<vmem_shared>>
        %dma_wait3A_371 = tpu.memref_slice %arg11[%dma_wait3A_360] : memref<2x!tpu.dma_semaphore, #tpu.memory_space<semaphore_mem>> -> memref<1x!tpu.dma_semaphore, #tpu.memory_space<semaphore_mem>>
        %dma_wait3A_372 = tpu.memref_squeeze %dma_wait3A_371 : memref<1x!tpu.dma_semaphore, #tpu.memory_space<semaphore_mem>> -> memref<!tpu.dma_semaphore, #tpu.memory_space<semaphore_mem>>
        tpu.wait_indirect_dma semaphore(%dma_wait3A_372 : memref<!tpu.dma_semaphore, #tpu.memory_space<semaphore_mem>>) src(%dma_wait3A_364 : memref<128x128xf32, #tpu.memory_space<vmem>>) dst(%dma_wait3A_370 : memref<10112x128xf32, #tpu.memory_space<vmem_shared>>)
      } else {
      }
      %add3A_309 = arith.constant 1 : i32
      %add3A_310 = arith.addi %add3A_303, %add3A_309 : i32
      %lt3A_311 = arith.constant 80 : i32
      %lt3A_312 = arith.cmpi slt, %add3A_310, %lt3A_311 : i32
      %convert_element_type3A_313 = arith.extui %lt3A_312 : i1 to i32
      %cond3A_314 = arith.constant 0 : i32
      %cond3A_315 = arith.cmpi ne, %convert_element_type3A_313, %cond3A_314 : i32
      scf.if %cond3A_315 {
        %add3A_357 = arith.addi %mul3A_2, %add3A_303 : i32
        %add3A_358 = arith.constant 1 : i32
        %add3A_359 = arith.addi %add3A_357, %add3A_358 : i32
        %dma_wait3A_360 = arith.constant 0 : i32
        %dma_wait3A_361 = arith.constant 0 : i32
        %dma_wait3A_362 = arith.constant 0 : i32
        %dma_wait3A_363 = arith.constant 0 : i32
        %dma_wait3A_364 = tpu.memref_slice %arg6[%dma_wait3A_360, %dma_wait3A_362, %dma_wait3A_363] : memref<4x2x128xi32, #tpu.memory_space<vmem>> -> memref<1x2x128xi32, #tpu.memory_space<vmem>>
        %dma_wait3A_365 = tpu.memref_squeeze %dma_wait3A_364 : memref<1x2x128xi32, #tpu.memory_space<vmem>> -> memref<2x128xi32, #tpu.memory_space<vmem>>
        %dma_wait3A_366 = arith.constant 0 : i32
        %dma_wait3A_367 = arith.constant 0 : i32
        %dma_wait3A_368 = tpu.memref_slice %arg3[%add3A_359, %dma_wait3A_366, %dma_wait3A_367] : memref<2560x2x128xi32, #tpu.memory_space<hbm>> -> memref<1x2x128xi32, #tpu.memory_space<hbm>>
        %dma_wait3A_369 = tpu.memref_squeeze %dma_wait3A_368 : memref<1x2x128xi32, #tpu.memory_space<hbm>> -> memref<2x128xi32, #tpu.memory_space<hbm>>
        %dma_wait3A_370 = tpu.memref_slice %arg9[%dma_wait3A_361] : memref<4x!tpu.dma_semaphore, #tpu.memory_space<semaphore_mem>> -> memref<1x!tpu.dma_semaphore, #tpu.memory_space<semaphore_mem>>
        %dma_wait3A_371 = tpu.memref_squeeze %dma_wait3A_370 : memref<1x!tpu.dma_semaphore, #tpu.memory_space<semaphore_mem>> -> memref<!tpu.dma_semaphore, #tpu.memory_space<semaphore_mem>>
        %dma_wait3A_372 = arith.constant 0 : i32
        %dma_wait3A_373 = arith.constant 0 : i32
        %dma_wait3A_374 = tpu.memref_slice %arg6[%dma_wait3A_360, %dma_wait3A_372, %dma_wait3A_373] : memref<4x2x128xi32, #tpu.memory_space<vmem>> -> memref<1x2x128xi32, #tpu.memory_space<vmem>>
        %dma_wait3A_375 = tpu.memref_squeeze %dma_wait3A_374 : memref<1x2x128xi32, #tpu.memory_space<vmem>> -> memref<2x128xi32, #tpu.memory_space<vmem>>
        %dma_wait3A_376 = arith.constant 0 : i32
        %dma_wait3A_377 = arith.constant 0 : i32
        %dma_wait3A_378 = tpu.memref_slice %arg3[%add3A_359, %dma_wait3A_376, %dma_wait3A_377] : memref<2560x2x128xi32, #tpu.memory_space<hbm>> -> memref<1x2x128xi32, #tpu.memory_space<hbm>>
        %dma_wait3A_379 = tpu.memref_squeeze %dma_wait3A_378 : memref<1x2x128xi32, #tpu.memory_space<hbm>> -> memref<2x128xi32, #tpu.memory_space<hbm>>
        tpu.wait_dma2 semaphore(%dma_wait3A_371 : memref<!tpu.dma_semaphore, #tpu.memory_space<semaphore_mem>>) src(%dma_wait3A_379 : memref<2x128xi32, #tpu.memory_space<hbm>>) dst(%dma_wait3A_375 : memref<2x128xi32, #tpu.memory_space<vmem>>)
        %dma_start3A_380 = arith.constant 0 : i32
        %dma_start3A_381 = arith.constant 0 : i32
        %dma_start3A_382 = arith.constant 0 : i32
        %dma_start3A_383 = arith.constant 0 : i32
        %dma_start3A_384 = arith.constant 0 : i32
        %dma_start3A_385 = arith.constant 0 : i32
        %dma_start3A_386 = tpu.memref_slice %arg7[%dma_start3A_382, %dma_start3A_384, %dma_start3A_385] : memref<2x128x128xf32, #tpu.memory_space<vmem>> -> memref<1x128x128xf32, #tpu.memory_space<vmem>>
        %dma_start3A_387 = tpu.memref_squeeze %dma_start3A_386 : memref<1x128x128xf32, #tpu.memory_space<vmem>> -> memref<128x128xf32, #tpu.memory_space<vmem>>
        %dma_start3A_388 = arith.constant 0 : i32
        %dma_start3A_389 = tpu.memref_slice %arg6[%dma_start3A_380, %dma_start3A_381, %dma_start3A_388] : memref<4x2x128xi32, #tpu.memory_space<vmem>> -> memref<1x1x128xi32, #tpu.memory_space<vmem>>
        %dma_start3A_390 = tpu.memref_squeeze %dma_start3A_389 : memref<1x1x128xi32, #tpu.memory_space<vmem>> -> memref<128xi32, #tpu.memory_space<vmem>>
        %dma_start3A_391 = arith.constant 0 : i32
        %dma_start3A_392 = arith.constant 0 : i32
        %dma_start3A_393 = tpu.memref_slice %arg2[%dma_start3A_391, %dma_start3A_392] : memref<10000x128xf32, #tpu.memory_space<hbm>> -> memref<10000x128xf32, #tpu.memory_space<hbm>>
        %dma_start3A_394 = tpu.memref_slice %arg10[%dma_start3A_383] : memref<2x!tpu.dma_semaphore, #tpu.memory_space<semaphore_mem>> -> memref<1x!tpu.dma_semaphore, #tpu.memory_space<semaphore_mem>>
        %dma_start3A_395 = tpu.memref_squeeze %dma_start3A_394 : memref<1x!tpu.dma_semaphore, #tpu.memory_space<semaphore_mem>> -> memref<!tpu.dma_semaphore, #tpu.memory_space<semaphore_mem>>
        tpu.enqueue_indirect_dma source(%dma_start3A_393 : memref<10000x128xf32, #tpu.memory_space<hbm>>) target(%dma_start3A_387 : memref<128x128xf32, #tpu.memory_space<vmem>>) offsets(%dma_start3A_390 : memref<128xi32, #tpu.memory_space<vmem>>) semaphore(%dma_start3A_395 : memref<!tpu.dma_semaphore, #tpu.memory_space<semaphore_mem>>)
      } else {
      }
      %dma_wait3A_316 = arith.constant 3 : i32
      %dma_wait3A_317 = arith.constant 0 : i32
      %dma_wait3A_318 = arith.constant 1 : i32
      %dma_wait3A_319 = arith.constant 1 : i32
      %dma_wait3A_320 = arith.constant 0 : i32
      %dma_wait3A_321 = arith.constant 0 : i32
      %dma_wait3A_322 = tpu.memref_slice %arg7[%dma_wait3A_318, %dma_wait3A_320, %dma_wait3A_321] : memref<2x128x128xf32, #tpu.memory_space<vmem>> -> memref<1x128x128xf32, #tpu.memory_space<vmem>>
      %dma_wait3A_323 = tpu.memref_squeeze %dma_wait3A_322 : memref<1x128x128xf32, #tpu.memory_space<vmem>> -> memref<128x128xf32, #tpu.memory_space<vmem>>
      %dma_wait3A_324 = arith.constant 0 : i32
      %dma_wait3A_325 = tpu.memref_slice %arg6[%dma_wait3A_316, %dma_wait3A_317, %dma_wait3A_324] : memref<4x2x128xi32, #tpu.memory_space<vmem>> -> memref<1x1x128xi32, #tpu.memory_space<vmem>>
      %dma_wait3A_326 = tpu.memref_squeeze %dma_wait3A_325 : memref<1x1x128xi32, #tpu.memory_space<vmem>> -> memref<128xi32, #tpu.memory_space<vmem>>
      %dma_wait3A_327 = arith.constant 0 : i32
      %dma_wait3A_328 = arith.constant 0 : i32
      %dma_wait3A_329 = tpu.memref_slice %arg2[%dma_wait3A_327, %dma_wait3A_328] : memref<10000x128xf32, #tpu.memory_space<hbm>> -> memref<10000x128xf32, #tpu.memory_space<hbm>>
      %dma_wait3A_330 = tpu.memref_slice %arg10[%dma_wait3A_319] : memref<2x!tpu.dma_semaphore, #tpu.memory_space<semaphore_mem>> -> memref<1x!tpu.dma_semaphore, #tpu.memory_space<semaphore_mem>>
      %dma_wait3A_331 = tpu.memref_squeeze %dma_wait3A_330 : memref<1x!tpu.dma_semaphore, #tpu.memory_space<semaphore_mem>> -> memref<!tpu.dma_semaphore, #tpu.memory_space<semaphore_mem>>
      tpu.wait_indirect_dma semaphore(%dma_wait3A_331 : memref<!tpu.dma_semaphore, #tpu.memory_space<semaphore_mem>>) src(%dma_wait3A_329 : memref<10000x128xf32, #tpu.memory_space<hbm>>) dst(%dma_wait3A_323 : memref<128x128xf32, #tpu.memory_space<vmem>>)
      %dma_start3A_332 = arith.constant 1 : i32
      %dma_start3A_333 = arith.constant 3 : i32
      %dma_start3A_334 = arith.constant 1 : i32
      %dma_start3A_335 = arith.constant 1 : i32
      %dma_start3A_336 = arith.constant 0 : i32
      %dma_start3A_337 = arith.constant 0 : i32
      %dma_start3A_338 = tpu.memref_slice %arg7[%dma_start3A_332, %dma_start3A_336, %dma_start3A_337] : memref<2x128x128xf32, #tpu.memory_space<vmem>> -> memref<1x128x128xf32, #tpu.memory_space<vmem>>
      %dma_start3A_339 = tpu.memref_squeeze %dma_start3A_338 : memref<1x128x128xf32, #tpu.memory_space<vmem>> -> memref<128x128xf32, #tpu.memory_space<vmem>>
      %dma_start3A_340 = arith.constant 0 : i32
      %dma_start3A_341 = tpu.memref_slice %arg6[%dma_start3A_333, %dma_start3A_334, %dma_start3A_340] : memref<4x2x128xi32, #tpu.memory_space<vmem>> -> memref<1x1x128xi32, #tpu.memory_space<vmem>>
      %dma_start3A_342 = tpu.memref_squeeze %dma_start3A_341 : memref<1x1x128xi32, #tpu.memory_space<vmem>> -> memref<128xi32, #tpu.memory_space<vmem>>
      %dma_start3A_343 = arith.constant 0 : i32
      %dma_start3A_344 = arith.constant 0 : i32
      %dma_start3A_345 = tpu.memref_slice %arg8[%dma_start3A_343, %dma_start3A_344] : memref<10112x128xf32, #tpu.memory_space<vmem_shared>> -> memref<10112x128xf32, #tpu.memory_space<vmem_shared>>
      %dma_start3A_346 = tpu.memref_slice %arg11[%dma_start3A_335] : memref<2x!tpu.dma_semaphore, #tpu.memory_space<semaphore_mem>> -> memref<1x!tpu.dma_semaphore, #tpu.memory_space<semaphore_mem>>
      %dma_start3A_347 = tpu.memref_squeeze %dma_start3A_346 : memref<1x!tpu.dma_semaphore, #tpu.memory_space<semaphore_mem>> -> memref<!tpu.dma_semaphore, #tpu.memory_space<semaphore_mem>>
      tpu.enqueue_indirect_dma source(%dma_start3A_339 : memref<128x128xf32, #tpu.memory_space<vmem>>) target(%dma_start3A_345 : memref<10112x128xf32, #tpu.memory_space<vmem_shared>>) offsets(%dma_start3A_342 : memref<128xi32, #tpu.memory_space<vmem>>) semaphore(%dma_start3A_347 : memref<!tpu.dma_semaphore, #tpu.memory_space<semaphore_mem>>) {add = true}
      %add3A_348 = arith.constant 4 : i32
      %add3A_349 = arith.addi %add3A_303, %add3A_348 : i32
      %sub3A_350 = arith.constant 1 : i32
      %sub3A_351 = arith.subi %add3A_349, %sub3A_350 : i32
      %lt3A_352 = arith.constant 80 : i32
      %lt3A_353 = arith.cmpi slt, %sub3A_351, %lt3A_352 : i32
      %convert_element_type3A_354 = arith.extui %lt3A_353 : i1 to i32
      %cond3A_355 = arith.constant 0 : i32
      %cond3A_356 = arith.cmpi ne, %convert_element_type3A_354, %cond3A_355 : i32
      scf.if %cond3A_356 {
        %add3A_357 = arith.addi %mul3A_2, %add3A_303 : i32
        %add3A_358 = arith.constant 4 : i32
        %add3A_359 = arith.addi %add3A_357, %add3A_358 : i32
        %sub3A_360 = arith.constant 1 : i32
        %sub3A_361 = arith.subi %add3A_359, %sub3A_360 : i32
        %dma_start3A_362 = arith.constant 2 : i32
        %dma_start3A_363 = arith.constant 2 : i32
        %dma_start3A_364 = arith.constant 0 : i32
        %dma_start3A_365 = arith.constant 0 : i32
        %dma_start3A_366 = tpu.memref_slice %arg6[%dma_start3A_362, %dma_start3A_364, %dma_start3A_365] : memref<4x2x128xi32, #tpu.memory_space<vmem>> -> memref<1x2x128xi32, #tpu.memory_space<vmem>>
        %dma_start3A_367 = tpu.memref_squeeze %dma_start3A_366 : memref<1x2x128xi32, #tpu.memory_space<vmem>> -> memref<2x128xi32, #tpu.memory_space<vmem>>
        %dma_start3A_368 = arith.constant 0 : i32
        %dma_start3A_369 = arith.constant 0 : i32
        %dma_start3A_370 = tpu.memref_slice %arg3[%sub3A_361, %dma_start3A_368, %dma_start3A_369] : memref<2560x2x128xi32, #tpu.memory_space<hbm>> -> memref<1x2x128xi32, #tpu.memory_space<hbm>>
        %dma_start3A_371 = tpu.memref_squeeze %dma_start3A_370 : memref<1x2x128xi32, #tpu.memory_space<hbm>> -> memref<2x128xi32, #tpu.memory_space<hbm>>
        %dma_start3A_372 = tpu.memref_slice %arg9[%dma_start3A_363] : memref<4x!tpu.dma_semaphore, #tpu.memory_space<semaphore_mem>> -> memref<1x!tpu.dma_semaphore, #tpu.memory_space<semaphore_mem>>
        %dma_start3A_373 = tpu.memref_squeeze %dma_start3A_372 : memref<1x!tpu.dma_semaphore, #tpu.memory_space<semaphore_mem>> -> memref<!tpu.dma_semaphore, #tpu.memory_space<semaphore_mem>>
        %dma_start3A_374 = arith.constant 0 : i32
        %dma_start3A_375 = arith.constant 0 : i32
        %dma_start3A_376 = tpu.memref_slice %arg6[%dma_start3A_362, %dma_start3A_374, %dma_start3A_375] : memref<4x2x128xi32, #tpu.memory_space<vmem>> -> memref<1x2x128xi32, #tpu.memory_space<vmem>>
        %dma_start3A_377 = tpu.memref_squeeze %dma_start3A_376 : memref<1x2x128xi32, #tpu.memory_space<vmem>> -> memref<2x128xi32, #tpu.memory_space<vmem>>
        %dma_start3A_378 = arith.constant 0 : i32
        %dma_start3A_379 = arith.constant 0 : i32
        %dma_start3A_380 = tpu.memref_slice %arg3[%sub3A_361, %dma_start3A_378, %dma_start3A_379] : memref<2560x2x128xi32, #tpu.memory_space<hbm>> -> memref<1x2x128xi32, #tpu.memory_space<hbm>>
        %dma_start3A_381 = tpu.memref_squeeze %dma_start3A_380 : memref<1x2x128xi32, #tpu.memory_space<hbm>> -> memref<2x128xi32, #tpu.memory_space<hbm>>
        tpu.enqueue_dma source(%dma_start3A_381 : memref<2x128xi32, #tpu.memory_space<hbm>>) target(%dma_start3A_377 : memref<2x128xi32, #tpu.memory_space<vmem>>) target_semaphore(%dma_start3A_373 : memref<!tpu.dma_semaphore, #tpu.memory_space<semaphore_mem>>)
      } else {
      }
    }
    %scan3A_111 = arith.constant 20 : i32
    %dma_wait3A_112 = arith.constant 1 : i32
    %dma_wait3A_113 = arith.constant 3 : i32
    %dma_wait3A_114 = arith.constant 1 : i32
    %dma_wait3A_115 = arith.constant 1 : i32
    %dma_wait3A_116 = arith.constant 0 : i32
    %dma_wait3A_117 = arith.constant 0 : i32
    %dma_wait3A_118 = tpu.memref_slice %arg7[%dma_wait3A_112, %dma_wait3A_116, %dma_wait3A_117] : memref<2x128x128xf32, #tpu.memory_space<vmem>> -> memref<1x128x128xf32, #tpu.memory_space<vmem>>
    %dma_wait3A_119 = tpu.memref_squeeze %dma_wait3A_118 : memref<1x128x128xf32, #tpu.memory_space<vmem>> -> memref<128x128xf32, #tpu.memory_space<vmem>>
    %dma_wait3A_120 = arith.constant 0 : i32
    %dma_wait3A_121 = tpu.memref_slice %arg6[%dma_wait3A_113, %dma_wait3A_114, %dma_wait3A_120] : memref<4x2x128xi32, #tpu.memory_space<vmem>> -> memref<1x1x128xi32, #tpu.memory_space<vmem>>
    %dma_wait3A_122 = tpu.memref_squeeze %dma_wait3A_121 : memref<1x1x128xi32, #tpu.memory_space<vmem>> -> memref<128xi32, #tpu.memory_space<vmem>>
    %dma_wait3A_123 = arith.constant 0 : i32
    %dma_wait3A_124 = arith.constant 0 : i32
    %dma_wait3A_125 = tpu.memref_slice %arg8[%dma_wait3A_123, %dma_wait3A_124] : memref<10112x128xf32, #tpu.memory_space<vmem_shared>> -> memref<10112x128xf32, #tpu.memory_space<vmem_shared>>
    %dma_wait3A_126 = tpu.memref_slice %arg11[%dma_wait3A_115] : memref<2x!tpu.dma_semaphore, #tpu.memory_space<semaphore_mem>> -> memref<1x!tpu.dma_semaphore, #tpu.memory_space<semaphore_mem>>
    %dma_wait3A_127 = tpu.memref_squeeze %dma_wait3A_126 : memref<1x!tpu.dma_semaphore, #tpu.memory_space<semaphore_mem>> -> memref<!tpu.dma_semaphore, #tpu.memory_space<semaphore_mem>>
    tpu.wait_indirect_dma semaphore(%dma_wait3A_127 : memref<!tpu.dma_semaphore, #tpu.memory_space<semaphore_mem>>) src(%dma_wait3A_119 : memref<128x128xf32, #tpu.memory_space<vmem>>) dst(%dma_wait3A_125 : memref<10112x128xf32, #tpu.memory_space<vmem_shared>>)
    %barrier3A_128 = arith.constant 0 : index
    tpu.barrier barrier_id(%barrier3A_128)
    %mul3A_129 = arith.constant 632 : i32
    %mul3A_130 = arith.muli %arg1, %mul3A_129 : i32
    %mul3A_131 = arith.constant 632 : i32
    %mul3A_132 = arith.muli %arg1, %mul3A_131 : i32
    "tpu.region"() ({
      %run_scoped3A = tpu.sem_alloc : memref<!tpu.dma_semaphore, #tpu.memory_space<semaphore_mem>>
      %dma_start3A_133 = arith.constant 0 : i32
      %dma_start3A_134 = tpu.memref_slice %arg5[%arg0, %mul3A_132, %dma_start3A_133] : memref<2x10112x128xf32, #tpu.memory_space<hbm>> -> memref<1x632x128xf32, #tpu.memory_space<hbm>>
      %dma_start3A_135 = tpu.memref_squeeze %dma_start3A_134 : memref<1x632x128xf32, #tpu.memory_space<hbm>> -> memref<632x128xf32, #tpu.memory_space<hbm>>
      %dma_start3A_136 = arith.constant 0 : i32
      %dma_start3A_137 = tpu.memref_slice %arg8[%mul3A_130, %dma_start3A_136] : memref<10112x128xf32, #tpu.memory_space<vmem_shared>> -> memref<632x128xf32, #tpu.memory_space<vmem_shared>>
      tpu.enqueue_dma source(%dma_start3A_137 : memref<632x128xf32, #tpu.memory_space<vmem_shared>>) target(%dma_start3A_135 : memref<632x128xf32, #tpu.memory_space<hbm>>) target_semaphore(%run_scoped3A : memref<!tpu.dma_semaphore, #tpu.memory_space<semaphore_mem>>)
      %dma_wait3A_138 = arith.constant 0 : i32
      %dma_wait3A_139 = tpu.memref_slice %arg5[%arg0, %mul3A_132, %dma_wait3A_138] : memref<2x10112x128xf32, #tpu.memory_space<hbm>> -> memref<1x632x128xf32, #tpu.memory_space<hbm>>
      %dma_wait3A_140 = tpu.memref_squeeze %dma_wait3A_139 : memref<1x632x128xf32, #tpu.memory_space<hbm>> -> memref<632x128xf32, #tpu.memory_space<hbm>>
      %dma_wait3A_141 = arith.constant 0 : i32
      %dma_wait3A_142 = tpu.memref_slice %arg8[%mul3A_130, %dma_wait3A_141] : memref<10112x128xf32, #tpu.memory_space<vmem_shared>> -> memref<632x128xf32, #tpu.memory_space<vmem_shared>>
      tpu.wait_dma2 semaphore(%run_scoped3A : memref<!tpu.dma_semaphore, #tpu.memory_space<semaphore_mem>>) src(%dma_wait3A_142 : memref<632x128xf32, #tpu.memory_space<vmem_shared>>) dst(%dma_wait3A_140 : memref<632x128xf32, #tpu.memory_space<hbm>>)
      tpu.yield
    }) : () -> ()
    return
  }
}

#map = affine_map<(d0, d1) -> (0, 0)>
#map1 = affine_map<(d0, d1) -> (0, 0, 0)>
module attributes {stable_mosaic.version = 14 : i64} {
  func.func @sc_scatter(%arg0: i32, %arg1: i32, %arg2: memref<10000x128xf32, #tpu.memory_space<hbm>>, %arg3: memref<2560x2x128xi32, #tpu.memory_space<hbm>>, %arg4: memref<10112x128xf32, #tpu.memory_space<hbm>>, %arg5: memref<2x10112x128xf32, #tpu.memory_space<hbm>>, %arg6: memref<4x2x128xi32, #tpu.memory_space<vmem>>, %arg7: memref<2x128x128xf32, #tpu.memory_space<vmem>>, %arg8: memref<10112x128xf32, #tpu.memory_space<vmem_shared>>, %arg9: memref<4x!tpu.dma_semaphore, #tpu.memory_space<semaphore_mem>>, %arg10: memref<2x!tpu.dma_semaphore, #tpu.memory_space<semaphore_mem>>, %arg11: memref<2x!tpu.dma_semaphore, #tpu.memory_space<semaphore_mem>>) attributes {dimension_semantics = [#tpu.dimension_semantics<core_parallel>, #tpu.dimension_semantics<subcore_parallel>], iteration_bounds = array<i64: 2, 16>, scalar_prefetch = 0 : i64, scratch_operands = 6 : i64, tpu.core_type = #tpu.core_type<sc_vector_subcore>, window_params = [{transform_indices = #map}, {transform_indices = #map1}, {transform_indices = #map}, {transform_indices = #map1}]} {
    %mul3A = arith.constant 16 : i32
    %mul3A_0 = arith.muli %arg0, %mul3A : i32
    %add3A = arith.addi %mul3A_0, %arg1 : i32
    %mul3A_1 = arith.constant 80 : i32
    %mul3A_2 = arith.muli %add3A, %mul3A_1 : i32
    %mul3A_3 = arith.constant 632 : i32
    %mul3A_4 = arith.muli %arg1, %mul3A_3 : i32
    %mul3A_5 = arith.constant 632 : i32
    %mul3A_6 = arith.muli %arg1, %mul3A_5 : i32
    "tpu.region"() ({
      %run_scoped3A = tpu.sem_alloc : memref<!tpu.dma_semaphore, #tpu.memory_space<semaphore_mem>>
      %dma_start3A_133 = arith.constant 0 : i32
      %dma_start3A_134 = tpu.memref_slice %arg8[%mul3A_6, %dma_start3A_133] : memref<10112x128xf32, #tpu.memory_space<vmem_shared>> -> memref<632x128xf32, #tpu.memory_space<vmem_shared>>
      %dma_start3A_135 = arith.constant 0 : i32
      %dma_start3A_136 = tpu.memref_slice %arg4[%mul3A_4, %dma_start3A_135] : memref<10112x128xf32, #tpu.memory_space<hbm>> -> memref<632x128xf32, #tpu.memory_space<hbm>>
      tpu.enqueue_dma source(%dma_start3A_136 : memref<632x128xf32, #tpu.memory_space<hbm>>) target(%dma_start3A_134 : memref<632x128xf32, #tpu.memory_space<vmem_shared>>) target_semaphore(%run_scoped3A : memref<!tpu.dma_semaphore, #tpu.memory_space<semaphore_mem>>)
      %dma_wait3A_137 = arith.constant 0 : i32
      %dma_wait3A_138 = tpu.memref_slice %arg8[%mul3A_6, %dma_wait3A_137] : memref<10112x128xf32, #tpu.memory_space<vmem_shared>> -> memref<632x128xf32, #tpu.memory_space<vmem_shared>>
      %dma_wait3A_139 = arith.constant 0 : i32
      %dma_wait3A_140 = tpu.memref_slice %arg4[%mul3A_4, %dma_wait3A_139] : memref<10112x128xf32, #tpu.memory_space<hbm>> -> memref<632x128xf32, #tpu.memory_space<hbm>>
      tpu.wait_dma2 semaphore(%run_scoped3A : memref<!tpu.dma_semaphore, #tpu.memory_space<semaphore_mem>>) src(%dma_wait3A_140 : memref<632x128xf32, #tpu.memory_space<hbm>>) dst(%dma_wait3A_138 : memref<632x128xf32, #tpu.memory_space<vmem_shared>>)
      tpu.yield
    }) : () -> ()
    %add3A_7 = arith.constant 0 : i32
    %add3A_8 = arith.addi %mul3A_2, %add3A_7 : i32
    %dma_start3A = arith.constant 0 : i32
    %dma_start3A_9 = arith.constant 0 : i32
    %dma_start3A_10 = arith.constant 0 : i32
    %dma_start3A_11 = arith.constant 0 : i32
    %dma_start3A_12 = tpu.memref_slice %arg6[%dma_start3A, %dma_start3A_10, %dma_start3A_11] : memref<4x2x128xi32, #tpu.memory_space<vmem>> -> memref<1x2x128xi32, #tpu.memory_space<vmem>>
    %dma_start3A_13 = tpu.memref_squeeze %dma_start3A_12 : memref<1x2x128xi32, #tpu.memory_space<vmem>> -> memref<2x128xi32, #tpu.memory_space<vmem>>
    %dma_start3A_14 = arith.constant 0 : i32
    %dma_start3A_15 = arith.constant 0 : i32
    %dma_start3A_16 = tpu.memref_slice %arg3[%add3A_8, %dma_start3A_14, %dma_start3A_15] : memref<2560x2x128xi32, #tpu.memory_space<hbm>> -> memref<1x2x128xi32, #tpu.memory_space<hbm>>
    %dma_start3A_17 = tpu.memref_squeeze %dma_start3A_16 : memref<1x2x128xi32, #tpu.memory_space<hbm>> -> memref<2x128xi32, #tpu.memory_space<hbm>>
    %dma_start3A_18 = tpu.memref_slice %arg9[%dma_start3A_9] : memref<4x!tpu.dma_semaphore, #tpu.memory_space<semaphore_mem>> -> memref<1x!tpu.dma_semaphore, #tpu.memory_space<semaphore_mem>>
    %dma_start3A_19 = tpu.memref_squeeze %dma_start3A_18 : memref<1x!tpu.dma_semaphore, #tpu.memory_space<semaphore_mem>> -> memref<!tpu.dma_semaphore, #tpu.memory_space<semaphore_mem>>
    %dma_start3A_20 = arith.constant 0 : i32
    %dma_start3A_21 = arith.constant 0 : i32
    %dma_start3A_22 = tpu.memref_slice %arg6[%dma_start3A, %dma_start3A_20, %dma_start3A_21] : memref<4x2x128xi32, #tpu.memory_space<vmem>> -> memref<1x2x128xi32, #tpu.memory_space<vmem>>
    %dma_start3A_23 = tpu.memref_squeeze %dma_start3A_22 : memref<1x2x128xi32, #tpu.memory_space<vmem>> -> memref<2x128xi32, #tpu.memory_space<vmem>>
    %dma_start3A_24 = arith.constant 0 : i32
    %dma_start3A_25 = arith.constant 0 : i32
    %dma_start3A_26 = tpu.memref_slice %arg3[%add3A_8, %dma_start3A_24, %dma_start3A_25] : memref<2560x2x128xi32, #tpu.memory_space<hbm>> -> memref<1x2x128xi32, #tpu.memory_space<hbm>>
    %dma_start3A_27 = tpu.memref_squeeze %dma_start3A_26 : memref<1x2x128xi32, #tpu.memory_space<hbm>> -> memref<2x128xi32, #tpu.memory_space<hbm>>
    tpu.enqueue_dma source(%dma_start3A_27 : memref<2x128xi32, #tpu.memory_space<hbm>>) target(%dma_start3A_23 : memref<2x128xi32, #tpu.memory_space<vmem>>) target_semaphore(%dma_start3A_19 : memref<!tpu.dma_semaphore, #tpu.memory_space<semaphore_mem>>)
    %add3A_28 = arith.constant 1 : i32
    %add3A_29 = arith.addi %mul3A_2, %add3A_28 : i32
    %dma_start3A_30 = arith.constant 1 : i32
    %dma_start3A_31 = arith.constant 1 : i32
    %dma_start3A_32 = arith.constant 0 : i32
    %dma_start3A_33 = arith.constant 0 : i32
    %dma_start3A_34 = tpu.memref_slice %arg6[%dma_start3A_30, %dma_start3A_32, %dma_start3A_33] : memref<4x2x128xi32, #tpu.memory_space<vmem>> -> memref<1x2x128xi32, #tpu.memory_space<vmem>>
    %dma_start3A_35 = tpu.memref_squeeze %dma_start3A_34 : memref<1x2x128xi32, #tpu.memory_space<vmem>> -> memref<2x128xi32, #tpu.memory_space<vmem>>
    %dma_start3A_36 = arith.constant 0 : i32
    %dma_start3A_37 = arith.constant 0 : i32
    %dma_start3A_38 = tpu.memref_slice %arg3[%add3A_29, %dma_start3A_36, %dma_start3A_37] : memref<2560x2x128xi32, #tpu.memory_space<hbm>> -> memref<1x2x128xi32, #tpu.memory_space<hbm>>
    %dma_start3A_39 = tpu.memref_squeeze %dma_start3A_38 : memref<1x2x128xi32, #tpu.memory_space<hbm>> -> memref<2x128xi32, #tpu.memory_space<hbm>>
    %dma_start3A_40 = tpu.memref_slice %arg9[%dma_start3A_31] : memref<4x!tpu.dma_semaphore, #tpu.memory_space<semaphore_mem>> -> memref<1x!tpu.dma_semaphore, #tpu.memory_space<semaphore_mem>>
    %dma_start3A_41 = tpu.memref_squeeze %dma_start3A_40 : memref<1x!tpu.dma_semaphore, #tpu.memory_space<semaphore_mem>> -> memref<!tpu.dma_semaphore, #tpu.memory_space<semaphore_mem>>
    %dma_start3A_42 = arith.constant 0 : i32
    %dma_start3A_43 = arith.constant 0 : i32
    %dma_start3A_44 = tpu.memref_slice %arg6[%dma_start3A_30, %dma_start3A_42, %dma_start3A_43] : memref<4x2x128xi32, #tpu.memory_space<vmem>> -> memref<1x2x128xi32, #tpu.memory_space<vmem>>
    %dma_start3A_45 = tpu.memref_squeeze %dma_start3A_44 : memref<1x2x128xi32, #tpu.memory_space<vmem>> -> memref<2x128xi32, #tpu.memory_space<vmem>>
    %dma_start3A_46 = arith.constant 0 : i32
    %dma_start3A_47 = arith.constant 0 : i32
    %dma_start3A_48 = tpu.memref_slice %arg3[%add3A_29, %dma_start3A_46, %dma_start3A_47] : memref<2560x2x128xi32, #tpu.memory_space<hbm>> -> memref<1x2x128xi32, #tpu.memory_space<hbm>>
    %dma_start3A_49 = tpu.memref_squeeze %dma_start3A_48 : memref<1x2x128xi32, #tpu.memory_space<hbm>> -> memref<2x128xi32, #tpu.memory_space<hbm>>
    tpu.enqueue_dma source(%dma_start3A_49 : memref<2x128xi32, #tpu.memory_space<hbm>>) target(%dma_start3A_45 : memref<2x128xi32, #tpu.memory_space<vmem>>) target_semaphore(%dma_start3A_41 : memref<!tpu.dma_semaphore, #tpu.memory_space<semaphore_mem>>)
    %add3A_50 = arith.constant 2 : i32
    %add3A_51 = arith.addi %mul3A_2, %add3A_50 : i32
    %dma_start3A_52 = arith.constant 2 : i32
    %dma_start3A_53 = arith.constant 2 : i32
    %dma_start3A_54 = arith.constant 0 : i32
    %dma_start3A_55 = arith.constant 0 : i32
    %dma_start3A_56 = tpu.memref_slice %arg6[%dma_start3A_52, %dma_start3A_54, %dma_start3A_55] : memref<4x2x128xi32, #tpu.memory_space<vmem>> -> memref<1x2x128xi32, #tpu.memory_space<vmem>>
    %dma_start3A_57 = tpu.memref_squeeze %dma_start3A_56 : memref<1x2x128xi32, #tpu.memory_space<vmem>> -> memref<2x128xi32, #tpu.memory_space<vmem>>
    %dma_start3A_58 = arith.constant 0 : i32
    %dma_start3A_59 = arith.constant 0 : i32
    %dma_start3A_60 = tpu.memref_slice %arg3[%add3A_51, %dma_start3A_58, %dma_start3A_59] : memref<2560x2x128xi32, #tpu.memory_space<hbm>> -> memref<1x2x128xi32, #tpu.memory_space<hbm>>
    %dma_start3A_61 = tpu.memref_squeeze %dma_start3A_60 : memref<1x2x128xi32, #tpu.memory_space<hbm>> -> memref<2x128xi32, #tpu.memory_space<hbm>>
    %dma_start3A_62 = tpu.memref_slice %arg9[%dma_start3A_53] : memref<4x!tpu.dma_semaphore, #tpu.memory_space<semaphore_mem>> -> memref<1x!tpu.dma_semaphore, #tpu.memory_space<semaphore_mem>>
    %dma_start3A_63 = tpu.memref_squeeze %dma_start3A_62 : memref<1x!tpu.dma_semaphore, #tpu.memory_space<semaphore_mem>> -> memref<!tpu.dma_semaphore, #tpu.memory_space<semaphore_mem>>
    %dma_start3A_64 = arith.constant 0 : i32
    %dma_start3A_65 = arith.constant 0 : i32
    %dma_start3A_66 = tpu.memref_slice %arg6[%dma_start3A_52, %dma_start3A_64, %dma_start3A_65] : memref<4x2x128xi32, #tpu.memory_space<vmem>> -> memref<1x2x128xi32, #tpu.memory_space<vmem>>
    %dma_start3A_67 = tpu.memref_squeeze %dma_start3A_66 : memref<1x2x128xi32, #tpu.memory_space<vmem>> -> memref<2x128xi32, #tpu.memory_space<vmem>>
    %dma_start3A_68 = arith.constant 0 : i32
    %dma_start3A_69 = arith.constant 0 : i32
    %dma_start3A_70 = tpu.memref_slice %arg3[%add3A_51, %dma_start3A_68, %dma_start3A_69] : memref<2560x2x128xi32, #tpu.memory_space<hbm>> -> memref<1x2x128xi32, #tpu.memory_space<hbm>>
    %dma_start3A_71 = tpu.memref_squeeze %dma_start3A_70 : memref<1x2x128xi32, #tpu.memory_space<hbm>> -> memref<2x128xi32, #tpu.memory_space<hbm>>
    tpu.enqueue_dma source(%dma_start3A_71 : memref<2x128xi32, #tpu.memory_space<hbm>>) target(%dma_start3A_67 : memref<2x128xi32, #tpu.memory_space<vmem>>) target_semaphore(%dma_start3A_63 : memref<!tpu.dma_semaphore, #tpu.memory_space<semaphore_mem>>)
    %barrier3A = arith.constant 0 : index
    tpu.barrier barrier_id(%barrier3A)
    %dma_wait3A = arith.constant 0 : i32
    %dma_wait3A_72 = arith.constant 0 : i32
    %dma_wait3A_73 = arith.constant 0 : i32
    %dma_wait3A_74 = arith.constant 0 : i32
    %dma_wait3A_75 = tpu.memref_slice %arg6[%dma_wait3A, %dma_wait3A_73, %dma_wait3A_74] : memref<4x2x128xi32, #tpu.memory_space<vmem>> -> memref<1x2x128xi32, #tpu.memory_space<vmem>>
    %dma_wait3A_76 = tpu.memref_squeeze %dma_wait3A_75 : memref<1x2x128xi32, #tpu.memory_space<vmem>> -> memref<2x128xi32, #tpu.memory_space<vmem>>
    %dma_wait3A_77 = arith.constant 0 : i32
    %dma_wait3A_78 = arith.constant 0 : i32
    %dma_wait3A_79 = tpu.memref_slice %arg3[%mul3A_2, %dma_wait3A_77, %dma_wait3A_78] : memref<2560x2x128xi32, #tpu.memory_space<hbm>> -> memref<1x2x128xi32, #tpu.memory_space<hbm>>
    %dma_wait3A_80 = tpu.memref_squeeze %dma_wait3A_79 : memref<1x2x128xi32, #tpu.memory_space<hbm>> -> memref<2x128xi32, #tpu.memory_space<hbm>>
    %dma_wait3A_81 = tpu.memref_slice %arg9[%dma_wait3A_72] : memref<4x!tpu.dma_semaphore, #tpu.memory_space<semaphore_mem>> -> memref<1x!tpu.dma_semaphore, #tpu.memory_space<semaphore_mem>>
    %dma_wait3A_82 = tpu.memref_squeeze %dma_wait3A_81 : memref<1x!tpu.dma_semaphore, #tpu.memory_space<semaphore_mem>> -> memref<!tpu.dma_semaphore, #tpu.memory_space<semaphore_mem>>
    %dma_wait3A_83 = arith.constant 0 : i32
    %dma_wait3A_84 = arith.constant 0 : i32
    %dma_wait3A_85 = tpu.memref_slice %arg6[%dma_wait3A, %dma_wait3A_83, %dma_wait3A_84] : memref<4x2x128xi32, #tpu.memory_space<vmem>> -> memref<1x2x128xi32, #tpu.memory_space<vmem>>
    %dma_wait3A_86 = tpu.memref_squeeze %dma_wait3A_85 : memref<1x2x128xi32, #tpu.memory_space<vmem>> -> memref<2x128xi32, #tpu.memory_space<vmem>>
    %dma_wait3A_87 = arith.constant 0 : i32
    %dma_wait3A_88 = arith.constant 0 : i32
    %dma_wait3A_89 = tpu.memref_slice %arg3[%mul3A_2, %dma_wait3A_87, %dma_wait3A_88] : memref<2560x2x128xi32, #tpu.memory_space<hbm>> -> memref<1x2x128xi32, #tpu.memory_space<hbm>>
    %dma_wait3A_90 = tpu.memref_squeeze %dma_wait3A_89 : memref<1x2x128xi32, #tpu.memory_space<hbm>> -> memref<2x128xi32, #tpu.memory_space<hbm>>
    tpu.wait_dma2 semaphore(%dma_wait3A_82 : memref<!tpu.dma_semaphore, #tpu.memory_space<semaphore_mem>>) src(%dma_wait3A_90 : memref<2x128xi32, #tpu.memory_space<hbm>>) dst(%dma_wait3A_86 : memref<2x128xi32, #tpu.memory_space<vmem>>)
    %dma_start3A_91 = arith.constant 0 : i32
    %dma_start3A_92 = arith.constant 0 : i32
    %dma_start3A_93 = arith.constant 0 : i32
    %dma_start3A_94 = arith.constant 0 : i32
    %dma_start3A_95 = arith.constant 0 : i32
    %dma_start3A_96 = arith.constant 0 : i32
    %dma_start3A_97 = tpu.memref_slice %arg7[%dma_start3A_93, %dma_start3A_95, %dma_start3A_96] : memref<2x128x128xf32, #tpu.memory_space<vmem>> -> memref<1x128x128xf32, #tpu.memory_space<vmem>>
    %dma_start3A_98 = tpu.memref_squeeze %dma_start3A_97 : memref<1x128x128xf32, #tpu.memory_space<vmem>> -> memref<128x128xf32, #tpu.memory_space<vmem>>
    %dma_start3A_99 = arith.constant 0 : i32
    %dma_start3A_100 = tpu.memref_slice %arg6[%dma_start3A_91, %dma_start3A_92, %dma_start3A_99] : memref<4x2x128xi32, #tpu.memory_space<vmem>> -> memref<1x1x128xi32, #tpu.memory_space<vmem>>
    %dma_start3A_101 = tpu.memref_squeeze %dma_start3A_100 : memref<1x1x128xi32, #tpu.memory_space<vmem>> -> memref<128xi32, #tpu.memory_space<vmem>>
    %dma_start3A_102 = arith.constant 0 : i32
    %dma_start3A_103 = arith.constant 0 : i32
    %dma_start3A_104 = tpu.memref_slice %arg2[%dma_start3A_102, %dma_start3A_103] : memref<10000x128xf32, #tpu.memory_space<hbm>> -> memref<10000x128xf32, #tpu.memory_space<hbm>>
    %dma_start3A_105 = tpu.memref_slice %arg10[%dma_start3A_94] : memref<2x!tpu.dma_semaphore, #tpu.memory_space<semaphore_mem>> -> memref<1x!tpu.dma_semaphore, #tpu.memory_space<semaphore_mem>>
    %dma_start3A_106 = tpu.memref_squeeze %dma_start3A_105 : memref<1x!tpu.dma_semaphore, #tpu.memory_space<semaphore_mem>> -> memref<!tpu.dma_semaphore, #tpu.memory_space<semaphore_mem>>
    tpu.enqueue_indirect_dma source(%dma_start3A_104 : memref<10000x128xf32, #tpu.memory_space<hbm>>) target(%dma_start3A_98 : memref<128x128xf32, #tpu.memory_space<vmem>>) offsets(%dma_start3A_101 : memref<128xi32, #tpu.memory_space<vmem>>) semaphore(%dma_start3A_106 : memref<!tpu.dma_semaphore, #tpu.memory_space<semaphore_mem>>)
    %scan3A = arith.constant 0 : i32
    %scan3A_107 = arith.constant 0 : i32
    %scan3A_108 = arith.constant 20 : i32
    %scan3A_109 = arith.addi %scan3A_107, %scan3A_108 : i32
    %scan3A_110 = arith.constant 1 : i32
    scf.for %scan3A_133 = %scan3A_107 to %scan3A_109 step %scan3A_110  : i32 {
      %mul3A_134 = arith.constant 4 : i32
      %mul3A_135 = arith.muli %scan3A_133, %mul3A_134 : i32
      %add3A_136 = arith.constant 0 : i32
      %add3A_137 = arith.addi %mul3A_135, %add3A_136 : i32
      %ge3A = arith.constant 1 : i32
      %ge3A_138 = arith.cmpi sge, %add3A_137, %ge3A : i32
      %convert_element_type3A = arith.extui %ge3A_138 : i1 to i32
      %cond3A = arith.constant 0 : i32
      %cond3A_139 = arith.cmpi ne, %convert_element_type3A, %cond3A : i32
      scf.if %cond3A_139 {
        %dma_wait3A_357 = arith.constant 1 : i32
        %dma_wait3A_358 = arith.constant 3 : i32
        %dma_wait3A_359 = arith.constant 1 : i32
        %dma_wait3A_360 = arith.constant 1 : i32
        %dma_wait3A_361 = arith.constant 0 : i32
        %dma_wait3A_362 = arith.constant 0 : i32
        %dma_wait3A_363 = tpu.memref_slice %arg7[%dma_wait3A_357, %dma_wait3A_361, %dma_wait3A_362] : memref<2x128x128xf32, #tpu.memory_space<vmem>> -> memref<1x128x128xf32, #tpu.memory_space<vmem>>
        %dma_wait3A_364 = tpu.memref_squeeze %dma_wait3A_363 : memref<1x128x128xf32, #tpu.memory_space<vmem>> -> memref<128x128xf32, #tpu.memory_space<vmem>>
        %dma_wait3A_365 = arith.constant 0 : i32
        %dma_wait3A_366 = tpu.memref_slice %arg6[%dma_wait3A_358, %dma_wait3A_359, %dma_wait3A_365] : memref<4x2x128xi32, #tpu.memory_space<vmem>> -> memref<1x1x128xi32, #tpu.memory_space<vmem>>
        %dma_wait3A_367 = tpu.memref_squeeze %dma_wait3A_366 : memref<1x1x128xi32, #tpu.memory_space<vmem>> -> memref<128xi32, #tpu.memory_space<vmem>>
        %dma_wait3A_368 = arith.constant 0 : i32
        %dma_wait3A_369 = arith.constant 0 : i32
        %dma_wait3A_370 = tpu.memref_slice %arg8[%dma_wait3A_368, %dma_wait3A_369] : memref<10112x128xf32, #tpu.memory_space<vmem_shared>> -> memref<10112x128xf32, #tpu.memory_space<vmem_shared>>
        %dma_wait3A_371 = tpu.memref_slice %arg11[%dma_wait3A_360] : memref<2x!tpu.dma_semaphore, #tpu.memory_space<semaphore_mem>> -> memref<1x!tpu.dma_semaphore, #tpu.memory_space<semaphore_mem>>
        %dma_wait3A_372 = tpu.memref_squeeze %dma_wait3A_371 : memref<1x!tpu.dma_semaphore, #tpu.memory_space<semaphore_mem>> -> memref<!tpu.dma_semaphore, #tpu.memory_space<semaphore_mem>>
        tpu.wait_indirect_dma semaphore(%dma_wait3A_372 : memref<!tpu.dma_semaphore, #tpu.memory_space<semaphore_mem>>) src(%dma_wait3A_364 : memref<128x128xf32, #tpu.memory_space<vmem>>) dst(%dma_wait3A_370 : memref<10112x128xf32, #tpu.memory_space<vmem_shared>>)
      } else {
      }
      %add3A_140 = arith.constant 1 : i32
      %add3A_141 = arith.addi %add3A_137, %add3A_140 : i32
      %lt3A = arith.constant 80 : i32
      %lt3A_142 = arith.cmpi slt, %add3A_141, %lt3A : i32
      %convert_element_type3A_143 = arith.extui %lt3A_142 : i1 to i32
      %cond3A_144 = arith.constant 0 : i32
      %cond3A_145 = arith.cmpi ne, %convert_element_type3A_143, %cond3A_144 : i32
      scf.if %cond3A_145 {
        %add3A_357 = arith.addi %mul3A_2, %add3A_137 : i32
        %add3A_358 = arith.constant 1 : i32
        %add3A_359 = arith.addi %add3A_357, %add3A_358 : i32
        %dma_wait3A_360 = arith.constant 1 : i32
        %dma_wait3A_361 = arith.constant 1 : i32
        %dma_wait3A_362 = arith.constant 0 : i32
        %dma_wait3A_363 = arith.constant 0 : i32
        %dma_wait3A_364 = tpu.memref_slice %arg6[%dma_wait3A_360, %dma_wait3A_362, %dma_wait3A_363] : memref<4x2x128xi32, #tpu.memory_space<vmem>> -> memref<1x2x128xi32, #tpu.memory_space<vmem>>
        %dma_wait3A_365 = tpu.memref_squeeze %dma_wait3A_364 : memref<1x2x128xi32, #tpu.memory_space<vmem>> -> memref<2x128xi32, #tpu.memory_space<vmem>>
        %dma_wait3A_366 = arith.constant 0 : i32
        %dma_wait3A_367 = arith.constant 0 : i32
        %dma_wait3A_368 = tpu.memref_slice %arg3[%add3A_359, %dma_wait3A_366, %dma_wait3A_367] : memref<2560x2x128xi32, #tpu.memory_space<hbm>> -> memref<1x2x128xi32, #tpu.memory_space<hbm>>
        %dma_wait3A_369 = tpu.memref_squeeze %dma_wait3A_368 : memref<1x2x128xi32, #tpu.memory_space<hbm>> -> memref<2x128xi32, #tpu.memory_space<hbm>>
        %dma_wait3A_370 = tpu.memref_slice %arg9[%dma_wait3A_361] : memref<4x!tpu.dma_semaphore, #tpu.memory_space<semaphore_mem>> -> memref<1x!tpu.dma_semaphore, #tpu.memory_space<semaphore_mem>>
        %dma_wait3A_371 = tpu.memref_squeeze %dma_wait3A_370 : memref<1x!tpu.dma_semaphore, #tpu.memory_space<semaphore_mem>> -> memref<!tpu.dma_semaphore, #tpu.memory_space<semaphore_mem>>
        %dma_wait3A_372 = arith.constant 0 : i32
        %dma_wait3A_373 = arith.constant 0 : i32
        %dma_wait3A_374 = tpu.memref_slice %arg6[%dma_wait3A_360, %dma_wait3A_372, %dma_wait3A_373] : memref<4x2x128xi32, #tpu.memory_space<vmem>> -> memref<1x2x128xi32, #tpu.memory_space<vmem>>
        %dma_wait3A_375 = tpu.memref_squeeze %dma_wait3A_374 : memref<1x2x128xi32, #tpu.memory_space<vmem>> -> memref<2x128xi32, #tpu.memory_space<vmem>>
        %dma_wait3A_376 = arith.constant 0 : i32
        %dma_wait3A_377 = arith.constant 0 : i32
        %dma_wait3A_378 = tpu.memref_slice %arg3[%add3A_359, %dma_wait3A_376, %dma_wait3A_377] : memref<2560x2x128xi32, #tpu.memory_space<hbm>> -> memref<1x2x128xi32, #tpu.memory_space<hbm>>
        %dma_wait3A_379 = tpu.memref_squeeze %dma_wait3A_378 : memref<1x2x128xi32, #tpu.memory_space<hbm>> -> memref<2x128xi32, #tpu.memory_space<hbm>>
        tpu.wait_dma2 semaphore(%dma_wait3A_371 : memref<!tpu.dma_semaphore, #tpu.memory_space<semaphore_mem>>) src(%dma_wait3A_379 : memref<2x128xi32, #tpu.memory_space<hbm>>) dst(%dma_wait3A_375 : memref<2x128xi32, #tpu.memory_space<vmem>>)
        %dma_start3A_380 = arith.constant 1 : i32
        %dma_start3A_381 = arith.constant 0 : i32
        %dma_start3A_382 = arith.constant 1 : i32
        %dma_start3A_383 = arith.constant 1 : i32
        %dma_start3A_384 = arith.constant 0 : i32
        %dma_start3A_385 = arith.constant 0 : i32
        %dma_start3A_386 = tpu.memref_slice %arg7[%dma_start3A_382, %dma_start3A_384, %dma_start3A_385] : memref<2x128x128xf32, #tpu.memory_space<vmem>> -> memref<1x128x128xf32, #tpu.memory_space<vmem>>
        %dma_start3A_387 = tpu.memref_squeeze %dma_start3A_386 : memref<1x128x128xf32, #tpu.memory_space<vmem>> -> memref<128x128xf32, #tpu.memory_space<vmem>>
        %dma_start3A_388 = arith.constant 0 : i32
        %dma_start3A_389 = tpu.memref_slice %arg6[%dma_start3A_380, %dma_start3A_381, %dma_start3A_388] : memref<4x2x128xi32, #tpu.memory_space<vmem>> -> memref<1x1x128xi32, #tpu.memory_space<vmem>>
        %dma_start3A_390 = tpu.memref_squeeze %dma_start3A_389 : memref<1x1x128xi32, #tpu.memory_space<vmem>> -> memref<128xi32, #tpu.memory_space<vmem>>
        %dma_start3A_391 = arith.constant 0 : i32
        %dma_start3A_392 = arith.constant 0 : i32
        %dma_start3A_393 = tpu.memref_slice %arg2[%dma_start3A_391, %dma_start3A_392] : memref<10000x128xf32, #tpu.memory_space<hbm>> -> memref<10000x128xf32, #tpu.memory_space<hbm>>
        %dma_start3A_394 = tpu.memref_slice %arg10[%dma_start3A_383] : memref<2x!tpu.dma_semaphore, #tpu.memory_space<semaphore_mem>> -> memref<1x!tpu.dma_semaphore, #tpu.memory_space<semaphore_mem>>
        %dma_start3A_395 = tpu.memref_squeeze %dma_start3A_394 : memref<1x!tpu.dma_semaphore, #tpu.memory_space<semaphore_mem>> -> memref<!tpu.dma_semaphore, #tpu.memory_space<semaphore_mem>>
        tpu.enqueue_indirect_dma source(%dma_start3A_393 : memref<10000x128xf32, #tpu.memory_space<hbm>>) target(%dma_start3A_387 : memref<128x128xf32, #tpu.memory_space<vmem>>) offsets(%dma_start3A_390 : memref<128xi32, #tpu.memory_space<vmem>>) semaphore(%dma_start3A_395 : memref<!tpu.dma_semaphore, #tpu.memory_space<semaphore_mem>>)
      } else {
      }
      %dma_wait3A_146 = arith.constant 0 : i32
      %dma_wait3A_147 = arith.constant 0 : i32
      %dma_wait3A_148 = arith.constant 0 : i32
      %dma_wait3A_149 = arith.constant 0 : i32
      %dma_wait3A_150 = arith.constant 0 : i32
      %dma_wait3A_151 = arith.constant 0 : i32
      %dma_wait3A_152 = tpu.memref_slice %arg7[%dma_wait3A_148, %dma_wait3A_150, %dma_wait3A_151] : memref<2x128x128xf32, #tpu.memory_space<vmem>> -> memref<1x128x128xf32, #tpu.memory_space<vmem>>
      %dma_wait3A_153 = tpu.memref_squeeze %dma_wait3A_152 : memref<1x128x128xf32, #tpu.memory_space<vmem>> -> memref<128x128xf32, #tpu.memory_space<vmem>>
      %dma_wait3A_154 = arith.constant 0 : i32
      %dma_wait3A_155 = tpu.memref_slice %arg6[%dma_wait3A_146, %dma_wait3A_147, %dma_wait3A_154] : memref<4x2x128xi32, #tpu.memory_space<vmem>> -> memref<1x1x128xi32, #tpu.memory_space<vmem>>
      %dma_wait3A_156 = tpu.memref_squeeze %dma_wait3A_155 : memref<1x1x128xi32, #tpu.memory_space<vmem>> -> memref<128xi32, #tpu.memory_space<vmem>>
      %dma_wait3A_157 = arith.constant 0 : i32
      %dma_wait3A_158 = arith.constant 0 : i32
      %dma_wait3A_159 = tpu.memref_slice %arg2[%dma_wait3A_157, %dma_wait3A_158] : memref<10000x128xf32, #tpu.memory_space<hbm>> -> memref<10000x128xf32, #tpu.memory_space<hbm>>
      %dma_wait3A_160 = tpu.memref_slice %arg10[%dma_wait3A_149] : memref<2x!tpu.dma_semaphore, #tpu.memory_space<semaphore_mem>> -> memref<1x!tpu.dma_semaphore, #tpu.memory_space<semaphore_mem>>
      %dma_wait3A_161 = tpu.memref_squeeze %dma_wait3A_160 : memref<1x!tpu.dma_semaphore, #tpu.memory_space<semaphore_mem>> -> memref<!tpu.dma_semaphore, #tpu.memory_space<semaphore_mem>>
      tpu.wait_indirect_dma semaphore(%dma_wait3A_161 : memref<!tpu.dma_semaphore, #tpu.memory_space<semaphore_mem>>) src(%dma_wait3A_159 : memref<10000x128xf32, #tpu.memory_space<hbm>>) dst(%dma_wait3A_153 : memref<128x128xf32, #tpu.memory_space<vmem>>)
      %dma_start3A_162 = arith.constant 0 : i32
      %dma_start3A_163 = arith.constant 0 : i32
      %dma_start3A_164 = arith.constant 1 : i32
      %dma_start3A_165 = arith.constant 0 : i32
      %dma_start3A_166 = arith.constant 0 : i32
      %dma_start3A_167 = arith.constant 0 : i32
      %dma_start3A_168 = tpu.memref_slice %arg7[%dma_start3A_162, %dma_start3A_166, %dma_start3A_167] : memref<2x128x128xf32, #tpu.memory_space<vmem>> -> memref<1x128x128xf32, #tpu.memory_space<vmem>>
      %dma_start3A_169 = tpu.memref_squeeze %dma_start3A_168 : memref<1x128x128xf32, #tpu.memory_space<vmem>> -> memref<128x128xf32, #tpu.memory_space<vmem>>
      %dma_start3A_170 = arith.constant 0 : i32
      %dma_start3A_171 = tpu.memref_slice %arg6[%dma_start3A_163, %dma_start3A_164, %dma_start3A_170] : memref<4x2x128xi32, #tpu.memory_space<vmem>> -> memref<1x1x128xi32, #tpu.memory_space<vmem>>
      %dma_start3A_172 = tpu.memref_squeeze %dma_start3A_171 : memref<1x1x128xi32, #tpu.memory_space<vmem>> -> memref<128xi32, #tpu.memory_space<vmem>>
      %dma_start3A_173 = arith.constant 0 : i32
      %dma_start3A_174 = arith.constant 0 : i32
      %dma_start3A_175 = tpu.memref_slice %arg8[%dma_start3A_173, %dma_start3A_174] : memref<10112x128xf32, #tpu.memory_space<vmem_shared>> -> memref<10112x128xf32, #tpu.memory_space<vmem_shared>>
      %dma_start3A_176 = tpu.memref_slice %arg11[%dma_start3A_165] : memref<2x!tpu.dma_semaphore, #tpu.memory_space<semaphore_mem>> -> memref<1x!tpu.dma_semaphore, #tpu.memory_space<semaphore_mem>>
      %dma_start3A_177 = tpu.memref_squeeze %dma_start3A_176 : memref<1x!tpu.dma_semaphore, #tpu.memory_space<semaphore_mem>> -> memref<!tpu.dma_semaphore, #tpu.memory_space<semaphore_mem>>
      tpu.enqueue_indirect_dma source(%dma_start3A_169 : memref<128x128xf32, #tpu.memory_space<vmem>>) target(%dma_start3A_175 : memref<10112x128xf32, #tpu.memory_space<vmem_shared>>) offsets(%dma_start3A_172 : memref<128xi32, #tpu.memory_space<vmem>>) semaphore(%dma_start3A_177 : memref<!tpu.dma_semaphore, #tpu.memory_space<semaphore_mem>>) {add = true}
      %add3A_178 = arith.constant 4 : i32
      %add3A_179 = arith.addi %add3A_137, %add3A_178 : i32
      %sub3A = arith.constant 1 : i32
      %sub3A_180 = arith.subi %add3A_179, %sub3A : i32
      %lt3A_181 = arith.constant 80 : i32
      %lt3A_182 = arith.cmpi slt, %sub3A_180, %lt3A_181 : i32
      %convert_element_type3A_183 = arith.extui %lt3A_182 : i1 to i32
      %cond3A_184 = arith.constant 0 : i32
      %cond3A_185 = arith.cmpi ne, %convert_element_type3A_183, %cond3A_184 : i32
      scf.if %cond3A_185 {
        %add3A_357 = arith.addi %mul3A_2, %add3A_137 : i32
        %add3A_358 = arith.constant 4 : i32
        %add3A_359 = arith.addi %add3A_357, %add3A_358 : i32
        %sub3A_360 = arith.constant 1 : i32
        %sub3A_361 = arith.subi %add3A_359, %sub3A_360 : i32
        %dma_start3A_362 = arith.constant 3 : i32
        %dma_start3A_363 = arith.constant 3 : i32
        %dma_start3A_364 = arith.constant 0 : i32
        %dma_start3A_365 = arith.constant 0 : i32
        %dma_start3A_366 = tpu.memref_slice %arg6[%dma_start3A_362, %dma_start3A_364, %dma_start3A_365] : memref<4x2x128xi32, #tpu.memory_space<vmem>> -> memref<1x2x128xi32, #tpu.memory_space<vmem>>
        %dma_start3A_367 = tpu.memref_squeeze %dma_start3A_366 : memref<1x2x128xi32, #tpu.memory_space<vmem>> -> memref<2x128xi32, #tpu.memory_space<vmem>>
        %dma_start3A_368 = arith.constant 0 : i32
        %dma_start3A_369 = arith.constant 0 : i32
        %dma_start3A_370 = tpu.memref_slice %arg3[%sub3A_361, %dma_start3A_368, %dma_start3A_369] : memref<2560x2x128xi32, #tpu.memory_space<hbm>> -> memref<1x2x128xi32, #tpu.memory_space<hbm>>
        %dma_start3A_371 = tpu.memref_squeeze %dma_start3A_370 : memref<1x2x128xi32, #tpu.memory_space<hbm>> -> memref<2x128xi32, #tpu.memory_space<hbm>>
        %dma_start3A_372 = tpu.memref_slice %arg9[%dma_start3A_363] : memref<4x!tpu.dma_semaphore, #tpu.memory_space<semaphore_mem>> -> memref<1x!tpu.dma_semaphore, #tpu.memory_space<semaphore_mem>>
        %dma_start3A_373 = tpu.memref_squeeze %dma_start3A_372 : memref<1x!tpu.dma_semaphore, #tpu.memory_space<semaphore_mem>> -> memref<!tpu.dma_semaphore, #tpu.memory_space<semaphore_mem>>
        %dma_start3A_374 = arith.constant 0 : i32
        %dma_start3A_375 = arith.constant 0 : i32
        %dma_start3A_376 = tpu.memref_slice %arg6[%dma_start3A_362, %dma_start3A_374, %dma_start3A_375] : memref<4x2x128xi32, #tpu.memory_space<vmem>> -> memref<1x2x128xi32, #tpu.memory_space<vmem>>
        %dma_start3A_377 = tpu.memref_squeeze %dma_start3A_376 : memref<1x2x128xi32, #tpu.memory_space<vmem>> -> memref<2x128xi32, #tpu.memory_space<vmem>>
        %dma_start3A_378 = arith.constant 0 : i32
        %dma_start3A_379 = arith.constant 0 : i32
        %dma_start3A_380 = tpu.memref_slice %arg3[%sub3A_361, %dma_start3A_378, %dma_start3A_379] : memref<2560x2x128xi32, #tpu.memory_space<hbm>> -> memref<1x2x128xi32, #tpu.memory_space<hbm>>
        %dma_start3A_381 = tpu.memref_squeeze %dma_start3A_380 : memref<1x2x128xi32, #tpu.memory_space<hbm>> -> memref<2x128xi32, #tpu.memory_space<hbm>>
        tpu.enqueue_dma source(%dma_start3A_381 : memref<2x128xi32, #tpu.memory_space<hbm>>) target(%dma_start3A_377 : memref<2x128xi32, #tpu.memory_space<vmem>>) target_semaphore(%dma_start3A_373 : memref<!tpu.dma_semaphore, #tpu.memory_space<semaphore_mem>>)
      } else {
      }
      %mul3A_186 = arith.constant 4 : i32
      %mul3A_187 = arith.muli %scan3A_133, %mul3A_186 : i32
      %add3A_188 = arith.constant 1 : i32
      %add3A_189 = arith.addi %mul3A_187, %add3A_188 : i32
      %ge3A_190 = arith.constant 1 : i32
      %ge3A_191 = arith.cmpi sge, %add3A_189, %ge3A_190 : i32
      %convert_element_type3A_192 = arith.extui %ge3A_191 : i1 to i32
      %cond3A_193 = arith.constant 0 : i32
      %cond3A_194 = arith.cmpi ne, %convert_element_type3A_192, %cond3A_193 : i32
      scf.if %cond3A_194 {
        %dma_wait3A_357 = arith.constant 0 : i32
        %dma_wait3A_358 = arith.constant 0 : i32
        %dma_wait3A_359 = arith.constant 1 : i32
        %dma_wait3A_360 = arith.constant 0 : i32
        %dma_wait3A_361 = arith.constant 0 : i32
        %dma_wait3A_362 = arith.constant 0 : i32
        %dma_wait3A_363 = tpu.memref_slice %arg7[%dma_wait3A_357, %dma_wait3A_361, %dma_wait3A_362] : memref<2x128x128xf32, #tpu.memory_space<vmem>> -> memref<1x128x128xf32, #tpu.memory_space<vmem>>
        %dma_wait3A_364 = tpu.memref_squeeze %dma_wait3A_363 : memref<1x128x128xf32, #tpu.memory_space<vmem>> -> memref<128x128xf32, #tpu.memory_space<vmem>>
        %dma_wait3A_365 = arith.constant 0 : i32
        %dma_wait3A_366 = tpu.memref_slice %arg6[%dma_wait3A_358, %dma_wait3A_359, %dma_wait3A_365] : memref<4x2x128xi32, #tpu.memory_space<vmem>> -> memref<1x1x128xi32, #tpu.memory_space<vmem>>
        %dma_wait3A_367 = tpu.memref_squeeze %dma_wait3A_366 : memref<1x1x128xi32, #tpu.memory_space<vmem>> -> memref<128xi32, #tpu.memory_space<vmem>>
        %dma_wait3A_368 = arith.constant 0 : i32
        %dma_wait3A_369 = arith.constant 0 : i32
        %dma_wait3A_370 = tpu.memref_slice %arg8[%dma_wait3A_368, %dma_wait3A_369] : memref<10112x128xf32, #tpu.memory_space<vmem_shared>> -> memref<10112x128xf32, #tpu.memory_space<vmem_shared>>
        %dma_wait3A_371 = tpu.memref_slice %arg11[%dma_wait3A_360] : memref<2x!tpu.dma_semaphore, #tpu.memory_space<semaphore_mem>> -> memref<1x!tpu.dma_semaphore, #tpu.memory_space<semaphore_mem>>
        %dma_wait3A_372 = tpu.memref_squeeze %dma_wait3A_371 : memref<1x!tpu.dma_semaphore, #tpu.memory_space<semaphore_mem>> -> memref<!tpu.dma_semaphore, #tpu.memory_space<semaphore_mem>>
        tpu.wait_indirect_dma semaphore(%dma_wait3A_372 : memref<!tpu.dma_semaphore, #tpu.memory_space<semaphore_mem>>) src(%dma_wait3A_364 : memref<128x128xf32, #tpu.memory_space<vmem>>) dst(%dma_wait3A_370 : memref<10112x128xf32, #tpu.memory_space<vmem_shared>>)
      } else {
      }
      %add3A_195 = arith.constant 1 : i32
      %add3A_196 = arith.addi %add3A_189, %add3A_195 : i32
      %lt3A_197 = arith.constant 80 : i32
      %lt3A_198 = arith.cmpi slt, %add3A_196, %lt3A_197 : i32
      %convert_element_type3A_199 = arith.extui %lt3A_198 : i1 to i32
      %cond3A_200 = arith.constant 0 : i32
      %cond3A_201 = arith.cmpi ne, %convert_element_type3A_199, %cond3A_200 : i32
      scf.if %cond3A_201 {
        %add3A_357 = arith.addi %mul3A_2, %add3A_189 : i32
        %add3A_358 = arith.constant 1 : i32
        %add3A_359 = arith.addi %add3A_357, %add3A_358 : i32
        %dma_wait3A_360 = arith.constant 2 : i32
        %dma_wait3A_361 = arith.constant 2 : i32
        %dma_wait3A_362 = arith.constant 0 : i32
        %dma_wait3A_363 = arith.constant 0 : i32
        %dma_wait3A_364 = tpu.memref_slice %arg6[%dma_wait3A_360, %dma_wait3A_362, %dma_wait3A_363] : memref<4x2x128xi32, #tpu.memory_space<vmem>> -> memref<1x2x128xi32, #tpu.memory_space<vmem>>
        %dma_wait3A_365 = tpu.memref_squeeze %dma_wait3A_364 : memref<1x2x128xi32, #tpu.memory_space<vmem>> -> memref<2x128xi32, #tpu.memory_space<vmem>>
        %dma_wait3A_366 = arith.constant 0 : i32
        %dma_wait3A_367 = arith.constant 0 : i32
        %dma_wait3A_368 = tpu.memref_slice %arg3[%add3A_359, %dma_wait3A_366, %dma_wait3A_367] : memref<2560x2x128xi32, #tpu.memory_space<hbm>> -> memref<1x2x128xi32, #tpu.memory_space<hbm>>
        %dma_wait3A_369 = tpu.memref_squeeze %dma_wait3A_368 : memref<1x2x128xi32, #tpu.memory_space<hbm>> -> memref<2x128xi32, #tpu.memory_space<hbm>>
        %dma_wait3A_370 = tpu.memref_slice %arg9[%dma_wait3A_361] : memref<4x!tpu.dma_semaphore, #tpu.memory_space<semaphore_mem>> -> memref<1x!tpu.dma_semaphore, #tpu.memory_space<semaphore_mem>>
        %dma_wait3A_371 = tpu.memref_squeeze %dma_wait3A_370 : memref<1x!tpu.dma_semaphore, #tpu.memory_space<semaphore_mem>> -> memref<!tpu.dma_semaphore, #tpu.memory_space<semaphore_mem>>
        %dma_wait3A_372 = arith.constant 0 : i32
        %dma_wait3A_373 = arith.constant 0 : i32
        %dma_wait3A_374 = tpu.memref_slice %arg6[%dma_wait3A_360, %dma_wait3A_372, %dma_wait3A_373] : memref<4x2x128xi32, #tpu.memory_space<vmem>> -> memref<1x2x128xi32, #tpu.memory_space<vmem>>
        %dma_wait3A_375 = tpu.memref_squeeze %dma_wait3A_374 : memref<1x2x128xi32, #tpu.memory_space<vmem>> -> memref<2x128xi32, #tpu.memory_space<vmem>>
        %dma_wait3A_376 = arith.constant 0 : i32
        %dma_wait3A_377 = arith.constant 0 : i32
        %dma_wait3A_378 = tpu.memref_slice %arg3[%add3A_359, %dma_wait3A_376, %dma_wait3A_377] : memref<2560x2x128xi32, #tpu.memory_space<hbm>> -> memref<1x2x128xi32, #tpu.memory_space<hbm>>
        %dma_wait3A_379 = tpu.memref_squeeze %dma_wait3A_378 : memref<1x2x128xi32, #tpu.memory_space<hbm>> -> memref<2x128xi32, #tpu.memory_space<hbm>>
        tpu.wait_dma2 semaphore(%dma_wait3A_371 : memref<!tpu.dma_semaphore, #tpu.memory_space<semaphore_mem>>) src(%dma_wait3A_379 : memref<2x128xi32, #tpu.memory_space<hbm>>) dst(%dma_wait3A_375 : memref<2x128xi32, #tpu.memory_space<vmem>>)
        %dma_start3A_380 = arith.constant 2 : i32
        %dma_start3A_381 = arith.constant 0 : i32
        %dma_start3A_382 = arith.constant 0 : i32
        %dma_start3A_383 = arith.constant 0 : i32
        %dma_start3A_384 = arith.constant 0 : i32
        %dma_start3A_385 = arith.constant 0 : i32
        %dma_start3A_386 = tpu.memref_slice %arg7[%dma_start3A_382, %dma_start3A_384, %dma_start3A_385] : memref<2x128x128xf32, #tpu.memory_space<vmem>> -> memref<1x128x128xf32, #tpu.memory_space<vmem>>
        %dma_start3A_387 = tpu.memref_squeeze %dma_start3A_386 : memref<1x128x128xf32, #tpu.memory_space<vmem>> -> memref<128x128xf32, #tpu.memory_space<vmem>>
        %dma_start3A_388 = arith.constant 0 : i32
        %dma_start3A_389 = tpu.memref_slice %arg6[%dma_start3A_380, %dma_start3A_381, %dma_start3A_388] : memref<4x2x128xi32, #tpu.memory_space<vmem>> -> memref<1x1x128xi32, #tpu.memory_space<vmem>>
        %dma_start3A_390 = tpu.memref_squeeze %dma_start3A_389 : memref<1x1x128xi32, #tpu.memory_space<vmem>> -> memref<128xi32, #tpu.memory_space<vmem>>
        %dma_start3A_391 = arith.constant 0 : i32
        %dma_start3A_392 = arith.constant 0 : i32
        %dma_start3A_393 = tpu.memref_slice %arg2[%dma_start3A_391, %dma_start3A_392] : memref<10000x128xf32, #tpu.memory_space<hbm>> -> memref<10000x128xf32, #tpu.memory_space<hbm>>
        %dma_start3A_394 = tpu.memref_slice %arg10[%dma_start3A_383] : memref<2x!tpu.dma_semaphore, #tpu.memory_space<semaphore_mem>> -> memref<1x!tpu.dma_semaphore, #tpu.memory_space<semaphore_mem>>
        %dma_start3A_395 = tpu.memref_squeeze %dma_start3A_394 : memref<1x!tpu.dma_semaphore, #tpu.memory_space<semaphore_mem>> -> memref<!tpu.dma_semaphore, #tpu.memory_space<semaphore_mem>>
        tpu.enqueue_indirect_dma source(%dma_start3A_393 : memref<10000x128xf32, #tpu.memory_space<hbm>>) target(%dma_start3A_387 : memref<128x128xf32, #tpu.memory_space<vmem>>) offsets(%dma_start3A_390 : memref<128xi32, #tpu.memory_space<vmem>>) semaphore(%dma_start3A_395 : memref<!tpu.dma_semaphore, #tpu.memory_space<semaphore_mem>>)
      } else {
      }
      %dma_wait3A_202 = arith.constant 1 : i32
      %dma_wait3A_203 = arith.constant 0 : i32
      %dma_wait3A_204 = arith.constant 1 : i32
      %dma_wait3A_205 = arith.constant 1 : i32
      %dma_wait3A_206 = arith.constant 0 : i32
      %dma_wait3A_207 = arith.constant 0 : i32
      %dma_wait3A_208 = tpu.memref_slice %arg7[%dma_wait3A_204, %dma_wait3A_206, %dma_wait3A_207] : memref<2x128x128xf32, #tpu.memory_space<vmem>> -> memref<1x128x128xf32, #tpu.memory_space<vmem>>
      %dma_wait3A_209 = tpu.memref_squeeze %dma_wait3A_208 : memref<1x128x128xf32, #tpu.memory_space<vmem>> -> memref<128x128xf32, #tpu.memory_space<vmem>>
      %dma_wait3A_210 = arith.constant 0 : i32
      %dma_wait3A_211 = tpu.memref_slice %arg6[%dma_wait3A_202, %dma_wait3A_203, %dma_wait3A_210] : memref<4x2x128xi32, #tpu.memory_space<vmem>> -> memref<1x1x128xi32, #tpu.memory_space<vmem>>
      %dma_wait3A_212 = tpu.memref_squeeze %dma_wait3A_211 : memref<1x1x128xi32, #tpu.memory_space<vmem>> -> memref<128xi32, #tpu.memory_space<vmem>>
      %dma_wait3A_213 = arith.constant 0 : i32
      %dma_wait3A_214 = arith.constant 0 : i32
      %dma_wait3A_215 = tpu.memref_slice %arg2[%dma_wait3A_213, %dma_wait3A_214] : memref<10000x128xf32, #tpu.memory_space<hbm>> -> memref<10000x128xf32, #tpu.memory_space<hbm>>
      %dma_wait3A_216 = tpu.memref_slice %arg10[%dma_wait3A_205] : memref<2x!tpu.dma_semaphore, #tpu.memory_space<semaphore_mem>> -> memref<1x!tpu.dma_semaphore, #tpu.memory_space<semaphore_mem>>
      %dma_wait3A_217 = tpu.memref_squeeze %dma_wait3A_216 : memref<1x!tpu.dma_semaphore, #tpu.memory_space<semaphore_mem>> -> memref<!tpu.dma_semaphore, #tpu.memory_space<semaphore_mem>>
      tpu.wait_indirect_dma semaphore(%dma_wait3A_217 : memref<!tpu.dma_semaphore, #tpu.memory_space<semaphore_mem>>) src(%dma_wait3A_215 : memref<10000x128xf32, #tpu.memory_space<hbm>>) dst(%dma_wait3A_209 : memref<128x128xf32, #tpu.memory_space<vmem>>)
      %dma_start3A_218 = arith.constant 1 : i32
      %dma_start3A_219 = arith.constant 1 : i32
      %dma_start3A_220 = arith.constant 1 : i32
      %dma_start3A_221 = arith.constant 1 : i32
      %dma_start3A_222 = arith.constant 0 : i32
      %dma_start3A_223 = arith.constant 0 : i32
      %dma_start3A_224 = tpu.memref_slice %arg7[%dma_start3A_218, %dma_start3A_222, %dma_start3A_223] : memref<2x128x128xf32, #tpu.memory_space<vmem>> -> memref<1x128x128xf32, #tpu.memory_space<vmem>>
      %dma_start3A_225 = tpu.memref_squeeze %dma_start3A_224 : memref<1x128x128xf32, #tpu.memory_space<vmem>> -> memref<128x128xf32, #tpu.memory_space<vmem>>
      %dma_start3A_226 = arith.constant 0 : i32
      %dma_start3A_227 = tpu.memref_slice %arg6[%dma_start3A_219, %dma_start3A_220, %dma_start3A_226] : memref<4x2x128xi32, #tpu.memory_space<vmem>> -> memref<1x1x128xi32, #tpu.memory_space<vmem>>
      %dma_start3A_228 = tpu.memref_squeeze %dma_start3A_227 : memref<1x1x128xi32, #tpu.memory_space<vmem>> -> memref<128xi32, #tpu.memory_space<vmem>>
      %dma_start3A_229 = arith.constant 0 : i32
      %dma_start3A_230 = arith.constant 0 : i32
      %dma_start3A_231 = tpu.memref_slice %arg8[%dma_start3A_229, %dma_start3A_230] : memref<10112x128xf32, #tpu.memory_space<vmem_shared>> -> memref<10112x128xf32, #tpu.memory_space<vmem_shared>>
      %dma_start3A_232 = tpu.memref_slice %arg11[%dma_start3A_221] : memref<2x!tpu.dma_semaphore, #tpu.memory_space<semaphore_mem>> -> memref<1x!tpu.dma_semaphore, #tpu.memory_space<semaphore_mem>>
      %dma_start3A_233 = tpu.memref_squeeze %dma_start3A_232 : memref<1x!tpu.dma_semaphore, #tpu.memory_space<semaphore_mem>> -> memref<!tpu.dma_semaphore, #tpu.memory_space<semaphore_mem>>
      tpu.enqueue_indirect_dma source(%dma_start3A_225 : memref<128x128xf32, #tpu.memory_space<vmem>>) target(%dma_start3A_231 : memref<10112x128xf32, #tpu.memory_space<vmem_shared>>) offsets(%dma_start3A_228 : memref<128xi32, #tpu.memory_space<vmem>>) semaphore(%dma_start3A_233 : memref<!tpu.dma_semaphore, #tpu.memory_space<semaphore_mem>>) {add = true}
      %add3A_234 = arith.constant 4 : i32
      %add3A_235 = arith.addi %add3A_189, %add3A_234 : i32
      %sub3A_236 = arith.constant 1 : i32
      %sub3A_237 = arith.subi %add3A_235, %sub3A_236 : i32
      %lt3A_238 = arith.constant 80 : i32
      %lt3A_239 = arith.cmpi slt, %sub3A_237, %lt3A_238 : i32
      %convert_element_type3A_240 = arith.extui %lt3A_239 : i1 to i32
      %cond3A_241 = arith.constant 0 : i32
      %cond3A_242 = arith.cmpi ne, %convert_element_type3A_240, %cond3A_241 : i32
      scf.if %cond3A_242 {
        %add3A_357 = arith.addi %mul3A_2, %add3A_189 : i32
        %add3A_358 = arith.constant 4 : i32
        %add3A_359 = arith.addi %add3A_357, %add3A_358 : i32
        %sub3A_360 = arith.constant 1 : i32
        %sub3A_361 = arith.subi %add3A_359, %sub3A_360 : i32
        %dma_start3A_362 = arith.constant 0 : i32
        %dma_start3A_363 = arith.constant 0 : i32
        %dma_start3A_364 = arith.constant 0 : i32
        %dma_start3A_365 = arith.constant 0 : i32
        %dma_start3A_366 = tpu.memref_slice %arg6[%dma_start3A_362, %dma_start3A_364, %dma_start3A_365] : memref<4x2x128xi32, #tpu.memory_space<vmem>> -> memref<1x2x128xi32, #tpu.memory_space<vmem>>
        %dma_start3A_367 = tpu.memref_squeeze %dma_start3A_366 : memref<1x2x128xi32, #tpu.memory_space<vmem>> -> memref<2x128xi32, #tpu.memory_space<vmem>>
        %dma_start3A_368 = arith.constant 0 : i32
        %dma_start3A_369 = arith.constant 0 : i32
        %dma_start3A_370 = tpu.memref_slice %arg3[%sub3A_361, %dma_start3A_368, %dma_start3A_369] : memref<2560x2x128xi32, #tpu.memory_space<hbm>> -> memref<1x2x128xi32, #tpu.memory_space<hbm>>
        %dma_start3A_371 = tpu.memref_squeeze %dma_start3A_370 : memref<1x2x128xi32, #tpu.memory_space<hbm>> -> memref<2x128xi32, #tpu.memory_space<hbm>>
        %dma_start3A_372 = tpu.memref_slice %arg9[%dma_start3A_363] : memref<4x!tpu.dma_semaphore, #tpu.memory_space<semaphore_mem>> -> memref<1x!tpu.dma_semaphore, #tpu.memory_space<semaphore_mem>>
        %dma_start3A_373 = tpu.memref_squeeze %dma_start3A_372 : memref<1x!tpu.dma_semaphore, #tpu.memory_space<semaphore_mem>> -> memref<!tpu.dma_semaphore, #tpu.memory_space<semaphore_mem>>
        %dma_start3A_374 = arith.constant 0 : i32
        %dma_start3A_375 = arith.constant 0 : i32
        %dma_start3A_376 = tpu.memref_slice %arg6[%dma_start3A_362, %dma_start3A_374, %dma_start3A_375] : memref<4x2x128xi32, #tpu.memory_space<vmem>> -> memref<1x2x128xi32, #tpu.memory_space<vmem>>
        %dma_start3A_377 = tpu.memref_squeeze %dma_start3A_376 : memref<1x2x128xi32, #tpu.memory_space<vmem>> -> memref<2x128xi32, #tpu.memory_space<vmem>>
        %dma_start3A_378 = arith.constant 0 : i32
        %dma_start3A_379 = arith.constant 0 : i32
        %dma_start3A_380 = tpu.memref_slice %arg3[%sub3A_361, %dma_start3A_378, %dma_start3A_379] : memref<2560x2x128xi32, #tpu.memory_space<hbm>> -> memref<1x2x128xi32, #tpu.memory_space<hbm>>
        %dma_start3A_381 = tpu.memref_squeeze %dma_start3A_380 : memref<1x2x128xi32, #tpu.memory_space<hbm>> -> memref<2x128xi32, #tpu.memory_space<hbm>>
        tpu.enqueue_dma source(%dma_start3A_381 : memref<2x128xi32, #tpu.memory_space<hbm>>) target(%dma_start3A_377 : memref<2x128xi32, #tpu.memory_space<vmem>>) target_semaphore(%dma_start3A_373 : memref<!tpu.dma_semaphore, #tpu.memory_space<semaphore_mem>>)
      } else {
      }
      %mul3A_243 = arith.constant 4 : i32
      %mul3A_244 = arith.muli %scan3A_133, %mul3A_243 : i32
      %add3A_245 = arith.constant 2 : i32
      %add3A_246 = arith.addi %mul3A_244, %add3A_245 : i32
      %ge3A_247 = arith.constant 1 : i32
      %ge3A_248 = arith.cmpi sge, %add3A_246, %ge3A_247 : i32
      %convert_element_type3A_249 = arith.extui %ge3A_248 : i1 to i32
      %cond3A_250 = arith.constant 0 : i32
      %cond3A_251 = arith.cmpi ne, %convert_element_type3A_249, %cond3A_250 : i32
      scf.if %cond3A_251 {
        %dma_wait3A_357 = arith.constant 1 : i32
        %dma_wait3A_358 = arith.constant 1 : i32
        %dma_wait3A_359 = arith.constant 1 : i32
        %dma_wait3A_360 = arith.constant 1 : i32
        %dma_wait3A_361 = arith.constant 0 : i32
        %dma_wait3A_362 = arith.constant 0 : i32
        %dma_wait3A_363 = tpu.memref_slice %arg7[%dma_wait3A_357, %dma_wait3A_361, %dma_wait3A_362] : memref<2x128x128xf32, #tpu.memory_space<vmem>> -> memref<1x128x128xf32, #tpu.memory_space<vmem>>
        %dma_wait3A_364 = tpu.memref_squeeze %dma_wait3A_363 : memref<1x128x128xf32, #tpu.memory_space<vmem>> -> memref<128x128xf32, #tpu.memory_space<vmem>>
        %dma_wait3A_365 = arith.constant 0 : i32
        %dma_wait3A_366 = tpu.memref_slice %arg6[%dma_wait3A_358, %dma_wait3A_359, %dma_wait3A_365] : memref<4x2x128xi32, #tpu.memory_space<vmem>> -> memref<1x1x128xi32, #tpu.memory_space<vmem>>
        %dma_wait3A_367 = tpu.memref_squeeze %dma_wait3A_366 : memref<1x1x128xi32, #tpu.memory_space<vmem>> -> memref<128xi32, #tpu.memory_space<vmem>>
        %dma_wait3A_368 = arith.constant 0 : i32
        %dma_wait3A_369 = arith.constant 0 : i32
        %dma_wait3A_370 = tpu.memref_slice %arg8[%dma_wait3A_368, %dma_wait3A_369] : memref<10112x128xf32, #tpu.memory_space<vmem_shared>> -> memref<10112x128xf32, #tpu.memory_space<vmem_shared>>
        %dma_wait3A_371 = tpu.memref_slice %arg11[%dma_wait3A_360] : memref<2x!tpu.dma_semaphore, #tpu.memory_space<semaphore_mem>> -> memref<1x!tpu.dma_semaphore, #tpu.memory_space<semaphore_mem>>
        %dma_wait3A_372 = tpu.memref_squeeze %dma_wait3A_371 : memref<1x!tpu.dma_semaphore, #tpu.memory_space<semaphore_mem>> -> memref<!tpu.dma_semaphore, #tpu.memory_space<semaphore_mem>>
        tpu.wait_indirect_dma semaphore(%dma_wait3A_372 : memref<!tpu.dma_semaphore, #tpu.memory_space<semaphore_mem>>) src(%dma_wait3A_364 : memref<128x128xf32, #tpu.memory_space<vmem>>) dst(%dma_wait3A_370 : memref<10112x128xf32, #tpu.memory_space<vmem_shared>>)
      } else {
      }
      %add3A_252 = arith.constant 1 : i32
      %add3A_253 = arith.addi %add3A_246, %add3A_252 : i32
      %lt3A_254 = arith.constant 80 : i32
      %lt3A_255 = arith.cmpi slt, %add3A_253, %lt3A_254 : i32
      %convert_element_type3A_256 = arith.extui %lt3A_255 : i1 to i32
      %cond3A_257 = arith.constant 0 : i32
      %cond3A_258 = arith.cmpi ne, %convert_element_type3A_256, %cond3A_257 : i32
      scf.if %cond3A_258 {
        %add3A_357 = arith.addi %mul3A_2, %add3A_246 : i32
        %add3A_358 = arith.constant 1 : i32
        %add3A_359 = arith.addi %add3A_357, %add3A_358 : i32
        %dma_wait3A_360 = arith.constant 3 : i32
        %dma_wait3A_361 = arith.constant 3 : i32
        %dma_wait3A_362 = arith.constant 0 : i32
        %dma_wait3A_363 = arith.constant 0 : i32
        %dma_wait3A_364 = tpu.memref_slice %arg6[%dma_wait3A_360, %dma_wait3A_362, %dma_wait3A_363] : memref<4x2x128xi32, #tpu.memory_space<vmem>> -> memref<1x2x128xi32, #tpu.memory_space<vmem>>
        %dma_wait3A_365 = tpu.memref_squeeze %dma_wait3A_364 : memref<1x2x128xi32, #tpu.memory_space<vmem>> -> memref<2x128xi32, #tpu.memory_space<vmem>>
        %dma_wait3A_366 = arith.constant 0 : i32
        %dma_wait3A_367 = arith.constant 0 : i32
        %dma_wait3A_368 = tpu.memref_slice %arg3[%add3A_359, %dma_wait3A_366, %dma_wait3A_367] : memref<2560x2x128xi32, #tpu.memory_space<hbm>> -> memref<1x2x128xi32, #tpu.memory_space<hbm>>
        %dma_wait3A_369 = tpu.memref_squeeze %dma_wait3A_368 : memref<1x2x128xi32, #tpu.memory_space<hbm>> -> memref<2x128xi32, #tpu.memory_space<hbm>>
        %dma_wait3A_370 = tpu.memref_slice %arg9[%dma_wait3A_361] : memref<4x!tpu.dma_semaphore, #tpu.memory_space<semaphore_mem>> -> memref<1x!tpu.dma_semaphore, #tpu.memory_space<semaphore_mem>>
        %dma_wait3A_371 = tpu.memref_squeeze %dma_wait3A_370 : memref<1x!tpu.dma_semaphore, #tpu.memory_space<semaphore_mem>> -> memref<!tpu.dma_semaphore, #tpu.memory_space<semaphore_mem>>
        %dma_wait3A_372 = arith.constant 0 : i32
        %dma_wait3A_373 = arith.constant 0 : i32
        %dma_wait3A_374 = tpu.memref_slice %arg6[%dma_wait3A_360, %dma_wait3A_372, %dma_wait3A_373] : memref<4x2x128xi32, #tpu.memory_space<vmem>> -> memref<1x2x128xi32, #tpu.memory_space<vmem>>
        %dma_wait3A_375 = tpu.memref_squeeze %dma_wait3A_374 : memref<1x2x128xi32, #tpu.memory_space<vmem>> -> memref<2x128xi32, #tpu.memory_space<vmem>>
        %dma_wait3A_376 = arith.constant 0 : i32
        %dma_wait3A_377 = arith.constant 0 : i32
        %dma_wait3A_378 = tpu.memref_slice %arg3[%add3A_359, %dma_wait3A_376, %dma_wait3A_377] : memref<2560x2x128xi32, #tpu.memory_space<hbm>> -> memref<1x2x128xi32, #tpu.memory_space<hbm>>
        %dma_wait3A_379 = tpu.memref_squeeze %dma_wait3A_378 : memref<1x2x128xi32, #tpu.memory_space<hbm>> -> memref<2x128xi32, #tpu.memory_space<hbm>>
        tpu.wait_dma2 semaphore(%dma_wait3A_371 : memref<!tpu.dma_semaphore, #tpu.memory_space<semaphore_mem>>) src(%dma_wait3A_379 : memref<2x128xi32, #tpu.memory_space<hbm>>) dst(%dma_wait3A_375 : memref<2x128xi32, #tpu.memory_space<vmem>>)
        %dma_start3A_380 = arith.constant 3 : i32
        %dma_start3A_381 = arith.constant 0 : i32
        %dma_start3A_382 = arith.constant 1 : i32
        %dma_start3A_383 = arith.constant 1 : i32
        %dma_start3A_384 = arith.constant 0 : i32
        %dma_start3A_385 = arith.constant 0 : i32
        %dma_start3A_386 = tpu.memref_slice %arg7[%dma_start3A_382, %dma_start3A_384, %dma_start3A_385] : memref<2x128x128xf32, #tpu.memory_space<vmem>> -> memref<1x128x128xf32, #tpu.memory_space<vmem>>
        %dma_start3A_387 = tpu.memref_squeeze %dma_start3A_386 : memref<1x128x128xf32, #tpu.memory_space<vmem>> -> memref<128x128xf32, #tpu.memory_space<vmem>>
        %dma_start3A_388 = arith.constant 0 : i32
        %dma_start3A_389 = tpu.memref_slice %arg6[%dma_start3A_380, %dma_start3A_381, %dma_start3A_388] : memref<4x2x128xi32, #tpu.memory_space<vmem>> -> memref<1x1x128xi32, #tpu.memory_space<vmem>>
        %dma_start3A_390 = tpu.memref_squeeze %dma_start3A_389 : memref<1x1x128xi32, #tpu.memory_space<vmem>> -> memref<128xi32, #tpu.memory_space<vmem>>
        %dma_start3A_391 = arith.constant 0 : i32
        %dma_start3A_392 = arith.constant 0 : i32
        %dma_start3A_393 = tpu.memref_slice %arg2[%dma_start3A_391, %dma_start3A_392] : memref<10000x128xf32, #tpu.memory_space<hbm>> -> memref<10000x128xf32, #tpu.memory_space<hbm>>
        %dma_start3A_394 = tpu.memref_slice %arg10[%dma_start3A_383] : memref<2x!tpu.dma_semaphore, #tpu.memory_space<semaphore_mem>> -> memref<1x!tpu.dma_semaphore, #tpu.memory_space<semaphore_mem>>
        %dma_start3A_395 = tpu.memref_squeeze %dma_start3A_394 : memref<1x!tpu.dma_semaphore, #tpu.memory_space<semaphore_mem>> -> memref<!tpu.dma_semaphore, #tpu.memory_space<semaphore_mem>>
        tpu.enqueue_indirect_dma source(%dma_start3A_393 : memref<10000x128xf32, #tpu.memory_space<hbm>>) target(%dma_start3A_387 : memref<128x128xf32, #tpu.memory_space<vmem>>) offsets(%dma_start3A_390 : memref<128xi32, #tpu.memory_space<vmem>>) semaphore(%dma_start3A_395 : memref<!tpu.dma_semaphore, #tpu.memory_space<semaphore_mem>>)
      } else {
      }
      %dma_wait3A_259 = arith.constant 2 : i32
      %dma_wait3A_260 = arith.constant 0 : i32
      %dma_wait3A_261 = arith.constant 0 : i32
      %dma_wait3A_262 = arith.constant 0 : i32
      %dma_wait3A_263 = arith.constant 0 : i32
      %dma_wait3A_264 = arith.constant 0 : i32
      %dma_wait3A_265 = tpu.memref_slice %arg7[%dma_wait3A_261, %dma_wait3A_263, %dma_wait3A_264] : memref<2x128x128xf32, #tpu.memory_space<vmem>> -> memref<1x128x128xf32, #tpu.memory_space<vmem>>
      %dma_wait3A_266 = tpu.memref_squeeze %dma_wait3A_265 : memref<1x128x128xf32, #tpu.memory_space<vmem>> -> memref<128x128xf32, #tpu.memory_space<vmem>>
      %dma_wait3A_267 = arith.constant 0 : i32
      %dma_wait3A_268 = tpu.memref_slice %arg6[%dma_wait3A_259, %dma_wait3A_260, %dma_wait3A_267] : memref<4x2x128xi32, #tpu.memory_space<vmem>> -> memref<1x1x128xi32, #tpu.memory_space<vmem>>
      %dma_wait3A_269 = tpu.memref_squeeze %dma_wait3A_268 : memref<1x1x128xi32, #tpu.memory_space<vmem>> -> memref<128xi32, #tpu.memory_space<vmem>>
      %dma_wait3A_270 = arith.constant 0 : i32
      %dma_wait3A_271 = arith.constant 0 : i32
      %dma_wait3A_272 = tpu.memref_slice %arg2[%dma_wait3A_270, %dma_wait3A_271] : memref<10000x128xf32, #tpu.memory_space<hbm>> -> memref<10000x128xf32, #tpu.memory_space<hbm>>
      %dma_wait3A_273 = tpu.memref_slice %arg10[%dma_wait3A_262] : memref<2x!tpu.dma_semaphore, #tpu.memory_space<semaphore_mem>> -> memref<1x!tpu.dma_semaphore, #tpu.memory_space<semaphore_mem>>
      %dma_wait3A_274 = tpu.memref_squeeze %dma_wait3A_273 : memref<1x!tpu.dma_semaphore, #tpu.memory_space<semaphore_mem>> -> memref<!tpu.dma_semaphore, #tpu.memory_space<semaphore_mem>>
      tpu.wait_indirect_dma semaphore(%dma_wait3A_274 : memref<!tpu.dma_semaphore, #tpu.memory_space<semaphore_mem>>) src(%dma_wait3A_272 : memref<10000x128xf32, #tpu.memory_space<hbm>>) dst(%dma_wait3A_266 : memref<128x128xf32, #tpu.memory_space<vmem>>)
      %dma_start3A_275 = arith.constant 0 : i32
      %dma_start3A_276 = arith.constant 2 : i32
      %dma_start3A_277 = arith.constant 1 : i32
      %dma_start3A_278 = arith.constant 0 : i32
      %dma_start3A_279 = arith.constant 0 : i32
      %dma_start3A_280 = arith.constant 0 : i32
      %dma_start3A_281 = tpu.memref_slice %arg7[%dma_start3A_275, %dma_start3A_279, %dma_start3A_280] : memref<2x128x128xf32, #tpu.memory_space<vmem>> -> memref<1x128x128xf32, #tpu.memory_space<vmem>>
      %dma_start3A_282 = tpu.memref_squeeze %dma_start3A_281 : memref<1x128x128xf32, #tpu.memory_space<vmem>> -> memref<128x128xf32, #tpu.memory_space<vmem>>
      %dma_start3A_283 = arith.constant 0 : i32
      %dma_start3A_284 = tpu.memref_slice %arg6[%dma_start3A_276, %dma_start3A_277, %dma_start3A_283] : memref<4x2x128xi32, #tpu.memory_space<vmem>> -> memref<1x1x128xi32, #tpu.memory_space<vmem>>
      %dma_start3A_285 = tpu.memref_squeeze %dma_start3A_284 : memref<1x1x128xi32, #tpu.memory_space<vmem>> -> memref<128xi32, #tpu.memory_space<vmem>>
      %dma_start3A_286 = arith.constant 0 : i32
      %dma_start3A_287 = arith.constant 0 : i32
      %dma_start3A_288 = tpu.memref_slice %arg8[%dma_start3A_286, %dma_start3A_287] : memref<10112x128xf32, #tpu.memory_space<vmem_shared>> -> memref<10112x128xf32, #tpu.memory_space<vmem_shared>>
      %dma_start3A_289 = tpu.memref_slice %arg11[%dma_start3A_278] : memref<2x!tpu.dma_semaphore, #tpu.memory_space<semaphore_mem>> -> memref<1x!tpu.dma_semaphore, #tpu.memory_space<semaphore_mem>>
      %dma_start3A_290 = tpu.memref_squeeze %dma_start3A_289 : memref<1x!tpu.dma_semaphore, #tpu.memory_space<semaphore_mem>> -> memref<!tpu.dma_semaphore, #tpu.memory_space<semaphore_mem>>
      tpu.enqueue_indirect_dma source(%dma_start3A_282 : memref<128x128xf32, #tpu.memory_space<vmem>>) target(%dma_start3A_288 : memref<10112x128xf32, #tpu.memory_space<vmem_shared>>) offsets(%dma_start3A_285 : memref<128xi32, #tpu.memory_space<vmem>>) semaphore(%dma_start3A_290 : memref<!tpu.dma_semaphore, #tpu.memory_space<semaphore_mem>>) {add = true}
      %add3A_291 = arith.constant 4 : i32
      %add3A_292 = arith.addi %add3A_246, %add3A_291 : i32
      %sub3A_293 = arith.constant 1 : i32
      %sub3A_294 = arith.subi %add3A_292, %sub3A_293 : i32
      %lt3A_295 = arith.constant 80 : i32
      %lt3A_296 = arith.cmpi slt, %sub3A_294, %lt3A_295 : i32
      %convert_element_type3A_297 = arith.extui %lt3A_296 : i1 to i32
      %cond3A_298 = arith.constant 0 : i32
      %cond3A_299 = arith.cmpi ne, %convert_element_type3A_297, %cond3A_298 : i32
      scf.if %cond3A_299 {
        %add3A_357 = arith.addi %mul3A_2, %add3A_246 : i32
        %add3A_358 = arith.constant 4 : i32
        %add3A_359 = arith.addi %add3A_357, %add3A_358 : i32
        %sub3A_360 = arith.constant 1 : i32
        %sub3A_361 = arith.subi %add3A_359, %sub3A_360 : i32
        %dma_start3A_362 = arith.constant 1 : i32
        %dma_start3A_363 = arith.constant 1 : i32
        %dma_start3A_364 = arith.constant 0 : i32
        %dma_start3A_365 = arith.constant 0 : i32
        %dma_start3A_366 = tpu.memref_slice %arg6[%dma_start3A_362, %dma_start3A_364, %dma_start3A_365] : memref<4x2x128xi32, #tpu.memory_space<vmem>> -> memref<1x2x128xi32, #tpu.memory_space<vmem>>
        %dma_start3A_367 = tpu.memref_squeeze %dma_start3A_366 : memref<1x2x128xi32, #tpu.memory_space<vmem>> -> memref<2x128xi32, #tpu.memory_space<vmem>>
        %dma_start3A_368 = arith.constant 0 : i32
        %dma_start3A_369 = arith.constant 0 : i32
        %dma_start3A_370 = tpu.memref_slice %arg3[%sub3A_361, %dma_start3A_368, %dma_start3A_369] : memref<2560x2x128xi32, #tpu.memory_space<hbm>> -> memref<1x2x128xi32, #tpu.memory_space<hbm>>
        %dma_start3A_371 = tpu.memref_squeeze %dma_start3A_370 : memref<1x2x128xi32, #tpu.memory_space<hbm>> -> memref<2x128xi32, #tpu.memory_space<hbm>>
        %dma_start3A_372 = tpu.memref_slice %arg9[%dma_start3A_363] : memref<4x!tpu.dma_semaphore, #tpu.memory_space<semaphore_mem>> -> memref<1x!tpu.dma_semaphore, #tpu.memory_space<semaphore_mem>>
        %dma_start3A_373 = tpu.memref_squeeze %dma_start3A_372 : memref<1x!tpu.dma_semaphore, #tpu.memory_space<semaphore_mem>> -> memref<!tpu.dma_semaphore, #tpu.memory_space<semaphore_mem>>
        %dma_start3A_374 = arith.constant 0 : i32
        %dma_start3A_375 = arith.constant 0 : i32
        %dma_start3A_376 = tpu.memref_slice %arg6[%dma_start3A_362, %dma_start3A_374, %dma_start3A_375] : memref<4x2x128xi32, #tpu.memory_space<vmem>> -> memref<1x2x128xi32, #tpu.memory_space<vmem>>
        %dma_start3A_377 = tpu.memref_squeeze %dma_start3A_376 : memref<1x2x128xi32, #tpu.memory_space<vmem>> -> memref<2x128xi32, #tpu.memory_space<vmem>>
        %dma_start3A_378 = arith.constant 0 : i32
        %dma_start3A_379 = arith.constant 0 : i32
        %dma_start3A_380 = tpu.memref_slice %arg3[%sub3A_361, %dma_start3A_378, %dma_start3A_379] : memref<2560x2x128xi32, #tpu.memory_space<hbm>> -> memref<1x2x128xi32, #tpu.memory_space<hbm>>
        %dma_start3A_381 = tpu.memref_squeeze %dma_start3A_380 : memref<1x2x128xi32, #tpu.memory_space<hbm>> -> memref<2x128xi32, #tpu.memory_space<hbm>>
        tpu.enqueue_dma source(%dma_start3A_381 : memref<2x128xi32, #tpu.memory_space<hbm>>) target(%dma_start3A_377 : memref<2x128xi32, #tpu.memory_space<vmem>>) target_semaphore(%dma_start3A_373 : memref<!tpu.dma_semaphore, #tpu.memory_space<semaphore_mem>>)
      } else {
      }
      %mul3A_300 = arith.constant 4 : i32
      %mul3A_301 = arith.muli %scan3A_133, %mul3A_300 : i32
      %add3A_302 = arith.constant 3 : i32
      %add3A_303 = arith.addi %mul3A_301, %add3A_302 : i32
      %ge3A_304 = arith.constant 1 : i32
      %ge3A_305 = arith.cmpi sge, %add3A_303, %ge3A_304 : i32
      %convert_element_type3A_306 = arith.extui %ge3A_305 : i1 to i32
      %cond3A_307 = arith.constant 0 : i32
      %cond3A_308 = arith.cmpi ne, %convert_element_type3A_306, %cond3A_307 : i32
      scf.if %cond3A_308 {
        %dma_wait3A_357 = arith.constant 0 : i32
        %dma_wait3A_358 = arith.constant 2 : i32
        %dma_wait3A_359 = arith.constant 1 : i32
        %dma_wait3A_360 = arith.constant 0 : i32
        %dma_wait3A_361 = arith.constant 0 : i32
        %dma_wait3A_362 = arith.constant 0 : i32
        %dma_wait3A_363 = tpu.memref_slice %arg7[%dma_wait3A_357, %dma_wait3A_361, %dma_wait3A_362] : memref<2x128x128xf32, #tpu.memory_space<vmem>> -> memref<1x128x128xf32, #tpu.memory_space<vmem>>
        %dma_wait3A_364 = tpu.memref_squeeze %dma_wait3A_363 : memref<1x128x128xf32, #tpu.memory_space<vmem>> -> memref<128x128xf32, #tpu.memory_space<vmem>>
        %dma_wait3A_365 = arith.constant 0 : i32
        %dma_wait3A_366 = tpu.memref_slice %arg6[%dma_wait3A_358, %dma_wait3A_359, %dma_wait3A_365] : memref<4x2x128xi32, #tpu.memory_space<vmem>> -> memref<1x1x128xi32, #tpu.memory_space<vmem>>
        %dma_wait3A_367 = tpu.memref_squeeze %dma_wait3A_366 : memref<1x1x128xi32, #tpu.memory_space<vmem>> -> memref<128xi32, #tpu.memory_space<vmem>>
        %dma_wait3A_368 = arith.constant 0 : i32
        %dma_wait3A_369 = arith.constant 0 : i32
        %dma_wait3A_370 = tpu.memref_slice %arg8[%dma_wait3A_368, %dma_wait3A_369] : memref<10112x128xf32, #tpu.memory_space<vmem_shared>> -> memref<10112x128xf32, #tpu.memory_space<vmem_shared>>
        %dma_wait3A_371 = tpu.memref_slice %arg11[%dma_wait3A_360] : memref<2x!tpu.dma_semaphore, #tpu.memory_space<semaphore_mem>> -> memref<1x!tpu.dma_semaphore, #tpu.memory_space<semaphore_mem>>
        %dma_wait3A_372 = tpu.memref_squeeze %dma_wait3A_371 : memref<1x!tpu.dma_semaphore, #tpu.memory_space<semaphore_mem>> -> memref<!tpu.dma_semaphore, #tpu.memory_space<semaphore_mem>>
        tpu.wait_indirect_dma semaphore(%dma_wait3A_372 : memref<!tpu.dma_semaphore, #tpu.memory_space<semaphore_mem>>) src(%dma_wait3A_364 : memref<128x128xf32, #tpu.memory_space<vmem>>) dst(%dma_wait3A_370 : memref<10112x128xf32, #tpu.memory_space<vmem_shared>>)
      } else {
      }
      %add3A_309 = arith.constant 1 : i32
      %add3A_310 = arith.addi %add3A_303, %add3A_309 : i32
      %lt3A_311 = arith.constant 80 : i32
      %lt3A_312 = arith.cmpi slt, %add3A_310, %lt3A_311 : i32
      %convert_element_type3A_313 = arith.extui %lt3A_312 : i1 to i32
      %cond3A_314 = arith.constant 0 : i32
      %cond3A_315 = arith.cmpi ne, %convert_element_type3A_313, %cond3A_314 : i32
      scf.if %cond3A_315 {
        %add3A_357 = arith.addi %mul3A_2, %add3A_303 : i32
        %add3A_358 = arith.constant 1 : i32
        %add3A_359 = arith.addi %add3A_357, %add3A_358 : i32
        %dma_wait3A_360 = arith.constant 0 : i32
        %dma_wait3A_361 = arith.constant 0 : i32
        %dma_wait3A_362 = arith.constant 0 : i32
        %dma_wait3A_363 = arith.constant 0 : i32
        %dma_wait3A_364 = tpu.memref_slice %arg6[%dma_wait3A_360, %dma_wait3A_362, %dma_wait3A_363] : memref<4x2x128xi32, #tpu.memory_space<vmem>> -> memref<1x2x128xi32, #tpu.memory_space<vmem>>
        %dma_wait3A_365 = tpu.memref_squeeze %dma_wait3A_364 : memref<1x2x128xi32, #tpu.memory_space<vmem>> -> memref<2x128xi32, #tpu.memory_space<vmem>>
        %dma_wait3A_366 = arith.constant 0 : i32
        %dma_wait3A_367 = arith.constant 0 : i32
        %dma_wait3A_368 = tpu.memref_slice %arg3[%add3A_359, %dma_wait3A_366, %dma_wait3A_367] : memref<2560x2x128xi32, #tpu.memory_space<hbm>> -> memref<1x2x128xi32, #tpu.memory_space<hbm>>
        %dma_wait3A_369 = tpu.memref_squeeze %dma_wait3A_368 : memref<1x2x128xi32, #tpu.memory_space<hbm>> -> memref<2x128xi32, #tpu.memory_space<hbm>>
        %dma_wait3A_370 = tpu.memref_slice %arg9[%dma_wait3A_361] : memref<4x!tpu.dma_semaphore, #tpu.memory_space<semaphore_mem>> -> memref<1x!tpu.dma_semaphore, #tpu.memory_space<semaphore_mem>>
        %dma_wait3A_371 = tpu.memref_squeeze %dma_wait3A_370 : memref<1x!tpu.dma_semaphore, #tpu.memory_space<semaphore_mem>> -> memref<!tpu.dma_semaphore, #tpu.memory_space<semaphore_mem>>
        %dma_wait3A_372 = arith.constant 0 : i32
        %dma_wait3A_373 = arith.constant 0 : i32
        %dma_wait3A_374 = tpu.memref_slice %arg6[%dma_wait3A_360, %dma_wait3A_372, %dma_wait3A_373] : memref<4x2x128xi32, #tpu.memory_space<vmem>> -> memref<1x2x128xi32, #tpu.memory_space<vmem>>
        %dma_wait3A_375 = tpu.memref_squeeze %dma_wait3A_374 : memref<1x2x128xi32, #tpu.memory_space<vmem>> -> memref<2x128xi32, #tpu.memory_space<vmem>>
        %dma_wait3A_376 = arith.constant 0 : i32
        %dma_wait3A_377 = arith.constant 0 : i32
        %dma_wait3A_378 = tpu.memref_slice %arg3[%add3A_359, %dma_wait3A_376, %dma_wait3A_377] : memref<2560x2x128xi32, #tpu.memory_space<hbm>> -> memref<1x2x128xi32, #tpu.memory_space<hbm>>
        %dma_wait3A_379 = tpu.memref_squeeze %dma_wait3A_378 : memref<1x2x128xi32, #tpu.memory_space<hbm>> -> memref<2x128xi32, #tpu.memory_space<hbm>>
        tpu.wait_dma2 semaphore(%dma_wait3A_371 : memref<!tpu.dma_semaphore, #tpu.memory_space<semaphore_mem>>) src(%dma_wait3A_379 : memref<2x128xi32, #tpu.memory_space<hbm>>) dst(%dma_wait3A_375 : memref<2x128xi32, #tpu.memory_space<vmem>>)
        %dma_start3A_380 = arith.constant 0 : i32
        %dma_start3A_381 = arith.constant 0 : i32
        %dma_start3A_382 = arith.constant 0 : i32
        %dma_start3A_383 = arith.constant 0 : i32
        %dma_start3A_384 = arith.constant 0 : i32
        %dma_start3A_385 = arith.constant 0 : i32
        %dma_start3A_386 = tpu.memref_slice %arg7[%dma_start3A_382, %dma_start3A_384, %dma_start3A_385] : memref<2x128x128xf32, #tpu.memory_space<vmem>> -> memref<1x128x128xf32, #tpu.memory_space<vmem>>
        %dma_start3A_387 = tpu.memref_squeeze %dma_start3A_386 : memref<1x128x128xf32, #tpu.memory_space<vmem>> -> memref<128x128xf32, #tpu.memory_space<vmem>>
        %dma_start3A_388 = arith.constant 0 : i32
        %dma_start3A_389 = tpu.memref_slice %arg6[%dma_start3A_380, %dma_start3A_381, %dma_start3A_388] : memref<4x2x128xi32, #tpu.memory_space<vmem>> -> memref<1x1x128xi32, #tpu.memory_space<vmem>>
        %dma_start3A_390 = tpu.memref_squeeze %dma_start3A_389 : memref<1x1x128xi32, #tpu.memory_space<vmem>> -> memref<128xi32, #tpu.memory_space<vmem>>
        %dma_start3A_391 = arith.constant 0 : i32
        %dma_start3A_392 = arith.constant 0 : i32
        %dma_start3A_393 = tpu.memref_slice %arg2[%dma_start3A_391, %dma_start3A_392] : memref<10000x128xf32, #tpu.memory_space<hbm>> -> memref<10000x128xf32, #tpu.memory_space<hbm>>
        %dma_start3A_394 = tpu.memref_slice %arg10[%dma_start3A_383] : memref<2x!tpu.dma_semaphore, #tpu.memory_space<semaphore_mem>> -> memref<1x!tpu.dma_semaphore, #tpu.memory_space<semaphore_mem>>
        %dma_start3A_395 = tpu.memref_squeeze %dma_start3A_394 : memref<1x!tpu.dma_semaphore, #tpu.memory_space<semaphore_mem>> -> memref<!tpu.dma_semaphore, #tpu.memory_space<semaphore_mem>>
        tpu.enqueue_indirect_dma source(%dma_start3A_393 : memref<10000x128xf32, #tpu.memory_space<hbm>>) target(%dma_start3A_387 : memref<128x128xf32, #tpu.memory_space<vmem>>) offsets(%dma_start3A_390 : memref<128xi32, #tpu.memory_space<vmem>>) semaphore(%dma_start3A_395 : memref<!tpu.dma_semaphore, #tpu.memory_space<semaphore_mem>>)
      } else {
      }
      %dma_wait3A_316 = arith.constant 3 : i32
      %dma_wait3A_317 = arith.constant 0 : i32
      %dma_wait3A_318 = arith.constant 1 : i32
      %dma_wait3A_319 = arith.constant 1 : i32
      %dma_wait3A_320 = arith.constant 0 : i32
      %dma_wait3A_321 = arith.constant 0 : i32
      %dma_wait3A_322 = tpu.memref_slice %arg7[%dma_wait3A_318, %dma_wait3A_320, %dma_wait3A_321] : memref<2x128x128xf32, #tpu.memory_space<vmem>> -> memref<1x128x128xf32, #tpu.memory_space<vmem>>
      %dma_wait3A_323 = tpu.memref_squeeze %dma_wait3A_322 : memref<1x128x128xf32, #tpu.memory_space<vmem>> -> memref<128x128xf32, #tpu.memory_space<vmem>>
      %dma_wait3A_324 = arith.constant 0 : i32
      %dma_wait3A_325 = tpu.memref_slice %arg6[%dma_wait3A_316, %dma_wait3A_317, %dma_wait3A_324] : memref<4x2x128xi32, #tpu.memory_space<vmem>> -> memref<1x1x128xi32, #tpu.memory_space<vmem>>
      %dma_wait3A_326 = tpu.memref_squeeze %dma_wait3A_325 : memref<1x1x128xi32, #tpu.memory_space<vmem>> -> memref<128xi32, #tpu.memory_space<vmem>>
      %dma_wait3A_327 = arith.constant 0 : i32
      %dma_wait3A_328 = arith.constant 0 : i32
      %dma_wait3A_329 = tpu.memref_slice %arg2[%dma_wait3A_327, %dma_wait3A_328] : memref<10000x128xf32, #tpu.memory_space<hbm>> -> memref<10000x128xf32, #tpu.memory_space<hbm>>
      %dma_wait3A_330 = tpu.memref_slice %arg10[%dma_wait3A_319] : memref<2x!tpu.dma_semaphore, #tpu.memory_space<semaphore_mem>> -> memref<1x!tpu.dma_semaphore, #tpu.memory_space<semaphore_mem>>
      %dma_wait3A_331 = tpu.memref_squeeze %dma_wait3A_330 : memref<1x!tpu.dma_semaphore, #tpu.memory_space<semaphore_mem>> -> memref<!tpu.dma_semaphore, #tpu.memory_space<semaphore_mem>>
      tpu.wait_indirect_dma semaphore(%dma_wait3A_331 : memref<!tpu.dma_semaphore, #tpu.memory_space<semaphore_mem>>) src(%dma_wait3A_329 : memref<10000x128xf32, #tpu.memory_space<hbm>>) dst(%dma_wait3A_323 : memref<128x128xf32, #tpu.memory_space<vmem>>)
      %dma_start3A_332 = arith.constant 1 : i32
      %dma_start3A_333 = arith.constant 3 : i32
      %dma_start3A_334 = arith.constant 1 : i32
      %dma_start3A_335 = arith.constant 1 : i32
      %dma_start3A_336 = arith.constant 0 : i32
      %dma_start3A_337 = arith.constant 0 : i32
      %dma_start3A_338 = tpu.memref_slice %arg7[%dma_start3A_332, %dma_start3A_336, %dma_start3A_337] : memref<2x128x128xf32, #tpu.memory_space<vmem>> -> memref<1x128x128xf32, #tpu.memory_space<vmem>>
      %dma_start3A_339 = tpu.memref_squeeze %dma_start3A_338 : memref<1x128x128xf32, #tpu.memory_space<vmem>> -> memref<128x128xf32, #tpu.memory_space<vmem>>
      %dma_start3A_340 = arith.constant 0 : i32
      %dma_start3A_341 = tpu.memref_slice %arg6[%dma_start3A_333, %dma_start3A_334, %dma_start3A_340] : memref<4x2x128xi32, #tpu.memory_space<vmem>> -> memref<1x1x128xi32, #tpu.memory_space<vmem>>
      %dma_start3A_342 = tpu.memref_squeeze %dma_start3A_341 : memref<1x1x128xi32, #tpu.memory_space<vmem>> -> memref<128xi32, #tpu.memory_space<vmem>>
      %dma_start3A_343 = arith.constant 0 : i32
      %dma_start3A_344 = arith.constant 0 : i32
      %dma_start3A_345 = tpu.memref_slice %arg8[%dma_start3A_343, %dma_start3A_344] : memref<10112x128xf32, #tpu.memory_space<vmem_shared>> -> memref<10112x128xf32, #tpu.memory_space<vmem_shared>>
      %dma_start3A_346 = tpu.memref_slice %arg11[%dma_start3A_335] : memref<2x!tpu.dma_semaphore, #tpu.memory_space<semaphore_mem>> -> memref<1x!tpu.dma_semaphore, #tpu.memory_space<semaphore_mem>>
      %dma_start3A_347 = tpu.memref_squeeze %dma_start3A_346 : memref<1x!tpu.dma_semaphore, #tpu.memory_space<semaphore_mem>> -> memref<!tpu.dma_semaphore, #tpu.memory_space<semaphore_mem>>
      tpu.enqueue_indirect_dma source(%dma_start3A_339 : memref<128x128xf32, #tpu.memory_space<vmem>>) target(%dma_start3A_345 : memref<10112x128xf32, #tpu.memory_space<vmem_shared>>) offsets(%dma_start3A_342 : memref<128xi32, #tpu.memory_space<vmem>>) semaphore(%dma_start3A_347 : memref<!tpu.dma_semaphore, #tpu.memory_space<semaphore_mem>>) {add = true}
      %add3A_348 = arith.constant 4 : i32
      %add3A_349 = arith.addi %add3A_303, %add3A_348 : i32
      %sub3A_350 = arith.constant 1 : i32
      %sub3A_351 = arith.subi %add3A_349, %sub3A_350 : i32
      %lt3A_352 = arith.constant 80 : i32
      %lt3A_353 = arith.cmpi slt, %sub3A_351, %lt3A_352 : i32
      %convert_element_type3A_354 = arith.extui %lt3A_353 : i1 to i32
      %cond3A_355 = arith.constant 0 : i32
      %cond3A_356 = arith.cmpi ne, %convert_element_type3A_354, %cond3A_355 : i32
      scf.if %cond3A_356 {
        %add3A_357 = arith.addi %mul3A_2, %add3A_303 : i32
        %add3A_358 = arith.constant 4 : i32
        %add3A_359 = arith.addi %add3A_357, %add3A_358 : i32
        %sub3A_360 = arith.constant 1 : i32
        %sub3A_361 = arith.subi %add3A_359, %sub3A_360 : i32
        %dma_start3A_362 = arith.constant 2 : i32
        %dma_start3A_363 = arith.constant 2 : i32
        %dma_start3A_364 = arith.constant 0 : i32
        %dma_start3A_365 = arith.constant 0 : i32
        %dma_start3A_366 = tpu.memref_slice %arg6[%dma_start3A_362, %dma_start3A_364, %dma_start3A_365] : memref<4x2x128xi32, #tpu.memory_space<vmem>> -> memref<1x2x128xi32, #tpu.memory_space<vmem>>
        %dma_start3A_367 = tpu.memref_squeeze %dma_start3A_366 : memref<1x2x128xi32, #tpu.memory_space<vmem>> -> memref<2x128xi32, #tpu.memory_space<vmem>>
        %dma_start3A_368 = arith.constant 0 : i32
        %dma_start3A_369 = arith.constant 0 : i32
        %dma_start3A_370 = tpu.memref_slice %arg3[%sub3A_361, %dma_start3A_368, %dma_start3A_369] : memref<2560x2x128xi32, #tpu.memory_space<hbm>> -> memref<1x2x128xi32, #tpu.memory_space<hbm>>
        %dma_start3A_371 = tpu.memref_squeeze %dma_start3A_370 : memref<1x2x128xi32, #tpu.memory_space<hbm>> -> memref<2x128xi32, #tpu.memory_space<hbm>>
        %dma_start3A_372 = tpu.memref_slice %arg9[%dma_start3A_363] : memref<4x!tpu.dma_semaphore, #tpu.memory_space<semaphore_mem>> -> memref<1x!tpu.dma_semaphore, #tpu.memory_space<semaphore_mem>>
        %dma_start3A_373 = tpu.memref_squeeze %dma_start3A_372 : memref<1x!tpu.dma_semaphore, #tpu.memory_space<semaphore_mem>> -> memref<!tpu.dma_semaphore, #tpu.memory_space<semaphore_mem>>
        %dma_start3A_374 = arith.constant 0 : i32
        %dma_start3A_375 = arith.constant 0 : i32
        %dma_start3A_376 = tpu.memref_slice %arg6[%dma_start3A_362, %dma_start3A_374, %dma_start3A_375] : memref<4x2x128xi32, #tpu.memory_space<vmem>> -> memref<1x2x128xi32, #tpu.memory_space<vmem>>
        %dma_start3A_377 = tpu.memref_squeeze %dma_start3A_376 : memref<1x2x128xi32, #tpu.memory_space<vmem>> -> memref<2x128xi32, #tpu.memory_space<vmem>>
        %dma_start3A_378 = arith.constant 0 : i32
        %dma_start3A_379 = arith.constant 0 : i32
        %dma_start3A_380 = tpu.memref_slice %arg3[%sub3A_361, %dma_start3A_378, %dma_start3A_379] : memref<2560x2x128xi32, #tpu.memory_space<hbm>> -> memref<1x2x128xi32, #tpu.memory_space<hbm>>
        %dma_start3A_381 = tpu.memref_squeeze %dma_start3A_380 : memref<1x2x128xi32, #tpu.memory_space<hbm>> -> memref<2x128xi32, #tpu.memory_space<hbm>>
        tpu.enqueue_dma source(%dma_start3A_381 : memref<2x128xi32, #tpu.memory_space<hbm>>) target(%dma_start3A_377 : memref<2x128xi32, #tpu.memory_space<vmem>>) target_semaphore(%dma_start3A_373 : memref<!tpu.dma_semaphore, #tpu.memory_space<semaphore_mem>>)
      } else {
      }
    }
    %scan3A_111 = arith.constant 20 : i32
    %dma_wait3A_112 = arith.constant 1 : i32
    %dma_wait3A_113 = arith.constant 3 : i32
    %dma_wait3A_114 = arith.constant 1 : i32
    %dma_wait3A_115 = arith.constant 1 : i32
    %dma_wait3A_116 = arith.constant 0 : i32
    %dma_wait3A_117 = arith.constant 0 : i32
    %dma_wait3A_118 = tpu.memref_slice %arg7[%dma_wait3A_112, %dma_wait3A_116, %dma_wait3A_117] : memref<2x128x128xf32, #tpu.memory_space<vmem>> -> memref<1x128x128xf32, #tpu.memory_space<vmem>>
    %dma_wait3A_119 = tpu.memref_squeeze %dma_wait3A_118 : memref<1x128x128xf32, #tpu.memory_space<vmem>> -> memref<128x128xf32, #tpu.memory_space<vmem>>
    %dma_wait3A_120 = arith.constant 0 : i32
    %dma_wait3A_121 = tpu.memref_slice %arg6[%dma_wait3A_113, %dma_wait3A_114, %dma_wait3A_120] : memref<4x2x128xi32, #tpu.memory_space<vmem>> -> memref<1x1x128xi32, #tpu.memory_space<vmem>>
    %dma_wait3A_122 = tpu.memref_squeeze %dma_wait3A_121 : memref<1x1x128xi32, #tpu.memory_space<vmem>> -> memref<128xi32, #tpu.memory_space<vmem>>
    %dma_wait3A_123 = arith.constant 0 : i32
    %dma_wait3A_124 = arith.constant 0 : i32
    %dma_wait3A_125 = tpu.memref_slice %arg8[%dma_wait3A_123, %dma_wait3A_124] : memref<10112x128xf32, #tpu.memory_space<vmem_shared>> -> memref<10112x128xf32, #tpu.memory_space<vmem_shared>>
    %dma_wait3A_126 = tpu.memref_slice %arg11[%dma_wait3A_115] : memref<2x!tpu.dma_semaphore, #tpu.memory_space<semaphore_mem>> -> memref<1x!tpu.dma_semaphore, #tpu.memory_space<semaphore_mem>>
    %dma_wait3A_127 = tpu.memref_squeeze %dma_wait3A_126 : memref<1x!tpu.dma_semaphore, #tpu.memory_space<semaphore_mem>> -> memref<!tpu.dma_semaphore, #tpu.memory_space<semaphore_mem>>
    tpu.wait_indirect_dma semaphore(%dma_wait3A_127 : memref<!tpu.dma_semaphore, #tpu.memory_space<semaphore_mem>>) src(%dma_wait3A_119 : memref<128x128xf32, #tpu.memory_space<vmem>>) dst(%dma_wait3A_125 : memref<10112x128xf32, #tpu.memory_space<vmem_shared>>)
    %barrier3A_128 = arith.constant 0 : index
    tpu.barrier barrier_id(%barrier3A_128)
    %mul3A_129 = arith.constant 632 : i32
    %mul3A_130 = arith.muli %arg1, %mul3A_129 : i32
    %mul3A_131 = arith.constant 632 : i32
    %mul3A_132 = arith.muli %arg1, %mul3A_131 : i32
    "tpu.region"() ({
      %run_scoped3A = tpu.sem_alloc : memref<!tpu.dma_semaphore, #tpu.memory_space<semaphore_mem>>
      %dma_start3A_133 = arith.constant 0 : i32
      %dma_start3A_134 = tpu.memref_slice %arg5[%arg0, %mul3A_132, %dma_start3A_133] : memref<2x10112x128xf32, #tpu.memory_space<hbm>> -> memref<1x632x128xf32, #tpu.memory_space<hbm>>
      %dma_start3A_135 = tpu.memref_squeeze %dma_start3A_134 : memref<1x632x128xf32, #tpu.memory_space<hbm>> -> memref<632x128xf32, #tpu.memory_space<hbm>>
      %dma_start3A_136 = arith.constant 0 : i32
      %dma_start3A_137 = tpu.memref_slice %arg8[%mul3A_130, %dma_start3A_136] : memref<10112x128xf32, #tpu.memory_space<vmem_shared>> -> memref<632x128xf32, #tpu.memory_space<vmem_shared>>
      tpu.enqueue_dma source(%dma_start3A_137 : memref<632x128xf32, #tpu.memory_space<vmem_shared>>) target(%dma_start3A_135 : memref<632x128xf32, #tpu.memory_space<hbm>>) target_semaphore(%run_scoped3A : memref<!tpu.dma_semaphore, #tpu.memory_space<semaphore_mem>>)
      %dma_wait3A_138 = arith.constant 0 : i32
      %dma_wait3A_139 = tpu.memref_slice %arg5[%arg0, %mul3A_132, %dma_wait3A_138] : memref<2x10112x128xf32, #tpu.memory_space<hbm>> -> memref<1x632x128xf32, #tpu.memory_space<hbm>>
      %dma_wait3A_140 = tpu.memref_squeeze %dma_wait3A_139 : memref<1x632x128xf32, #tpu.memory_space<hbm>> -> memref<632x128xf32, #tpu.memory_space<hbm>>
      %dma_wait3A_141 = arith.constant 0 : i32
      %dma_wait3A_142 = tpu.memref_slice %arg8[%mul3A_130, %dma_wait3A_141] : memref<10112x128xf32, #tpu.memory_space<vmem_shared>> -> memref<632x128xf32, #tpu.memory_space<vmem_shared>>
      tpu.wait_dma2 semaphore(%run_scoped3A : memref<!tpu.dma_semaphore, #tpu.memory_space<semaphore_mem>>) src(%dma_wait3A_142 : memref<632x128xf32, #tpu.memory_space<vmem_shared>>) dst(%dma_wait3A_140 : memref<632x128xf32, #tpu.memory_space<hbm>>)
      tpu.yield
    }) : () -> ()
    return
  }
}

module attributes {stable_mosaic.version = 14 : i64} {
  func.func @_pre_body(%arg0: i32, %arg1: memref<1000x128xf32, #tpu.memory_space<vmem>>, %arg2: memref<128x128xf32, #tpu.memory_space<vmem>>, %arg3: memref<1x128xf32, #tpu.memory_space<vmem>>, %arg4: memref<1000x128xf32, #tpu.memory_space<vmem>>) attributes {dimension_semantics = [#tpu.dimension_semantics<arbitrary>], iteration_bounds = array<i64: 10>, scalar_prefetch = 0 : i64, scratch_operands = 0 : i64, tpu.core_type = #tpu.core_type<tc>, window_params = [{transform_indices = @transform_0, window_bounds = array<i64: 1000, 128>}, {pipeline_mode = #tpu.pipeline_mode<synchronous>, transform_indices = @transform_1, window_bounds = array<i64: 128, 128>}, {pipeline_mode = #tpu.pipeline_mode<synchronous>, transform_indices = @transform_2, window_bounds = array<i64: 1, 128>}, {transform_indices = @transform_3, window_bounds = array<i64: 1000, 128>}]} {
    %get3A = arith.constant 0 : index
    %get3A_0 = arith.constant 0 : index
    %get3A_1 = vector.load %arg1[%get3A, %get3A_0] : memref<1000x128xf32, #tpu.memory_space<vmem>>, vector<1000x128xf32>
    %get3A_2 = arith.constant 0 : index
    %get3A_3 = arith.constant 0 : index
    %get3A_4 = vector.load %arg2[%get3A_2, %get3A_3] : memref<128x128xf32, #tpu.memory_space<vmem>>, vector<128x128xf32>
    %dot_general3A = arith.constant dense<0.000000e+00> : vector<1000x128xf32>
    %dot_general3A_5 = tpu.matmul %get3A_1, %get3A_4, %dot_general3A {dimension_numbers = #tpu.dot_dimension_numbers<[1], [0], [0], [1], [0, 0, 1, 1], [], []>, transpose_lhs_hint = false} : vector<1000x128xf32>, vector<128x128xf32>, vector<1000x128xf32> -> vector<1000x128xf32>
    %get3A_6 = arith.constant 0 : index
    %get3A_7 = arith.constant 0 : index
    %get3A_8 = vector.load %arg3[%get3A_6, %get3A_7] : memref<1x128xf32, #tpu.memory_space<vmem>>, vector<1x128xf32>
    %add3A = vector.broadcast %get3A_8 : vector<1x128xf32> to vector<1000x128xf32>
    %add3A_9 = arith.addf %dot_general3A_5, %add3A : vector<1000x128xf32>
    %swap3A = arith.constant 0 : index
    %swap3A_10 = arith.constant 0 : index
    %swap3A_11 = vector.load %arg4[%swap3A, %swap3A_10] : memref<1000x128xf32, #tpu.memory_space<vmem>>, vector<1000x128xf32>
    tpu.vector_store %arg4[%swap3A, %swap3A_10], %add3A_9 {strides = array<i32>} : memref<1000x128xf32, #tpu.memory_space<vmem>>, vector<1000x128xf32>,
    return
  }
  func.func @transform_0(%arg0: i32) -> (i32, i32) {
    %c0_i32 = arith.constant 0 : i32
    %c0_i32_0 = arith.constant 0 : i32
    return %arg0, %c0_i32 : i32, i32
  }
  func.func @transform_1(%arg0: i32) -> (i32, i32) {
    %c0_i32 = arith.constant 0 : i32
    %c0_i32_0 = arith.constant 0 : i32
    %c0_i32_1 = arith.constant 0 : i32
    return %c0_i32, %c0_i32_0 : i32, i32
  }
  func.func @transform_2(%arg0: i32) -> (i32, i32) {
    %c0_i32 = arith.constant 0 : i32
    %c0_i32_0 = arith.constant 0 : i32
    %c0_i32_1 = arith.constant 0 : i32
    return %c0_i32, %c0_i32_0 : i32, i32
  }
  func.func @transform_3(%arg0: i32) -> (i32, i32) {
    %c0_i32 = arith.constant 0 : i32
    %c0_i32_0 = arith.constant 0 : i32
    return %arg0, %c0_i32 : i32, i32
  }
}

module attributes {stable_mosaic.version = 14 : i64} {
  func.func @_step_body(%arg0: i32, %arg1: memref<1000x128xf32, #tpu.memory_space<vmem>>, %arg2: memref<1000x128xf32, #tpu.memory_space<vmem>>, %arg3: memref<1000x128xf32, #tpu.memory_space<vmem>>, %arg4: memref<128x384xf32, #tpu.memory_space<vmem>>, %arg5: memref<1x384xf32, #tpu.memory_space<vmem>>, %arg6: memref<128x384xf32, #tpu.memory_space<vmem>>, %arg7: memref<1x384xf32, #tpu.memory_space<vmem>>, %arg8: memref<128x128xf32, #tpu.memory_space<vmem>>, %arg9: memref<1x128xf32, #tpu.memory_space<vmem>>, %arg10: memref<1000x128xf32, #tpu.memory_space<vmem>>, %arg11: memref<1000x128xf32, #tpu.memory_space<vmem>>) attributes {dimension_semantics = [#tpu.dimension_semantics<arbitrary>], iteration_bounds = array<i64: 10>, scalar_prefetch = 0 : i64, scratch_operands = 0 : i64, tpu.core_type = #tpu.core_type<tc>, window_params = [{transform_indices = @transform_0, window_bounds = array<i64: 1000, 128>}, {transform_indices = @transform_1, window_bounds = array<i64: 1000, 128>}, {transform_indices = @transform_2, window_bounds = array<i64: 1000, 128>}, {pipeline_mode = #tpu.pipeline_mode<synchronous>, transform_indices = @transform_3, window_bounds = array<i64: 128, 384>}, {pipeline_mode = #tpu.pipeline_mode<synchronous>, transform_indices = @transform_4, window_bounds = array<i64: 1, 384>}, {pipeline_mode = #tpu.pipeline_mode<synchronous>, transform_indices = @transform_5, window_bounds = array<i64: 128, 384>}, {pipeline_mode = #tpu.pipeline_mode<synchronous>, transform_indices = @transform_6, window_bounds = array<i64: 1, 384>}, {pipeline_mode = #tpu.pipeline_mode<synchronous>, transform_indices = @transform_7, window_bounds = array<i64: 128, 128>}, {pipeline_mode = #tpu.pipeline_mode<synchronous>, transform_indices = @transform_8, window_bounds = array<i64: 1, 128>}, {transform_indices = @transform_9, window_bounds = array<i64: 1000, 128>}, {transform_indices = @transform_10, window_bounds = array<i64: 1000, 128>}]} {
    %get3A = arith.constant 0 : index
    %get3A_0 = arith.constant 0 : index
    %get3A_1 = vector.load %arg1[%get3A, %get3A_0] : memref<1000x128xf32, #tpu.memory_space<vmem>>, vector<1000x128xf32>
    %get3A_2 = arith.constant 0 : index
    %get3A_3 = arith.constant 0 : index
    %get3A_4 = vector.load %arg2[%get3A_2, %get3A_3] : memref<1000x128xf32, #tpu.memory_space<vmem>>, vector<1000x128xf32>
    %add3A = arith.addf %get3A_1, %get3A_4 : vector<1000x128xf32>
    %get3A_5 = arith.constant 0 : index
    %get3A_6 = arith.constant 0 : index
    %get3A_7 = vector.load %arg3[%get3A_5, %get3A_6] : memref<1000x128xf32, #tpu.memory_space<vmem>>, vector<1000x128xf32>
    %get3A_8 = arith.constant 0 : index
    %get3A_9 = arith.constant 0 : index
    %get3A_10 = vector.load %arg4[%get3A_8, %get3A_9] : memref<128x384xf32, #tpu.memory_space<vmem>>, vector<128x384xf32>
    %get3A_11 = arith.constant 0 : index
    %get3A_12 = arith.constant 0 : index
    %get3A_13 = vector.load %arg5[%get3A_11, %get3A_12] : memref<1x384xf32, #tpu.memory_space<vmem>>, vector<1x384xf32>
    %get3A_14 = arith.constant 0 : index
    %get3A_15 = arith.constant 0 : index
    %get3A_16 = vector.load %arg6[%get3A_14, %get3A_15] : memref<128x384xf32, #tpu.memory_space<vmem>>, vector<128x384xf32>
    %get3A_17 = arith.constant 0 : index
    %get3A_18 = arith.constant 0 : index
    %get3A_19 = vector.load %arg7[%get3A_17, %get3A_18] : memref<1x384xf32, #tpu.memory_space<vmem>>, vector<1x384xf32>
    %dot_general3A = arith.constant dense<0.000000e+00> : vector<1000x384xf32>
    %dot_general3A_20 = tpu.matmul %add3A, %get3A_10, %dot_general3A {dimension_numbers = #tpu.dot_dimension_numbers<[1], [0], [0], [1], [0, 0, 1, 1], [], []>, transpose_lhs_hint = false} : vector<1000x128xf32>, vector<128x384xf32>, vector<1000x384xf32> -> vector<1000x384xf32>
    %add3A_21 = vector.broadcast %get3A_13 : vector<1x384xf32> to vector<1000x384xf32>
    %add3A_22 = arith.addf %dot_general3A_20, %add3A_21 : vector<1000x384xf32>
    %dot_general3A_23 = arith.constant dense<0.000000e+00> : vector<1000x384xf32>
    %dot_general3A_24 = tpu.matmul %get3A_7, %get3A_16, %dot_general3A_23 {dimension_numbers = #tpu.dot_dimension_numbers<[1], [0], [0], [1], [0, 0, 1, 1], [], []>, transpose_lhs_hint = false} : vector<1000x128xf32>, vector<128x384xf32>, vector<1000x384xf32> -> vector<1000x384xf32>
    %add3A_25 = vector.broadcast %get3A_19 : vector<1x384xf32> to vector<1000x384xf32>
    %add3A_26 = arith.addf %dot_general3A_24, %add3A_25 : vector<1000x384xf32>
    %slice3A = vector.extract_strided_slice %add3A_22 {offsets = [0, 0], sizes = [1000, 128], strides = [1, 1]} : vector<1000x384xf32> to vector<1000x128xf32>
    %slice3A_27 = vector.extract_strided_slice %add3A_26 {offsets = [0, 0], sizes = [1000, 128], strides = [1, 1]} : vector<1000x384xf32> to vector<1000x128xf32>
    %add3A_28 = arith.addf %slice3A, %slice3A_27 : vector<1000x128xf32>
    %logistic3A = arith.negf %add3A_28 : vector<1000x128xf32>
    %logistic3A_29 = math.exp %logistic3A : vector<1000x128xf32>
    %logistic3A_30 = arith.constant 1.000000e+00 : f32
    %logistic3A_31 = vector.broadcast %logistic3A_30 : f32 to vector<1000x128xf32>
    %logistic3A_32 = arith.addf %logistic3A_31, %logistic3A_29 : vector<1000x128xf32>
    %logistic3A_33 = arith.divf %logistic3A_31, %logistic3A_32 : vector<1000x128xf32>
    %slice3A_34 = vector.extract_strided_slice %add3A_22 {offsets = [0, 128], sizes = [1000, 128], strides = [1, 1]} : vector<1000x384xf32> to vector<1000x128xf32>
    %slice3A_35 = vector.extract_strided_slice %add3A_26 {offsets = [0, 128], sizes = [1000, 128], strides = [1, 1]} : vector<1000x384xf32> to vector<1000x128xf32>
    %add3A_36 = arith.addf %slice3A_34, %slice3A_35 : vector<1000x128xf32>
    %logistic3A_37 = arith.negf %add3A_36 : vector<1000x128xf32>
    %logistic3A_38 = math.exp %logistic3A_37 : vector<1000x128xf32>
    %logistic3A_39 = arith.constant 1.000000e+00 : f32
    %logistic3A_40 = vector.broadcast %logistic3A_39 : f32 to vector<1000x128xf32>
    %logistic3A_41 = arith.addf %logistic3A_40, %logistic3A_38 : vector<1000x128xf32>
    %logistic3A_42 = arith.divf %logistic3A_40, %logistic3A_41 : vector<1000x128xf32>
    %slice3A_43 = vector.extract_strided_slice %add3A_22 {offsets = [0, 256], sizes = [1000, 128], strides = [1, 1]} : vector<1000x384xf32> to vector<1000x128xf32>
    %slice3A_44 = vector.extract_strided_slice %add3A_26 {offsets = [0, 256], sizes = [1000, 128], strides = [1, 1]} : vector<1000x384xf32> to vector<1000x128xf32>
    %mul3A = arith.mulf %logistic3A_33, %slice3A_44 : vector<1000x128xf32>
    %add3A_45 = arith.addf %slice3A_43, %mul3A : vector<1000x128xf32>
    %tanh3A = math.tanh %add3A_45 : vector<1000x128xf32>
    %sub3A = arith.constant 1.000000e+00 : f32
    %sub3A_46 = vector.broadcast %sub3A : f32 to vector<1000x128xf32>
    %sub3A_47 = arith.subf %sub3A_46, %logistic3A_42 : vector<1000x128xf32>
    %mul3A_48 = arith.mulf %sub3A_47, %tanh3A : vector<1000x128xf32>
    %mul3A_49 = arith.mulf %logistic3A_42, %get3A_7 : vector<1000x128xf32>
    %add3A_50 = arith.addf %mul3A_48, %mul3A_49 : vector<1000x128xf32>
    %swap3A = arith.constant 0 : index
    %swap3A_51 = arith.constant 0 : index
    %swap3A_52 = vector.load %arg10[%swap3A, %swap3A_51] : memref<1000x128xf32, #tpu.memory_space<vmem>>, vector<1000x128xf32>
    tpu.vector_store %arg10[%swap3A, %swap3A_51], %add3A_50 {strides = array<i32>} : memref<1000x128xf32, #tpu.memory_space<vmem>>, vector<1000x128xf32>,
    %get3A_53 = arith.constant 0 : index
    %get3A_54 = arith.constant 0 : index
    %get3A_55 = vector.load %arg8[%get3A_53, %get3A_54] : memref<128x128xf32, #tpu.memory_space<vmem>>, vector<128x128xf32>
    %dot_general3A_56 = arith.constant dense<0.000000e+00> : vector<1000x128xf32>
    %dot_general3A_57 = tpu.matmul %add3A_50, %get3A_55, %dot_general3A_56 {dimension_numbers = #tpu.dot_dimension_numbers<[1], [0], [0], [1], [0, 0, 1, 1], [], []>, transpose_lhs_hint = false} : vector<1000x128xf32>, vector<128x128xf32>, vector<1000x128xf32> -> vector<1000x128xf32>
    %get3A_58 = arith.constant 0 : index
    %get3A_59 = arith.constant 0 : index
    %get3A_60 = vector.load %arg9[%get3A_58, %get3A_59] : memref<1x128xf32, #tpu.memory_space<vmem>>, vector<1x128xf32>
    %add3A_61 = vector.broadcast %get3A_60 : vector<1x128xf32> to vector<1000x128xf32>
    %add3A_62 = arith.addf %dot_general3A_57, %add3A_61 : vector<1000x128xf32>
    %swap3A_63 = arith.constant 0 : index
    %swap3A_64 = arith.constant 0 : index
    %swap3A_65 = vector.load %arg11[%swap3A_63, %swap3A_64] : memref<1000x128xf32, #tpu.memory_space<vmem>>, vector<1000x128xf32>
    tpu.vector_store %arg11[%swap3A_63, %swap3A_64], %add3A_62 {strides = array<i32>} : memref<1000x128xf32, #tpu.memory_space<vmem>>, vector<1000x128xf32>,
    return
  }
  func.func @transform_0(%arg0: i32) -> (i32, i32) {
    %c0_i32 = arith.constant 0 : i32
    %c0_i32_0 = arith.constant 0 : i32
    return %arg0, %c0_i32 : i32, i32
  }
  func.func @transform_1(%arg0: i32) -> (i32, i32) {
    %c0_i32 = arith.constant 0 : i32
    %c0_i32_0 = arith.constant 0 : i32
    return %arg0, %c0_i32 : i32, i32
  }
  func.func @transform_2(%arg0: i32) -> (i32, i32) {
    %c0_i32 = arith.constant 0 : i32
    %c0_i32_0 = arith.constant 0 : i32
    return %arg0, %c0_i32 : i32, i32
  }
  func.func @transform_3(%arg0: i32) -> (i32, i32) {
    %c0_i32 = arith.constant 0 : i32
    %c0_i32_0 = arith.constant 0 : i32
    %c0_i32_1 = arith.constant 0 : i32
    return %c0_i32, %c0_i32_0 : i32, i32
  }
  func.func @transform_4(%arg0: i32) -> (i32, i32) {
    %c0_i32 = arith.constant 0 : i32
    %c0_i32_0 = arith.constant 0 : i32
    %c0_i32_1 = arith.constant 0 : i32
    return %c0_i32, %c0_i32_0 : i32, i32
  }
  func.func @transform_5(%arg0: i32) -> (i32, i32) {
    %c0_i32 = arith.constant 0 : i32
    %c0_i32_0 = arith.constant 0 : i32
    %c0_i32_1 = arith.constant 0 : i32
    return %c0_i32, %c0_i32_0 : i32, i32
  }
  func.func @transform_6(%arg0: i32) -> (i32, i32) {
    %c0_i32 = arith.constant 0 : i32
    %c0_i32_0 = arith.constant 0 : i32
    %c0_i32_1 = arith.constant 0 : i32
    return %c0_i32, %c0_i32_0 : i32, i32
  }
  func.func @transform_7(%arg0: i32) -> (i32, i32) {
    %c0_i32 = arith.constant 0 : i32
    %c0_i32_0 = arith.constant 0 : i32
    %c0_i32_1 = arith.constant 0 : i32
    return %c0_i32, %c0_i32_0 : i32, i32
  }
  func.func @transform_8(%arg0: i32) -> (i32, i32) {
    %c0_i32 = arith.constant 0 : i32
    %c0_i32_0 = arith.constant 0 : i32
    %c0_i32_1 = arith.constant 0 : i32
    return %c0_i32, %c0_i32_0 : i32, i32
  }
  func.func @transform_9(%arg0: i32) -> (i32, i32) {
    %c0_i32 = arith.constant 0 : i32
    %c0_i32_0 = arith.constant 0 : i32
    return %arg0, %c0_i32 : i32, i32
  }
  func.func @transform_10(%arg0: i32) -> (i32, i32) {
    %c0_i32 = arith.constant 0 : i32
    %c0_i32_0 = arith.constant 0 : i32
    return %arg0, %c0_i32 : i32, i32
  }
}

module attributes {stable_mosaic.version = 14 : i64} {
  func.func @_fuse_body(%arg0: i32, %arg1: memref<1000x128xf32, #tpu.memory_space<vmem>>, %arg2: memref<1000x128xf32, #tpu.memory_space<vmem>>, %arg3: memref<1000x128xf32, #tpu.memory_space<vmem>>, %arg4: memref<128x384xf32, #tpu.memory_space<vmem>>, %arg5: memref<1x384xf32, #tpu.memory_space<vmem>>, %arg6: memref<128x384xf32, #tpu.memory_space<vmem>>, %arg7: memref<1x384xf32, #tpu.memory_space<vmem>>, %arg8: memref<1000x128xf32, #tpu.memory_space<vmem>>, %arg9: memref<128x128xf32, #tpu.memory_space<vmem>>, %arg10: memref<128x128xf32, #tpu.memory_space<vmem>>, %arg11: memref<1x128xf32, #tpu.memory_space<vmem>>, %arg12: memref<128x128xf32, #tpu.memory_space<vmem>>, %arg13: memref<1x128xf32, #tpu.memory_space<vmem>>, %arg14: memref<1000x128xf32, #tpu.memory_space<vmem>>, %arg15: memref<1000x128xf32, #tpu.memory_space<vmem>>) attributes {dimension_semantics = [#tpu.dimension_semantics<arbitrary>], iteration_bounds = array<i64: 10>, scalar_prefetch = 0 : i64, scratch_operands = 0 : i64, tpu.core_type = #tpu.core_type<tc>, window_params = [{transform_indices = @transform_0, window_bounds = array<i64: 1000, 128>}, {transform_indices = @transform_1, window_bounds = array<i64: 1000, 128>}, {transform_indices = @transform_2, window_bounds = array<i64: 1000, 128>}, {pipeline_mode = #tpu.pipeline_mode<synchronous>, transform_indices = @transform_3, window_bounds = array<i64: 128, 384>}, {pipeline_mode = #tpu.pipeline_mode<synchronous>, transform_indices = @transform_4, window_bounds = array<i64: 1, 384>}, {pipeline_mode = #tpu.pipeline_mode<synchronous>, transform_indices = @transform_5, window_bounds = array<i64: 128, 384>}, {pipeline_mode = #tpu.pipeline_mode<synchronous>, transform_indices = @transform_6, window_bounds = array<i64: 1, 384>}, {transform_indices = @transform_7, window_bounds = array<i64: 1000, 128>}, {pipeline_mode = #tpu.pipeline_mode<synchronous>, transform_indices = @transform_8, window_bounds = array<i64: 128, 128>}, {pipeline_mode = #tpu.pipeline_mode<synchronous>, transform_indices = @transform_9, window_bounds = array<i64: 128, 128>}, {pipeline_mode = #tpu.pipeline_mode<synchronous>, transform_indices = @transform_10, window_bounds = array<i64: 1, 128>}, {pipeline_mode = #tpu.pipeline_mode<synchronous>, transform_indices = @transform_11, window_bounds = array<i64: 128, 128>}, {pipeline_mode = #tpu.pipeline_mode<synchronous>, transform_indices = @transform_12, window_bounds = array<i64: 1, 128>}, {transform_indices = @transform_13, window_bounds = array<i64: 1000, 128>}, {transform_indices = @transform_14, window_bounds = array<i64: 1000, 128>}]} {
    %get3A = arith.constant 0 : index
    %get3A_0 = arith.constant 0 : index
    %get3A_1 = vector.load %arg1[%get3A, %get3A_0] : memref<1000x128xf32, #tpu.memory_space<vmem>>, vector<1000x128xf32>
    %get3A_2 = arith.constant 0 : index
    %get3A_3 = arith.constant 0 : index
    %get3A_4 = vector.load %arg2[%get3A_2, %get3A_3] : memref<1000x128xf32, #tpu.memory_space<vmem>>, vector<1000x128xf32>
    %add3A = arith.addf %get3A_1, %get3A_4 : vector<1000x128xf32>
    %get3A_5 = arith.constant 0 : index
    %get3A_6 = arith.constant 0 : index
    %get3A_7 = vector.load %arg3[%get3A_5, %get3A_6] : memref<1000x128xf32, #tpu.memory_space<vmem>>, vector<1000x128xf32>
    %get3A_8 = arith.constant 0 : index
    %get3A_9 = arith.constant 0 : index
    %get3A_10 = vector.load %arg4[%get3A_8, %get3A_9] : memref<128x384xf32, #tpu.memory_space<vmem>>, vector<128x384xf32>
    %get3A_11 = arith.constant 0 : index
    %get3A_12 = arith.constant 0 : index
    %get3A_13 = vector.load %arg5[%get3A_11, %get3A_12] : memref<1x384xf32, #tpu.memory_space<vmem>>, vector<1x384xf32>
    %get3A_14 = arith.constant 0 : index
    %get3A_15 = arith.constant 0 : index
    %get3A_16 = vector.load %arg6[%get3A_14, %get3A_15] : memref<128x384xf32, #tpu.memory_space<vmem>>, vector<128x384xf32>
    %get3A_17 = arith.constant 0 : index
    %get3A_18 = arith.constant 0 : index
    %get3A_19 = vector.load %arg7[%get3A_17, %get3A_18] : memref<1x384xf32, #tpu.memory_space<vmem>>, vector<1x384xf32>
    %dot_general3A = arith.constant dense<0.000000e+00> : vector<1000x384xf32>
    %dot_general3A_20 = tpu.matmul %add3A, %get3A_10, %dot_general3A {dimension_numbers = #tpu.dot_dimension_numbers<[1], [0], [0], [1], [0, 0, 1, 1], [], []>, transpose_lhs_hint = false} : vector<1000x128xf32>, vector<128x384xf32>, vector<1000x384xf32> -> vector<1000x384xf32>
    %add3A_21 = vector.broadcast %get3A_13 : vector<1x384xf32> to vector<1000x384xf32>
    %add3A_22 = arith.addf %dot_general3A_20, %add3A_21 : vector<1000x384xf32>
    %dot_general3A_23 = arith.constant dense<0.000000e+00> : vector<1000x384xf32>
    %dot_general3A_24 = tpu.matmul %get3A_7, %get3A_16, %dot_general3A_23 {dimension_numbers = #tpu.dot_dimension_numbers<[1], [0], [0], [1], [0, 0, 1, 1], [], []>, transpose_lhs_hint = false} : vector<1000x128xf32>, vector<128x384xf32>, vector<1000x384xf32> -> vector<1000x384xf32>
    %add3A_25 = vector.broadcast %get3A_19 : vector<1x384xf32> to vector<1000x384xf32>
    %add3A_26 = arith.addf %dot_general3A_24, %add3A_25 : vector<1000x384xf32>
    %slice3A = vector.extract_strided_slice %add3A_22 {offsets = [0, 0], sizes = [1000, 128], strides = [1, 1]} : vector<1000x384xf32> to vector<1000x128xf32>
    %slice3A_27 = vector.extract_strided_slice %add3A_26 {offsets = [0, 0], sizes = [1000, 128], strides = [1, 1]} : vector<1000x384xf32> to vector<1000x128xf32>
    %add3A_28 = arith.addf %slice3A, %slice3A_27 : vector<1000x128xf32>
    %logistic3A = arith.negf %add3A_28 : vector<1000x128xf32>
    %logistic3A_29 = math.exp %logistic3A : vector<1000x128xf32>
    %logistic3A_30 = arith.constant 1.000000e+00 : f32
    %logistic3A_31 = vector.broadcast %logistic3A_30 : f32 to vector<1000x128xf32>
    %logistic3A_32 = arith.addf %logistic3A_31, %logistic3A_29 : vector<1000x128xf32>
    %logistic3A_33 = arith.divf %logistic3A_31, %logistic3A_32 : vector<1000x128xf32>
    %slice3A_34 = vector.extract_strided_slice %add3A_22 {offsets = [0, 128], sizes = [1000, 128], strides = [1, 1]} : vector<1000x384xf32> to vector<1000x128xf32>
    %slice3A_35 = vector.extract_strided_slice %add3A_26 {offsets = [0, 128], sizes = [1000, 128], strides = [1, 1]} : vector<1000x384xf32> to vector<1000x128xf32>
    %add3A_36 = arith.addf %slice3A_34, %slice3A_35 : vector<1000x128xf32>
    %logistic3A_37 = arith.negf %add3A_36 : vector<1000x128xf32>
    %logistic3A_38 = math.exp %logistic3A_37 : vector<1000x128xf32>
    %logistic3A_39 = arith.constant 1.000000e+00 : f32
    %logistic3A_40 = vector.broadcast %logistic3A_39 : f32 to vector<1000x128xf32>
    %logistic3A_41 = arith.addf %logistic3A_40, %logistic3A_38 : vector<1000x128xf32>
    %logistic3A_42 = arith.divf %logistic3A_40, %logistic3A_41 : vector<1000x128xf32>
    %slice3A_43 = vector.extract_strided_slice %add3A_22 {offsets = [0, 256], sizes = [1000, 128], strides = [1, 1]} : vector<1000x384xf32> to vector<1000x128xf32>
    %slice3A_44 = vector.extract_strided_slice %add3A_26 {offsets = [0, 256], sizes = [1000, 128], strides = [1, 1]} : vector<1000x384xf32> to vector<1000x128xf32>
    %mul3A = arith.mulf %logistic3A_33, %slice3A_44 : vector<1000x128xf32>
    %add3A_45 = arith.addf %slice3A_43, %mul3A : vector<1000x128xf32>
    %tanh3A = math.tanh %add3A_45 : vector<1000x128xf32>
    %sub3A = arith.constant 1.000000e+00 : f32
    %sub3A_46 = vector.broadcast %sub3A : f32 to vector<1000x128xf32>
    %sub3A_47 = arith.subf %sub3A_46, %logistic3A_42 : vector<1000x128xf32>
    %mul3A_48 = arith.mulf %sub3A_47, %tanh3A : vector<1000x128xf32>
    %mul3A_49 = arith.mulf %logistic3A_42, %get3A_7 : vector<1000x128xf32>
    %add3A_50 = arith.addf %mul3A_48, %mul3A_49 : vector<1000x128xf32>
    %get3A_51 = arith.constant 0 : index
    %get3A_52 = arith.constant 0 : index
    %get3A_53 = vector.load %arg9[%get3A_51, %get3A_52] : memref<128x128xf32, #tpu.memory_space<vmem>>, vector<128x128xf32>
    %dot_general3A_54 = arith.constant dense<0.000000e+00> : vector<1000x128xf32>
    %dot_general3A_55 = tpu.matmul %add3A_50, %get3A_53, %dot_general3A_54 {dimension_numbers = #tpu.dot_dimension_numbers<[1], [0], [0], [1], [0, 0, 1, 1], [], []>, transpose_lhs_hint = false} : vector<1000x128xf32>, vector<128x128xf32>, vector<1000x128xf32> -> vector<1000x128xf32>
    %get3A_56 = arith.constant 0 : index
    %get3A_57 = arith.constant 0 : index
    %get3A_58 = vector.load %arg8[%get3A_56, %get3A_57] : memref<1000x128xf32, #tpu.memory_space<vmem>>, vector<1000x128xf32>
    %get3A_59 = arith.constant 0 : index
    %get3A_60 = arith.constant 0 : index
    %get3A_61 = vector.load %arg10[%get3A_59, %get3A_60] : memref<128x128xf32, #tpu.memory_space<vmem>>, vector<128x128xf32>
    %dot_general3A_62 = arith.constant dense<0.000000e+00> : vector<1000x128xf32>
    %dot_general3A_63 = tpu.matmul %get3A_58, %get3A_61, %dot_general3A_62 {dimension_numbers = #tpu.dot_dimension_numbers<[1], [0], [0], [1], [0, 0, 1, 1], [], []>, transpose_lhs_hint = false} : vector<1000x128xf32>, vector<128x128xf32>, vector<1000x128xf32> -> vector<1000x128xf32>
    %add3A_64 = arith.addf %dot_general3A_55, %dot_general3A_63 : vector<1000x128xf32>
    %get3A_65 = arith.constant 0 : index
    %get3A_66 = arith.constant 0 : index
    %get3A_67 = vector.load %arg11[%get3A_65, %get3A_66] : memref<1x128xf32, #tpu.memory_space<vmem>>, vector<1x128xf32>
    %add3A_68 = vector.broadcast %get3A_67 : vector<1x128xf32> to vector<1000x128xf32>
    %add3A_69 = arith.addf %add3A_64, %add3A_68 : vector<1000x128xf32>
    %swap3A = arith.constant 0 : index
    %swap3A_70 = arith.constant 0 : index
    %swap3A_71 = vector.load %arg14[%swap3A, %swap3A_70] : memref<1000x128xf32, #tpu.memory_space<vmem>>, vector<1000x128xf32>
    tpu.vector_store %arg14[%swap3A, %swap3A_70], %add3A_69 {strides = array<i32>} : memref<1000x128xf32, #tpu.memory_space<vmem>>, vector<1000x128xf32>,
    %get3A_72 = arith.constant 0 : index
    %get3A_73 = arith.constant 0 : index
    %get3A_74 = vector.load %arg12[%get3A_72, %get3A_73] : memref<128x128xf32, #tpu.memory_space<vmem>>, vector<128x128xf32>
    %dot_general3A_75 = arith.constant dense<0.000000e+00> : vector<1000x128xf32>
    %dot_general3A_76 = tpu.matmul %add3A_69, %get3A_74, %dot_general3A_75 {dimension_numbers = #tpu.dot_dimension_numbers<[1], [0], [0], [1], [0, 0, 1, 1], [], []>, transpose_lhs_hint = false} : vector<1000x128xf32>, vector<128x128xf32>, vector<1000x128xf32> -> vector<1000x128xf32>
    %get3A_77 = arith.constant 0 : index
    %get3A_78 = arith.constant 0 : index
    %get3A_79 = vector.load %arg13[%get3A_77, %get3A_78] : memref<1x128xf32, #tpu.memory_space<vmem>>, vector<1x128xf32>
    %add3A_80 = vector.broadcast %get3A_79 : vector<1x128xf32> to vector<1000x128xf32>
    %add3A_81 = arith.addf %dot_general3A_76, %add3A_80 : vector<1000x128xf32>
    %swap3A_82 = arith.constant 0 : index
    %swap3A_83 = arith.constant 0 : index
    %swap3A_84 = vector.load %arg15[%swap3A_82, %swap3A_83] : memref<1000x128xf32, #tpu.memory_space<vmem>>, vector<1000x128xf32>
    tpu.vector_store %arg15[%swap3A_82, %swap3A_83], %add3A_81 {strides = array<i32>} : memref<1000x128xf32, #tpu.memory_space<vmem>>, vector<1000x128xf32>,
    return
  }
  func.func @transform_0(%arg0: i32) -> (i32, i32) {
    %c0_i32 = arith.constant 0 : i32
    %c0_i32_0 = arith.constant 0 : i32
    return %arg0, %c0_i32 : i32, i32
  }
  func.func @transform_1(%arg0: i32) -> (i32, i32) {
    %c0_i32 = arith.constant 0 : i32
    %c0_i32_0 = arith.constant 0 : i32
    return %arg0, %c0_i32 : i32, i32
  }
  func.func @transform_2(%arg0: i32) -> (i32, i32) {
    %c0_i32 = arith.constant 0 : i32
    %c0_i32_0 = arith.constant 0 : i32
    return %arg0, %c0_i32 : i32, i32
  }
  func.func @transform_3(%arg0: i32) -> (i32, i32) {
    %c0_i32 = arith.constant 0 : i32
    %c0_i32_0 = arith.constant 0 : i32
    %c0_i32_1 = arith.constant 0 : i32
    return %c0_i32, %c0_i32_0 : i32, i32
  }
  func.func @transform_4(%arg0: i32) -> (i32, i32) {
    %c0_i32 = arith.constant 0 : i32
    %c0_i32_0 = arith.constant 0 : i32
    %c0_i32_1 = arith.constant 0 : i32
    return %c0_i32, %c0_i32_0 : i32, i32
  }
  func.func @transform_5(%arg0: i32) -> (i32, i32) {
    %c0_i32 = arith.constant 0 : i32
    %c0_i32_0 = arith.constant 0 : i32
    %c0_i32_1 = arith.constant 0 : i32
    return %c0_i32, %c0_i32_0 : i32, i32
  }
  func.func @transform_6(%arg0: i32) -> (i32, i32) {
    %c0_i32 = arith.constant 0 : i32
    %c0_i32_0 = arith.constant 0 : i32
    %c0_i32_1 = arith.constant 0 : i32
    return %c0_i32, %c0_i32_0 : i32, i32
  }
  func.func @transform_7(%arg0: i32) -> (i32, i32) {
    %c0_i32 = arith.constant 0 : i32
    %c0_i32_0 = arith.constant 0 : i32
    return %arg0, %c0_i32 : i32, i32
  }
  func.func @transform_8(%arg0: i32) -> (i32, i32) {
    %c0_i32 = arith.constant 0 : i32
    %c0_i32_0 = arith.constant 0 : i32
    %c0_i32_1 = arith.constant 0 : i32
    return %c0_i32, %c0_i32_0 : i32, i32
  }
  func.func @transform_9(%arg0: i32) -> (i32, i32) {
    %c0_i32 = arith.constant 0 : i32
    %c0_i32_0 = arith.constant 0 : i32
    %c0_i32_1 = arith.constant 0 : i32
    return %c0_i32, %c0_i32_0 : i32, i32
  }
  func.func @transform_10(%arg0: i32) -> (i32, i32) {
    %c0_i32 = arith.constant 0 : i32
    %c0_i32_0 = arith.constant 0 : i32
    %c0_i32_1 = arith.constant 0 : i32
    return %c0_i32, %c0_i32_0 : i32, i32
  }
  func.func @transform_11(%arg0: i32) -> (i32, i32) {
    %c0_i32 = arith.constant 0 : i32
    %c0_i32_0 = arith.constant 0 : i32
    %c0_i32_1 = arith.constant 0 : i32
    return %c0_i32, %c0_i32_0 : i32, i32
  }
  func.func @transform_12(%arg0: i32) -> (i32, i32) {
    %c0_i32 = arith.constant 0 : i32
    %c0_i32_0 = arith.constant 0 : i32
    %c0_i32_1 = arith.constant 0 : i32
    return %c0_i32, %c0_i32_0 : i32, i32
  }
  func.func @transform_13(%arg0: i32) -> (i32, i32) {
    %c0_i32 = arith.constant 0 : i32
    %c0_i32_0 = arith.constant 0 : i32
    return %arg0, %c0_i32 : i32, i32
  }
  func.func @transform_14(%arg0: i32) -> (i32, i32) {
    %c0_i32 = arith.constant 0 : i32
    %c0_i32_0 = arith.constant 0 : i32
    return %arg0, %c0_i32 : i32, i32
  }
}

module attributes {stable_mosaic.version = 14 : i64} {
  func.func @_last_body(%arg0: i32, %arg1: memref<1000x128xf32, #tpu.memory_space<vmem>>, %arg2: memref<1000x128xf32, #tpu.memory_space<vmem>>, %arg3: memref<1000x128xf32, #tpu.memory_space<vmem>>, %arg4: memref<128x384xf32, #tpu.memory_space<vmem>>, %arg5: memref<1x384xf32, #tpu.memory_space<vmem>>, %arg6: memref<128x384xf32, #tpu.memory_space<vmem>>, %arg7: memref<1x384xf32, #tpu.memory_space<vmem>>, %arg8: memref<1000x128xf32, #tpu.memory_space<vmem>>, %arg9: memref<128x128xf32, #tpu.memory_space<vmem>>, %arg10: memref<128x128xf32, #tpu.memory_space<vmem>>, %arg11: memref<1x128xf32, #tpu.memory_space<vmem>>, %arg12: memref<1000x128xf32, #tpu.memory_space<vmem>>) attributes {dimension_semantics = [#tpu.dimension_semantics<arbitrary>], iteration_bounds = array<i64: 10>, scalar_prefetch = 0 : i64, scratch_operands = 0 : i64, tpu.core_type = #tpu.core_type<tc>, window_params = [{transform_indices = @transform_0, window_bounds = array<i64: 1000, 128>}, {transform_indices = @transform_1, window_bounds = array<i64: 1000, 128>}, {transform_indices = @transform_2, window_bounds = array<i64: 1000, 128>}, {pipeline_mode = #tpu.pipeline_mode<synchronous>, transform_indices = @transform_3, window_bounds = array<i64: 128, 384>}, {pipeline_mode = #tpu.pipeline_mode<synchronous>, transform_indices = @transform_4, window_bounds = array<i64: 1, 384>}, {pipeline_mode = #tpu.pipeline_mode<synchronous>, transform_indices = @transform_5, window_bounds = array<i64: 128, 384>}, {pipeline_mode = #tpu.pipeline_mode<synchronous>, transform_indices = @transform_6, window_bounds = array<i64: 1, 384>}, {transform_indices = @transform_7, window_bounds = array<i64: 1000, 128>}, {pipeline_mode = #tpu.pipeline_mode<synchronous>, transform_indices = @transform_8, window_bounds = array<i64: 128, 128>}, {pipeline_mode = #tpu.pipeline_mode<synchronous>, transform_indices = @transform_9, window_bounds = array<i64: 128, 128>}, {pipeline_mode = #tpu.pipeline_mode<synchronous>, transform_indices = @transform_10, window_bounds = array<i64: 1, 128>}, {transform_indices = @transform_11, window_bounds = array<i64: 1000, 128>}]} {
    %get3A = arith.constant 0 : index
    %get3A_0 = arith.constant 0 : index
    %get3A_1 = vector.load %arg1[%get3A, %get3A_0] : memref<1000x128xf32, #tpu.memory_space<vmem>>, vector<1000x128xf32>
    %get3A_2 = arith.constant 0 : index
    %get3A_3 = arith.constant 0 : index
    %get3A_4 = vector.load %arg2[%get3A_2, %get3A_3] : memref<1000x128xf32, #tpu.memory_space<vmem>>, vector<1000x128xf32>
    %add3A = arith.addf %get3A_1, %get3A_4 : vector<1000x128xf32>
    %get3A_5 = arith.constant 0 : index
    %get3A_6 = arith.constant 0 : index
    %get3A_7 = vector.load %arg3[%get3A_5, %get3A_6] : memref<1000x128xf32, #tpu.memory_space<vmem>>, vector<1000x128xf32>
    %get3A_8 = arith.constant 0 : index
    %get3A_9 = arith.constant 0 : index
    %get3A_10 = vector.load %arg4[%get3A_8, %get3A_9] : memref<128x384xf32, #tpu.memory_space<vmem>>, vector<128x384xf32>
    %get3A_11 = arith.constant 0 : index
    %get3A_12 = arith.constant 0 : index
    %get3A_13 = vector.load %arg5[%get3A_11, %get3A_12] : memref<1x384xf32, #tpu.memory_space<vmem>>, vector<1x384xf32>
    %get3A_14 = arith.constant 0 : index
    %get3A_15 = arith.constant 0 : index
    %get3A_16 = vector.load %arg6[%get3A_14, %get3A_15] : memref<128x384xf32, #tpu.memory_space<vmem>>, vector<128x384xf32>
    %get3A_17 = arith.constant 0 : index
    %get3A_18 = arith.constant 0 : index
    %get3A_19 = vector.load %arg7[%get3A_17, %get3A_18] : memref<1x384xf32, #tpu.memory_space<vmem>>, vector<1x384xf32>
    %dot_general3A = arith.constant dense<0.000000e+00> : vector<1000x384xf32>
    %dot_general3A_20 = tpu.matmul %add3A, %get3A_10, %dot_general3A {dimension_numbers = #tpu.dot_dimension_numbers<[1], [0], [0], [1], [0, 0, 1, 1], [], []>, transpose_lhs_hint = false} : vector<1000x128xf32>, vector<128x384xf32>, vector<1000x384xf32> -> vector<1000x384xf32>
    %add3A_21 = vector.broadcast %get3A_13 : vector<1x384xf32> to vector<1000x384xf32>
    %add3A_22 = arith.addf %dot_general3A_20, %add3A_21 : vector<1000x384xf32>
    %dot_general3A_23 = arith.constant dense<0.000000e+00> : vector<1000x384xf32>
    %dot_general3A_24 = tpu.matmul %get3A_7, %get3A_16, %dot_general3A_23 {dimension_numbers = #tpu.dot_dimension_numbers<[1], [0], [0], [1], [0, 0, 1, 1], [], []>, transpose_lhs_hint = false} : vector<1000x128xf32>, vector<128x384xf32>, vector<1000x384xf32> -> vector<1000x384xf32>
    %add3A_25 = vector.broadcast %get3A_19 : vector<1x384xf32> to vector<1000x384xf32>
    %add3A_26 = arith.addf %dot_general3A_24, %add3A_25 : vector<1000x384xf32>
    %slice3A = vector.extract_strided_slice %add3A_22 {offsets = [0, 0], sizes = [1000, 128], strides = [1, 1]} : vector<1000x384xf32> to vector<1000x128xf32>
    %slice3A_27 = vector.extract_strided_slice %add3A_26 {offsets = [0, 0], sizes = [1000, 128], strides = [1, 1]} : vector<1000x384xf32> to vector<1000x128xf32>
    %add3A_28 = arith.addf %slice3A, %slice3A_27 : vector<1000x128xf32>
    %logistic3A = arith.negf %add3A_28 : vector<1000x128xf32>
    %logistic3A_29 = math.exp %logistic3A : vector<1000x128xf32>
    %logistic3A_30 = arith.constant 1.000000e+00 : f32
    %logistic3A_31 = vector.broadcast %logistic3A_30 : f32 to vector<1000x128xf32>
    %logistic3A_32 = arith.addf %logistic3A_31, %logistic3A_29 : vector<1000x128xf32>
    %logistic3A_33 = arith.divf %logistic3A_31, %logistic3A_32 : vector<1000x128xf32>
    %slice3A_34 = vector.extract_strided_slice %add3A_22 {offsets = [0, 128], sizes = [1000, 128], strides = [1, 1]} : vector<1000x384xf32> to vector<1000x128xf32>
    %slice3A_35 = vector.extract_strided_slice %add3A_26 {offsets = [0, 128], sizes = [1000, 128], strides = [1, 1]} : vector<1000x384xf32> to vector<1000x128xf32>
    %add3A_36 = arith.addf %slice3A_34, %slice3A_35 : vector<1000x128xf32>
    %logistic3A_37 = arith.negf %add3A_36 : vector<1000x128xf32>
    %logistic3A_38 = math.exp %logistic3A_37 : vector<1000x128xf32>
    %logistic3A_39 = arith.constant 1.000000e+00 : f32
    %logistic3A_40 = vector.broadcast %logistic3A_39 : f32 to vector<1000x128xf32>
    %logistic3A_41 = arith.addf %logistic3A_40, %logistic3A_38 : vector<1000x128xf32>
    %logistic3A_42 = arith.divf %logistic3A_40, %logistic3A_41 : vector<1000x128xf32>
    %slice3A_43 = vector.extract_strided_slice %add3A_22 {offsets = [0, 256], sizes = [1000, 128], strides = [1, 1]} : vector<1000x384xf32> to vector<1000x128xf32>
    %slice3A_44 = vector.extract_strided_slice %add3A_26 {offsets = [0, 256], sizes = [1000, 128], strides = [1, 1]} : vector<1000x384xf32> to vector<1000x128xf32>
    %mul3A = arith.mulf %logistic3A_33, %slice3A_44 : vector<1000x128xf32>
    %add3A_45 = arith.addf %slice3A_43, %mul3A : vector<1000x128xf32>
    %tanh3A = math.tanh %add3A_45 : vector<1000x128xf32>
    %sub3A = arith.constant 1.000000e+00 : f32
    %sub3A_46 = vector.broadcast %sub3A : f32 to vector<1000x128xf32>
    %sub3A_47 = arith.subf %sub3A_46, %logistic3A_42 : vector<1000x128xf32>
    %mul3A_48 = arith.mulf %sub3A_47, %tanh3A : vector<1000x128xf32>
    %mul3A_49 = arith.mulf %logistic3A_42, %get3A_7 : vector<1000x128xf32>
    %add3A_50 = arith.addf %mul3A_48, %mul3A_49 : vector<1000x128xf32>
    %get3A_51 = arith.constant 0 : index
    %get3A_52 = arith.constant 0 : index
    %get3A_53 = vector.load %arg9[%get3A_51, %get3A_52] : memref<128x128xf32, #tpu.memory_space<vmem>>, vector<128x128xf32>
    %dot_general3A_54 = arith.constant dense<0.000000e+00> : vector<1000x128xf32>
    %dot_general3A_55 = tpu.matmul %add3A_50, %get3A_53, %dot_general3A_54 {dimension_numbers = #tpu.dot_dimension_numbers<[1], [0], [0], [1], [0, 0, 1, 1], [], []>, transpose_lhs_hint = false} : vector<1000x128xf32>, vector<128x128xf32>, vector<1000x128xf32> -> vector<1000x128xf32>
    %get3A_56 = arith.constant 0 : index
    %get3A_57 = arith.constant 0 : index
    %get3A_58 = vector.load %arg8[%get3A_56, %get3A_57] : memref<1000x128xf32, #tpu.memory_space<vmem>>, vector<1000x128xf32>
    %get3A_59 = arith.constant 0 : index
    %get3A_60 = arith.constant 0 : index
    %get3A_61 = vector.load %arg10[%get3A_59, %get3A_60] : memref<128x128xf32, #tpu.memory_space<vmem>>, vector<128x128xf32>
    %dot_general3A_62 = arith.constant dense<0.000000e+00> : vector<1000x128xf32>
    %dot_general3A_63 = tpu.matmul %get3A_58, %get3A_61, %dot_general3A_62 {dimension_numbers = #tpu.dot_dimension_numbers<[1], [0], [0], [1], [0, 0, 1, 1], [], []>, transpose_lhs_hint = false} : vector<1000x128xf32>, vector<128x128xf32>, vector<1000x128xf32> -> vector<1000x128xf32>
    %add3A_64 = arith.addf %dot_general3A_55, %dot_general3A_63 : vector<1000x128xf32>
    %get3A_65 = arith.constant 0 : index
    %get3A_66 = arith.constant 0 : index
    %get3A_67 = vector.load %arg11[%get3A_65, %get3A_66] : memref<1x128xf32, #tpu.memory_space<vmem>>, vector<1x128xf32>
    %add3A_68 = vector.broadcast %get3A_67 : vector<1x128xf32> to vector<1000x128xf32>
    %add3A_69 = arith.addf %add3A_64, %add3A_68 : vector<1000x128xf32>
    %swap3A = arith.constant 0 : index
    %swap3A_70 = arith.constant 0 : index
    %swap3A_71 = vector.load %arg12[%swap3A, %swap3A_70] : memref<1000x128xf32, #tpu.memory_space<vmem>>, vector<1000x128xf32>
    tpu.vector_store %arg12[%swap3A, %swap3A_70], %add3A_69 {strides = array<i32>} : memref<1000x128xf32, #tpu.memory_space<vmem>>, vector<1000x128xf32>,
    return
  }
  func.func @transform_0(%arg0: i32) -> (i32, i32) {
    %c0_i32 = arith.constant 0 : i32
    %c0_i32_0 = arith.constant 0 : i32
    return %arg0, %c0_i32 : i32, i32
  }
  func.func @transform_1(%arg0: i32) -> (i32, i32) {
    %c0_i32 = arith.constant 0 : i32
    %c0_i32_0 = arith.constant 0 : i32
    return %arg0, %c0_i32 : i32, i32
  }
  func.func @transform_2(%arg0: i32) -> (i32, i32) {
    %c0_i32 = arith.constant 0 : i32
    %c0_i32_0 = arith.constant 0 : i32
    return %arg0, %c0_i32 : i32, i32
  }
  func.func @transform_3(%arg0: i32) -> (i32, i32) {
    %c0_i32 = arith.constant 0 : i32
    %c0_i32_0 = arith.constant 0 : i32
    %c0_i32_1 = arith.constant 0 : i32
    return %c0_i32, %c0_i32_0 : i32, i32
  }
  func.func @transform_4(%arg0: i32) -> (i32, i32) {
    %c0_i32 = arith.constant 0 : i32
    %c0_i32_0 = arith.constant 0 : i32
    %c0_i32_1 = arith.constant 0 : i32
    return %c0_i32, %c0_i32_0 : i32, i32
  }
  func.func @transform_5(%arg0: i32) -> (i32, i32) {
    %c0_i32 = arith.constant 0 : i32
    %c0_i32_0 = arith.constant 0 : i32
    %c0_i32_1 = arith.constant 0 : i32
    return %c0_i32, %c0_i32_0 : i32, i32
  }
  func.func @transform_6(%arg0: i32) -> (i32, i32) {
    %c0_i32 = arith.constant 0 : i32
    %c0_i32_0 = arith.constant 0 : i32
    %c0_i32_1 = arith.constant 0 : i32
    return %c0_i32, %c0_i32_0 : i32, i32
  }
  func.func @transform_7(%arg0: i32) -> (i32, i32) {
    %c0_i32 = arith.constant 0 : i32
    %c0_i32_0 = arith.constant 0 : i32
    return %arg0, %c0_i32 : i32, i32
  }
  func.func @transform_8(%arg0: i32) -> (i32, i32) {
    %c0_i32 = arith.constant 0 : i32
    %c0_i32_0 = arith.constant 0 : i32
    %c0_i32_1 = arith.constant 0 : i32
    return %c0_i32, %c0_i32_0 : i32, i32
  }
  func.func @transform_9(%arg0: i32) -> (i32, i32) {
    %c0_i32 = arith.constant 0 : i32
    %c0_i32_0 = arith.constant 0 : i32
    %c0_i32_1 = arith.constant 0 : i32
    return %c0_i32, %c0_i32_0 : i32, i32
  }
  func.func @transform_10(%arg0: i32) -> (i32, i32) {
    %c0_i32 = arith.constant 0 : i32
    %c0_i32_0 = arith.constant 0 : i32
    %c0_i32_1 = arith.constant 0 : i32
    return %c0_i32, %c0_i32_0 : i32, i32
  }
  func.func @transform_11(%arg0: i32) -> (i32, i32) {
    %c0_i32 = arith.constant 0 : i32
    %c0_i32_0 = arith.constant 0 : i32
    return %arg0, %c0_i32 : i32, i32
  }
}

</mosaic_0001>

<sc_bundles>
// kernel: kernel.11.cloned.1.call-start
scs
__scs_entry_jumppad:
0x0: {  	(pc) =	sbr.rel $0x88, $3  }
0x1: {  	(tag) =	ssettag $0x0;
	lr =	simm.s32 $0x1  }
0x2: {  	[smem:$0x3F8E] =	sst lr;
	_ =	strace $0xD0000000  }
0x3: {  	_ = 	snop  }
0x4: {  	_ = 	snop  }
0x5: {  	_ = 	snop  }
0x6: {  	_ = 	snop  }
0x7: {  	_ = 	snop  }
__scs_overlays_trampoline_lowered:
0x8: {  	[smem:$0x3F9D] =	sst s0  }
0x9: {  	[smem:$0x3F9E] =	sst s1  }
0xa: {  	[smem:$0x3F9F] =	sst s2  }
0xb: {  	[smem:$0x3FA0] =	sst s3  }
0xc: {  	[smem:$0x3FA1] =	sst s4  }
0xd: {  	[smem:$0x3FA2] =	sst s5  }
0xe: {  	[smem:$0x3FA3] =	sst s6  }
0xf: {  	[smem:$0x3FA4] =	sst s7  }
0x10: {  	[smem:$0x3FA5] =	sst s8  }
0x11: {  	[smem:$0x3FA6] =	sst s9;
	s0 =	simm.s32 @!p0 $0x0  }
0x12: {  	s1 =	sld [smem:$0x3F8C];
	s0 =	simm.s32 @p0 $0x1  }
0x13: {  	[smem:$0x3FA7] =	sst s0;
	s0 =	simm.s32 @!p1 $0x0  }
0x14: {  	s2 =	sld [smem:$0x3F8B];
	s0 =	simm.s32 @p1 $0x1  }
0x15: {  	[smem:$0x3FA8] =	sst s0;
	s0 =	simm.s32 @!p2 $0x0  }
0x16: {  	s3 =	sld [smem:$0x3FDB];
	s0 =	simm.s32 @p2 $0x1  }
0x17: {  	s4 =	simm.s32 $0x1BF5;
	[smem:$0x3FAA] =	sst s0  }
0x18: {  	s0 =	sld [smem:$0x3F8D];
	_ =	swait.ge [sflag:s4], $0x0  }
0x19: {  	s7 =	sld [smem:$0x3F8E]  }
0x1a: {  	s8 =	sadd.s32 $0xFFFFE003, lr  }
0x1b: {  	s9 =	sadd.s32 $0xFFFFFEF7, lr;
	s5 =	simm.s32 $0xFFFFFFFF;
	p2 =	slt.u32 s8, $0xFFFFF086  }
0x1c: {  	p1 =	slt.u32 s9, $0xF7A;
	s5 =	simm.s32 @!p2 $0x0  }
0x1d: {  	s5 =	simm.s32 @p1 $0x1;
	p0 =	seq.s32 s7, s2  }
0x1e: {  	s7 =	smul.u32 @!p0 $0xF7A, s2;
	p2 =	seq.s32 @!p0 s5, $0x0  }
0x1f: {  	s9 =	smul.u32 $0xF7A, s1;
	s8 =	simm.s32 @!p0 $0x1BF5;
	p2 =	por !p2, p0  }
0x20: {  	[sflag:s8] =	ssyncset.s32 @!p0 $0xFFFFF086;
	s6 =	sadd.s32 @!p0 s3, s7;
	s7 =	simm.s32 @!p0 $0x108  }
0x21: {  	s3 =	sadd.s32 s3, s9;
	s6 =	sadd.s32 @!p0 $0x88, s6;
	s7 =	simm.s32 @p2 $0x1082  }
0x22: {  	[simem:s7], [sflag:s8] =	dma.local @!p0 [hbm:s6], $0xF7A  }
0x23: {  	s9 =	sor.u32 $0xD0000000, s2;
	s6 =	simm.s32 $0x108;
	_ =	swait.ge @!p0 [sflag:s8], $0x0  }
0x24: {  	s3 =	sadd.s32 $0x88, s3;
	s6 =	simm.s32 @!p1 $0x1082;
	[sflag:s4] =	ssyncset.s32 $0xFFFFF086  }
0x25: {  	[simem:s6], [sflag:s4] =	dma.local [hbm:s3], $0xF7A  }
0x26: {  	[smem:$0x3F8E] =	sst s1;
	(tag) =	ssettag s2;
	_ =	strace s9  }
0x27: {  	s1 =	sld [smem:$0x3F9E]  }
0x28: {  	s2 =	sld [smem:$0x3F9F]  }
0x29: {  	s4 =	sld [smem:$0x3FA1]  }
0x2a: {  	p0 =	seq.s32 s5, $0x0;
	s5 =	sld [smem:$0x3FA2]  }
0x2b: {  	s6 =	sld [smem:$0x3FA3]  }
0x2c: {  	s7 =	sld [smem:$0x3FA4]  }
0x2d: {  	s3 =	simm.s32 $0x108;
	s8 =	sld [smem:$0x3FA5]  }
0x2e: {  	s3 =	simm.s32 @!p0 $0x1082;
	s9 =	sld [smem:$0x3FA6]  }
0x2f: {  	lr =	sadd.s32 s0, s3;
	s0 =	sld [smem:$0x3F9D]  }
0x30: {  	s3 =	sld [smem:$0x3FA0]  }
0x31: {  	[smem:$0x3FA9] =	sst s10  }
0x32: {  	s10 =	sld [smem:$0x3FA7];
	_ =	sdelay $0x3  }
0x33: {  	p0 =	seq.s32 s10, $0x1;
	s10 =	sld [smem:$0x3FA9];
	_ =	sdelay $0x3  }
0x34: {  	[smem:$0x3FA9] =	sst s10  }
0x35: {  	s10 =	sld [smem:$0x3FA8];
	_ =	sdelay $0x3  }
0x36: {  	p1 =	seq.s32 s10, $0x1;
	s10 =	sld [smem:$0x3FA9];
	_ =	sdelay $0x3  }
0x37: {  	[smem:$0x3FA9] =	sst s10  }
0x38: {  	s10 =	sld [smem:$0x3FAA]  }
0x39: {  	_ = 	snop;
	(pc) =	sbr.ind lr, $3  }
0x3a: {  	_ = 	snop  }
0x3b: {  	_ = 	snop  }
0x3c: {  	p2 =	seq.s32 s10, $0x1;
	s10 =	sld [smem:$0x3FA9]  }
0x3d: {  	_ =	shalt  }
0x3e: {  	_ =	shalt  }
0x3f: {  	_ =	shalt  }
0x40: {  	_ =	shalt  }
0x41: {  	_ =	shalt  }
0x42: {  	_ =	shalt  }
0x43: {  	_ =	shalt  }
0x44: {  	_ =	shalt  }
0x45: {  	_ =	shalt  }
0x46: {  	_ =	shalt  }
0x47: {  	_ =	shalt  }
0x48: {  	_ =	shalt  }
0x49: {  	_ =	shalt  }
0x4a: {  	_ =	shalt  }
0x4b: {  	_ =	shalt  }
0x4c: {  	_ =	shalt  }
0x4d: {  	_ =	shalt  }
0x4e: {  	_ =	shalt  }
0x4f: {  	_ =	shalt  }
0x50: {  	_ =	shalt  }
0x51: {  	_ =	shalt  }
0x52: {  	_ =	shalt  }
0x53: {  	_ =	shalt  }
0x54: {  	_ =	shalt  }
0x55: {  	_ =	shalt  }
0x56: {  	_ =	shalt  }
0x57: {  	_ =	shalt  }
0x58: {  	_ =	shalt  }
0x59: {  	_ =	shalt  }
0x5a: {  	_ =	shalt  }
0x5b: {  	_ =	shalt  }
0x5c: {  	_ =	shalt  }
0x5d: {  	_ =	shalt  }
0x5e: {  	_ =	shalt  }
0x5f: {  	_ =	shalt  }
0x60: {  	_ =	shalt  }
0x61: {  	_ =	shalt  }
0x62: {  	_ =	shalt  }
0x63: {  	_ =	shalt  }
0x64: {  	_ =	shalt  }
0x65: {  	_ =	shalt  }
0x66: {  	_ =	shalt  }
0x67: {  	_ =	shalt  }
0x68: {  	_ =	shalt  }
0x69: {  	_ =	shalt  }
0x6a: {  	_ =	shalt  }
0x6b: {  	_ =	shalt  }
0x6c: {  	_ =	shalt  }
0x6d: {  	_ =	shalt  }
0x6e: {  	_ =	shalt  }
0x6f: {  	_ =	shalt  }
0x70: {  	_ =	shalt  }
0x71: {  	_ =	shalt  }
0x72: {  	_ =	shalt  }
0x73: {  	_ =	shalt  }
0x74: {  	_ =	shalt  }
0x75: {  	_ =	shalt  }
0x76: {  	_ =	shalt  }
0x77: {  	_ =	shalt  }
0x78: {  	_ =	shalt  }
0x79: {  	_ =	shalt  }
0x7a: {  	_ =	shalt  }
0x7b: {  	_ =	shalt  }
0x7c: {  	_ =	shalt  }
0x7d: {  	_ =	shalt  }
0x7e: {  	_ =	shalt  }
0x7f: {  	_ =	shalt  }
0x80: {  	_ =	shalt  }
0x81: {  	_ =	shalt  }
0x82: {  	_ =	shalt  }
0x83: {  	_ =	shalt  }
0x84: {  	_ =	shalt  }
0x85: {  	_ =	shalt  }
0x86: {  	_ =	shalt  }
0x87: {  	_ =	shalt  }
.Lfunc_end0:
.L_simem_size_0:
called_computation_lowered:
.L_overlay_start_0:
0x88: {  	s2 =	sld [smem:$0x3FD9]  }
0x89: {  	s3 =	sld [smem:$0x3FFE];
	_ =	sdelay $0x1  }
0x8a: {  	s1 =	srdreg.scid  }
0x8b: {  	s0 =	sand.u32 $0x1, s1  }
0x8c: {  	s17 =	sshll.u32 s0, $0xA;
	s2 =	sadd.s32 s3, s2  }
0x8d: {  	s2 =	sadd.s32 s2, s17  }
0x8e: {  	[smem:$0x3FB5] =	sst s2  }
0x8f: {  	_ = 	snop  }
0x90: {  	s2 =	sld [smem:$0x3FD0];
	(tm) =	ssettm $0x1  }
0x91: {  	s18 =	sld [smem:$0x3FFB];
	_ =	sdelay $0x3  }
0x92: {  	_ =	strace s18  }
0x93: {  	s3 =	sld [smem:$0x3FFC];
	_ =	sdelay $0x3  }
0x94: {  	_ =	strace s3  }
0x95: {  	s3 =	sld [smem:$0x3FFD];
	_ =	sdelay $0x3  }
0x96: {  	_ =	strace s3  }
0x97: {  	_ =	strace $0x8FFFFFFF  }
0x98: {  	s19 =	sld [smem:$0x3FDB];
	_ =	sdelay $0x1  }
0x99: {  	s4 =	simm.s32 $_scs_section_size  }
0x9a: {  	s5 =	simm.s32 $_size__tile_overlayer_lowered;
	s6 =	simm.s32 $_tile_overlayer_lowered  }
0x9b: {  	s22 =	simm.s32 $0x1BFF;
	s21 =	sshll.u32 s6, $0x1;
	s3 =	sadd.s32 s4, s19  }
0x9c: {  	s7 =	simm.s32 $0x0;
	s20 =	sshll.u32 s5, $0x1;
	s5 =	sadd.s32 s21, s3  }
0x9d: {  	[timem:s7], [sflag:s22] =	dma.local [hbm:s5], s20  }
0x9e: {  	_ =	swait.ge [sflag:s22], s20  }
0x9f: {  	s4 =	ssub.s32 $0x0, s20;
	[sflag:s22] =	ssyncset.done $0x0  }
0xa0: {  	[sflag:s22] =	ssyncadd.s32 s4;
	_ =	sdelay $0x1  }
0xa1: {  	s23 =	simm.s32 $0x1B8B  }
0xa2: {  	_ =	swait.ge [sflag:s23], $0x1  }
0xa3: {  	[sflag:s23] =	ssyncset.done $0x0  }
0xa4: {  	s25 =	simm.s32 $0x1B8E;
	s24 =	sld [smem:$0x3FFE];
	[sflag:s23] =	ssyncadd.s32 $0xFFFFFFFF  }
0xa5: {  	s26 =	simm.s32 $execute0_lowered;
	[smem:$0x3FD2] =	sst s25  }
0xa6: {  	s5 =	sshll.u32 s26, $0x1;
	_ =	strace $0x80000046;
	[dreg:$0x1] =	wrdreg $0xFFFFFFFF  }
0xa7: {  	s28 =	simm.s32 $_size_execute0_lowered;
	s3 =	sadd.s32 s3, s5;
	[dreg:$0x0] =	wrdreg $0x0  }
0xa8: {  	s5 =	sshll.u32 s28, $0x1;
	[dreg:$0x2] =	wrdreg s3  }
0xa9: {  	[dreg:$0x3] =	wrdreg s5  }
0xaa: {  	[dreg:$0x4] =	wrdreg $0xC0  }
0xab: {  	_ =	task [dreg:s7], $0x5FFFF  }
0xac: {  	[dreg:$0x1] =	wrdreg $0xFFFFFFFF  }
0xad: {  	[dreg:$0x0] =	wrdreg $0x60  }
0xae: {  	[dreg:$0x2] =	wrdreg s2  }
0xaf: {  	[dreg:$0x3] =	wrdreg s24  }
0xb0: {  	[dreg:$0x4] =	wrdreg $0x84000  }
0xb1: {  	[dreg:$0x5] =	wrdreg $0x9  }
0xb2: {  	_ =	task.clear_ibuf [dreg:s7], $0x6FFFF;
	_ =	strace $0x90000046  }
0xb3: {  	s29 =	simm.s32 $0x9;
	_ =	strace $0x80000048  }
0xb4: {  	_ =	swait.ge [sflag:s29], $0x1  }
0xb5: {  	[sflag:s29] =	ssyncadd.s32 $0xFFFFFFFF  }
0xb6: {  	_ =	strace $0x90000048  }
0xb7: {  	_ =	sfence  }
0xb8: {  	s30 =	sld [smem:$0x0];
	_ =	sdelay $0x2  }
0xb9: {  	s31 =	sshll.u32 s1, $0xD;
	s1 =	sshrl.u32 s1, $0x2  }
0xba: {  	s3 =	sand.u32 $0x4000, s31;
	s1 =	sadd.s32 s1, s30  }
0xbb: {  	s0 =	sor.u32 s3, s0;
	s1 =	sshll.u32 s1, $0x11  }
0xbc: {  	s0 =	sor.u32 s1, s0  }
0xbd: {  	s0 =	sadd.s32 $0x8F2B, s0  }
0xbe: {  	[sflag:s0] =	ssyncadd.remote.s32 $0x1  }
0xbf: {  	_ =	sfence.sel $0xFFFF  }
0xc0: {  	[dreg:$0x0] =	wrdreg $0xFFFFFFFF;
	(pc) =	sbr.abs _section_cstart, $3  }
0xc1: {  	[dreg:$0x1] =	wrdreg $0xFFFFFFFF  }
0xc2: {  	_ =	task.clear_ibuf [dreg:s7], $0x2FFFF;
	_ =	strace $0x9FFFFFFF  }
0xc3: {  	(tm) =	ssettm $0x7FFFFFFF  }
tec
execute0_lowered:
.L_overlay_start_1:
0x0: {  	(tag) =	ssettag $0x1  }
0x1: {  	s1 =	rddreg [dreg:$0x0]  }
0x2: {  	s0 =	rddreg [dreg:$0x1]  }
0x3: {  	s11 =	stileid.u32;
	s2 =	srdreg.scid  }
0x4: {  	s3 =	rddreg [dreg:$0x2];
	s4 =	simm.s32 $0x0;
	s14 =	simm.s32 $0x9  }
0x5: {  	s15 =	simm.s32 $0x100;
	s16 =	simm.s32 $0x200;
	s17 =	simm.s32 $0x1  }
0x6: {  	s18 =	simm.s32 $0x80;
	s28 =	simm.s32 $0x180;
	s29 =	simm.s32 $0x8  }
0x7: {  	s30 =	simm.s32 $0x4;
	s31 =	simm.s32 $0x280;
	s5 =	smul.u32 $0x13C00, s11  }
0x8: {  	s2 =	sand.u32 $0x1, s2;
	[smem:$0x7FF] =	sst s4;
	s10 =	smul.u32 $0x4F000, s11  }
0x9: {  	s8 =	sadd.s32 $0x2600, s0;
	s23 =	sshll.u32 s11, $0x6;
	s12 =	smul.u32 $0xA00, s11  }
0xa: {  	s6 =	smul.u32 $0x13C000, s2;
	_ =	strace $0x80000047;
	s20 =	ssub.s32 $0x2, s2  }
0xb: {  	s9 =	sshll.u32 s2, $0x4;
	s2 =	smul.u32 $0xA000, s2;
	s7 =	sshrl.u32 s5, $0x3  }
0xc: {  	s21 =	sshrl.u32 s20, $0x1;
	s9 =	sor.u32 s11, s9;
	s22 =	sshrl.u32 s10, $0x2  }
0xd: {  	s5 =	sadd.s32 s5, s6;
	s19 =	sadd.s32 s7, s0;
	s9 =	smul.u32 $0xA00, s9  }
0xe: {  	s13 =	sadd.s32 s22, s3;
	s26 =	sadd.s32 s2, s8;
	s22 =	simm.s32 $0x5  }
0xf: {  	s2 =	simm.s32 $0x380;
	s5 =	sshrl.u32 s5, $0x3;
	s6 =	sadd.s32 $0x16600, s19  }
0x10: {  	s12 =	sadd.s32 s12, s26;
	s13 =	sshrl.u32 s13, $0x3;
	s19 =	simm.s32 $0x400  }
0x11: {  	s26 =	simm.s32 $0x6;
	s0 =	sadd.s32 s5, s0;
	s7 =	sadd.s32 s8, s9  }
0x12: {  	s5 =	ssub.s32 s20, s21;
	[dreg:$0x4] =	wrdreg s6;
	s9 =	sadd.s32 $0x20, s7  }
.Ltmp0:
0x13: {  	s24 =	sadd.s32 $0x40, s7;
	[dreg:$0x5] =	wrdreg s9;
	(pc) =	sbr.rel .LBB2_1-.Ltmp0, $4  }
0x14: {  	s6 =	sor.u32 $0x1C09, s23;
	s0 =	sadd.s32 $0x3DE00, s0;
	[dreg:$0x6] =	wrdreg s24  }
0x15: {  	s20 =	simm.s32 $0x2;
	s25 =	smax.u32 s5, $0x1;
	[dreg:$0x7] =	wrdreg s0  }
0x16: {  	s21 =	simm.s32 $0x4400;
	s23 =	simm.s32 $0x300;
	[dreg:$0x8] =	wrdreg s25  }
0x17: {  	s24 =	simm.s32 $0x7;
	s25 =	simm.s32 $0x3;
	s0 =	simm.s32 $0x0  }
.LBB2_4:
0x18: {  	_ =	swait.ge [sflag:s29], $0x4000  }
0x19: {  	[sflag:s29] =	ssyncset.done $0x0  }
0x1a: {  	[sflag:s29] =	ssyncadd.s32 $0xFFFFC000  }
0x1b: {  	[bflag:$0x0] =	sbarrier.arrive $0xFFFF  }
0x1c: {  	s5 =	rddreg [dreg:$0x7]  }
0x1d: {  	[hbm:s5], [sflag:s6] =	dma.local [spmem:s13], $0x2780  }
0x1e: {  	_ =	swait.ge [sflag:s14], $0x2780  }
0x1f: {  	s0 =	sadd.s32 $0x1, s0;
	s11 =	rddreg [dreg:$0x8]  }
0x20: {  	p0 =	sne.s32 s0, s11  }
.Ltmp1:
0x21: {  	_ = 	snop;
	(pc) =	sbr.rel @!p0 .LBB2_5-.Ltmp1, $3  }
0x22: {  	_ =	sdelay $0x1  }
0x23: {  	[sflag:s14] =	ssyncset.done $0x0  }
0x24: {  	[sflag:s14] =	ssyncadd.s32 $0xFFFFD880  }
.LBB2_1:
0x25: {  	s5 =	rddreg [dreg:$0x4]  }
0x26: {  	[spmem:s13], [sflag:s6] =	dma.local [hbm:s5], $0x2780  }
0x27: {  	_ =	swait.ge [sflag:s14], $0x2780  }
0x28: {  	[sflag:s14] =	ssyncset.done $0x0  }
0x29: {  	[sflag:s14] =	ssyncadd.s32 $0xFFFFD880  }
0x2a: {  	[tilespmem:s4], [sflag:$0x1] =	stream.linear.gather [hbm4b:s7+s4], $0x100, $0x38;
	[tilespmem:$0x1C000] =	vst v63  }
0x2b: {  	s10 =	rddreg [dreg:$0x5]  }
0x2c: {  	[tilespmem:s15], [sflag:$0x2] =	stream.linear.gather [hbm4b:s10+s4], $0x100, $0x38;
	[tilespmem:$0x1C000] =	vst v63  }
0x2d: {  	s11 =	rddreg [dreg:$0x6]  }
0x2e: {  	[tilespmem:s16], [sflag:$0x3] =	stream.linear.gather [hbm4b:s11+s4], $0x100, $0x38;
	[tilespmem:$0x1C000] =	vst v63  }
0x2f: {  	[bflag:$0x0] =	sbarrier.arrive $0xFFFF  }
0x30: {  	_ =	swait.ge [sflag:s17], $0x100  }
0x31: {  	[sflag:s17] =	ssyncset.done $0x0  }
0x32: {  	s5 =	simm.s32 $0x0;
	[sflag:s17] =	ssyncadd.s32 $0xFFFFFF00  }
0x33: {  	[tilespmem:s19], [sflag:$0x5] =	stream.indirect.gather [hbm4b:s1+s18], $0x80, s4, s18, $0xb8;
	[tilespmem:$0x1C000] =	vst v63  }
.LBB2_2:
0x34: {  	p0 =	seq.s32 s5, $0x0  }
0x35: {  	s8 =	simm.s32 @!p0 $0x8  }
0x36: {  	_ =	swait.ge @!p0 [sflag:s8], $0x4000  }
0x37: {  	[sflag:s8] =	ssyncset.done @!p0 $0x0  }
0x38: {  	[sflag:s8] =	ssyncadd.s32 @!p0 $0xFFFFC000  }
0x39: {  	_ =	swait.ge [sflag:s20], $0x100  }
0x3a: {  	[sflag:s20] =	ssyncset.done $0x0  }
0x3b: {  	[sflag:s20] =	ssyncadd.s32 $0xFFFFFF00  }
0x3c: {  	[tilespmem:s21], [sflag:$0x6] =	stream.indirect.gather [hbm4b:s1+s18], $0x80, s15, s18, $0xb8;
	[tilespmem:$0x1C000] =	vst v63  }
0x3d: {  	_ =	swait.ge [sflag:s22], $0x4000  }
0x3e: {  	[sflag:s22] =	ssyncset.done $0x0  }
0x3f: {  	s8 =	sadd.s32 s5, s12;
	[sflag:s22] =	ssyncadd.s32 $0xFFFFC000  }
0x40: {  	[spmem:s3] =	stream.indirect.scatter.add.f32 [tilespmem:s19], [sflag:$0x7], $0x80, s18, s18, $0xb8;
	[tilespmem:$0x1C000] =	vst v63  }
0x41: {  	s9 =	sadd.s32 $0x60, s8  }
0x42: {  	[tilespmem:s23], [sflag:$0x4] =	stream.linear.gather [hbm4b:s9+s4], $0x100, $0x38;
	[tilespmem:$0x1C000] =	vst v63  }
0x43: {  	_ =	swait.ge [sflag:s24], $0x4000  }
0x44: {  	[sflag:s24] =	ssyncset.done $0x0  }
0x45: {  	[sflag:s24] =	ssyncadd.s32 $0xFFFFC000  }
0x46: {  	_ =	swait.ge [sflag:s25], $0x100  }
0x47: {  	[sflag:s25] =	ssyncset.done $0x0  }
0x48: {  	[sflag:s25] =	ssyncadd.s32 $0xFFFFFF00  }
0x49: {  	[tilespmem:s19], [sflag:$0x5] =	stream.indirect.gather [hbm4b:s1+s18], $0x80, s16, s18, $0xb8;
	[tilespmem:$0x1C000] =	vst v63  }
0x4a: {  	_ =	swait.ge [sflag:s26], $0x4000  }
0x4b: {  	p0 =	seq.s32 s5, $0x980;
	[sflag:s26] =	ssyncset.done $0x0  }
0x4c: {  	s9 =	sadd.s32 @!p0 s5, s12;
	[sflag:s26] =	ssyncadd.s32 $0xFFFFC000  }
0x4d: {  	[spmem:s3] =	stream.indirect.scatter.add.f32 [tilespmem:s21], [sflag:$0x8], $0x80, s28, s18, $0xb8;
	[tilespmem:$0x1C000] =	vst v63  }
0x4e: {  	s10 =	simm.s32 @!p0 $0x0;
	s9 =	sadd.s32 @!p0 $0x80, s9  }
0x4f: {  	[tilespmem:s10], [sflag:$0x1] =	stream.linear.gather @!p0 [hbm4b:s9+s10], $0x100, $0x38;
	[tilespmem:$0x1C000] =	vst v63  }
0x50: {  	_ =	swait.ge [sflag:s29], $0x4000  }
0x51: {  	[sflag:s29] =	ssyncset.done $0x0  }
0x52: {  	[sflag:s29] =	ssyncadd.s32 $0xFFFFC000  }
0x53: {  	_ =	swait.ge [sflag:s30], $0x100  }
0x54: {  	[sflag:s30] =	ssyncset.done $0x0  }
0x55: {  	[sflag:s30] =	ssyncadd.s32 $0xFFFFFF00  }
0x56: {  	[tilespmem:s21], [sflag:$0x6] =	stream.indirect.gather [hbm4b:s1+s18], $0x80, s23, s18, $0xb8;
	[tilespmem:$0x1C000] =	vst v63  }
0x57: {  	_ =	swait.ge [sflag:s22], $0x4000  }
0x58: {  	p1 =	sne.s32 s5, $0x980;
	[sflag:s22] =	ssyncset.done $0x0  }
0x59: {  	s9 =	sadd.s32 @p1 s5, s12;
	[sflag:s22] =	ssyncadd.s32 $0xFFFFC000  }
0x5a: {  	[spmem:s3] =	stream.indirect.scatter.add.f32 [tilespmem:s19], [sflag:$0x7], $0x80, s31, s18, $0xb8;
	[tilespmem:$0x1C000] =	vst v63  }
0x5b: {  	s11 =	simm.s32 @p1 $0x100;
	s10 =	simm.s32 @p1 $0x0;
	s9 =	sadd.s32 @p1 $0xA0, s9  }
0x5c: {  	[tilespmem:s11], [sflag:$0x2] =	stream.linear.gather @p1 [hbm4b:s9+s10], $0x100, $0x38;
	[tilespmem:$0x1C000] =	vst v63  }
0x5d: {  	s9 =	simm.s32 @p1 $0x7  }
0x5e: {  	_ =	swait.ge @p1 [sflag:s9], $0x4000  }
0x5f: {  	[sflag:s9] =	ssyncset.done @p1 $0x0  }
0x60: {  	[sflag:s9] =	ssyncadd.s32 @p1 $0xFFFFC000;
	s9 =	simm.s32 @p1 $0x1  }
0x61: {  	_ =	swait.ge @p1 [sflag:s9], $0x100  }
0x62: {  	[sflag:s9] =	ssyncset.done @p1 $0x0  }
0x63: {  	s11 =	simm.s32 @p1 $0x400;
	[sflag:s9] =	ssyncadd.s32 @p1 $0xFFFFFF00;
	s9 =	simm.s32 @p1 $0x80  }
0x64: {  	[tilespmem:s11], [sflag:$0x5] =	stream.indirect.gather @p1 [hbm4b:s1+s9], $0x80, s10, s9, $0xb8;
	[tilespmem:$0x1C000] =	vst v63  }
0x65: {  	s9 =	simm.s32 @!p1 $0x7  }
0x66: {  	_ =	swait.ge @!p1 [sflag:s9], $0x4000  }
0x67: {  	[sflag:s9] =	ssyncset.done @!p1 $0x0  }
.Ltmp2:
0x68: {  	[sflag:s9] =	ssyncadd.s32 @!p1 $0xFFFFC000;
	(pc) =	sbr.rel @p0 .LBB2_4-.Ltmp2, $4  }
0x69: {  	_ =	swait.ge [sflag:s26], $0x4000  }
0x6a: {  	[sflag:s26] =	ssyncset.done $0x0  }
0x6b: {  	[sflag:s26] =	ssyncadd.s32 $0xFFFFC000  }
0x6c: {  	[spmem:s3] =	stream.indirect.scatter.add.f32 [tilespmem:s21], [sflag:$0x8], $0x80, s2, s18, $0xb8;
	[tilespmem:$0x1C000] =	vst v63  }
.Ltmp3:
0x6d: {  	(pc) =	sbr.rel .LBB2_2-.Ltmp3, $3  }
0x6e: {  	_ =	sdelay $0x1  }
0x6f: {  	s8 =	sadd.s32 $0xC0, s8;
	s5 =	sadd.s32 $0x80, s5  }
0x70: {  	[tilespmem:s16], [sflag:$0x3] =	stream.linear.gather [hbm4b:s8+s4], $0x100, $0x38;
	[tilespmem:$0x1C000] =	vst v63  }
.LBB2_5:
0x71: {  	_ =	sfence.sel $0x180000  }
0x72: {  	[bflag:$0x0] =	sbarrier.arrive $0xFFFF  }
0x73: {  	_ =	strace $0x90000047  }
0x74: {  	s0 =	stileid.u32;
	[bflag:$0x2] =	sbarrier.arrive $0xFFFF  }
0x75: {  	p0 =	sne.s32 s0, $0x0;
	s0 =	rddreg [dreg:$0x3]  }
0x76: {  	s0 =	sadd.s32 @!p0 $0x100000, s0  }
0x77: {  	[sflag:s0] =	ssyncadd.tile.s32 @!p0 $0x1;
	_ =	shalt  }
.Lfunc_end2:
_tile_overlayer_lowered:
.L_overlay_start_2:
0x78: {  	(tag) =	ssettag $0x2  }
0x79: {  	s0 =	rddreg [dreg:$0x0];
	s2 =	stileid.u32  }
0x7a: {  	s1 =	rddreg [dreg:$0x1];
	p0 =	sne.s32 s2, $0x0  }
0x7b: {  	s3 =	rddreg [dreg:$0x2];
	[bflag:$0x3] =	sbarrier.arrive $0xFFFF;
	s2 =	simm.s32 @!p0 $0x1C09  }
0x7c: {  	[timem:s3], [sflag:s2] =	dma.local @!p0 [hbm:s0], s1  }
0x7d: {  	s0 =	simm.s32 @!p0 $0x9  }
0x7e: {  	_ =	swait.ge @!p0 [sflag:s0], s1  }
0x7f: {  	s1 =	ssub.s32 @!p0 $0x0, s1;
	[sflag:s0] =	ssyncset.done @!p0 $0x0  }
0x80: {  	[sflag:s0] =	ssyncadd.s32 @!p0 s1  }
0x81: {  	[bflag:$0x3] =	sbarrier.arrive $0xFFFF  }
0x82: {  	_ =	shalt  }

// kernel: kernel.14.cloned.1.call-start
scs
__scs_entry_jumppad:
0x0: {  	(pc) =	sbr.rel $0x88, $3  }
0x1: {  	(tag) =	ssettag $0x0;
	lr =	simm.s32 $0x1  }
0x2: {  	[smem:$0x3F8E] =	sst lr;
	_ =	strace $0xD0000000  }
0x3: {  	_ = 	snop  }
0x4: {  	_ = 	snop  }
0x5: {  	_ = 	snop  }
0x6: {  	_ = 	snop  }
0x7: {  	_ = 	snop  }
__scs_overlays_trampoline_lowered:
0x8: {  	[smem:$0x3F9D] =	sst s0  }
0x9: {  	[smem:$0x3F9E] =	sst s1  }
0xa: {  	[smem:$0x3F9F] =	sst s2  }
0xb: {  	[smem:$0x3FA0] =	sst s3  }
0xc: {  	[smem:$0x3FA1] =	sst s4  }
0xd: {  	[smem:$0x3FA2] =	sst s5  }
0xe: {  	[smem:$0x3FA3] =	sst s6  }
0xf: {  	[smem:$0x3FA4] =	sst s7  }
0x10: {  	[smem:$0x3FA5] =	sst s8  }
0x11: {  	[smem:$0x3FA6] =	sst s9;
	s0 =	simm.s32 @!p0 $0x0  }
0x12: {  	s1 =	sld [smem:$0x3F8C];
	s0 =	simm.s32 @p0 $0x1  }
0x13: {  	[smem:$0x3FA7] =	sst s0;
	s0 =	simm.s32 @!p1 $0x0  }
0x14: {  	s2 =	sld [smem:$0x3F8B];
	s0 =	simm.s32 @p1 $0x1  }
0x15: {  	[smem:$0x3FA8] =	sst s0;
	s0 =	simm.s32 @!p2 $0x0  }
0x16: {  	s3 =	sld [smem:$0x3FDB];
	s0 =	simm.s32 @p2 $0x1  }
0x17: {  	s4 =	simm.s32 $0x1BF5;
	[smem:$0x3FAA] =	sst s0  }
0x18: {  	s0 =	sld [smem:$0x3F8D];
	_ =	swait.ge [sflag:s4], $0x0  }
0x19: {  	s7 =	sld [smem:$0x3F8E]  }
0x1a: {  	s8 =	sadd.s32 $0xFFFFE003, lr  }
0x1b: {  	s9 =	sadd.s32 $0xFFFFFEF7, lr;
	s5 =	simm.s32 $0xFFFFFFFF;
	p2 =	slt.u32 s8, $0xFFFFF086  }
0x1c: {  	p1 =	slt.u32 s9, $0xF7A;
	s5 =	simm.s32 @!p2 $0x0  }
0x1d: {  	s5 =	simm.s32 @p1 $0x1;
	p0 =	seq.s32 s7, s2  }
0x1e: {  	s7 =	smul.u32 @!p0 $0xF7A, s2;
	p2 =	seq.s32 @!p0 s5, $0x0  }
0x1f: {  	s9 =	smul.u32 $0xF7A, s1;
	s8 =	simm.s32 @!p0 $0x1BF5;
	p2 =	por !p2, p0  }
0x20: {  	[sflag:s8] =	ssyncset.s32 @!p0 $0xFFFFF086;
	s6 =	sadd.s32 @!p0 s3, s7;
	s7 =	simm.s32 @!p0 $0x108  }
0x21: {  	s3 =	sadd.s32 s3, s9;
	s6 =	sadd.s32 @!p0 $0x88, s6;
	s7 =	simm.s32 @p2 $0x1082  }
0x22: {  	[simem:s7], [sflag:s8] =	dma.local @!p0 [hbm:s6], $0xF7A  }
0x23: {  	s9 =	sor.u32 $0xD0000000, s2;
	s6 =	simm.s32 $0x108;
	_ =	swait.ge @!p0 [sflag:s8], $0x0  }
0x24: {  	s3 =	sadd.s32 $0x88, s3;
	s6 =	simm.s32 @!p1 $0x1082;
	[sflag:s4] =	ssyncset.s32 $0xFFFFF086  }
0x25: {  	[simem:s6], [sflag:s4] =	dma.local [hbm:s3], $0xF7A  }
0x26: {  	[smem:$0x3F8E] =	sst s1;
	(tag) =	ssettag s2;
	_ =	strace s9  }
0x27: {  	s1 =	sld [smem:$0x3F9E]  }
0x28: {  	s2 =	sld [smem:$0x3F9F]  }
0x29: {  	s4 =	sld [smem:$0x3FA1]  }
0x2a: {  	p0 =	seq.s32 s5, $0x0;
	s5 =	sld [smem:$0x3FA2]  }
0x2b: {  	s6 =	sld [smem:$0x3FA3]  }
0x2c: {  	s7 =	sld [smem:$0x3FA4]  }
0x2d: {  	s3 =	simm.s32 $0x108;
	s8 =	sld [smem:$0x3FA5]  }
0x2e: {  	s3 =	simm.s32 @!p0 $0x1082;
	s9 =	sld [smem:$0x3FA6]  }
0x2f: {  	lr =	sadd.s32 s0, s3;
	s0 =	sld [smem:$0x3F9D]  }
0x30: {  	s3 =	sld [smem:$0x3FA0]  }
0x31: {  	[smem:$0x3FA9] =	sst s10  }
0x32: {  	s10 =	sld [smem:$0x3FA7];
	_ =	sdelay $0x3  }
0x33: {  	p0 =	seq.s32 s10, $0x1;
	s10 =	sld [smem:$0x3FA9];
	_ =	sdelay $0x3  }
0x34: {  	[smem:$0x3FA9] =	sst s10  }
0x35: {  	s10 =	sld [smem:$0x3FA8];
	_ =	sdelay $0x3  }
0x36: {  	p1 =	seq.s32 s10, $0x1;
	s10 =	sld [smem:$0x3FA9];
	_ =	sdelay $0x3  }
0x37: {  	[smem:$0x3FA9] =	sst s10  }
0x38: {  	s10 =	sld [smem:$0x3FAA]  }
0x39: {  	_ = 	snop;
	(pc) =	sbr.ind lr, $3  }
0x3a: {  	_ = 	snop  }
0x3b: {  	_ = 	snop  }
0x3c: {  	p2 =	seq.s32 s10, $0x1;
	s10 =	sld [smem:$0x3FA9]  }
0x3d: {  	_ =	shalt  }
0x3e: {  	_ =	shalt  }
0x3f: {  	_ =	shalt  }
0x40: {  	_ =	shalt  }
0x41: {  	_ =	shalt  }
0x42: {  	_ =	shalt  }
0x43: {  	_ =	shalt  }
0x44: {  	_ =	shalt  }
0x45: {  	_ =	shalt  }
0x46: {  	_ =	shalt  }
0x47: {  	_ =	shalt  }
0x48: {  	_ =	shalt  }
0x49: {  	_ =	shalt  }
0x4a: {  	_ =	shalt  }
0x4b: {  	_ =	shalt  }
0x4c: {  	_ =	shalt  }
0x4d: {  	_ =	shalt  }
0x4e: {  	_ =	shalt  }
0x4f: {  	_ =	shalt  }
0x50: {  	_ =	shalt  }
0x51: {  	_ =	shalt  }
0x52: {  	_ =	shalt  }
0x53: {  	_ =	shalt  }
0x54: {  	_ =	shalt  }
0x55: {  	_ =	shalt  }
0x56: {  	_ =	shalt  }
0x57: {  	_ =	shalt  }
0x58: {  	_ =	shalt  }
0x59: {  	_ =	shalt  }
0x5a: {  	_ =	shalt  }
0x5b: {  	_ =	shalt  }
0x5c: {  	_ =	shalt  }
0x5d: {  	_ =	shalt  }
0x5e: {  	_ =	shalt  }
0x5f: {  	_ =	shalt  }
0x60: {  	_ =	shalt  }
0x61: {  	_ =	shalt  }
0x62: {  	_ =	shalt  }
0x63: {  	_ =	shalt  }
0x64: {  	_ =	shalt  }
0x65: {  	_ =	shalt  }
0x66: {  	_ =	shalt  }
0x67: {  	_ =	shalt  }
0x68: {  	_ =	shalt  }
0x69: {  	_ =	shalt  }
0x6a: {  	_ =	shalt  }
0x6b: {  	_ =	shalt  }
0x6c: {  	_ =	shalt  }
0x6d: {  	_ =	shalt  }
0x6e: {  	_ =	shalt  }
0x6f: {  	_ =	shalt  }
0x70: {  	_ =	shalt  }
0x71: {  	_ =	shalt  }
0x72: {  	_ =	shalt  }
0x73: {  	_ =	shalt  }
0x74: {  	_ =	shalt  }
0x75: {  	_ =	shalt  }
0x76: {  	_ =	shalt  }
0x77: {  	_ =	shalt  }
0x78: {  	_ =	shalt  }
0x79: {  	_ =	shalt  }
0x7a: {  	_ =	shalt  }
0x7b: {  	_ =	shalt  }
0x7c: {  	_ =	shalt  }
0x7d: {  	_ =	shalt  }
0x7e: {  	_ =	shalt  }
0x7f: {  	_ =	shalt  }
0x80: {  	_ =	shalt  }
0x81: {  	_ =	shalt  }
0x82: {  	_ =	shalt  }
0x83: {  	_ =	shalt  }
0x84: {  	_ =	shalt  }
0x85: {  	_ =	shalt  }
0x86: {  	_ =	shalt  }
0x87: {  	_ =	shalt  }
.Lfunc_end0:
.L_simem_size_0:
called_computation.1_lowered:
.L_overlay_start_0:
0x88: {  	s2 =	sld [smem:$0x3FD9]  }
0x89: {  	s3 =	sld [smem:$0x3FFE];
	_ =	sdelay $0x1  }
0x8a: {  	s1 =	srdreg.scid  }
0x8b: {  	s0 =	sand.u32 $0x1, s1  }
0x8c: {  	s17 =	sshll.u32 s0, $0xA;
	s2 =	sadd.s32 s3, s2  }
0x8d: {  	s2 =	sadd.s32 s2, s17  }
0x8e: {  	[smem:$0x3FB5] =	sst s2  }
0x8f: {  	_ = 	snop  }
0x90: {  	s2 =	sld [smem:$0x3FD0];
	(tm) =	ssettm $0x1  }
0x91: {  	s18 =	sld [smem:$0x3FFB];
	_ =	sdelay $0x3  }
0x92: {  	_ =	strace s18  }
0x93: {  	s3 =	sld [smem:$0x3FFC];
	_ =	sdelay $0x3  }
0x94: {  	_ =	strace s3  }
0x95: {  	s3 =	sld [smem:$0x3FFD];
	_ =	sdelay $0x3  }
0x96: {  	_ =	strace s3  }
0x97: {  	_ =	strace $0x8FFFFFFF  }
0x98: {  	s19 =	sld [smem:$0x3FDB];
	_ =	sdelay $0x1  }
0x99: {  	s4 =	simm.s32 $_scs_section_size  }
0x9a: {  	s5 =	simm.s32 $_size__tile_overlayer_lowered;
	s6 =	simm.s32 $_tile_overlayer_lowered  }
0x9b: {  	s22 =	simm.s32 $0x1BFF;
	s21 =	sshll.u32 s6, $0x1;
	s3 =	sadd.s32 s4, s19  }
0x9c: {  	s7 =	simm.s32 $0x0;
	s20 =	sshll.u32 s5, $0x1;
	s5 =	sadd.s32 s21, s3  }
0x9d: {  	[timem:s7], [sflag:s22] =	dma.local [hbm:s5], s20  }
0x9e: {  	_ =	swait.ge [sflag:s22], s20  }
0x9f: {  	s4 =	ssub.s32 $0x0, s20;
	[sflag:s22] =	ssyncset.done $0x0  }
0xa0: {  	[sflag:s22] =	ssyncadd.s32 s4;
	_ =	sdelay $0x1  }
0xa1: {  	s23 =	simm.s32 $0x1B8B  }
0xa2: {  	_ =	swait.ge [sflag:s23], $0x1  }
0xa3: {  	[sflag:s23] =	ssyncset.done $0x0  }
0xa4: {  	s25 =	simm.s32 $0x1B8E;
	s24 =	sld [smem:$0x3FFE];
	[sflag:s23] =	ssyncadd.s32 $0xFFFFFFFF  }
0xa5: {  	s26 =	simm.s32 $execute0_lowered;
	[smem:$0x3FD2] =	sst s25  }
0xa6: {  	s5 =	sshll.u32 s26, $0x1;
	_ =	strace $0x80000049;
	[dreg:$0x1] =	wrdreg $0xFFFFFFFF  }
0xa7: {  	s28 =	simm.s32 $_size_execute0_lowered;
	s3 =	sadd.s32 s3, s5;
	[dreg:$0x0] =	wrdreg $0x0  }
0xa8: {  	s5 =	sshll.u32 s28, $0x1;
	[dreg:$0x2] =	wrdreg s3  }
0xa9: {  	[dreg:$0x3] =	wrdreg s5  }
0xaa: {  	[dreg:$0x4] =	wrdreg $0xC0  }
0xab: {  	_ =	task [dreg:s7], $0x5FFFF  }
0xac: {  	[dreg:$0x1] =	wrdreg $0xFFFFFFFF  }
0xad: {  	[dreg:$0x0] =	wrdreg $0x60  }
0xae: {  	[dreg:$0x2] =	wrdreg s2  }
0xaf: {  	[dreg:$0x3] =	wrdreg s24  }
0xb0: {  	[dreg:$0x4] =	wrdreg $0x84000  }
0xb1: {  	[dreg:$0x5] =	wrdreg $0x9  }
0xb2: {  	_ =	task.clear_ibuf [dreg:s7], $0x6FFFF;
	_ =	strace $0x90000049  }
0xb3: {  	s29 =	simm.s32 $0x9;
	_ =	strace $0x8000004B  }
0xb4: {  	_ =	swait.ge [sflag:s29], $0x1  }
0xb5: {  	[sflag:s29] =	ssyncadd.s32 $0xFFFFFFFF  }
0xb6: {  	_ =	strace $0x9000004B  }
0xb7: {  	_ =	sfence  }
0xb8: {  	s30 =	sld [smem:$0x0];
	_ =	sdelay $0x2  }
0xb9: {  	s31 =	sshll.u32 s1, $0xD;
	s1 =	sshrl.u32 s1, $0x2  }
0xba: {  	s3 =	sand.u32 $0x4000, s31;
	s1 =	sadd.s32 s1, s30  }
0xbb: {  	s0 =	sor.u32 s3, s0;
	s1 =	sshll.u32 s1, $0x11  }
0xbc: {  	s0 =	sor.u32 s1, s0  }
0xbd: {  	s0 =	sadd.s32 $0x8F2B, s0  }
0xbe: {  	[sflag:s0] =	ssyncadd.remote.s32 $0x1  }
0xbf: {  	_ =	sfence.sel $0xFFFF  }
0xc0: {  	[dreg:$0x0] =	wrdreg $0xFFFFFFFF;
	(pc) =	sbr.abs _section_cstart, $3  }
0xc1: {  	[dreg:$0x1] =	wrdreg $0xFFFFFFFF  }
0xc2: {  	_ =	task.clear_ibuf [dreg:s7], $0x2FFFF;
	_ =	strace $0x9FFFFFFF  }
0xc3: {  	(tm) =	ssettm $0x7FFFFFFF  }
tec
execute0_lowered:
.L_overlay_start_1:
0x0: {  	(tag) =	ssettag $0x1  }
0x1: {  	s1 =	rddreg [dreg:$0x0]  }
0x2: {  	s0 =	rddreg [dreg:$0x1]  }
0x3: {  	s11 =	stileid.u32;
	s2 =	srdreg.scid  }
0x4: {  	s3 =	rddreg [dreg:$0x2];
	s4 =	simm.s32 $0x0;
	s14 =	simm.s32 $0x9  }
0x5: {  	s15 =	simm.s32 $0x100;
	s16 =	simm.s32 $0x200;
	s17 =	simm.s32 $0x1  }
0x6: {  	s18 =	simm.s32 $0x80;
	s28 =	simm.s32 $0x180;
	s29 =	simm.s32 $0x8  }
0x7: {  	s30 =	simm.s32 $0x4;
	s31 =	simm.s32 $0x280;
	s5 =	smul.u32 $0x13C00, s11  }
0x8: {  	s2 =	sand.u32 $0x1, s2;
	[smem:$0x7FF] =	sst s4;
	s10 =	smul.u32 $0x4F000, s11  }
0x9: {  	s8 =	sadd.s32 $0x2600, s0;
	s23 =	sshll.u32 s11, $0x6;
	s12 =	smul.u32 $0xA00, s11  }
0xa: {  	s6 =	smul.u32 $0x13C000, s2;
	_ =	strace $0x8000004A;
	s20 =	ssub.s32 $0x2, s2  }
0xb: {  	s9 =	sshll.u32 s2, $0x4;
	s2 =	smul.u32 $0xA000, s2;
	s7 =	sshrl.u32 s5, $0x3  }
0xc: {  	s21 =	sshrl.u32 s20, $0x1;
	s9 =	sor.u32 s11, s9;
	s22 =	sshrl.u32 s10, $0x2  }
0xd: {  	s5 =	sadd.s32 s5, s6;
	s19 =	sadd.s32 s7, s0;
	s9 =	smul.u32 $0xA00, s9  }
0xe: {  	s13 =	sadd.s32 s22, s3;
	s26 =	sadd.s32 s2, s8;
	s22 =	simm.s32 $0x5  }
0xf: {  	s2 =	simm.s32 $0x380;
	s5 =	sshrl.u32 s5, $0x3;
	s6 =	sadd.s32 $0x16600, s19  }
0x10: {  	s12 =	sadd.s32 s12, s26;
	s13 =	sshrl.u32 s13, $0x3;
	s19 =	simm.s32 $0x400  }
0x11: {  	s26 =	simm.s32 $0x6;
	s0 =	sadd.s32 s5, s0;
	s7 =	sadd.s32 s8, s9  }
0x12: {  	s5 =	ssub.s32 s20, s21;
	[dreg:$0x4] =	wrdreg s6;
	s9 =	sadd.s32 $0x20, s7  }
.Ltmp0:
0x13: {  	s24 =	sadd.s32 $0x40, s7;
	[dreg:$0x5] =	wrdreg s9;
	(pc) =	sbr.rel .LBB2_1-.Ltmp0, $4  }
0x14: {  	s6 =	sor.u32 $0x1C09, s23;
	s0 =	sadd.s32 $0x65000, s0;
	[dreg:$0x6] =	wrdreg s24  }
0x15: {  	s20 =	simm.s32 $0x2;
	s25 =	smax.u32 s5, $0x1;
	[dreg:$0x7] =	wrdreg s0  }
0x16: {  	s21 =	simm.s32 $0x4400;
	s23 =	simm.s32 $0x300;
	[dreg:$0x8] =	wrdreg s25  }
0x17: {  	s24 =	simm.s32 $0x7;
	s25 =	simm.s32 $0x3;
	s0 =	simm.s32 $0x0  }
.LBB2_4:
0x18: {  	_ =	swait.ge [sflag:s29], $0x4000  }
0x19: {  	[sflag:s29] =	ssyncset.done $0x0  }
0x1a: {  	[sflag:s29] =	ssyncadd.s32 $0xFFFFC000  }
0x1b: {  	[bflag:$0x0] =	sbarrier.arrive $0xFFFF  }
0x1c: {  	s5 =	rddreg [dreg:$0x7]  }
0x1d: {  	[hbm:s5], [sflag:s6] =	dma.local [spmem:s13], $0x2780  }
0x1e: {  	_ =	swait.ge [sflag:s14], $0x2780  }
0x1f: {  	s0 =	sadd.s32 $0x1, s0;
	s11 =	rddreg [dreg:$0x8]  }
0x20: {  	p0 =	sne.s32 s0, s11  }
.Ltmp1:
0x21: {  	_ = 	snop;
	(pc) =	sbr.rel @!p0 .LBB2_5-.Ltmp1, $3  }
0x22: {  	_ =	sdelay $0x1  }
0x23: {  	[sflag:s14] =	ssyncset.done $0x0  }
0x24: {  	[sflag:s14] =	ssyncadd.s32 $0xFFFFD880  }
.LBB2_1:
0x25: {  	s5 =	rddreg [dreg:$0x4]  }
0x26: {  	[spmem:s13], [sflag:s6] =	dma.local [hbm:s5], $0x2780  }
0x27: {  	_ =	swait.ge [sflag:s14], $0x2780  }
0x28: {  	[sflag:s14] =	ssyncset.done $0x0  }
0x29: {  	[sflag:s14] =	ssyncadd.s32 $0xFFFFD880  }
0x2a: {  	[tilespmem:s4], [sflag:$0x1] =	stream.linear.gather [hbm4b:s7+s4], $0x100, $0x38;
	[tilespmem:$0x1C000] =	vst v63  }
0x2b: {  	s10 =	rddreg [dreg:$0x5]  }
0x2c: {  	[tilespmem:s15], [sflag:$0x2] =	stream.linear.gather [hbm4b:s10+s4], $0x100, $0x38;
	[tilespmem:$0x1C000] =	vst v63  }
0x2d: {  	s11 =	rddreg [dreg:$0x6]  }
0x2e: {  	[tilespmem:s16], [sflag:$0x3] =	stream.linear.gather [hbm4b:s11+s4], $0x100, $0x38;
	[tilespmem:$0x1C000] =	vst v63  }
0x2f: {  	[bflag:$0x0] =	sbarrier.arrive $0xFFFF  }
0x30: {  	_ =	swait.ge [sflag:s17], $0x100  }
0x31: {  	[sflag:s17] =	ssyncset.done $0x0  }
0x32: {  	s5 =	simm.s32 $0x0;
	[sflag:s17] =	ssyncadd.s32 $0xFFFFFF00  }
0x33: {  	[tilespmem:s19], [sflag:$0x5] =	stream.indirect.gather [hbm4b:s1+s18], $0x80, s4, s18, $0xb8;
	[tilespmem:$0x1C000] =	vst v63  }
.LBB2_2:
0x34: {  	p0 =	seq.s32 s5, $0x0  }
0x35: {  	s8 =	simm.s32 @!p0 $0x8  }
0x36: {  	_ =	swait.ge @!p0 [sflag:s8], $0x4000  }
0x37: {  	[sflag:s8] =	ssyncset.done @!p0 $0x0  }
0x38: {  	[sflag:s8] =	ssyncadd.s32 @!p0 $0xFFFFC000  }
0x39: {  	_ =	swait.ge [sflag:s20], $0x100  }
0x3a: {  	[sflag:s20] =	ssyncset.done $0x0  }
0x3b: {  	[sflag:s20] =	ssyncadd.s32 $0xFFFFFF00  }
0x3c: {  	[tilespmem:s21], [sflag:$0x6] =	stream.indirect.gather [hbm4b:s1+s18], $0x80, s15, s18, $0xb8;
	[tilespmem:$0x1C000] =	vst v63  }
0x3d: {  	_ =	swait.ge [sflag:s22], $0x4000  }
0x3e: {  	[sflag:s22] =	ssyncset.done $0x0  }
0x3f: {  	s8 =	sadd.s32 s5, s12;
	[sflag:s22] =	ssyncadd.s32 $0xFFFFC000  }
0x40: {  	[spmem:s3] =	stream.indirect.scatter.add.f32 [tilespmem:s19], [sflag:$0x7], $0x80, s18, s18, $0xb8;
	[tilespmem:$0x1C000] =	vst v63  }
0x41: {  	s9 =	sadd.s32 $0x60, s8  }
0x42: {  	[tilespmem:s23], [sflag:$0x4] =	stream.linear.gather [hbm4b:s9+s4], $0x100, $0x38;
	[tilespmem:$0x1C000] =	vst v63  }
0x43: {  	_ =	swait.ge [sflag:s24], $0x4000  }
0x44: {  	[sflag:s24] =	ssyncset.done $0x0  }
0x45: {  	[sflag:s24] =	ssyncadd.s32 $0xFFFFC000  }
0x46: {  	_ =	swait.ge [sflag:s25], $0x100  }
0x47: {  	[sflag:s25] =	ssyncset.done $0x0  }
0x48: {  	[sflag:s25] =	ssyncadd.s32 $0xFFFFFF00  }
0x49: {  	[tilespmem:s19], [sflag:$0x5] =	stream.indirect.gather [hbm4b:s1+s18], $0x80, s16, s18, $0xb8;
	[tilespmem:$0x1C000] =	vst v63  }
0x4a: {  	_ =	swait.ge [sflag:s26], $0x4000  }
0x4b: {  	p0 =	seq.s32 s5, $0x980;
	[sflag:s26] =	ssyncset.done $0x0  }
0x4c: {  	s9 =	sadd.s32 @!p0 s5, s12;
	[sflag:s26] =	ssyncadd.s32 $0xFFFFC000  }
0x4d: {  	[spmem:s3] =	stream.indirect.scatter.add.f32 [tilespmem:s21], [sflag:$0x8], $0x80, s28, s18, $0xb8;
	[tilespmem:$0x1C000] =	vst v63  }
0x4e: {  	s10 =	simm.s32 @!p0 $0x0;
	s9 =	sadd.s32 @!p0 $0x80, s9  }
0x4f: {  	[tilespmem:s10], [sflag:$0x1] =	stream.linear.gather @!p0 [hbm4b:s9+s10], $0x100, $0x38;
	[tilespmem:$0x1C000] =	vst v63  }
0x50: {  	_ =	swait.ge [sflag:s29], $0x4000  }
0x51: {  	[sflag:s29] =	ssyncset.done $0x0  }
0x52: {  	[sflag:s29] =	ssyncadd.s32 $0xFFFFC000  }
0x53: {  	_ =	swait.ge [sflag:s30], $0x100  }
0x54: {  	[sflag:s30] =	ssyncset.done $0x0  }
0x55: {  	[sflag:s30] =	ssyncadd.s32 $0xFFFFFF00  }
0x56: {  	[tilespmem:s21], [sflag:$0x6] =	stream.indirect.gather [hbm4b:s1+s18], $0x80, s23, s18, $0xb8;
	[tilespmem:$0x1C000] =	vst v63  }
0x57: {  	_ =	swait.ge [sflag:s22], $0x4000  }
0x58: {  	p1 =	sne.s32 s5, $0x980;
	[sflag:s22] =	ssyncset.done $0x0  }
0x59: {  	s9 =	sadd.s32 @p1 s5, s12;
	[sflag:s22] =	ssyncadd.s32 $0xFFFFC000  }
0x5a: {  	[spmem:s3] =	stream.indirect.scatter.add.f32 [tilespmem:s19], [sflag:$0x7], $0x80, s31, s18, $0xb8;
	[tilespmem:$0x1C000] =	vst v63  }
0x5b: {  	s11 =	simm.s32 @p1 $0x100;
	s10 =	simm.s32 @p1 $0x0;
	s9 =	sadd.s32 @p1 $0xA0, s9  }
0x5c: {  	[tilespmem:s11], [sflag:$0x2] =	stream.linear.gather @p1 [hbm4b:s9+s10], $0x100, $0x38;
	[tilespmem:$0x1C000] =	vst v63  }
0x5d: {  	s9 =	simm.s32 @p1 $0x7  }
0x5e: {  	_ =	swait.ge @p1 [sflag:s9], $0x4000  }
0x5f: {  	[sflag:s9] =	ssyncset.done @p1 $0x0  }
0x60: {  	[sflag:s9] =	ssyncadd.s32 @p1 $0xFFFFC000;
	s9 =	simm.s32 @p1 $0x1  }
0x61: {  	_ =	swait.ge @p1 [sflag:s9], $0x100  }
0x62: {  	[sflag:s9] =	ssyncset.done @p1 $0x0  }
0x63: {  	s11 =	simm.s32 @p1 $0x400;
	[sflag:s9] =	ssyncadd.s32 @p1 $0xFFFFFF00;
	s9 =	simm.s32 @p1 $0x80  }
0x64: {  	[tilespmem:s11], [sflag:$0x5] =	stream.indirect.gather @p1 [hbm4b:s1+s9], $0x80, s10, s9, $0xb8;
	[tilespmem:$0x1C000] =	vst v63  }
0x65: {  	s9 =	simm.s32 @!p1 $0x7  }
0x66: {  	_ =	swait.ge @!p1 [sflag:s9], $0x4000  }
0x67: {  	[sflag:s9] =	ssyncset.done @!p1 $0x0  }
.Ltmp2:
0x68: {  	[sflag:s9] =	ssyncadd.s32 @!p1 $0xFFFFC000;
	(pc) =	sbr.rel @p0 .LBB2_4-.Ltmp2, $4  }
0x69: {  	_ =	swait.ge [sflag:s26], $0x4000  }
0x6a: {  	[sflag:s26] =	ssyncset.done $0x0  }
0x6b: {  	[sflag:s26] =	ssyncadd.s32 $0xFFFFC000  }
0x6c: {  	[spmem:s3] =	stream.indirect.scatter.add.f32 [tilespmem:s21], [sflag:$0x8], $0x80, s2, s18, $0xb8;
	[tilespmem:$0x1C000] =	vst v63  }
.Ltmp3:
0x6d: {  	(pc) =	sbr.rel .LBB2_2-.Ltmp3, $3  }
0x6e: {  	_ =	sdelay $0x1  }
0x6f: {  	s8 =	sadd.s32 $0xC0, s8;
	s5 =	sadd.s32 $0x80, s5  }
0x70: {  	[tilespmem:s16], [sflag:$0x3] =	stream.linear.gather [hbm4b:s8+s4], $0x100, $0x38;
	[tilespmem:$0x1C000] =	vst v63  }
.LBB2_5:
0x71: {  	_ =	sfence.sel $0x180000  }
0x72: {  	[bflag:$0x0] =	sbarrier.arrive $0xFFFF  }
0x73: {  	_ =	strace $0x9000004A  }
0x74: {  	s0 =	stileid.u32;
	[bflag:$0x2] =	sbarrier.arrive $0xFFFF  }
0x75: {  	p0 =	sne.s32 s0, $0x0;
	s0 =	rddreg [dreg:$0x3]  }
0x76: {  	s0 =	sadd.s32 @!p0 $0x100000, s0  }
0x77: {  	[sflag:s0] =	ssyncadd.tile.s32 @!p0 $0x1;
	_ =	shalt  }
.Lfunc_end2:
_tile_overlayer_lowered:
.L_overlay_start_2:
0x78: {  	(tag) =	ssettag $0x2  }
0x79: {  	s0 =	rddreg [dreg:$0x0];
	s2 =	stileid.u32  }
0x7a: {  	s1 =	rddreg [dreg:$0x1];
	p0 =	sne.s32 s2, $0x0  }
0x7b: {  	s3 =	rddreg [dreg:$0x2];
	[bflag:$0x3] =	sbarrier.arrive $0xFFFF;
	s2 =	simm.s32 @!p0 $0x1C09  }
0x7c: {  	[timem:s3], [sflag:s2] =	dma.local @!p0 [hbm:s0], s1  }
0x7d: {  	s0 =	simm.s32 @!p0 $0x9  }
0x7e: {  	_ =	swait.ge @!p0 [sflag:s0], s1  }
0x7f: {  	s1 =	ssub.s32 @!p0 $0x0, s1;
	[sflag:s0] =	ssyncset.done @!p0 $0x0  }
0x80: {  	[sflag:s0] =	ssyncadd.s32 @!p0 s1  }
0x81: {  	[bflag:$0x3] =	sbarrier.arrive $0xFFFF  }
0x82: {  	_ =	shalt  }

// kernel: kernel.17.cloned.1.call-start
scs
__scs_entry_jumppad:
0x0: {  	(pc) =	sbr.rel $0x88, $3  }
0x1: {  	(tag) =	ssettag $0x0;
	lr =	simm.s32 $0x1  }
0x2: {  	[smem:$0x3F8E] =	sst lr;
	_ =	strace $0xD0000000  }
0x3: {  	_ = 	snop  }
0x4: {  	_ = 	snop  }
0x5: {  	_ = 	snop  }
0x6: {  	_ = 	snop  }
0x7: {  	_ = 	snop  }
__scs_overlays_trampoline_lowered:
0x8: {  	[smem:$0x3F9D] =	sst s0  }
0x9: {  	[smem:$0x3F9E] =	sst s1  }
0xa: {  	[smem:$0x3F9F] =	sst s2  }
0xb: {  	[smem:$0x3FA0] =	sst s3  }
0xc: {  	[smem:$0x3FA1] =	sst s4  }
0xd: {  	[smem:$0x3FA2] =	sst s5  }
0xe: {  	[smem:$0x3FA3] =	sst s6  }
0xf: {  	[smem:$0x3FA4] =	sst s7  }
0x10: {  	[smem:$0x3FA5] =	sst s8  }
0x11: {  	[smem:$0x3FA6] =	sst s9;
	s0 =	simm.s32 @!p0 $0x0  }
0x12: {  	s1 =	sld [smem:$0x3F8C];
	s0 =	simm.s32 @p0 $0x1  }
0x13: {  	[smem:$0x3FA7] =	sst s0;
	s0 =	simm.s32 @!p1 $0x0  }
0x14: {  	s2 =	sld [smem:$0x3F8B];
	s0 =	simm.s32 @p1 $0x1  }
0x15: {  	[smem:$0x3FA8] =	sst s0;
	s0 =	simm.s32 @!p2 $0x0  }
0x16: {  	s3 =	sld [smem:$0x3FDB];
	s0 =	simm.s32 @p2 $0x1  }
0x17: {  	s4 =	simm.s32 $0x1BF5;
	[smem:$0x3FAA] =	sst s0  }
0x18: {  	s0 =	sld [smem:$0x3F8D];
	_ =	swait.ge [sflag:s4], $0x0  }
0x19: {  	s7 =	sld [smem:$0x3F8E]  }
0x1a: {  	s8 =	sadd.s32 $0xFFFFE003, lr  }
0x1b: {  	s9 =	sadd.s32 $0xFFFFFEF7, lr;
	s5 =	simm.s32 $0xFFFFFFFF;
	p2 =	slt.u32 s8, $0xFFFFF086  }
0x1c: {  	p1 =	slt.u32 s9, $0xF7A;
	s5 =	simm.s32 @!p2 $0x0  }
0x1d: {  	s5 =	simm.s32 @p1 $0x1;
	p0 =	seq.s32 s7, s2  }
0x1e: {  	s7 =	smul.u32 @!p0 $0xF7A, s2;
	p2 =	seq.s32 @!p0 s5, $0x0  }
0x1f: {  	s9 =	smul.u32 $0xF7A, s1;
	s8 =	simm.s32 @!p0 $0x1BF5;
	p2 =	por !p2, p0  }
0x20: {  	[sflag:s8] =	ssyncset.s32 @!p0 $0xFFFFF086;
	s6 =	sadd.s32 @!p0 s3, s7;
	s7 =	simm.s32 @!p0 $0x108  }
0x21: {  	s3 =	sadd.s32 s3, s9;
	s6 =	sadd.s32 @!p0 $0x88, s6;
	s7 =	simm.s32 @p2 $0x1082  }
0x22: {  	[simem:s7], [sflag:s8] =	dma.local @!p0 [hbm:s6], $0xF7A  }
0x23: {  	s9 =	sor.u32 $0xD0000000, s2;
	s6 =	simm.s32 $0x108;
	_ =	swait.ge @!p0 [sflag:s8], $0x0  }
0x24: {  	s3 =	sadd.s32 $0x88, s3;
	s6 =	simm.s32 @!p1 $0x1082;
	[sflag:s4] =	ssyncset.s32 $0xFFFFF086  }
0x25: {  	[simem:s6], [sflag:s4] =	dma.local [hbm:s3], $0xF7A  }
0x26: {  	[smem:$0x3F8E] =	sst s1;
	(tag) =	ssettag s2;
	_ =	strace s9  }
0x27: {  	s1 =	sld [smem:$0x3F9E]  }
0x28: {  	s2 =	sld [smem:$0x3F9F]  }
0x29: {  	s4 =	sld [smem:$0x3FA1]  }
0x2a: {  	p0 =	seq.s32 s5, $0x0;
	s5 =	sld [smem:$0x3FA2]  }
0x2b: {  	s6 =	sld [smem:$0x3FA3]  }
0x2c: {  	s7 =	sld [smem:$0x3FA4]  }
0x2d: {  	s3 =	simm.s32 $0x108;
	s8 =	sld [smem:$0x3FA5]  }
0x2e: {  	s3 =	simm.s32 @!p0 $0x1082;
	s9 =	sld [smem:$0x3FA6]  }
0x2f: {  	lr =	sadd.s32 s0, s3;
	s0 =	sld [smem:$0x3F9D]  }
0x30: {  	s3 =	sld [smem:$0x3FA0]  }
0x31: {  	[smem:$0x3FA9] =	sst s10  }
0x32: {  	s10 =	sld [smem:$0x3FA7];
	_ =	sdelay $0x3  }
0x33: {  	p0 =	seq.s32 s10, $0x1;
	s10 =	sld [smem:$0x3FA9];
	_ =	sdelay $0x3  }
0x34: {  	[smem:$0x3FA9] =	sst s10  }
0x35: {  	s10 =	sld [smem:$0x3FA8];
	_ =	sdelay $0x3  }
0x36: {  	p1 =	seq.s32 s10, $0x1;
	s10 =	sld [smem:$0x3FA9];
	_ =	sdelay $0x3  }
0x37: {  	[smem:$0x3FA9] =	sst s10  }
0x38: {  	s10 =	sld [smem:$0x3FAA]  }
0x39: {  	_ = 	snop;
	(pc) =	sbr.ind lr, $3  }
0x3a: {  	_ = 	snop  }
0x3b: {  	_ = 	snop  }
0x3c: {  	p2 =	seq.s32 s10, $0x1;
	s10 =	sld [smem:$0x3FA9]  }
0x3d: {  	_ =	shalt  }
0x3e: {  	_ =	shalt  }
0x3f: {  	_ =	shalt  }
0x40: {  	_ =	shalt  }
0x41: {  	_ =	shalt  }
0x42: {  	_ =	shalt  }
0x43: {  	_ =	shalt  }
0x44: {  	_ =	shalt  }
0x45: {  	_ =	shalt  }
0x46: {  	_ =	shalt  }
0x47: {  	_ =	shalt  }
0x48: {  	_ =	shalt  }
0x49: {  	_ =	shalt  }
0x4a: {  	_ =	shalt  }
0x4b: {  	_ =	shalt  }
0x4c: {  	_ =	shalt  }
0x4d: {  	_ =	shalt  }
0x4e: {  	_ =	shalt  }
0x4f: {  	_ =	shalt  }
0x50: {  	_ =	shalt  }
0x51: {  	_ =	shalt  }
0x52: {  	_ =	shalt  }
0x53: {  	_ =	shalt  }
0x54: {  	_ =	shalt  }
0x55: {  	_ =	shalt  }
0x56: {  	_ =	shalt  }
0x57: {  	_ =	shalt  }
0x58: {  	_ =	shalt  }
0x59: {  	_ =	shalt  }
0x5a: {  	_ =	shalt  }
0x5b: {  	_ =	shalt  }
0x5c: {  	_ =	shalt  }
0x5d: {  	_ =	shalt  }
0x5e: {  	_ =	shalt  }
0x5f: {  	_ =	shalt  }
0x60: {  	_ =	shalt  }
0x61: {  	_ =	shalt  }
0x62: {  	_ =	shalt  }
0x63: {  	_ =	shalt  }
0x64: {  	_ =	shalt  }
0x65: {  	_ =	shalt  }
0x66: {  	_ =	shalt  }
0x67: {  	_ =	shalt  }
0x68: {  	_ =	shalt  }
0x69: {  	_ =	shalt  }
0x6a: {  	_ =	shalt  }
0x6b: {  	_ =	shalt  }
0x6c: {  	_ =	shalt  }
0x6d: {  	_ =	shalt  }
0x6e: {  	_ =	shalt  }
0x6f: {  	_ =	shalt  }
0x70: {  	_ =	shalt  }
0x71: {  	_ =	shalt  }
0x72: {  	_ =	shalt  }
0x73: {  	_ =	shalt  }
0x74: {  	_ =	shalt  }
0x75: {  	_ =	shalt  }
0x76: {  	_ =	shalt  }
0x77: {  	_ =	shalt  }
0x78: {  	_ =	shalt  }
0x79: {  	_ =	shalt  }
0x7a: {  	_ =	shalt  }
0x7b: {  	_ =	shalt  }
0x7c: {  	_ =	shalt  }
0x7d: {  	_ =	shalt  }
0x7e: {  	_ =	shalt  }
0x7f: {  	_ =	shalt  }
0x80: {  	_ =	shalt  }
0x81: {  	_ =	shalt  }
0x82: {  	_ =	shalt  }
0x83: {  	_ =	shalt  }
0x84: {  	_ =	shalt  }
0x85: {  	_ =	shalt  }
0x86: {  	_ =	shalt  }
0x87: {  	_ =	shalt  }
.Lfunc_end0:
.L_simem_size_0:
called_computation.2_lowered:
.L_overlay_start_0:
0x88: {  	s2 =	sld [smem:$0x3FD9]  }
0x89: {  	s3 =	sld [smem:$0x3FFE];
	_ =	sdelay $0x1  }
0x8a: {  	s1 =	srdreg.scid  }
0x8b: {  	s0 =	sand.u32 $0x1, s1  }
0x8c: {  	s17 =	sshll.u32 s0, $0xA;
	s2 =	sadd.s32 s3, s2  }
0x8d: {  	s2 =	sadd.s32 s2, s17  }
0x8e: {  	[smem:$0x3FB5] =	sst s2  }
0x8f: {  	_ = 	snop  }
0x90: {  	s2 =	sld [smem:$0x3FD0];
	(tm) =	ssettm $0x1  }
0x91: {  	s18 =	sld [smem:$0x3FFB];
	_ =	sdelay $0x3  }
0x92: {  	_ =	strace s18  }
0x93: {  	s3 =	sld [smem:$0x3FFC];
	_ =	sdelay $0x3  }
0x94: {  	_ =	strace s3  }
0x95: {  	s3 =	sld [smem:$0x3FFD];
	_ =	sdelay $0x3  }
0x96: {  	_ =	strace s3  }
0x97: {  	_ =	strace $0x8FFFFFFF  }
0x98: {  	s19 =	sld [smem:$0x3FDB];
	_ =	sdelay $0x1  }
0x99: {  	s4 =	simm.s32 $_scs_section_size  }
0x9a: {  	s5 =	simm.s32 $_size__tile_overlayer_lowered;
	s6 =	simm.s32 $_tile_overlayer_lowered  }
0x9b: {  	s22 =	simm.s32 $0x1BFF;
	s21 =	sshll.u32 s6, $0x1;
	s3 =	sadd.s32 s4, s19  }
0x9c: {  	s7 =	simm.s32 $0x0;
	s20 =	sshll.u32 s5, $0x1;
	s5 =	sadd.s32 s21, s3  }
0x9d: {  	[timem:s7], [sflag:s22] =	dma.local [hbm:s5], s20  }
0x9e: {  	_ =	swait.ge [sflag:s22], s20  }
0x9f: {  	s4 =	ssub.s32 $0x0, s20;
	[sflag:s22] =	ssyncset.done $0x0  }
0xa0: {  	[sflag:s22] =	ssyncadd.s32 s4;
	_ =	sdelay $0x1  }
0xa1: {  	s23 =	simm.s32 $0x1B8B  }
0xa2: {  	_ =	swait.ge [sflag:s23], $0x1  }
0xa3: {  	[sflag:s23] =	ssyncset.done $0x0  }
0xa4: {  	s25 =	simm.s32 $0x1B8E;
	s24 =	sld [smem:$0x3FFE];
	[sflag:s23] =	ssyncadd.s32 $0xFFFFFFFF  }
0xa5: {  	s26 =	simm.s32 $execute0_lowered;
	[smem:$0x3FD2] =	sst s25  }
0xa6: {  	s5 =	sshll.u32 s26, $0x1;
	_ =	strace $0x8000004C;
	[dreg:$0x1] =	wrdreg $0xFFFFFFFF  }
0xa7: {  	s28 =	simm.s32 $_size_execute0_lowered;
	s3 =	sadd.s32 s3, s5;
	[dreg:$0x0] =	wrdreg $0x0  }
0xa8: {  	s5 =	sshll.u32 s28, $0x1;
	[dreg:$0x2] =	wrdreg s3  }
0xa9: {  	[dreg:$0x3] =	wrdreg s5  }
0xaa: {  	[dreg:$0x4] =	wrdreg $0xC0  }
0xab: {  	_ =	task [dreg:s7], $0x5FFFF  }
0xac: {  	[dreg:$0x1] =	wrdreg $0xFFFFFFFF  }
0xad: {  	[dreg:$0x0] =	wrdreg $0x60  }
0xae: {  	[dreg:$0x2] =	wrdreg s2  }
0xaf: {  	[dreg:$0x3] =	wrdreg s24  }
0xb0: {  	[dreg:$0x4] =	wrdreg $0x84000  }
0xb1: {  	[dreg:$0x5] =	wrdreg $0x9  }
0xb2: {  	_ =	task.clear_ibuf [dreg:s7], $0x6FFFF;
	_ =	strace $0x9000004C  }
0xb3: {  	s29 =	simm.s32 $0x9;
	_ =	strace $0x8000004E  }
0xb4: {  	_ =	swait.ge [sflag:s29], $0x1  }
0xb5: {  	[sflag:s29] =	ssyncadd.s32 $0xFFFFFFFF  }
0xb6: {  	_ =	strace $0x9000004E  }
0xb7: {  	_ =	sfence  }
0xb8: {  	s30 =	sld [smem:$0x0];
	_ =	sdelay $0x2  }
0xb9: {  	s31 =	sshll.u32 s1, $0xD;
	s1 =	sshrl.u32 s1, $0x2  }
0xba: {  	s3 =	sand.u32 $0x4000, s31;
	s1 =	sadd.s32 s1, s30  }
0xbb: {  	s0 =	sor.u32 s3, s0;
	s1 =	sshll.u32 s1, $0x11  }
0xbc: {  	s0 =	sor.u32 s1, s0  }
0xbd: {  	s0 =	sadd.s32 $0x8F2B, s0  }
0xbe: {  	[sflag:s0] =	ssyncadd.remote.s32 $0x1  }
0xbf: {  	_ =	sfence.sel $0xFFFF  }
0xc0: {  	[dreg:$0x0] =	wrdreg $0xFFFFFFFF;
	(pc) =	sbr.abs _section_cstart, $3  }
0xc1: {  	[dreg:$0x1] =	wrdreg $0xFFFFFFFF  }
0xc2: {  	_ =	task.clear_ibuf [dreg:s7], $0x2FFFF;
	_ =	strace $0x9FFFFFFF  }
0xc3: {  	(tm) =	ssettm $0x7FFFFFFF  }
tec
execute0_lowered:
.L_overlay_start_1:
0x0: {  	(tag) =	ssettag $0x1  }
0x1: {  	s1 =	rddreg [dreg:$0x0]  }
0x2: {  	s0 =	rddreg [dreg:$0x1]  }
0x3: {  	s11 =	stileid.u32;
	s2 =	srdreg.scid  }
0x4: {  	s3 =	rddreg [dreg:$0x2];
	s4 =	simm.s32 $0x0;
	s14 =	simm.s32 $0x9  }
0x5: {  	s15 =	simm.s32 $0x100;
	s16 =	simm.s32 $0x200;
	s17 =	simm.s32 $0x1  }
0x6: {  	s18 =	simm.s32 $0x80;
	s28 =	simm.s32 $0x180;
	s29 =	simm.s32 $0x8  }
0x7: {  	s30 =	simm.s32 $0x4;
	s31 =	simm.s32 $0x280;
	s5 =	smul.u32 $0x13C00, s11  }
0x8: {  	s2 =	sand.u32 $0x1, s2;
	[smem:$0x7FF] =	sst s4;
	s10 =	smul.u32 $0x4F000, s11  }
0x9: {  	s8 =	sadd.s32 $0xB4000, s0;
	s23 =	sshll.u32 s11, $0x6;
	s12 =	smul.u32 $0xA00, s11  }
0xa: {  	s6 =	smul.u32 $0x13C000, s2;
	_ =	strace $0x8000004D;
	s20 =	ssub.s32 $0x2, s2  }
0xb: {  	s9 =	sshll.u32 s2, $0x4;
	s2 =	smul.u32 $0xA000, s2;
	s7 =	sshrl.u32 s5, $0x3  }
0xc: {  	s21 =	sshrl.u32 s20, $0x1;
	s9 =	sor.u32 s11, s9;
	s22 =	sshrl.u32 s10, $0x2  }
0xd: {  	s5 =	sadd.s32 s5, s6;
	s19 =	sadd.s32 s7, s0;
	s9 =	smul.u32 $0xA00, s9  }
0xe: {  	s13 =	sadd.s32 s22, s3;
	s26 =	sadd.s32 s2, s8;
	s22 =	simm.s32 $0x5  }
0xf: {  	s2 =	simm.s32 $0x380;
	s5 =	sshrl.u32 s5, $0x3;
	s6 =	sadd.s32 $0x16600, s19  }
0x10: {  	s12 =	sadd.s32 s12, s26;
	s13 =	sshrl.u32 s13, $0x3;
	s19 =	simm.s32 $0x400  }
0x11: {  	s26 =	simm.s32 $0x6;
	s0 =	sadd.s32 s5, s0;
	s7 =	sadd.s32 s8, s9  }
0x12: {  	s5 =	ssub.s32 s20, s21;
	[dreg:$0x4] =	wrdreg s6;
	s9 =	sadd.s32 $0x20, s7  }
.Ltmp0:
0x13: {  	s24 =	sadd.s32 $0x40, s7;
	[dreg:$0x5] =	wrdreg s9;
	(pc) =	sbr.rel .LBB2_1-.Ltmp0, $4  }
0x14: {  	s6 =	sor.u32 $0x1C09, s23;
	s0 =	sadd.s32 $0x65000, s0;
	[dreg:$0x6] =	wrdreg s24  }
0x15: {  	s20 =	simm.s32 $0x2;
	s25 =	smax.u32 s5, $0x1;
	[dreg:$0x7] =	wrdreg s0  }
0x16: {  	s21 =	simm.s32 $0x4400;
	s23 =	simm.s32 $0x300;
	[dreg:$0x8] =	wrdreg s25  }
0x17: {  	s24 =	simm.s32 $0x7;
	s25 =	simm.s32 $0x3;
	s0 =	simm.s32 $0x0  }
.LBB2_4:
0x18: {  	_ =	swait.ge [sflag:s29], $0x4000  }
0x19: {  	[sflag:s29] =	ssyncset.done $0x0  }
0x1a: {  	[sflag:s29] =	ssyncadd.s32 $0xFFFFC000  }
0x1b: {  	[bflag:$0x0] =	sbarrier.arrive $0xFFFF  }
0x1c: {  	s5 =	rddreg [dreg:$0x7]  }
0x1d: {  	[hbm:s5], [sflag:s6] =	dma.local [spmem:s13], $0x2780  }
0x1e: {  	_ =	swait.ge [sflag:s14], $0x2780  }
0x1f: {  	s0 =	sadd.s32 $0x1, s0;
	s11 =	rddreg [dreg:$0x8]  }
0x20: {  	p0 =	sne.s32 s0, s11  }
.Ltmp1:
0x21: {  	_ = 	snop;
	(pc) =	sbr.rel @!p0 .LBB2_5-.Ltmp1, $3  }
0x22: {  	_ =	sdelay $0x1  }
0x23: {  	[sflag:s14] =	ssyncset.done $0x0  }
0x24: {  	[sflag:s14] =	ssyncadd.s32 $0xFFFFD880  }
.LBB2_1:
0x25: {  	s5 =	rddreg [dreg:$0x4]  }
0x26: {  	[spmem:s13], [sflag:s6] =	dma.local [hbm:s5], $0x2780  }
0x27: {  	_ =	swait.ge [sflag:s14], $0x2780  }
0x28: {  	[sflag:s14] =	ssyncset.done $0x0  }
0x29: {  	[sflag:s14] =	ssyncadd.s32 $0xFFFFD880  }
0x2a: {  	[tilespmem:s4], [sflag:$0x1] =	stream.linear.gather [hbm4b:s7+s4], $0x100, $0x38;
	[tilespmem:$0x1C000] =	vst v63  }
0x2b: {  	s10 =	rddreg [dreg:$0x5]  }
0x2c: {  	[tilespmem:s15], [sflag:$0x2] =	stream.linear.gather [hbm4b:s10+s4], $0x100, $0x38;
	[tilespmem:$0x1C000] =	vst v63  }
0x2d: {  	s11 =	rddreg [dreg:$0x6]  }
0x2e: {  	[tilespmem:s16], [sflag:$0x3] =	stream.linear.gather [hbm4b:s11+s4], $0x100, $0x38;
	[tilespmem:$0x1C000] =	vst v63  }
0x2f: {  	[bflag:$0x0] =	sbarrier.arrive $0xFFFF  }
0x30: {  	_ =	swait.ge [sflag:s17], $0x100  }
0x31: {  	[sflag:s17] =	ssyncset.done $0x0  }
0x32: {  	s5 =	simm.s32 $0x0;
	[sflag:s17] =	ssyncadd.s32 $0xFFFFFF00  }
0x33: {  	[tilespmem:s19], [sflag:$0x5] =	stream.indirect.gather [hbm4b:s1+s18], $0x80, s4, s18, $0xb8;
	[tilespmem:$0x1C000] =	vst v63  }
.LBB2_2:
0x34: {  	p0 =	seq.s32 s5, $0x0  }
0x35: {  	s8 =	simm.s32 @!p0 $0x8  }
0x36: {  	_ =	swait.ge @!p0 [sflag:s8], $0x4000  }
0x37: {  	[sflag:s8] =	ssyncset.done @!p0 $0x0  }
0x38: {  	[sflag:s8] =	ssyncadd.s32 @!p0 $0xFFFFC000  }
0x39: {  	_ =	swait.ge [sflag:s20], $0x100  }
0x3a: {  	[sflag:s20] =	ssyncset.done $0x0  }
0x3b: {  	[sflag:s20] =	ssyncadd.s32 $0xFFFFFF00  }
0x3c: {  	[tilespmem:s21], [sflag:$0x6] =	stream.indirect.gather [hbm4b:s1+s18], $0x80, s15, s18, $0xb8;
	[tilespmem:$0x1C000] =	vst v63  }
0x3d: {  	_ =	swait.ge [sflag:s22], $0x4000  }
0x3e: {  	[sflag:s22] =	ssyncset.done $0x0  }
0x3f: {  	s8 =	sadd.s32 s5, s12;
	[sflag:s22] =	ssyncadd.s32 $0xFFFFC000  }
0x40: {  	[spmem:s3] =	stream.indirect.scatter.add.f32 [tilespmem:s19], [sflag:$0x7], $0x80, s18, s18, $0xb8;
	[tilespmem:$0x1C000] =	vst v63  }
0x41: {  	s9 =	sadd.s32 $0x60, s8  }
0x42: {  	[tilespmem:s23], [sflag:$0x4] =	stream.linear.gather [hbm4b:s9+s4], $0x100, $0x38;
	[tilespmem:$0x1C000] =	vst v63  }
0x43: {  	_ =	swait.ge [sflag:s24], $0x4000  }
0x44: {  	[sflag:s24] =	ssyncset.done $0x0  }
0x45: {  	[sflag:s24] =	ssyncadd.s32 $0xFFFFC000  }
0x46: {  	_ =	swait.ge [sflag:s25], $0x100  }
0x47: {  	[sflag:s25] =	ssyncset.done $0x0  }
0x48: {  	[sflag:s25] =	ssyncadd.s32 $0xFFFFFF00  }
0x49: {  	[tilespmem:s19], [sflag:$0x5] =	stream.indirect.gather [hbm4b:s1+s18], $0x80, s16, s18, $0xb8;
	[tilespmem:$0x1C000] =	vst v63  }
0x4a: {  	_ =	swait.ge [sflag:s26], $0x4000  }
0x4b: {  	p0 =	seq.s32 s5, $0x980;
	[sflag:s26] =	ssyncset.done $0x0  }
0x4c: {  	s9 =	sadd.s32 @!p0 s5, s12;
	[sflag:s26] =	ssyncadd.s32 $0xFFFFC000  }
0x4d: {  	[spmem:s3] =	stream.indirect.scatter.add.f32 [tilespmem:s21], [sflag:$0x8], $0x80, s28, s18, $0xb8;
	[tilespmem:$0x1C000] =	vst v63  }
0x4e: {  	s10 =	simm.s32 @!p0 $0x0;
	s9 =	sadd.s32 @!p0 $0x80, s9  }
0x4f: {  	[tilespmem:s10], [sflag:$0x1] =	stream.linear.gather @!p0 [hbm4b:s9+s10], $0x100, $0x38;
	[tilespmem:$0x1C000] =	vst v63  }
0x50: {  	_ =	swait.ge [sflag:s29], $0x4000  }
0x51: {  	[sflag:s29] =	ssyncset.done $0x0  }
0x52: {  	[sflag:s29] =	ssyncadd.s32 $0xFFFFC000  }
0x53: {  	_ =	swait.ge [sflag:s30], $0x100  }
0x54: {  	[sflag:s30] =	ssyncset.done $0x0  }
0x55: {  	[sflag:s30] =	ssyncadd.s32 $0xFFFFFF00  }
0x56: {  	[tilespmem:s21], [sflag:$0x6] =	stream.indirect.gather [hbm4b:s1+s18], $0x80, s23, s18, $0xb8;
	[tilespmem:$0x1C000] =	vst v63  }
0x57: {  	_ =	swait.ge [sflag:s22], $0x4000  }
0x58: {  	p1 =	sne.s32 s5, $0x980;
	[sflag:s22] =	ssyncset.done $0x0  }
0x59: {  	s9 =	sadd.s32 @p1 s5, s12;
	[sflag:s22] =	ssyncadd.s32 $0xFFFFC000  }
0x5a: {  	[spmem:s3] =	stream.indirect.scatter.add.f32 [tilespmem:s19], [sflag:$0x7], $0x80, s31, s18, $0xb8;
	[tilespmem:$0x1C000] =	vst v63  }
0x5b: {  	s11 =	simm.s32 @p1 $0x100;
	s10 =	simm.s32 @p1 $0x0;
	s9 =	sadd.s32 @p1 $0xA0, s9  }
0x5c: {  	[tilespmem:s11], [sflag:$0x2] =	stream.linear.gather @p1 [hbm4b:s9+s10], $0x100, $0x38;
	[tilespmem:$0x1C000] =	vst v63  }
0x5d: {  	s9 =	simm.s32 @p1 $0x7  }
0x5e: {  	_ =	swait.ge @p1 [sflag:s9], $0x4000  }
0x5f: {  	[sflag:s9] =	ssyncset.done @p1 $0x0  }
0x60: {  	[sflag:s9] =	ssyncadd.s32 @p1 $0xFFFFC000;
	s9 =	simm.s32 @p1 $0x1  }
0x61: {  	_ =	swait.ge @p1 [sflag:s9], $0x100  }
0x62: {  	[sflag:s9] =	ssyncset.done @p1 $0x0  }
0x63: {  	s11 =	simm.s32 @p1 $0x400;
	[sflag:s9] =	ssyncadd.s32 @p1 $0xFFFFFF00;
	s9 =	simm.s32 @p1 $0x80  }
0x64: {  	[tilespmem:s11], [sflag:$0x5] =	stream.indirect.gather @p1 [hbm4b:s1+s9], $0x80, s10, s9, $0xb8;
	[tilespmem:$0x1C000] =	vst v63  }
0x65: {  	s9 =	simm.s32 @!p1 $0x7  }
0x66: {  	_ =	swait.ge @!p1 [sflag:s9], $0x4000  }
0x67: {  	[sflag:s9] =	ssyncset.done @!p1 $0x0  }
.Ltmp2:
0x68: {  	[sflag:s9] =	ssyncadd.s32 @!p1 $0xFFFFC000;
	(pc) =	sbr.rel @p0 .LBB2_4-.Ltmp2, $4  }
0x69: {  	_ =	swait.ge [sflag:s26], $0x4000  }
0x6a: {  	[sflag:s26] =	ssyncset.done $0x0  }
0x6b: {  	[sflag:s26] =	ssyncadd.s32 $0xFFFFC000  }
0x6c: {  	[spmem:s3] =	stream.indirect.scatter.add.f32 [tilespmem:s21], [sflag:$0x8], $0x80, s2, s18, $0xb8;
	[tilespmem:$0x1C000] =	vst v63  }
.Ltmp3:
0x6d: {  	(pc) =	sbr.rel .LBB2_2-.Ltmp3, $3  }
0x6e: {  	_ =	sdelay $0x1  }
0x6f: {  	s8 =	sadd.s32 $0xC0, s8;
	s5 =	sadd.s32 $0x80, s5  }
0x70: {  	[tilespmem:s16], [sflag:$0x3] =	stream.linear.gather [hbm4b:s8+s4], $0x100, $0x38;
	[tilespmem:$0x1C000] =	vst v63  }
.LBB2_5:
0x71: {  	_ =	sfence.sel $0x180000  }
0x72: {  	[bflag:$0x0] =	sbarrier.arrive $0xFFFF  }
0x73: {  	_ =	strace $0x9000004D  }
0x74: {  	s0 =	stileid.u32;
	[bflag:$0x2] =	sbarrier.arrive $0xFFFF  }
0x75: {  	p0 =	sne.s32 s0, $0x0;
	s0 =	rddreg [dreg:$0x3]  }
0x76: {  	s0 =	sadd.s32 @!p0 $0x100000, s0  }
0x77: {  	[sflag:s0] =	ssyncadd.tile.s32 @!p0 $0x1;
	_ =	shalt  }
.Lfunc_end2:
_tile_overlayer_lowered:
.L_overlay_start_2:
0x78: {  	(tag) =	ssettag $0x2  }
0x79: {  	s0 =	rddreg [dreg:$0x0];
	s2 =	stileid.u32  }
0x7a: {  	s1 =	rddreg [dreg:$0x1];
	p0 =	sne.s32 s2, $0x0  }
0x7b: {  	s3 =	rddreg [dreg:$0x2];
	[bflag:$0x3] =	sbarrier.arrive $0xFFFF;
	s2 =	simm.s32 @!p0 $0x1C09  }
0x7c: {  	[timem:s3], [sflag:s2] =	dma.local @!p0 [hbm:s0], s1  }
0x7d: {  	s0 =	simm.s32 @!p0 $0x9  }
0x7e: {  	_ =	swait.ge @!p0 [sflag:s0], s1  }
0x7f: {  	s1 =	ssub.s32 @!p0 $0x0, s1;
	[sflag:s0] =	ssyncset.done @!p0 $0x0  }
0x80: {  	[sflag:s0] =	ssyncadd.s32 @!p0 s1  }
0x81: {  	[bflag:$0x3] =	sbarrier.arrive $0xFFFF  }
0x82: {  	_ =	shalt  }

// kernel: kernel.20.cloned.1.call-start
scs
__scs_entry_jumppad:
0x0: {  	(pc) =	sbr.rel $0x88, $3  }
0x1: {  	(tag) =	ssettag $0x0;
	lr =	simm.s32 $0x1  }
0x2: {  	[smem:$0x3F8E] =	sst lr;
	_ =	strace $0xD0000000  }
0x3: {  	_ = 	snop  }
0x4: {  	_ = 	snop  }
0x5: {  	_ = 	snop  }
0x6: {  	_ = 	snop  }
0x7: {  	_ = 	snop  }
__scs_overlays_trampoline_lowered:
0x8: {  	[smem:$0x3F9D] =	sst s0  }
0x9: {  	[smem:$0x3F9E] =	sst s1  }
0xa: {  	[smem:$0x3F9F] =	sst s2  }
0xb: {  	[smem:$0x3FA0] =	sst s3  }
0xc: {  	[smem:$0x3FA1] =	sst s4  }
0xd: {  	[smem:$0x3FA2] =	sst s5  }
0xe: {  	[smem:$0x3FA3] =	sst s6  }
0xf: {  	[smem:$0x3FA4] =	sst s7  }
0x10: {  	[smem:$0x3FA5] =	sst s8  }
0x11: {  	[smem:$0x3FA6] =	sst s9;
	s0 =	simm.s32 @!p0 $0x0  }
0x12: {  	s1 =	sld [smem:$0x3F8C];
	s0 =	simm.s32 @p0 $0x1  }
0x13: {  	[smem:$0x3FA7] =	sst s0;
	s0 =	simm.s32 @!p1 $0x0  }
0x14: {  	s2 =	sld [smem:$0x3F8B];
	s0 =	simm.s32 @p1 $0x1  }
0x15: {  	[smem:$0x3FA8] =	sst s0;
	s0 =	simm.s32 @!p2 $0x0  }
0x16: {  	s3 =	sld [smem:$0x3FDB];
	s0 =	simm.s32 @p2 $0x1  }
0x17: {  	s4 =	simm.s32 $0x1BF5;
	[smem:$0x3FAA] =	sst s0  }
0x18: {  	s0 =	sld [smem:$0x3F8D];
	_ =	swait.ge [sflag:s4], $0x0  }
0x19: {  	s7 =	sld [smem:$0x3F8E]  }
0x1a: {  	s8 =	sadd.s32 $0xFFFFE003, lr  }
0x1b: {  	s9 =	sadd.s32 $0xFFFFFEF7, lr;
	s5 =	simm.s32 $0xFFFFFFFF;
	p2 =	slt.u32 s8, $0xFFFFF086  }
0x1c: {  	p1 =	slt.u32 s9, $0xF7A;
	s5 =	simm.s32 @!p2 $0x0  }
0x1d: {  	s5 =	simm.s32 @p1 $0x1;
	p0 =	seq.s32 s7, s2  }
0x1e: {  	s7 =	smul.u32 @!p0 $0xF7A, s2;
	p2 =	seq.s32 @!p0 s5, $0x0  }
0x1f: {  	s9 =	smul.u32 $0xF7A, s1;
	s8 =	simm.s32 @!p0 $0x1BF5;
	p2 =	por !p2, p0  }
0x20: {  	[sflag:s8] =	ssyncset.s32 @!p0 $0xFFFFF086;
	s6 =	sadd.s32 @!p0 s3, s7;
	s7 =	simm.s32 @!p0 $0x108  }
0x21: {  	s3 =	sadd.s32 s3, s9;
	s6 =	sadd.s32 @!p0 $0x88, s6;
	s7 =	simm.s32 @p2 $0x1082  }
0x22: {  	[simem:s7], [sflag:s8] =	dma.local @!p0 [hbm:s6], $0xF7A  }
0x23: {  	s9 =	sor.u32 $0xD0000000, s2;
	s6 =	simm.s32 $0x108;
	_ =	swait.ge @!p0 [sflag:s8], $0x0  }
0x24: {  	s3 =	sadd.s32 $0x88, s3;
	s6 =	simm.s32 @!p1 $0x1082;
	[sflag:s4] =	ssyncset.s32 $0xFFFFF086  }
0x25: {  	[simem:s6], [sflag:s4] =	dma.local [hbm:s3], $0xF7A  }
0x26: {  	[smem:$0x3F8E] =	sst s1;
	(tag) =	ssettag s2;
	_ =	strace s9  }
0x27: {  	s1 =	sld [smem:$0x3F9E]  }
0x28: {  	s2 =	sld [smem:$0x3F9F]  }
0x29: {  	s4 =	sld [smem:$0x3FA1]  }
0x2a: {  	p0 =	seq.s32 s5, $0x0;
	s5 =	sld [smem:$0x3FA2]  }
0x2b: {  	s6 =	sld [smem:$0x3FA3]  }
0x2c: {  	s7 =	sld [smem:$0x3FA4]  }
0x2d: {  	s3 =	simm.s32 $0x108;
	s8 =	sld [smem:$0x3FA5]  }
0x2e: {  	s3 =	simm.s32 @!p0 $0x1082;
	s9 =	sld [smem:$0x3FA6]  }
0x2f: {  	lr =	sadd.s32 s0, s3;
	s0 =	sld [smem:$0x3F9D]  }
0x30: {  	s3 =	sld [smem:$0x3FA0]  }
0x31: {  	[smem:$0x3FA9] =	sst s10  }
0x32: {  	s10 =	sld [smem:$0x3FA7];
	_ =	sdelay $0x3  }
0x33: {  	p0 =	seq.s32 s10, $0x1;
	s10 =	sld [smem:$0x3FA9];
	_ =	sdelay $0x3  }
0x34: {  	[smem:$0x3FA9] =	sst s10  }
0x35: {  	s10 =	sld [smem:$0x3FA8];
	_ =	sdelay $0x3  }
0x36: {  	p1 =	seq.s32 s10, $0x1;
	s10 =	sld [smem:$0x3FA9];
	_ =	sdelay $0x3  }
0x37: {  	[smem:$0x3FA9] =	sst s10  }
0x38: {  	s10 =	sld [smem:$0x3FAA]  }
0x39: {  	_ = 	snop;
	(pc) =	sbr.ind lr, $3  }
0x3a: {  	_ = 	snop  }
0x3b: {  	_ = 	snop  }
0x3c: {  	p2 =	seq.s32 s10, $0x1;
	s10 =	sld [smem:$0x3FA9]  }
0x3d: {  	_ =	shalt  }
0x3e: {  	_ =	shalt  }
0x3f: {  	_ =	shalt  }
0x40: {  	_ =	shalt  }
0x41: {  	_ =	shalt  }
0x42: {  	_ =	shalt  }
0x43: {  	_ =	shalt  }
0x44: {  	_ =	shalt  }
0x45: {  	_ =	shalt  }
0x46: {  	_ =	shalt  }
0x47: {  	_ =	shalt  }
0x48: {  	_ =	shalt  }
0x49: {  	_ =	shalt  }
0x4a: {  	_ =	shalt  }
0x4b: {  	_ =	shalt  }
0x4c: {  	_ =	shalt  }
0x4d: {  	_ =	shalt  }
0x4e: {  	_ =	shalt  }
0x4f: {  	_ =	shalt  }
0x50: {  	_ =	shalt  }
0x51: {  	_ =	shalt  }
0x52: {  	_ =	shalt  }
0x53: {  	_ =	shalt  }
0x54: {  	_ =	shalt  }
0x55: {  	_ =	shalt  }
0x56: {  	_ =	shalt  }
0x57: {  	_ =	shalt  }
0x58: {  	_ =	shalt  }
0x59: {  	_ =	shalt  }
0x5a: {  	_ =	shalt  }
0x5b: {  	_ =	shalt  }
0x5c: {  	_ =	shalt  }
0x5d: {  	_ =	shalt  }
0x5e: {  	_ =	shalt  }
0x5f: {  	_ =	shalt  }
0x60: {  	_ =	shalt  }
0x61: {  	_ =	shalt  }
0x62: {  	_ =	shalt  }
0x63: {  	_ =	shalt  }
0x64: {  	_ =	shalt  }
0x65: {  	_ =	shalt  }
0x66: {  	_ =	shalt  }
0x67: {  	_ =	shalt  }
0x68: {  	_ =	shalt  }
0x69: {  	_ =	shalt  }
0x6a: {  	_ =	shalt  }
0x6b: {  	_ =	shalt  }
0x6c: {  	_ =	shalt  }
0x6d: {  	_ =	shalt  }
0x6e: {  	_ =	shalt  }
0x6f: {  	_ =	shalt  }
0x70: {  	_ =	shalt  }
0x71: {  	_ =	shalt  }
0x72: {  	_ =	shalt  }
0x73: {  	_ =	shalt  }
0x74: {  	_ =	shalt  }
0x75: {  	_ =	shalt  }
0x76: {  	_ =	shalt  }
0x77: {  	_ =	shalt  }
0x78: {  	_ =	shalt  }
0x79: {  	_ =	shalt  }
0x7a: {  	_ =	shalt  }
0x7b: {  	_ =	shalt  }
0x7c: {  	_ =	shalt  }
0x7d: {  	_ =	shalt  }
0x7e: {  	_ =	shalt  }
0x7f: {  	_ =	shalt  }
0x80: {  	_ =	shalt  }
0x81: {  	_ =	shalt  }
0x82: {  	_ =	shalt  }
0x83: {  	_ =	shalt  }
0x84: {  	_ =	shalt  }
0x85: {  	_ =	shalt  }
0x86: {  	_ =	shalt  }
0x87: {  	_ =	shalt  }
.Lfunc_end0:
.L_simem_size_0:
called_computation.3_lowered:
.L_overlay_start_0:
0x88: {  	s2 =	sld [smem:$0x3FD9]  }
0x89: {  	s3 =	sld [smem:$0x3FFE];
	_ =	sdelay $0x1  }
0x8a: {  	s1 =	srdreg.scid  }
0x8b: {  	s0 =	sand.u32 $0x1, s1  }
0x8c: {  	s17 =	sshll.u32 s0, $0xA;
	s2 =	sadd.s32 s3, s2  }
0x8d: {  	s2 =	sadd.s32 s2, s17  }
0x8e: {  	[smem:$0x3FB5] =	sst s2  }
0x8f: {  	_ = 	snop  }
0x90: {  	s2 =	sld [smem:$0x3FD0];
	(tm) =	ssettm $0x1  }
0x91: {  	s18 =	sld [smem:$0x3FFB];
	_ =	sdelay $0x3  }
0x92: {  	_ =	strace s18  }
0x93: {  	s3 =	sld [smem:$0x3FFC];
	_ =	sdelay $0x3  }
0x94: {  	_ =	strace s3  }
0x95: {  	s3 =	sld [smem:$0x3FFD];
	_ =	sdelay $0x3  }
0x96: {  	_ =	strace s3  }
0x97: {  	_ =	strace $0x8FFFFFFF  }
0x98: {  	s19 =	sld [smem:$0x3FDB];
	_ =	sdelay $0x1  }
0x99: {  	s4 =	simm.s32 $_scs_section_size  }
0x9a: {  	s5 =	simm.s32 $_size__tile_overlayer_lowered;
	s6 =	simm.s32 $_tile_overlayer_lowered  }
0x9b: {  	s22 =	simm.s32 $0x1BFF;
	s21 =	sshll.u32 s6, $0x1;
	s3 =	sadd.s32 s4, s19  }
0x9c: {  	s7 =	simm.s32 $0x0;
	s20 =	sshll.u32 s5, $0x1;
	s5 =	sadd.s32 s21, s3  }
0x9d: {  	[timem:s7], [sflag:s22] =	dma.local [hbm:s5], s20  }
0x9e: {  	_ =	swait.ge [sflag:s22], s20  }
0x9f: {  	s4 =	ssub.s32 $0x0, s20;
	[sflag:s22] =	ssyncset.done $0x0  }
0xa0: {  	[sflag:s22] =	ssyncadd.s32 s4;
	_ =	sdelay $0x1  }
0xa1: {  	s23 =	simm.s32 $0x1B8B  }
0xa2: {  	_ =	swait.ge [sflag:s23], $0x1  }
0xa3: {  	[sflag:s23] =	ssyncset.done $0x0  }
0xa4: {  	s25 =	simm.s32 $0x1B8E;
	s24 =	sld [smem:$0x3FFE];
	[sflag:s23] =	ssyncadd.s32 $0xFFFFFFFF  }
0xa5: {  	s26 =	simm.s32 $execute0_lowered;
	[smem:$0x3FD2] =	sst s25  }
0xa6: {  	s5 =	sshll.u32 s26, $0x1;
	_ =	strace $0x8000004F;
	[dreg:$0x1] =	wrdreg $0xFFFFFFFF  }
0xa7: {  	s28 =	simm.s32 $_size_execute0_lowered;
	s3 =	sadd.s32 s3, s5;
	[dreg:$0x0] =	wrdreg $0x0  }
0xa8: {  	s5 =	sshll.u32 s28, $0x1;
	[dreg:$0x2] =	wrdreg s3  }
0xa9: {  	[dreg:$0x3] =	wrdreg s5  }
0xaa: {  	[dreg:$0x4] =	wrdreg $0xC0  }
0xab: {  	_ =	task [dreg:s7], $0x5FFFF  }
0xac: {  	[dreg:$0x1] =	wrdreg $0xFFFFFFFF  }
0xad: {  	[dreg:$0x0] =	wrdreg $0x60  }
0xae: {  	[dreg:$0x2] =	wrdreg s2  }
0xaf: {  	[dreg:$0x3] =	wrdreg s24  }
0xb0: {  	[dreg:$0x4] =	wrdreg $0x84000  }
0xb1: {  	[dreg:$0x5] =	wrdreg $0x9  }
0xb2: {  	_ =	task.clear_ibuf [dreg:s7], $0x6FFFF;
	_ =	strace $0x9000004F  }
0xb3: {  	s29 =	simm.s32 $0x9;
	_ =	strace $0x80000051  }
0xb4: {  	_ =	swait.ge [sflag:s29], $0x1  }
0xb5: {  	[sflag:s29] =	ssyncadd.s32 $0xFFFFFFFF  }
0xb6: {  	_ =	strace $0x90000051  }
0xb7: {  	_ =	sfence  }
0xb8: {  	s30 =	sld [smem:$0x0];
	_ =	sdelay $0x2  }
0xb9: {  	s31 =	sshll.u32 s1, $0xD;
	s1 =	sshrl.u32 s1, $0x2  }
0xba: {  	s3 =	sand.u32 $0x4000, s31;
	s1 =	sadd.s32 s1, s30  }
0xbb: {  	s0 =	sor.u32 s3, s0;
	s1 =	sshll.u32 s1, $0x11  }
0xbc: {  	s0 =	sor.u32 s1, s0  }
0xbd: {  	s0 =	sadd.s32 $0x8F2B, s0  }
0xbe: {  	[sflag:s0] =	ssyncadd.remote.s32 $0x1  }
0xbf: {  	_ =	sfence.sel $0xFFFF  }
0xc0: {  	[dreg:$0x0] =	wrdreg $0xFFFFFFFF;
	(pc) =	sbr.abs _section_cstart, $3  }
0xc1: {  	[dreg:$0x1] =	wrdreg $0xFFFFFFFF  }
0xc2: {  	_ =	task.clear_ibuf [dreg:s7], $0x2FFFF;
	_ =	strace $0x9FFFFFFF  }
0xc3: {  	(tm) =	ssettm $0x7FFFFFFF  }
tec
execute0_lowered:
.L_overlay_start_1:
0x0: {  	(tag) =	ssettag $0x1  }
0x1: {  	s1 =	rddreg [dreg:$0x0]  }
0x2: {  	s0 =	rddreg [dreg:$0x1]  }
0x3: {  	s11 =	stileid.u32;
	s2 =	srdreg.scid  }
0x4: {  	s3 =	rddreg [dreg:$0x2];
	s4 =	simm.s32 $0x0;
	s14 =	simm.s32 $0x9  }
0x5: {  	s15 =	simm.s32 $0x100;
	s16 =	simm.s32 $0x200;
	s17 =	simm.s32 $0x1  }
0x6: {  	s18 =	simm.s32 $0x80;
	s28 =	simm.s32 $0x180;
	s29 =	simm.s32 $0x8  }
0x7: {  	s30 =	simm.s32 $0x4;
	s31 =	simm.s32 $0x280;
	s5 =	smul.u32 $0x13C00, s11  }
0x8: {  	s2 =	sand.u32 $0x1, s2;
	[smem:$0x7FF] =	sst s4;
	s10 =	smul.u32 $0x4F000, s11  }
0x9: {  	s8 =	sadd.s32 $0xB4000, s0;
	s23 =	sshll.u32 s11, $0x6;
	s12 =	smul.u32 $0xA00, s11  }
0xa: {  	s6 =	smul.u32 $0x13C000, s2;
	_ =	strace $0x80000050;
	s20 =	ssub.s32 $0x2, s2  }
0xb: {  	s9 =	sshll.u32 s2, $0x4;
	s2 =	smul.u32 $0xA000, s2;
	s7 =	sshrl.u32 s5, $0x3  }
0xc: {  	s21 =	sshrl.u32 s20, $0x1;
	s9 =	sor.u32 s11, s9;
	s22 =	sshrl.u32 s10, $0x2  }
0xd: {  	s5 =	sadd.s32 s5, s6;
	s19 =	sadd.s32 s7, s0;
	s9 =	smul.u32 $0xA00, s9  }
0xe: {  	s13 =	sadd.s32 s22, s3;
	s26 =	sadd.s32 s2, s8;
	s22 =	simm.s32 $0x5  }
0xf: {  	s2 =	simm.s32 $0x380;
	s5 =	sshrl.u32 s5, $0x3;
	s6 =	sadd.s32 $0x16600, s19  }
0x10: {  	s12 =	sadd.s32 s12, s26;
	s13 =	sshrl.u32 s13, $0x3;
	s19 =	simm.s32 $0x400  }
0x11: {  	s26 =	simm.s32 $0x6;
	s0 =	sadd.s32 s5, s0;
	s7 =	sadd.s32 s8, s9  }
0x12: {  	s5 =	ssub.s32 s20, s21;
	[dreg:$0x4] =	wrdreg s6;
	s9 =	sadd.s32 $0x20, s7  }
.Ltmp0:
0x13: {  	s24 =	sadd.s32 $0x40, s7;
	[dreg:$0x5] =	wrdreg s9;
	(pc) =	sbr.rel .LBB2_1-.Ltmp0, $4  }
0x14: {  	s6 =	sor.u32 $0x1C09, s23;
	s0 =	sadd.s32 $0x65000, s0;
	[dreg:$0x6] =	wrdreg s24  }
0x15: {  	s20 =	simm.s32 $0x2;
	s25 =	smax.u32 s5, $0x1;
	[dreg:$0x7] =	wrdreg s0  }
0x16: {  	s21 =	simm.s32 $0x4400;
	s23 =	simm.s32 $0x300;
	[dreg:$0x8] =	wrdreg s25  }
0x17: {  	s24 =	simm.s32 $0x7;
	s25 =	simm.s32 $0x3;
	s0 =	simm.s32 $0x0  }
.LBB2_4:
0x18: {  	_ =	swait.ge [sflag:s29], $0x4000  }
0x19: {  	[sflag:s29] =	ssyncset.done $0x0  }
0x1a: {  	[sflag:s29] =	ssyncadd.s32 $0xFFFFC000  }
0x1b: {  	[bflag:$0x0] =	sbarrier.arrive $0xFFFF  }
0x1c: {  	s5 =	rddreg [dreg:$0x7]  }
0x1d: {  	[hbm:s5], [sflag:s6] =	dma.local [spmem:s13], $0x2780  }
0x1e: {  	_ =	swait.ge [sflag:s14], $0x2780  }
0x1f: {  	s0 =	sadd.s32 $0x1, s0;
	s11 =	rddreg [dreg:$0x8]  }
0x20: {  	p0 =	sne.s32 s0, s11  }
.Ltmp1:
0x21: {  	_ = 	snop;
	(pc) =	sbr.rel @!p0 .LBB2_5-.Ltmp1, $3  }
0x22: {  	_ =	sdelay $0x1  }
0x23: {  	[sflag:s14] =	ssyncset.done $0x0  }
0x24: {  	[sflag:s14] =	ssyncadd.s32 $0xFFFFD880  }
.LBB2_1:
0x25: {  	s5 =	rddreg [dreg:$0x4]  }
0x26: {  	[spmem:s13], [sflag:s6] =	dma.local [hbm:s5], $0x2780  }
0x27: {  	_ =	swait.ge [sflag:s14], $0x2780  }
0x28: {  	[sflag:s14] =	ssyncset.done $0x0  }
0x29: {  	[sflag:s14] =	ssyncadd.s32 $0xFFFFD880  }
0x2a: {  	[tilespmem:s4], [sflag:$0x1] =	stream.linear.gather [hbm4b:s7+s4], $0x100, $0x38;
	[tilespmem:$0x1C000] =	vst v63  }
0x2b: {  	s10 =	rddreg [dreg:$0x5]  }
0x2c: {  	[tilespmem:s15], [sflag:$0x2] =	stream.linear.gather [hbm4b:s10+s4], $0x100, $0x38;
	[tilespmem:$0x1C000] =	vst v63  }
0x2d: {  	s11 =	rddreg [dreg:$0x6]  }
0x2e: {  	[tilespmem:s16], [sflag:$0x3] =	stream.linear.gather [hbm4b:s11+s4], $0x100, $0x38;
	[tilespmem:$0x1C000] =	vst v63  }
0x2f: {  	[bflag:$0x0] =	sbarrier.arrive $0xFFFF  }
0x30: {  	_ =	swait.ge [sflag:s17], $0x100  }
0x31: {  	[sflag:s17] =	ssyncset.done $0x0  }
0x32: {  	s5 =	simm.s32 $0x0;
	[sflag:s17] =	ssyncadd.s32 $0xFFFFFF00  }
0x33: {  	[tilespmem:s19], [sflag:$0x5] =	stream.indirect.gather [hbm4b:s1+s18], $0x80, s4, s18, $0xb8;
	[tilespmem:$0x1C000] =	vst v63  }
.LBB2_2:
0x34: {  	p0 =	seq.s32 s5, $0x0  }
0x35: {  	s8 =	simm.s32 @!p0 $0x8  }
0x36: {  	_ =	swait.ge @!p0 [sflag:s8], $0x4000  }
0x37: {  	[sflag:s8] =	ssyncset.done @!p0 $0x0  }
0x38: {  	[sflag:s8] =	ssyncadd.s32 @!p0 $0xFFFFC000  }
0x39: {  	_ =	swait.ge [sflag:s20], $0x100  }
0x3a: {  	[sflag:s20] =	ssyncset.done $0x0  }
0x3b: {  	[sflag:s20] =	ssyncadd.s32 $0xFFFFFF00  }
0x3c: {  	[tilespmem:s21], [sflag:$0x6] =	stream.indirect.gather [hbm4b:s1+s18], $0x80, s15, s18, $0xb8;
	[tilespmem:$0x1C000] =	vst v63  }
0x3d: {  	_ =	swait.ge [sflag:s22], $0x4000  }
0x3e: {  	[sflag:s22] =	ssyncset.done $0x0  }
0x3f: {  	s8 =	sadd.s32 s5, s12;
	[sflag:s22] =	ssyncadd.s32 $0xFFFFC000  }
0x40: {  	[spmem:s3] =	stream.indirect.scatter.add.f32 [tilespmem:s19], [sflag:$0x7], $0x80, s18, s18, $0xb8;
	[tilespmem:$0x1C000] =	vst v63  }
0x41: {  	s9 =	sadd.s32 $0x60, s8  }
0x42: {  	[tilespmem:s23], [sflag:$0x4] =	stream.linear.gather [hbm4b:s9+s4], $0x100, $0x38;
	[tilespmem:$0x1C000] =	vst v63  }
0x43: {  	_ =	swait.ge [sflag:s24], $0x4000  }
0x44: {  	[sflag:s24] =	ssyncset.done $0x0  }
0x45: {  	[sflag:s24] =	ssyncadd.s32 $0xFFFFC000  }
0x46: {  	_ =	swait.ge [sflag:s25], $0x100  }
0x47: {  	[sflag:s25] =	ssyncset.done $0x0  }
0x48: {  	[sflag:s25] =	ssyncadd.s32 $0xFFFFFF00  }
0x49: {  	[tilespmem:s19], [sflag:$0x5] =	stream.indirect.gather [hbm4b:s1+s18], $0x80, s16, s18, $0xb8;
	[tilespmem:$0x1C000] =	vst v63  }
0x4a: {  	_ =	swait.ge [sflag:s26], $0x4000  }
0x4b: {  	p0 =	seq.s32 s5, $0x980;
	[sflag:s26] =	ssyncset.done $0x0  }
0x4c: {  	s9 =	sadd.s32 @!p0 s5, s12;
	[sflag:s26] =	ssyncadd.s32 $0xFFFFC000  }
0x4d: {  	[spmem:s3] =	stream.indirect.scatter.add.f32 [tilespmem:s21], [sflag:$0x8], $0x80, s28, s18, $0xb8;
	[tilespmem:$0x1C000] =	vst v63  }
0x4e: {  	s10 =	simm.s32 @!p0 $0x0;
	s9 =	sadd.s32 @!p0 $0x80, s9  }
0x4f: {  	[tilespmem:s10], [sflag:$0x1] =	stream.linear.gather @!p0 [hbm4b:s9+s10], $0x100, $0x38;
	[tilespmem:$0x1C000] =	vst v63  }
0x50: {  	_ =	swait.ge [sflag:s29], $0x4000  }
0x51: {  	[sflag:s29] =	ssyncset.done $0x0  }
0x52: {  	[sflag:s29] =	ssyncadd.s32 $0xFFFFC000  }
0x53: {  	_ =	swait.ge [sflag:s30], $0x100  }
0x54: {  	[sflag:s30] =	ssyncset.done $0x0  }
0x55: {  	[sflag:s30] =	ssyncadd.s32 $0xFFFFFF00  }
0x56: {  	[tilespmem:s21], [sflag:$0x6] =	stream.indirect.gather [hbm4b:s1+s18], $0x80, s23, s18, $0xb8;
	[tilespmem:$0x1C000] =	vst v63  }
0x57: {  	_ =	swait.ge [sflag:s22], $0x4000  }
0x58: {  	p1 =	sne.s32 s5, $0x980;
	[sflag:s22] =	ssyncset.done $0x0  }
0x59: {  	s9 =	sadd.s32 @p1 s5, s12;
	[sflag:s22] =	ssyncadd.s32 $0xFFFFC000  }
0x5a: {  	[spmem:s3] =	stream.indirect.scatter.add.f32 [tilespmem:s19], [sflag:$0x7], $0x80, s31, s18, $0xb8;
	[tilespmem:$0x1C000] =	vst v63  }
0x5b: {  	s11 =	simm.s32 @p1 $0x100;
	s10 =	simm.s32 @p1 $0x0;
	s9 =	sadd.s32 @p1 $0xA0, s9  }
0x5c: {  	[tilespmem:s11], [sflag:$0x2] =	stream.linear.gather @p1 [hbm4b:s9+s10], $0x100, $0x38;
	[tilespmem:$0x1C000] =	vst v63  }
0x5d: {  	s9 =	simm.s32 @p1 $0x7  }
0x5e: {  	_ =	swait.ge @p1 [sflag:s9], $0x4000  }
0x5f: {  	[sflag:s9] =	ssyncset.done @p1 $0x0  }
0x60: {  	[sflag:s9] =	ssyncadd.s32 @p1 $0xFFFFC000;
	s9 =	simm.s32 @p1 $0x1  }
0x61: {  	_ =	swait.ge @p1 [sflag:s9], $0x100  }
0x62: {  	[sflag:s9] =	ssyncset.done @p1 $0x0  }
0x63: {  	s11 =	simm.s32 @p1 $0x400;
	[sflag:s9] =	ssyncadd.s32 @p1 $0xFFFFFF00;
	s9 =	simm.s32 @p1 $0x80  }
0x64: {  	[tilespmem:s11], [sflag:$0x5] =	stream.indirect.gather @p1 [hbm4b:s1+s9], $0x80, s10, s9, $0xb8;
	[tilespmem:$0x1C000] =	vst v63  }
0x65: {  	s9 =	simm.s32 @!p1 $0x7  }
0x66: {  	_ =	swait.ge @!p1 [sflag:s9], $0x4000  }
0x67: {  	[sflag:s9] =	ssyncset.done @!p1 $0x0  }
.Ltmp2:
0x68: {  	[sflag:s9] =	ssyncadd.s32 @!p1 $0xFFFFC000;
	(pc) =	sbr.rel @p0 .LBB2_4-.Ltmp2, $4  }
0x69: {  	_ =	swait.ge [sflag:s26], $0x4000  }
0x6a: {  	[sflag:s26] =	ssyncset.done $0x0  }
0x6b: {  	[sflag:s26] =	ssyncadd.s32 $0xFFFFC000  }
0x6c: {  	[spmem:s3] =	stream.indirect.scatter.add.f32 [tilespmem:s21], [sflag:$0x8], $0x80, s2, s18, $0xb8;
	[tilespmem:$0x1C000] =	vst v63  }
.Ltmp3:
0x6d: {  	(pc) =	sbr.rel .LBB2_2-.Ltmp3, $3  }
0x6e: {  	_ =	sdelay $0x1  }
0x6f: {  	s8 =	sadd.s32 $0xC0, s8;
	s5 =	sadd.s32 $0x80, s5  }
0x70: {  	[tilespmem:s16], [sflag:$0x3] =	stream.linear.gather [hbm4b:s8+s4], $0x100, $0x38;
	[tilespmem:$0x1C000] =	vst v63  }
.LBB2_5:
0x71: {  	_ =	sfence.sel $0x180000  }
0x72: {  	[bflag:$0x0] =	sbarrier.arrive $0xFFFF  }
0x73: {  	_ =	strace $0x90000050  }
0x74: {  	s0 =	stileid.u32;
	[bflag:$0x2] =	sbarrier.arrive $0xFFFF  }
0x75: {  	p0 =	sne.s32 s0, $0x0;
	s0 =	rddreg [dreg:$0x3]  }
0x76: {  	s0 =	sadd.s32 @!p0 $0x100000, s0  }
0x77: {  	[sflag:s0] =	ssyncadd.tile.s32 @!p0 $0x1;
	_ =	shalt  }
.Lfunc_end2:
_tile_overlayer_lowered:
.L_overlay_start_2:
0x78: {  	(tag) =	ssettag $0x2  }
0x79: {  	s0 =	rddreg [dreg:$0x0];
	s2 =	stileid.u32  }
0x7a: {  	s1 =	rddreg [dreg:$0x1];
	p0 =	sne.s32 s2, $0x0  }
0x7b: {  	s3 =	rddreg [dreg:$0x2];
	[bflag:$0x3] =	sbarrier.arrive $0xFFFF;
	s2 =	simm.s32 @!p0 $0x1C09  }
0x7c: {  	[timem:s3], [sflag:s2] =	dma.local @!p0 [hbm:s0], s1  }
0x7d: {  	s0 =	simm.s32 @!p0 $0x9  }
0x7e: {  	_ =	swait.ge @!p0 [sflag:s0], s1  }
0x7f: {  	s1 =	ssub.s32 @!p0 $0x0, s1;
	[sflag:s0] =	ssyncset.done @!p0 $0x0  }
0x80: {  	[sflag:s0] =	ssyncadd.s32 @!p0 s1  }
0x81: {  	[bflag:$0x3] =	sbarrier.arrive $0xFFFF  }
0x82: {  	_ =	shalt  }

</sc_bundles>
